<compile_context>
chip_gen: v7x
topology: tpu7x:2x2x1
jax: 0.10.2.dev20260603
libtpu: 0.0.44.dev20260713+nightly
codegen_flags: <defaults>
</compile_context>

<pallas_src>
import functools

import jax
import jax.numpy as jnp
from jax import lax
from jax.experimental import pallas as pl
from jax.experimental.pallas import tpu as pltpu
from jax.experimental.pallas import tpu_sc as plsc

D_IN = 1024
D_SAE = 32768
K = 64
TILE = 2048

NLANE = 16
NVREG = D_SAE // NLANE
CMAX = 2048
NSTR = 4
CAPS = 64
ECAPS = 192


G = D_SAE // TILE


def _enc_body(x_ref, bpre_ref, w_ref, benc_ref, z_ref, max_ref):
    xm = x_ref[...] - bpre_ref[...]
    z = jnp.dot(xm, w_ref[...], preferred_element_type=jnp.float32)
    z = jnp.maximum(z + benc_ref[...], 0.0)
    z_ref[...] = z
    i = pl.program_id(0)
    mx = jnp.max(z, axis=1)
    max_ref[:, pl.ds(i, 1), :] = jnp.broadcast_to(mx[:, None, None],
                                                  (32, 1, NLANE))


def _encode(x, b_pre, W_enc, b_enc):
    return pl.pallas_call(
        _enc_body,
        grid=(G,),
        in_specs=[
            pl.BlockSpec((32, D_IN), lambda i: (0, 0)),
            pl.BlockSpec((1, D_IN), lambda i: (0, 0)),
            pl.BlockSpec((D_IN, TILE), lambda i: (0, i)),
            pl.BlockSpec((1, TILE), lambda i: (0, i)),
        ],
        out_specs=[
            pl.BlockSpec((32, TILE), lambda i: (0, i)),
            pl.BlockSpec((32, G, NLANE), lambda i: (0, 0, 0)),
        ],
        out_shape=[
            jax.ShapeDtypeStruct((32, D_SAE), jnp.float32),
            jax.ShapeDtypeStruct((32, G, NLANE), jnp.float32),
        ],
    )(x, b_pre[None], W_enc, b_enc[None])


def _splat(v):
    return jnp.full((NLANE,), v, jnp.float32)


def _mid(lo, hi):
    return lo + 0.5 * (hi - lo)


def _sc_body(z_hbm, max_hbm, wdec_hbm, bpre_hbm,
             zsp_hbm, xhat_hbm,
             zrow, cslot, eidx, fvalp, fidxp, fidx, wrows, bprev,
             xrow, svb, maxb, sem_g, sem_z):
    c = lax.axis_index("c")
    s = lax.axis_index("s")
    r = s * 2 + c

    pltpu.sync_copy(z_hbm.at[r], zrow)
    pltpu.sync_copy(bpre_hbm, bprev)
    pltpu.sync_copy(max_hbm.at[r], maxb)

    iota16 = lax.iota(jnp.int32, NLANE)
    zero16f = jnp.zeros((NLANE,), jnp.float32)
    zero16i = jnp.zeros((NLANE,), jnp.int32)

    def _loads8(j8):
        return [zrow[pl.ds((j8 * 8 + u) * NLANE, NLANE)] for u in range(8)]

    def count_full(t):
        tf = _splat(t)

        def b(j8, cv):
            vs = _loads8(j8)
            ms = [(v > tf).astype(jnp.int32) for v in vs]
            s01 = ms[0] + ms[1]
            s23 = ms[2] + ms[3]
            s45 = ms[4] + ms[5]
            s67 = ms[6] + ms[7]
            return cv + ((s01 + s23) + (s45 + s67))

        cv = plsc.parallel_loop(0, NVREG // 8, carry=zero16i)(b)
        return jnp.sum(cv)

    mvx = zero16f
    for t_ in range(G):
        mvx = jnp.maximum(mvx, maxb[t_, pl.ds(0, NLANE)])
    M = jnp.max(mvx)
    tau0 = 0.5 * M
    c0 = count_full(tau0)
    hi0 = M


    def coarse_cond(st):
        lo, hi, tau, cnt = st
        in_range = jnp.logical_and(cnt >= K, cnt <= CMAX)
        mid = _mid(lo, hi)
        open_iv = jnp.logical_and(mid != lo, mid != hi)
        return jnp.logical_and(jnp.logical_not(in_range), open_iv)

    def coarse_body(st):
        lo, hi, tau, cnt = st
        lo = jnp.where(cnt > CMAX, tau, lo)
        hi = jnp.where(cnt < K, tau, hi)
        ntau = _mid(lo, hi)
        return (lo, hi, ntau, count_full(ntau))

    st = (jnp.float32(-1.0), hi0, tau0, c0)
    lo, hi, tau, cnt = lax.while_loop(coarse_cond, coarse_body, st)
    in_range = jnp.logical_and(cnt >= K, cnt <= CMAX)
    tauf = _splat(tau)

    pvec = [iota16 + p * NLANE for p in range(NSTR)]

    def compact_body(j8, cnts_):
        cs = list(cnts_)
        vs = _loads8(j8)
        for r in range(2):
            masks = []
            dsts = []
            for p in range(NSTR):
                v = vs[r * NSTR + p]
                masks.append(jnp.logical_and(v > tauf, cs[p] < CAPS))
                dsts.append(cs[p] * (NSTR * NLANE) + pvec[p])
            for p in range(NSTR):
                plsc.store_scatter(cslot, [dsts[p]], vs[r * NSTR + p],
                                   mask=masks[p])
            for p in range(NSTR):
                cs[p] = cs[p] + masks[p].astype(jnp.int32)
        return tuple(cs)

    cnts = plsc.parallel_loop(0, NVREG // 8,
                              carry=(zero16i,) * NSTR)(compact_body)
    maxc = jnp.max(jnp.maximum(jnp.maximum(cnts[0], cnts[1]),
                               jnp.maximum(cnts[2], cnts[3])))
    use_cand = jnp.logical_and(in_range, maxc <= CAPS)
    nblk = jnp.minimum(maxc, CAPS)

    def count_cand(t):
        tf2 = _splat(t)

        def b(i, cv):
            for k in range(NSTR):
                v = cslot[pl.ds((i * NSTR + k) * NLANE, NLANE)]
                ok = jnp.logical_and(v > tf2, cnts[k] > i)
                cv = cv + ok.astype(jnp.int32)
            return cv

        cv = plsc.parallel_loop(0, nblk, carry=zero16i)(b)
        return jnp.sum(cv)

    def count_sel(t):
        return lax.cond(use_cand, lambda: count_cand(t),
                        lambda: count_full(t))

    lo2 = jnp.where(in_range, tau, hi)
    hi2 = hi

    def fine_cond(st):
        lo_, hi_ = st
        mid = _mid(lo_, hi_)
        return jnp.logical_and(mid != lo_, mid != hi_)

    def fine_body(st):
        lo_, hi_ = st
        mid = _mid(lo_, hi_)
        cm = count_sel(mid)
        lo_ = jnp.where(cm >= K, mid, lo_)
        hi_ = jnp.where(cm >= K, hi_, mid)
        return (lo_, hi_)

    _, t = lax.while_loop(fine_cond, fine_body, (lo2, hi2))
    tf = _splat(t)
    cnt_gt = count_sel(t)
    m_eq = K - cnt_gt

    def ext_body(j8, ecnts_):
        es = list(ecnts_)
        vs = _loads8(j8)
        for r in range(2):
            masks = []
            dsts = []
            for p in range(NSTR):
                v = vs[r * NSTR + p]
                gt = v > tf
                eq = jnp.logical_and(v == tf, es[p] < 128)
                masks.append(jnp.logical_or(gt, eq))
                dsts.append(es[p] * (NSTR * NLANE) + pvec[p])
            for p in range(NSTR):
                j = j8 * 8 + r * NSTR + p
                plsc.store_scatter(eidx, [dsts[p]], iota16 + j * NLANE,
                                   mask=masks[p])
            for p in range(NSTR):
                es[p] = es[p] + masks[p].astype(jnp.int32)
        return tuple(es)

    ecnts = plsc.parallel_loop(0, NVREG // 8,
                               carry=(zero16i,) * NSTR)(ext_body)
    emax = jnp.max(jnp.maximum(jnp.maximum(ecnts[0], ecnts[1]),
                               jnp.maximum(ecnts[2], ecnts[3])))
    neblk = jnp.minimum(emax, ECAPS)

    def count_eq_le(ithr):
        it = jnp.full((NLANE,), ithr, jnp.int32)

        def b(i, cv):
            for k in range(NSTR):
                valid = ecnts[k] > i
                ei = eidx[pl.ds((i * NSTR + k) * NLANE, NLANE)]
                ev = plsc.load_gather(zrow, [ei], mask=valid)
                ok = jnp.logical_and(ev == tf, valid)
                ok = jnp.logical_and(ok, ei <= it)
                cv = cv + ok.astype(jnp.int32)
            return cv

        cv = lax.fori_loop(0, neblk, b, zero16i)
        return jnp.sum(cv)

    def eq_cond(st):
        lo_, hi_ = st
        return hi_ - lo_ > 1

    def eq_body(st):
        lo_, hi_ = st
        mid = lax.div(lo_ + hi_, 2)
        ce = count_eq_le(mid)
        lo_ = jnp.where(ce < m_eq, mid, lo_)
        hi_ = jnp.where(ce < m_eq, hi_, mid)
        return (lo_, hi_)

    total_eq = count_eq_le(jnp.int32(D_SAE))
    lo_init = jnp.where(total_eq == m_eq, jnp.int32(D_SAE - 1),
                        jnp.int32(-1))
    _, ithr = lax.while_loop(eq_cond, eq_body,
                             (lo_init, jnp.int32(D_SAE)))
    itf = jnp.full((NLANE,), ithr, jnp.int32)

    def fc_body(i, ptr):
        for k in range(NSTR):
            valid = ecnts[k] > i
            ei = eidx[pl.ds((i * NSTR + k) * NLANE, NLANE)]
            ev = plsc.load_gather(zrow, [ei], mask=valid)
            gtm = jnp.logical_and(ev > tf, valid)
            eqm = jnp.logical_and(jnp.logical_and(ev == tf, valid),
                                  ei <= itf)
            m = jnp.logical_or(gtm, eqm)
            plsc.store_compressed(fvalp.at[pl.ds(ptr, NLANE)], ev, mask=m)
            plsc.store_compressed(fidxp.at[pl.ds(ptr, NLANE)], ei, mask=m)
            ptr = ptr + plsc.all_reduce_population_count(m)[0]
        return ptr

    lax.fori_loop(0, neblk, fc_body, jnp.int32(0))

    for g in range(K // NLANE):
        fidx[pl.ds(g * NLANE, NLANE)] = fidxp[pl.ds(g * NLANE, NLANE)]
    gather = pltpu.async_copy(wdec_hbm.at[fidx], wrows, sem_g)

    def zz_body(j, _):
        zrow[pl.ds(j * NLANE, NLANE)] = zero16f
        return 0

    plsc.parallel_loop(0, NVREG // 8, carry=jnp.int32(0))(
        lambda j8, _: ([zrow.__setitem__(pl.ds((j8 * 8 + u) * NLANE, NLANE),
                                         zero16f) for u in range(8)], 0)[1])
    for g in range(K // NLANE):
        idxv = fidx[pl.ds(g * NLANE, NLANE)]
        valv = fvalp[pl.ds(g * NLANE, NLANE)]
        plsc.store_scatter(zrow, [idxv], valv)
    zout = pltpu.async_copy(zrow, zsp_hbm.at[r], sem_z)

    gather.wait()

    for g in range(K // NLANE):
        vv = fvalp[pl.ds(g * NLANE, NLANE)]
        for u in range(NLANE):
            svb[pl.ds((g * NLANE + u) * NLANE, NLANE)] = jnp.full(
                (NLANE,), vv[u])

    NCH = 8
    NU = D_IN // NCH // NLANE
    for ch in range(NCH):
        base = ch * (D_IN // NCH)

        def jbody(j2, accs):
            out = list(accs)
            for rr in range(2):
                j = j2 * 2 + rr
                sv = svb[pl.ds(j * NLANE, NLANE)]
                rows = [wrows[j, pl.ds(base + u * NLANE, NLANE)]
                        for u in range(NU)]
                out = [a + sv * rv for a, rv in zip(out, rows)]
            return tuple(out)

        accs = plsc.parallel_loop(0, K // 2, carry=(zero16f,) * NU)(jbody)
        for u, a in enumerate(accs):
            off = base + u * NLANE
            xrow[pl.ds(off, NLANE)] = a + bprev[pl.ds(off, NLANE)]

    pltpu.sync_copy(xrow, xhat_hbm.at[r])
    zout.wait()


def _topk_decode(z, maxs, W_dec, b_pre):
    mesh = plsc.VectorSubcoreMesh(core_axis_name="c", subcore_axis_name="s")
    f32 = jnp.float32
    kfn = functools.partial(
        pl.kernel,
        out_type=(
            jax.ShapeDtypeStruct((32, D_SAE), f32),
            jax.ShapeDtypeStruct((32, D_IN), f32),
        ),
        mesh=mesh,
        compiler_params=pltpu.CompilerParams(needs_layout_passes=False),
        scratch_types=[
            pltpu.VMEM((D_SAE,), f32),
            pltpu.VMEM((CAPS * NSTR * NLANE,), f32),
            pltpu.VMEM((ECAPS * NSTR * NLANE,), jnp.int32),
            pltpu.VMEM((K + NLANE,), f32),
            pltpu.VMEM((K + NLANE,), jnp.int32),
            pltpu.VMEM((K,), jnp.int32),
            pltpu.VMEM((K, D_IN), f32),
            pltpu.VMEM((D_IN,), f32),
            pltpu.VMEM((D_IN,), f32),
            pltpu.VMEM((K * NLANE,), f32),
            pltpu.VMEM((G, NLANE), f32),
            pltpu.SemaphoreType.DMA,
            pltpu.SemaphoreType.DMA,
        ],
    )(_sc_body)
    return kfn(z, maxs, W_dec, b_pre)


def kernel(x, b_pre, W_enc, b_enc, W_dec):
    z, maxs = _encode(x, b_pre, W_enc, b_enc)
    z_sparse, x_hat = _topk_decode(z, maxs, W_dec, b_pre)
    return (x_hat, z_sparse)

# --- scband reference (transcript-rebuilt; emitter-appended) ---
"""Pipeline reference for scband-top-ksae-49503793053987 (READ-ONLY COPY).

The authoritative reference and input builder live on the scoring server;
editing this copy changes nothing except your own understanding.
"""

import jax, jax.numpy as jnp
import numpy as np

D_IN = 1024
D_SAE = 32768
K = 64


def setup_inputs(seed: int = 0) -> dict:
    key = jax.random.key(seed)
    k1, k2 = jax.random.split(key)
    x = jax.random.normal(k1, (32, D_IN), dtype=jnp.float32)
    # kaiming_uniform_ with a=sqrt(5): bound = sqrt(6 / ((1 + a^2) * fan_in)) = 1/sqrt(d_in)
    limit = 1.0 / (D_IN ** 0.5)
    W_enc = jax.random.uniform(k2, (D_IN, D_SAE), dtype=jnp.float32, minval=-limit, maxval=limit)
    b_pre = jnp.zeros((D_IN,), dtype=jnp.float32)
    b_enc = jnp.zeros((D_SAE,), dtype=jnp.float32)
    W_dec = W_enc.T
    W_dec = W_dec / jnp.clip(jnp.linalg.norm(W_dec, axis=1, keepdims=True), 1e-8, None)
    return {"x": x, "b_pre": b_pre, "W_enc": W_enc, "b_enc": b_enc, "W_dec": W_dec}


def reference(x, b_pre, W_enc, b_enc, W_dec):
    # encode
    z = jax.nn.relu((x - b_pre) @ W_enc + b_enc)
    topk_vals, topk_idx = jax.lax.top_k(z, K)
    rows = jnp.arange(z.shape[0])[:, None]
    z_sparse = jnp.zeros_like(z).at[rows, topk_idx].set(topk_vals)
    # decode
    x_hat = z_sparse @ W_dec + b_pre
    return (x_hat, z_sparse)

if __name__ == "__main__":
    import jax
    _d = setup_inputs()
    print(jax.jit(kernel)(*tuple(_d.values())))

</pallas_src>

<mosaic_0001>
#map = affine_map<(d0, d1) -> (0, 0)>
#map1 = affine_map<(d0, d1) -> (0, 0, 0)>
#map2 = affine_map<(d0, d1) -> (0)>
module attributes {stable_mosaic.version = 14 : i64} {
  func.func @_sc_body(%arg0: i32, %arg1: i32, %arg2: memref<32x32768xf32, #tpu.memory_space<hbm>>, %arg3: memref<32x16x16xf32, #tpu.memory_space<hbm>>, %arg4: memref<32768x1024xf32, #tpu.memory_space<hbm>>, %arg5: memref<1024xf32, #tpu.memory_space<hbm>>, %arg6: memref<32x32768xf32, #tpu.memory_space<hbm>>, %arg7: memref<32x1024xf32, #tpu.memory_space<hbm>>, %arg8: memref<32768xf32, #tpu.memory_space<vmem>>, %arg9: memref<4096xf32, #tpu.memory_space<vmem>>, %arg10: memref<12288xi32, #tpu.memory_space<vmem>>, %arg11: memref<80xf32, #tpu.memory_space<vmem>>, %arg12: memref<80xi32, #tpu.memory_space<vmem>>, %arg13: memref<64xi32, #tpu.memory_space<vmem>>, %arg14: memref<64x1024xf32, #tpu.memory_space<vmem>>, %arg15: memref<1024xf32, #tpu.memory_space<vmem>>, %arg16: memref<1024xf32, #tpu.memory_space<vmem>>, %arg17: memref<1024xf32, #tpu.memory_space<vmem>>, %arg18: memref<16x16xf32, #tpu.memory_space<vmem>>, %arg19: memref<!tpu.dma_semaphore, #tpu.memory_space<semaphore_mem>>, %arg20: memref<!tpu.dma_semaphore, #tpu.memory_space<semaphore_mem>>) attributes {dimension_semantics = [#tpu.dimension_semantics<core_parallel>, #tpu.dimension_semantics<subcore_parallel>], iteration_bounds = array<i64: 2, 16>, scalar_prefetch = 0 : i64, scratch_operands = 13 : i64, tpu.core_type = #tpu.core_type<sc_vector_subcore>, window_params = [{transform_indices = #map}, {transform_indices = #map1}, {transform_indices = #map}, {transform_indices = #map2}, {transform_indices = #map}, {transform_indices = #map}]} {
    %mul3A = arith.constant 2 : i32
    %mul3A_0 = arith.muli %arg1, %mul3A : i32
    %add3A = arith.addi %mul3A_0, %arg0 : i32
    "tpu.region"() ({
      %run_scoped3A = tpu.sem_alloc : memref<!tpu.dma_semaphore, #tpu.memory_space<semaphore_mem>>
      %dma_start3A_915 = arith.constant 0 : i32
      %dma_start3A_916 = tpu.memref_slice %arg2[%add3A, %dma_start3A_915] : memref<32x32768xf32, #tpu.memory_space<hbm>> -> memref<1x32768xf32, #tpu.memory_space<hbm>>
      %dma_start3A_917 = tpu.memref_squeeze %dma_start3A_916 : memref<1x32768xf32, #tpu.memory_space<hbm>> -> memref<32768xf32, #tpu.memory_space<hbm>>
      %dma_start3A_918 = arith.constant 0 : i32
      %dma_start3A_919 = tpu.memref_slice %arg2[%add3A, %dma_start3A_918] : memref<32x32768xf32, #tpu.memory_space<hbm>> -> memref<1x32768xf32, #tpu.memory_space<hbm>>
      %dma_start3A_920 = tpu.memref_squeeze %dma_start3A_919 : memref<1x32768xf32, #tpu.memory_space<hbm>> -> memref<32768xf32, #tpu.memory_space<hbm>>
      tpu.enqueue_dma source(%dma_start3A_920 : memref<32768xf32, #tpu.memory_space<hbm>>) target(%arg8 : memref<32768xf32, #tpu.memory_space<vmem>>) target_semaphore(%run_scoped3A : memref<!tpu.dma_semaphore, #tpu.memory_space<semaphore_mem>>)
      %dma_wait3A_921 = arith.constant 0 : i32
      %dma_wait3A_922 = tpu.memref_slice %arg2[%add3A, %dma_wait3A_921] : memref<32x32768xf32, #tpu.memory_space<hbm>> -> memref<1x32768xf32, #tpu.memory_space<hbm>>
      %dma_wait3A_923 = tpu.memref_squeeze %dma_wait3A_922 : memref<1x32768xf32, #tpu.memory_space<hbm>> -> memref<32768xf32, #tpu.memory_space<hbm>>
      %dma_wait3A_924 = arith.constant 0 : i32
      %dma_wait3A_925 = tpu.memref_slice %arg2[%add3A, %dma_wait3A_924] : memref<32x32768xf32, #tpu.memory_space<hbm>> -> memref<1x32768xf32, #tpu.memory_space<hbm>>
      %dma_wait3A_926 = tpu.memref_squeeze %dma_wait3A_925 : memref<1x32768xf32, #tpu.memory_space<hbm>> -> memref<32768xf32, #tpu.memory_space<hbm>>
      tpu.wait_dma2 semaphore(%run_scoped3A : memref<!tpu.dma_semaphore, #tpu.memory_space<semaphore_mem>>) src(%dma_wait3A_926 : memref<32768xf32, #tpu.memory_space<hbm>>) dst(%arg8 : memref<32768xf32, #tpu.memory_space<vmem>>)
      tpu.yield
    }) : () -> ()
    "tpu.region"() ({
      %run_scoped3A = tpu.sem_alloc : memref<!tpu.dma_semaphore, #tpu.memory_space<semaphore_mem>>
      tpu.enqueue_dma source(%arg5 : memref<1024xf32, #tpu.memory_space<hbm>>) target(%arg15 : memref<1024xf32, #tpu.memory_space<vmem>>) target_semaphore(%run_scoped3A : memref<!tpu.dma_semaphore, #tpu.memory_space<semaphore_mem>>)
      tpu.wait_dma2 semaphore(%run_scoped3A : memref<!tpu.dma_semaphore, #tpu.memory_space<semaphore_mem>>) src(%arg5 : memref<1024xf32, #tpu.memory_space<hbm>>) dst(%arg15 : memref<1024xf32, #tpu.memory_space<vmem>>)
      tpu.yield
    }) : () -> ()
    "tpu.region"() ({
      %run_scoped3A = tpu.sem_alloc : memref<!tpu.dma_semaphore, #tpu.memory_space<semaphore_mem>>
      %dma_start3A_915 = arith.constant 0 : i32
      %dma_start3A_916 = arith.constant 0 : i32
      %dma_start3A_917 = tpu.memref_slice %arg3[%add3A, %dma_start3A_915, %dma_start3A_916] : memref<32x16x16xf32, #tpu.memory_space<hbm>> -> memref<1x16x16xf32, #tpu.memory_space<hbm>>
      %dma_start3A_918 = tpu.memref_squeeze %dma_start3A_917 : memref<1x16x16xf32, #tpu.memory_space<hbm>> -> memref<16x16xf32, #tpu.memory_space<hbm>>
      %dma_start3A_919 = arith.constant 0 : i32
      %dma_start3A_920 = arith.constant 0 : i32
      %dma_start3A_921 = tpu.memref_slice %arg3[%add3A, %dma_start3A_919, %dma_start3A_920] : memref<32x16x16xf32, #tpu.memory_space<hbm>> -> memref<1x16x16xf32, #tpu.memory_space<hbm>>
      %dma_start3A_922 = tpu.memref_squeeze %dma_start3A_921 : memref<1x16x16xf32, #tpu.memory_space<hbm>> -> memref<16x16xf32, #tpu.memory_space<hbm>>
      tpu.enqueue_dma source(%dma_start3A_922 : memref<16x16xf32, #tpu.memory_space<hbm>>) target(%arg18 : memref<16x16xf32, #tpu.memory_space<vmem>>) target_semaphore(%run_scoped3A : memref<!tpu.dma_semaphore, #tpu.memory_space<semaphore_mem>>)
      %dma_wait3A_923 = arith.constant 0 : i32
      %dma_wait3A_924 = arith.constant 0 : i32
      %dma_wait3A_925 = tpu.memref_slice %arg3[%add3A, %dma_wait3A_923, %dma_wait3A_924] : memref<32x16x16xf32, #tpu.memory_space<hbm>> -> memref<1x16x16xf32, #tpu.memory_space<hbm>>
      %dma_wait3A_926 = tpu.memref_squeeze %dma_wait3A_925 : memref<1x16x16xf32, #tpu.memory_space<hbm>> -> memref<16x16xf32, #tpu.memory_space<hbm>>
      %dma_wait3A_927 = arith.constant 0 : i32
      %dma_wait3A_928 = arith.constant 0 : i32
      %dma_wait3A_929 = tpu.memref_slice %arg3[%add3A, %dma_wait3A_927, %dma_wait3A_928] : memref<32x16x16xf32, #tpu.memory_space<hbm>> -> memref<1x16x16xf32, #tpu.memory_space<hbm>>
      %dma_wait3A_930 = tpu.memref_squeeze %dma_wait3A_929 : memref<1x16x16xf32, #tpu.memory_space<hbm>> -> memref<16x16xf32, #tpu.memory_space<hbm>>
      tpu.wait_dma2 semaphore(%run_scoped3A : memref<!tpu.dma_semaphore, #tpu.memory_space<semaphore_mem>>) src(%dma_wait3A_930 : memref<16x16xf32, #tpu.memory_space<hbm>>) dst(%arg18 : memref<16x16xf32, #tpu.memory_space<vmem>>)
      tpu.yield
    }) : () -> ()
    %iota3A = tpu.iota {dimensions = array<i32: 0>} : vector<16xi32>
    %broadcast_in_dim3A = arith.constant 0.000000e+00 : f32
    %broadcast_in_dim3A_1 = vector.broadcast %broadcast_in_dim3A : f32 to vector<16xf32>
    %broadcast_in_dim3A_2 = arith.constant 0 : i32
    %broadcast_in_dim3A_3 = vector.broadcast %broadcast_in_dim3A_2 : i32 to vector<16xi32>
    %get3A = arith.constant 0 : i32
    %get3A_4 = arith.index_cast %get3A : i32 to index
    %get3A_5 = arith.constant 0 : index
    %get3A_6 = tpu.vector_load %arg18[%get3A_4, %get3A_5] {strides = array<i32>} : memref<16x16xf32, #tpu.memory_space<vmem>>, vector<16xf32>,
    %max3A = arith.maximumf %broadcast_in_dim3A_1, %get3A_6 : vector<16xf32>
    %get3A_7 = arith.constant 1 : i32
    %get3A_8 = arith.index_cast %get3A_7 : i32 to index
    %get3A_9 = arith.constant 0 : index
    %get3A_10 = tpu.vector_load %arg18[%get3A_8, %get3A_9] {strides = array<i32>} : memref<16x16xf32, #tpu.memory_space<vmem>>, vector<16xf32>,
    %max3A_11 = arith.maximumf %max3A, %get3A_10 : vector<16xf32>
    %get3A_12 = arith.constant 2 : i32
    %get3A_13 = arith.index_cast %get3A_12 : i32 to index
    %get3A_14 = arith.constant 0 : index
    %get3A_15 = tpu.vector_load %arg18[%get3A_13, %get3A_14] {strides = array<i32>} : memref<16x16xf32, #tpu.memory_space<vmem>>, vector<16xf32>,
    %max3A_16 = arith.maximumf %max3A_11, %get3A_15 : vector<16xf32>
    %get3A_17 = arith.constant 3 : i32
    %get3A_18 = arith.index_cast %get3A_17 : i32 to index
    %get3A_19 = arith.constant 0 : index
    %get3A_20 = tpu.vector_load %arg18[%get3A_18, %get3A_19] {strides = array<i32>} : memref<16x16xf32, #tpu.memory_space<vmem>>, vector<16xf32>,
    %max3A_21 = arith.maximumf %max3A_16, %get3A_20 : vector<16xf32>
    %get3A_22 = arith.constant 4 : i32
    %get3A_23 = arith.index_cast %get3A_22 : i32 to index
    %get3A_24 = arith.constant 0 : index
    %get3A_25 = tpu.vector_load %arg18[%get3A_23, %get3A_24] {strides = array<i32>} : memref<16x16xf32, #tpu.memory_space<vmem>>, vector<16xf32>,
    %max3A_26 = arith.maximumf %max3A_21, %get3A_25 : vector<16xf32>
    %get3A_27 = arith.constant 5 : i32
    %get3A_28 = arith.index_cast %get3A_27 : i32 to index
    %get3A_29 = arith.constant 0 : index
    %get3A_30 = tpu.vector_load %arg18[%get3A_28, %get3A_29] {strides = array<i32>} : memref<16x16xf32, #tpu.memory_space<vmem>>, vector<16xf32>,
    %max3A_31 = arith.maximumf %max3A_26, %get3A_30 : vector<16xf32>
    %get3A_32 = arith.constant 6 : i32
    %get3A_33 = arith.index_cast %get3A_32 : i32 to index
    %get3A_34 = arith.constant 0 : index
    %get3A_35 = tpu.vector_load %arg18[%get3A_33, %get3A_34] {strides = array<i32>} : memref<16x16xf32, #tpu.memory_space<vmem>>, vector<16xf32>,
    %max3A_36 = arith.maximumf %max3A_31, %get3A_35 : vector<16xf32>
    %get3A_37 = arith.constant 7 : i32
    %get3A_38 = arith.index_cast %get3A_37 : i32 to index
    %get3A_39 = arith.constant 0 : index
    %get3A_40 = tpu.vector_load %arg18[%get3A_38, %get3A_39] {strides = array<i32>} : memref<16x16xf32, #tpu.memory_space<vmem>>, vector<16xf32>,
    %max3A_41 = arith.maximumf %max3A_36, %get3A_40 : vector<16xf32>
    %get3A_42 = arith.constant 8 : i32
    %get3A_43 = arith.index_cast %get3A_42 : i32 to index
    %get3A_44 = arith.constant 0 : index
    %get3A_45 = tpu.vector_load %arg18[%get3A_43, %get3A_44] {strides = array<i32>} : memref<16x16xf32, #tpu.memory_space<vmem>>, vector<16xf32>,
    %max3A_46 = arith.maximumf %max3A_41, %get3A_45 : vector<16xf32>
    %get3A_47 = arith.constant 9 : i32
    %get3A_48 = arith.index_cast %get3A_47 : i32 to index
    %get3A_49 = arith.constant 0 : index
    %get3A_50 = tpu.vector_load %arg18[%get3A_48, %get3A_49] {strides = array<i32>} : memref<16x16xf32, #tpu.memory_space<vmem>>, vector<16xf32>,
    %max3A_51 = arith.maximumf %max3A_46, %get3A_50 : vector<16xf32>
    %get3A_52 = arith.constant 10 : i32
    %get3A_53 = arith.index_cast %get3A_52 : i32 to index
    %get3A_54 = arith.constant 0 : index
    %get3A_55 = tpu.vector_load %arg18[%get3A_53, %get3A_54] {strides = array<i32>} : memref<16x16xf32, #tpu.memory_space<vmem>>, vector<16xf32>,
    %max3A_56 = arith.maximumf %max3A_51, %get3A_55 : vector<16xf32>
    %get3A_57 = arith.constant 11 : i32
    %get3A_58 = arith.index_cast %get3A_57 : i32 to index
    %get3A_59 = arith.constant 0 : index
    %get3A_60 = tpu.vector_load %arg18[%get3A_58, %get3A_59] {strides = array<i32>} : memref<16x16xf32, #tpu.memory_space<vmem>>, vector<16xf32>,
    %max3A_61 = arith.maximumf %max3A_56, %get3A_60 : vector<16xf32>
    %get3A_62 = arith.constant 12 : i32
    %get3A_63 = arith.index_cast %get3A_62 : i32 to index
    %get3A_64 = arith.constant 0 : index
    %get3A_65 = tpu.vector_load %arg18[%get3A_63, %get3A_64] {strides = array<i32>} : memref<16x16xf32, #tpu.memory_space<vmem>>, vector<16xf32>,
    %max3A_66 = arith.maximumf %max3A_61, %get3A_65 : vector<16xf32>
    %get3A_67 = arith.constant 13 : i32
    %get3A_68 = arith.index_cast %get3A_67 : i32 to index
    %get3A_69 = arith.constant 0 : index
    %get3A_70 = tpu.vector_load %arg18[%get3A_68, %get3A_69] {strides = array<i32>} : memref<16x16xf32, #tpu.memory_space<vmem>>, vector<16xf32>,
    %max3A_71 = arith.maximumf %max3A_66, %get3A_70 : vector<16xf32>
    %get3A_72 = arith.constant 14 : i32
    %get3A_73 = arith.index_cast %get3A_72 : i32 to index
    %get3A_74 = arith.constant 0 : index
    %get3A_75 = tpu.vector_load %arg18[%get3A_73, %get3A_74] {strides = array<i32>} : memref<16x16xf32, #tpu.memory_space<vmem>>, vector<16xf32>,
    %max3A_76 = arith.maximumf %max3A_71, %get3A_75 : vector<16xf32>
    %get3A_77 = arith.constant 15 : i32
    %get3A_78 = arith.index_cast %get3A_77 : i32 to index
    %get3A_79 = arith.constant 0 : index
    %get3A_80 = tpu.vector_load %arg18[%get3A_78, %get3A_79] {strides = array<i32>} : memref<16x16xf32, #tpu.memory_space<vmem>>, vector<16xf32>,
    %max3A_81 = arith.maximumf %max3A_76, %get3A_80 : vector<16xf32>
    %reduce_max3A = arith.constant true
    %reduce_max3A_82 = vector.broadcast %reduce_max3A : i1 to vector<16xi1>
    %reduce_max3A_83 = tpu.scan <max>, %max3A_81 masked %reduce_max3A_82 : vector<16xf32>, vector<16xi1> -> vector<16xf32>
    %reduce_max3A_84 = vector.extract %reduce_max3A_83[15] : f32 from vector<16xf32>
    %mul3A_85 = arith.constant 5.000000e-01 : f32
    %mul3A_86 = arith.mulf %mul3A_85, %reduce_max3A_84 : f32
    %broadcast_in_dim3A_87 = vector.broadcast %mul3A_86 : f32 to vector<16xf32>
    %parallel_loop3A = arith.constant 0 : i32
    %parallel_loop3A_88 = arith.constant 256 : i32
    %parallel_loop3A_89 = arith.constant 1 : i32
    %parallel_loop3A_90 = scf.for %parallel_loop3A_915 = %parallel_loop3A to %parallel_loop3A_88 step %parallel_loop3A_89 iter_args(%parallel_loop3A_916 = %broadcast_in_dim3A_3) -> (vector<16xi32>)  : i32 {
      %parallel_loop3A_917 = arith.constant 8 : i32
      %parallel_loop3A_918 = arith.muli %parallel_loop3A_915, %parallel_loop3A_917 : i32
      %parallel_loop3A_919 = arith.constant 0 : i32
      %parallel_loop3A_920 = arith.addi %parallel_loop3A_918, %parallel_loop3A_919 : i32
      %parallel_loop3A_921 = arith.constant 16 : i32
      %parallel_loop3A_922 = arith.muli %parallel_loop3A_920, %parallel_loop3A_921 : i32
      %parallel_loop3A_923 = arith.index_cast %parallel_loop3A_922 : i32 to index
      %parallel_loop3A_924 = tpu.vector_load %arg8[%parallel_loop3A_923] {strides = array<i32>} : memref<32768xf32, #tpu.memory_space<vmem>>, vector<16xf32>,
      %parallel_loop3A_925 = arith.constant 8 : i32
      %parallel_loop3A_926 = arith.muli %parallel_loop3A_915, %parallel_loop3A_925 : i32
      %parallel_loop3A_927 = arith.constant 1 : i32
      %parallel_loop3A_928 = arith.addi %parallel_loop3A_926, %parallel_loop3A_927 : i32
      %parallel_loop3A_929 = arith.constant 16 : i32
      %parallel_loop3A_930 = arith.muli %parallel_loop3A_928, %parallel_loop3A_929 : i32
      %parallel_loop3A_931 = arith.index_cast %parallel_loop3A_930 : i32 to index
      %parallel_loop3A_932 = tpu.vector_load %arg8[%parallel_loop3A_931] {strides = array<i32>} : memref<32768xf32, #tpu.memory_space<vmem>>, vector<16xf32>,
      %parallel_loop3A_933 = arith.constant 8 : i32
      %parallel_loop3A_934 = arith.muli %parallel_loop3A_915, %parallel_loop3A_933 : i32
      %parallel_loop3A_935 = arith.constant 2 : i32
      %parallel_loop3A_936 = arith.addi %parallel_loop3A_934, %parallel_loop3A_935 : i32
      %parallel_loop3A_937 = arith.constant 16 : i32
      %parallel_loop3A_938 = arith.muli %parallel_loop3A_936, %parallel_loop3A_937 : i32
      %parallel_loop3A_939 = arith.index_cast %parallel_loop3A_938 : i32 to index
      %parallel_loop3A_940 = tpu.vector_load %arg8[%parallel_loop3A_939] {strides = array<i32>} : memref<32768xf32, #tpu.memory_space<vmem>>, vector<16xf32>,
      %parallel_loop3A_941 = arith.constant 8 : i32
      %parallel_loop3A_942 = arith.muli %parallel_loop3A_915, %parallel_loop3A_941 : i32
      %parallel_loop3A_943 = arith.constant 3 : i32
      %parallel_loop3A_944 = arith.addi %parallel_loop3A_942, %parallel_loop3A_943 : i32
      %parallel_loop3A_945 = arith.constant 16 : i32
      %parallel_loop3A_946 = arith.muli %parallel_loop3A_944, %parallel_loop3A_945 : i32
      %parallel_loop3A_947 = arith.index_cast %parallel_loop3A_946 : i32 to index
      %parallel_loop3A_948 = tpu.vector_load %arg8[%parallel_loop3A_947] {strides = array<i32>} : memref<32768xf32, #tpu.memory_space<vmem>>, vector<16xf32>,
      %parallel_loop3A_949 = arith.constant 8 : i32
      %parallel_loop3A_950 = arith.muli %parallel_loop3A_915, %parallel_loop3A_949 : i32
      %parallel_loop3A_951 = arith.constant 4 : i32
      %parallel_loop3A_952 = arith.addi %parallel_loop3A_950, %parallel_loop3A_951 : i32
      %parallel_loop3A_953 = arith.constant 16 : i32
      %parallel_loop3A_954 = arith.muli %parallel_loop3A_952, %parallel_loop3A_953 : i32
      %parallel_loop3A_955 = arith.index_cast %parallel_loop3A_954 : i32 to index
      %parallel_loop3A_956 = tpu.vector_load %arg8[%parallel_loop3A_955] {strides = array<i32>} : memref<32768xf32, #tpu.memory_space<vmem>>, vector<16xf32>,
      %parallel_loop3A_957 = arith.constant 8 : i32
      %parallel_loop3A_958 = arith.muli %parallel_loop3A_915, %parallel_loop3A_957 : i32
      %parallel_loop3A_959 = arith.constant 5 : i32
      %parallel_loop3A_960 = arith.addi %parallel_loop3A_958, %parallel_loop3A_959 : i32
      %parallel_loop3A_961 = arith.constant 16 : i32
      %parallel_loop3A_962 = arith.muli %parallel_loop3A_960, %parallel_loop3A_961 : i32
      %parallel_loop3A_963 = arith.index_cast %parallel_loop3A_962 : i32 to index
      %parallel_loop3A_964 = tpu.vector_load %arg8[%parallel_loop3A_963] {strides = array<i32>} : memref<32768xf32, #tpu.memory_space<vmem>>, vector<16xf32>,
      %parallel_loop3A_965 = arith.constant 8 : i32
      %parallel_loop3A_966 = arith.muli %parallel_loop3A_915, %parallel_loop3A_965 : i32
      %parallel_loop3A_967 = arith.constant 6 : i32
      %parallel_loop3A_968 = arith.addi %parallel_loop3A_966, %parallel_loop3A_967 : i32
      %parallel_loop3A_969 = arith.constant 16 : i32
      %parallel_loop3A_970 = arith.muli %parallel_loop3A_968, %parallel_loop3A_969 : i32
      %parallel_loop3A_971 = arith.index_cast %parallel_loop3A_970 : i32 to index
      %parallel_loop3A_972 = tpu.vector_load %arg8[%parallel_loop3A_971] {strides = array<i32>} : memref<32768xf32, #tpu.memory_space<vmem>>, vector<16xf32>,
      %parallel_loop3A_973 = arith.constant 8 : i32
      %parallel_loop3A_974 = arith.muli %parallel_loop3A_915, %parallel_loop3A_973 : i32
      %parallel_loop3A_975 = arith.constant 7 : i32
      %parallel_loop3A_976 = arith.addi %parallel_loop3A_974, %parallel_loop3A_975 : i32
      %parallel_loop3A_977 = arith.constant 16 : i32
      %parallel_loop3A_978 = arith.muli %parallel_loop3A_976, %parallel_loop3A_977 : i32
      %parallel_loop3A_979 = arith.index_cast %parallel_loop3A_978 : i32 to index
      %parallel_loop3A_980 = tpu.vector_load %arg8[%parallel_loop3A_979] {strides = array<i32>} : memref<32768xf32, #tpu.memory_space<vmem>>, vector<16xf32>,
      %parallel_loop3A_981 = arith.cmpf ogt, %parallel_loop3A_924, %broadcast_in_dim3A_87 : vector<16xf32>
      %parallel_loop3A_982 = arith.extui %parallel_loop3A_981 : vector<16xi1> to vector<16xi32>
      %parallel_loop3A_983 = arith.cmpf ogt, %parallel_loop3A_932, %broadcast_in_dim3A_87 : vector<16xf32>
      %parallel_loop3A_984 = arith.extui %parallel_loop3A_983 : vector<16xi1> to vector<16xi32>
      %parallel_loop3A_985 = arith.cmpf ogt, %parallel_loop3A_940, %broadcast_in_dim3A_87 : vector<16xf32>
      %parallel_loop3A_986 = arith.extui %parallel_loop3A_985 : vector<16xi1> to vector<16xi32>
      %parallel_loop3A_987 = arith.cmpf ogt, %parallel_loop3A_948, %broadcast_in_dim3A_87 : vector<16xf32>
      %parallel_loop3A_988 = arith.extui %parallel_loop3A_987 : vector<16xi1> to vector<16xi32>
      %parallel_loop3A_989 = arith.cmpf ogt, %parallel_loop3A_956, %broadcast_in_dim3A_87 : vector<16xf32>
      %parallel_loop3A_990 = arith.extui %parallel_loop3A_989 : vector<16xi1> to vector<16xi32>
      %parallel_loop3A_991 = arith.cmpf ogt, %parallel_loop3A_964, %broadcast_in_dim3A_87 : vector<16xf32>
      %parallel_loop3A_992 = arith.extui %parallel_loop3A_991 : vector<16xi1> to vector<16xi32>
      %parallel_loop3A_993 = arith.cmpf ogt, %parallel_loop3A_972, %broadcast_in_dim3A_87 : vector<16xf32>
      %parallel_loop3A_994 = arith.extui %parallel_loop3A_993 : vector<16xi1> to vector<16xi32>
      %parallel_loop3A_995 = arith.cmpf ogt, %parallel_loop3A_980, %broadcast_in_dim3A_87 : vector<16xf32>
      %parallel_loop3A_996 = arith.extui %parallel_loop3A_995 : vector<16xi1> to vector<16xi32>
      %parallel_loop3A_997 = arith.addi %parallel_loop3A_982, %parallel_loop3A_984 : vector<16xi32>
      %parallel_loop3A_998 = arith.addi %parallel_loop3A_986, %parallel_loop3A_988 : vector<16xi32>
      %parallel_loop3A_999 = arith.addi %parallel_loop3A_990, %parallel_loop3A_992 : vector<16xi32>
      %parallel_loop3A_1000 = arith.addi %parallel_loop3A_994, %parallel_loop3A_996 : vector<16xi32>
      %parallel_loop3A_1001 = arith.addi %parallel_loop3A_997, %parallel_loop3A_998 : vector<16xi32>
      %parallel_loop3A_1002 = arith.addi %parallel_loop3A_999, %parallel_loop3A_1000 : vector<16xi32>
      %parallel_loop3A_1003 = arith.addi %parallel_loop3A_1001, %parallel_loop3A_1002 : vector<16xi32>
      %parallel_loop3A_1004 = arith.addi %parallel_loop3A_916, %parallel_loop3A_1003 : vector<16xi32>
      scf.yield %parallel_loop3A_1004 : vector<16xi32>
    } {sc.loop_unroll_factor = 1 : i64, sc.parallel_access}
    %reduce_sum3A = arith.constant true
    %reduce_sum3A_91 = vector.broadcast %reduce_sum3A : i1 to vector<16xi1>
    %reduce_sum3A_92 = tpu.scan <sum>, %parallel_loop3A_90 masked %reduce_sum3A_91 : vector<16xi32>, vector<16xi1> -> vector<16xi32>
    %reduce_sum3A_93 = vector.extract %reduce_sum3A_92[15] : i32 from vector<16xi32>
    %while3A = arith.constant -1.000000e+00 : f32
    %while3A_94:4 = scf.while (%while3A_915 = %while3A, %while3A_916 = %reduce_max3A_84, %while3A_917 = %mul3A_86, %while3A_918 = %reduce_sum3A_93) : (f32, f32, f32, i32) -> (f32, f32, f32, i32) {
      %ge3A_919 = arith.constant 64 : i32
      %ge3A_920 = arith.cmpi sge, %while3A_918, %ge3A_919 : i32
      %le3A_921 = arith.constant 2048 : i32
      %le3A_922 = arith.cmpi sle, %while3A_918, %le3A_921 : i32
      %and3A_923 = arith.andi %ge3A_920, %le3A_922 : i1
      %sub3A_924 = arith.subf %while3A_916, %while3A_915 : f32
      %mul3A_925 = arith.constant 5.000000e-01 : f32
      %mul3A_926 = arith.mulf %mul3A_925, %sub3A_924 : f32
      %add3A_927 = arith.addf %while3A_915, %mul3A_926 : f32
      %ne3A = arith.cmpf one, %add3A_927, %while3A_915 : f32
      %ne3A_928 = arith.cmpf one, %add3A_927, %while3A_916 : f32
      %and3A_929 = arith.andi %ne3A, %ne3A_928 : i1
      %not3A = arith.constant true
      %not3A_930 = arith.xori %and3A_923, %not3A : i1
      %and3A_931 = arith.andi %not3A_930, %and3A_929 : i1
      scf.condition(%and3A_931) %while3A_915, %while3A_916, %while3A_917, %while3A_918 : f32, f32, f32, i32
    } do {
    ^bb0(%while3A_915: f32, %while3A_916: f32, %while3A_917: f32, %while3A_918: i32):
      %gt3A = arith.constant 2048 : i32
      %gt3A_919 = arith.cmpi sgt, %while3A_918, %gt3A : i32
      %select_n3A_920 = arith.select %gt3A_919, %while3A_917, %while3A_915 : f32
      %lt3A = arith.constant 64 : i32
      %lt3A_921 = arith.cmpi slt, %while3A_918, %lt3A : i32
      %select_n3A_922 = arith.select %lt3A_921, %while3A_917, %while3A_916 : f32
      %sub3A_923 = arith.subf %select_n3A_922, %select_n3A_920 : f32
      %mul3A_924 = arith.constant 5.000000e-01 : f32
      %mul3A_925 = arith.mulf %mul3A_924, %sub3A_923 : f32
      %add3A_926 = arith.addf %select_n3A_920, %mul3A_925 : f32
      %broadcast_in_dim3A_927 = vector.broadcast %add3A_926 : f32 to vector<16xf32>
      %parallel_loop3A_928 = arith.constant 0 : i32
      %parallel_loop3A_929 = arith.constant 256 : i32
      %parallel_loop3A_930 = arith.constant 1 : i32
      %parallel_loop3A_931 = scf.for %parallel_loop3A_936 = %parallel_loop3A_928 to %parallel_loop3A_929 step %parallel_loop3A_930 iter_args(%parallel_loop3A_937 = %broadcast_in_dim3A_3) -> (vector<16xi32>)  : i32 {
        %parallel_loop3A_938 = arith.constant 8 : i32
        %parallel_loop3A_939 = arith.muli %parallel_loop3A_936, %parallel_loop3A_938 : i32
        %parallel_loop3A_940 = arith.constant 0 : i32
        %parallel_loop3A_941 = arith.addi %parallel_loop3A_939, %parallel_loop3A_940 : i32
        %parallel_loop3A_942 = arith.constant 16 : i32
        %parallel_loop3A_943 = arith.muli %parallel_loop3A_941, %parallel_loop3A_942 : i32
        %parallel_loop3A_944 = arith.index_cast %parallel_loop3A_943 : i32 to index
        %parallel_loop3A_945 = tpu.vector_load %arg8[%parallel_loop3A_944] {strides = array<i32>} : memref<32768xf32, #tpu.memory_space<vmem>>, vector<16xf32>,
        %parallel_loop3A_946 = arith.constant 8 : i32
        %parallel_loop3A_947 = arith.muli %parallel_loop3A_936, %parallel_loop3A_946 : i32
        %parallel_loop3A_948 = arith.constant 1 : i32
        %parallel_loop3A_949 = arith.addi %parallel_loop3A_947, %parallel_loop3A_948 : i32
        %parallel_loop3A_950 = arith.constant 16 : i32
        %parallel_loop3A_951 = arith.muli %parallel_loop3A_949, %parallel_loop3A_950 : i32
        %parallel_loop3A_952 = arith.index_cast %parallel_loop3A_951 : i32 to index
        %parallel_loop3A_953 = tpu.vector_load %arg8[%parallel_loop3A_952] {strides = array<i32>} : memref<32768xf32, #tpu.memory_space<vmem>>, vector<16xf32>,
        %parallel_loop3A_954 = arith.constant 8 : i32
        %parallel_loop3A_955 = arith.muli %parallel_loop3A_936, %parallel_loop3A_954 : i32
        %parallel_loop3A_956 = arith.constant 2 : i32
        %parallel_loop3A_957 = arith.addi %parallel_loop3A_955, %parallel_loop3A_956 : i32
        %parallel_loop3A_958 = arith.constant 16 : i32
        %parallel_loop3A_959 = arith.muli %parallel_loop3A_957, %parallel_loop3A_958 : i32
        %parallel_loop3A_960 = arith.index_cast %parallel_loop3A_959 : i32 to index
        %parallel_loop3A_961 = tpu.vector_load %arg8[%parallel_loop3A_960] {strides = array<i32>} : memref<32768xf32, #tpu.memory_space<vmem>>, vector<16xf32>,
        %parallel_loop3A_962 = arith.constant 8 : i32
        %parallel_loop3A_963 = arith.muli %parallel_loop3A_936, %parallel_loop3A_962 : i32
        %parallel_loop3A_964 = arith.constant 3 : i32
        %parallel_loop3A_965 = arith.addi %parallel_loop3A_963, %parallel_loop3A_964 : i32
        %parallel_loop3A_966 = arith.constant 16 : i32
        %parallel_loop3A_967 = arith.muli %parallel_loop3A_965, %parallel_loop3A_966 : i32
        %parallel_loop3A_968 = arith.index_cast %parallel_loop3A_967 : i32 to index
        %parallel_loop3A_969 = tpu.vector_load %arg8[%parallel_loop3A_968] {strides = array<i32>} : memref<32768xf32, #tpu.memory_space<vmem>>, vector<16xf32>,
        %parallel_loop3A_970 = arith.constant 8 : i32
        %parallel_loop3A_971 = arith.muli %parallel_loop3A_936, %parallel_loop3A_970 : i32
        %parallel_loop3A_972 = arith.constant 4 : i32
        %parallel_loop3A_973 = arith.addi %parallel_loop3A_971, %parallel_loop3A_972 : i32
        %parallel_loop3A_974 = arith.constant 16 : i32
        %parallel_loop3A_975 = arith.muli %parallel_loop3A_973, %parallel_loop3A_974 : i32
        %parallel_loop3A_976 = arith.index_cast %parallel_loop3A_975 : i32 to index
        %parallel_loop3A_977 = tpu.vector_load %arg8[%parallel_loop3A_976] {strides = array<i32>} : memref<32768xf32, #tpu.memory_space<vmem>>, vector<16xf32>,
        %parallel_loop3A_978 = arith.constant 8 : i32
        %parallel_loop3A_979 = arith.muli %parallel_loop3A_936, %parallel_loop3A_978 : i32
        %parallel_loop3A_980 = arith.constant 5 : i32
        %parallel_loop3A_981 = arith.addi %parallel_loop3A_979, %parallel_loop3A_980 : i32
        %parallel_loop3A_982 = arith.constant 16 : i32
        %parallel_loop3A_983 = arith.muli %parallel_loop3A_981, %parallel_loop3A_982 : i32
        %parallel_loop3A_984 = arith.index_cast %parallel_loop3A_983 : i32 to index
        %parallel_loop3A_985 = tpu.vector_load %arg8[%parallel_loop3A_984] {strides = array<i32>} : memref<32768xf32, #tpu.memory_space<vmem>>, vector<16xf32>,
        %parallel_loop3A_986 = arith.constant 8 : i32
        %parallel_loop3A_987 = arith.muli %parallel_loop3A_936, %parallel_loop3A_986 : i32
        %parallel_loop3A_988 = arith.constant 6 : i32
        %parallel_loop3A_989 = arith.addi %parallel_loop3A_987, %parallel_loop3A_988 : i32
        %parallel_loop3A_990 = arith.constant 16 : i32
        %parallel_loop3A_991 = arith.muli %parallel_loop3A_989, %parallel_loop3A_990 : i32
        %parallel_loop3A_992 = arith.index_cast %parallel_loop3A_991 : i32 to index
        %parallel_loop3A_993 = tpu.vector_load %arg8[%parallel_loop3A_992] {strides = array<i32>} : memref<32768xf32, #tpu.memory_space<vmem>>, vector<16xf32>,
        %parallel_loop3A_994 = arith.constant 8 : i32
        %parallel_loop3A_995 = arith.muli %parallel_loop3A_936, %parallel_loop3A_994 : i32
        %parallel_loop3A_996 = arith.constant 7 : i32
        %parallel_loop3A_997 = arith.addi %parallel_loop3A_995, %parallel_loop3A_996 : i32
        %parallel_loop3A_998 = arith.constant 16 : i32
        %parallel_loop3A_999 = arith.muli %parallel_loop3A_997, %parallel_loop3A_998 : i32
        %parallel_loop3A_1000 = arith.index_cast %parallel_loop3A_999 : i32 to index
        %parallel_loop3A_1001 = tpu.vector_load %arg8[%parallel_loop3A_1000] {strides = array<i32>} : memref<32768xf32, #tpu.memory_space<vmem>>, vector<16xf32>,
        %parallel_loop3A_1002 = arith.cmpf ogt, %parallel_loop3A_945, %broadcast_in_dim3A_927 : vector<16xf32>
        %parallel_loop3A_1003 = arith.extui %parallel_loop3A_1002 : vector<16xi1> to vector<16xi32>
        %parallel_loop3A_1004 = arith.cmpf ogt, %parallel_loop3A_953, %broadcast_in_dim3A_927 : vector<16xf32>
        %parallel_loop3A_1005 = arith.extui %parallel_loop3A_1004 : vector<16xi1> to vector<16xi32>
        %parallel_loop3A_1006 = arith.cmpf ogt, %parallel_loop3A_961, %broadcast_in_dim3A_927 : vector<16xf32>
        %parallel_loop3A_1007 = arith.extui %parallel_loop3A_1006 : vector<16xi1> to vector<16xi32>
        %parallel_loop3A_1008 = arith.cmpf ogt, %parallel_loop3A_969, %broadcast_in_dim3A_927 : vector<16xf32>
        %parallel_loop3A_1009 = arith.extui %parallel_loop3A_1008 : vector<16xi1> to vector<16xi32>
        %parallel_loop3A_1010 = arith.cmpf ogt, %parallel_loop3A_977, %broadcast_in_dim3A_927 : vector<16xf32>
        %parallel_loop3A_1011 = arith.extui %parallel_loop3A_1010 : vector<16xi1> to vector<16xi32>
        %parallel_loop3A_1012 = arith.cmpf ogt, %parallel_loop3A_985, %broadcast_in_dim3A_927 : vector<16xf32>
        %parallel_loop3A_1013 = arith.extui %parallel_loop3A_1012 : vector<16xi1> to vector<16xi32>
        %parallel_loop3A_1014 = arith.cmpf ogt, %parallel_loop3A_993, %broadcast_in_dim3A_927 : vector<16xf32>
        %parallel_loop3A_1015 = arith.extui %parallel_loop3A_1014 : vector<16xi1> to vector<16xi32>
        %parallel_loop3A_1016 = arith.cmpf ogt, %parallel_loop3A_1001, %broadcast_in_dim3A_927 : vector<16xf32>
        %parallel_loop3A_1017 = arith.extui %parallel_loop3A_1016 : vector<16xi1> to vector<16xi32>
        %parallel_loop3A_1018 = arith.addi %parallel_loop3A_1003, %parallel_loop3A_1005 : vector<16xi32>
        %parallel_loop3A_1019 = arith.addi %parallel_loop3A_1007, %parallel_loop3A_1009 : vector<16xi32>
        %parallel_loop3A_1020 = arith.addi %parallel_loop3A_1011, %parallel_loop3A_1013 : vector<16xi32>
        %parallel_loop3A_1021 = arith.addi %parallel_loop3A_1015, %parallel_loop3A_1017 : vector<16xi32>
        %parallel_loop3A_1022 = arith.addi %parallel_loop3A_1018, %parallel_loop3A_1019 : vector<16xi32>
        %parallel_loop3A_1023 = arith.addi %parallel_loop3A_1020, %parallel_loop3A_1021 : vector<16xi32>
        %parallel_loop3A_1024 = arith.addi %parallel_loop3A_1022, %parallel_loop3A_1023 : vector<16xi32>
        %parallel_loop3A_1025 = arith.addi %parallel_loop3A_937, %parallel_loop3A_1024 : vector<16xi32>
        scf.yield %parallel_loop3A_1025 : vector<16xi32>
      } {sc.loop_unroll_factor = 1 : i64, sc.parallel_access}
      %reduce_sum3A_932 = arith.constant true
      %reduce_sum3A_933 = vector.broadcast %reduce_sum3A_932 : i1 to vector<16xi1>
      %reduce_sum3A_934 = tpu.scan <sum>, %parallel_loop3A_931 masked %reduce_sum3A_933 : vector<16xi32>, vector<16xi1> -> vector<16xi32>
      %reduce_sum3A_935 = vector.extract %reduce_sum3A_934[15] : i32 from vector<16xi32>
      scf.yield %select_n3A_920, %select_n3A_922, %add3A_926, %reduce_sum3A_935 : f32, f32, f32, i32
    }
    %ge3A = arith.constant 64 : i32
    %ge3A_95 = arith.cmpi sge, %while3A_94#3, %ge3A : i32
    %le3A = arith.constant 2048 : i32
    %le3A_96 = arith.cmpi sle, %while3A_94#3, %le3A : i32
    %and3A = arith.andi %ge3A_95, %le3A_96 : i1
    %broadcast_in_dim3A_97 = vector.broadcast %while3A_94#2 : f32 to vector<16xf32>
    %add3A_98 = arith.constant 0 : i32
    %add3A_99 = vector.broadcast %add3A_98 : i32 to vector<16xi32>
    %add3A_100 = arith.addi %iota3A, %add3A_99 : vector<16xi32>
    %add3A_101 = arith.constant 16 : i32
    %add3A_102 = vector.broadcast %add3A_101 : i32 to vector<16xi32>
    %add3A_103 = arith.addi %iota3A, %add3A_102 : vector<16xi32>
    %add3A_104 = arith.constant 32 : i32
    %add3A_105 = vector.broadcast %add3A_104 : i32 to vector<16xi32>
    %add3A_106 = arith.addi %iota3A, %add3A_105 : vector<16xi32>
    %add3A_107 = arith.constant 48 : i32
    %add3A_108 = vector.broadcast %add3A_107 : i32 to vector<16xi32>
    %add3A_109 = arith.addi %iota3A, %add3A_108 : vector<16xi32>
    %parallel_loop3A_110 = arith.constant 0 : i32
    %parallel_loop3A_111 = arith.constant 256 : i32
    %parallel_loop3A_112 = arith.constant 1 : i32
    %parallel_loop3A_113:4 = scf.for %parallel_loop3A_915 = %parallel_loop3A_110 to %parallel_loop3A_111 step %parallel_loop3A_112 iter_args(%parallel_loop3A_916 = %broadcast_in_dim3A_3, %parallel_loop3A_917 = %broadcast_in_dim3A_3, %parallel_loop3A_918 = %broadcast_in_dim3A_3, %parallel_loop3A_919 = %broadcast_in_dim3A_3) -> (vector<16xi32>, vector<16xi32>, vector<16xi32>, vector<16xi32>)  : i32 {
      %parallel_loop3A_920 = arith.constant 8 : i32
      %parallel_loop3A_921 = arith.muli %parallel_loop3A_915, %parallel_loop3A_920 : i32
      %parallel_loop3A_922 = arith.constant 0 : i32
      %parallel_loop3A_923 = arith.addi %parallel_loop3A_921, %parallel_loop3A_922 : i32
      %parallel_loop3A_924 = arith.constant 16 : i32
      %parallel_loop3A_925 = arith.muli %parallel_loop3A_923, %parallel_loop3A_924 : i32
      %parallel_loop3A_926 = arith.index_cast %parallel_loop3A_925 : i32 to index
      %parallel_loop3A_927 = tpu.vector_load %arg8[%parallel_loop3A_926] {strides = array<i32>} : memref<32768xf32, #tpu.memory_space<vmem>>, vector<16xf32>,
      %parallel_loop3A_928 = arith.constant 8 : i32
      %parallel_loop3A_929 = arith.muli %parallel_loop3A_915, %parallel_loop3A_928 : i32
      %parallel_loop3A_930 = arith.constant 1 : i32
      %parallel_loop3A_931 = arith.addi %parallel_loop3A_929, %parallel_loop3A_930 : i32
      %parallel_loop3A_932 = arith.constant 16 : i32
      %parallel_loop3A_933 = arith.muli %parallel_loop3A_931, %parallel_loop3A_932 : i32
      %parallel_loop3A_934 = arith.index_cast %parallel_loop3A_933 : i32 to index
      %parallel_loop3A_935 = tpu.vector_load %arg8[%parallel_loop3A_934] {strides = array<i32>} : memref<32768xf32, #tpu.memory_space<vmem>>, vector<16xf32>,
      %parallel_loop3A_936 = arith.constant 8 : i32
      %parallel_loop3A_937 = arith.muli %parallel_loop3A_915, %parallel_loop3A_936 : i32
      %parallel_loop3A_938 = arith.constant 2 : i32
      %parallel_loop3A_939 = arith.addi %parallel_loop3A_937, %parallel_loop3A_938 : i32
      %parallel_loop3A_940 = arith.constant 16 : i32
      %parallel_loop3A_941 = arith.muli %parallel_loop3A_939, %parallel_loop3A_940 : i32
      %parallel_loop3A_942 = arith.index_cast %parallel_loop3A_941 : i32 to index
      %parallel_loop3A_943 = tpu.vector_load %arg8[%parallel_loop3A_942] {strides = array<i32>} : memref<32768xf32, #tpu.memory_space<vmem>>, vector<16xf32>,
      %parallel_loop3A_944 = arith.constant 8 : i32
      %parallel_loop3A_945 = arith.muli %parallel_loop3A_915, %parallel_loop3A_944 : i32
      %parallel_loop3A_946 = arith.constant 3 : i32
      %parallel_loop3A_947 = arith.addi %parallel_loop3A_945, %parallel_loop3A_946 : i32
      %parallel_loop3A_948 = arith.constant 16 : i32
      %parallel_loop3A_949 = arith.muli %parallel_loop3A_947, %parallel_loop3A_948 : i32
      %parallel_loop3A_950 = arith.index_cast %parallel_loop3A_949 : i32 to index
      %parallel_loop3A_951 = tpu.vector_load %arg8[%parallel_loop3A_950] {strides = array<i32>} : memref<32768xf32, #tpu.memory_space<vmem>>, vector<16xf32>,
      %parallel_loop3A_952 = arith.constant 8 : i32
      %parallel_loop3A_953 = arith.muli %parallel_loop3A_915, %parallel_loop3A_952 : i32
      %parallel_loop3A_954 = arith.constant 4 : i32
      %parallel_loop3A_955 = arith.addi %parallel_loop3A_953, %parallel_loop3A_954 : i32
      %parallel_loop3A_956 = arith.constant 16 : i32
      %parallel_loop3A_957 = arith.muli %parallel_loop3A_955, %parallel_loop3A_956 : i32
      %parallel_loop3A_958 = arith.index_cast %parallel_loop3A_957 : i32 to index
      %parallel_loop3A_959 = tpu.vector_load %arg8[%parallel_loop3A_958] {strides = array<i32>} : memref<32768xf32, #tpu.memory_space<vmem>>, vector<16xf32>,
      %parallel_loop3A_960 = arith.constant 8 : i32
      %parallel_loop3A_961 = arith.muli %parallel_loop3A_915, %parallel_loop3A_960 : i32
      %parallel_loop3A_962 = arith.constant 5 : i32
      %parallel_loop3A_963 = arith.addi %parallel_loop3A_961, %parallel_loop3A_962 : i32
      %parallel_loop3A_964 = arith.constant 16 : i32
      %parallel_loop3A_965 = arith.muli %parallel_loop3A_963, %parallel_loop3A_964 : i32
      %parallel_loop3A_966 = arith.index_cast %parallel_loop3A_965 : i32 to index
      %parallel_loop3A_967 = tpu.vector_load %arg8[%parallel_loop3A_966] {strides = array<i32>} : memref<32768xf32, #tpu.memory_space<vmem>>, vector<16xf32>,
      %parallel_loop3A_968 = arith.constant 8 : i32
      %parallel_loop3A_969 = arith.muli %parallel_loop3A_915, %parallel_loop3A_968 : i32
      %parallel_loop3A_970 = arith.constant 6 : i32
      %parallel_loop3A_971 = arith.addi %parallel_loop3A_969, %parallel_loop3A_970 : i32
      %parallel_loop3A_972 = arith.constant 16 : i32
      %parallel_loop3A_973 = arith.muli %parallel_loop3A_971, %parallel_loop3A_972 : i32
      %parallel_loop3A_974 = arith.index_cast %parallel_loop3A_973 : i32 to index
      %parallel_loop3A_975 = tpu.vector_load %arg8[%parallel_loop3A_974] {strides = array<i32>} : memref<32768xf32, #tpu.memory_space<vmem>>, vector<16xf32>,
      %parallel_loop3A_976 = arith.constant 8 : i32
      %parallel_loop3A_977 = arith.muli %parallel_loop3A_915, %parallel_loop3A_976 : i32
      %parallel_loop3A_978 = arith.constant 7 : i32
      %parallel_loop3A_979 = arith.addi %parallel_loop3A_977, %parallel_loop3A_978 : i32
      %parallel_loop3A_980 = arith.constant 16 : i32
      %parallel_loop3A_981 = arith.muli %parallel_loop3A_979, %parallel_loop3A_980 : i32
      %parallel_loop3A_982 = arith.index_cast %parallel_loop3A_981 : i32 to index
      %parallel_loop3A_983 = tpu.vector_load %arg8[%parallel_loop3A_982] {strides = array<i32>} : memref<32768xf32, #tpu.memory_space<vmem>>, vector<16xf32>,
      %parallel_loop3A_984 = arith.cmpf ogt, %parallel_loop3A_927, %broadcast_in_dim3A_97 : vector<16xf32>
      %parallel_loop3A_985 = arith.constant 64 : i32
      %parallel_loop3A_986 = vector.broadcast %parallel_loop3A_985 : i32 to vector<16xi32>
      %parallel_loop3A_987 = arith.cmpi slt, %parallel_loop3A_916, %parallel_loop3A_986 : vector<16xi32>
      %parallel_loop3A_988 = arith.andi %parallel_loop3A_984, %parallel_loop3A_987 : vector<16xi1>
      %parallel_loop3A_989 = arith.constant 64 : i32
      %parallel_loop3A_990 = vector.broadcast %parallel_loop3A_989 : i32 to vector<16xi32>
      %parallel_loop3A_991 = arith.muli %parallel_loop3A_916, %parallel_loop3A_990 : vector<16xi32>
      %parallel_loop3A_992 = arith.addi %parallel_loop3A_991, %add3A_100 : vector<16xi32>
      %parallel_loop3A_993 = arith.cmpf ogt, %parallel_loop3A_935, %broadcast_in_dim3A_97 : vector<16xf32>
      %parallel_loop3A_994 = arith.constant 64 : i32
      %parallel_loop3A_995 = vector.broadcast %parallel_loop3A_994 : i32 to vector<16xi32>
      %parallel_loop3A_996 = arith.cmpi slt, %parallel_loop3A_917, %parallel_loop3A_995 : vector<16xi32>
      %parallel_loop3A_997 = arith.andi %parallel_loop3A_993, %parallel_loop3A_996 : vector<16xi1>
      %parallel_loop3A_998 = arith.constant 64 : i32
      %parallel_loop3A_999 = vector.broadcast %parallel_loop3A_998 : i32 to vector<16xi32>
      %parallel_loop3A_1000 = arith.muli %parallel_loop3A_917, %parallel_loop3A_999 : vector<16xi32>
      %parallel_loop3A_1001 = arith.addi %parallel_loop3A_1000, %add3A_103 : vector<16xi32>
      %parallel_loop3A_1002 = arith.cmpf ogt, %parallel_loop3A_943, %broadcast_in_dim3A_97 : vector<16xf32>
      %parallel_loop3A_1003 = arith.constant 64 : i32
      %parallel_loop3A_1004 = vector.broadcast %parallel_loop3A_1003 : i32 to vector<16xi32>
      %parallel_loop3A_1005 = arith.cmpi slt, %parallel_loop3A_918, %parallel_loop3A_1004 : vector<16xi32>
      %parallel_loop3A_1006 = arith.andi %parallel_loop3A_1002, %parallel_loop3A_1005 : vector<16xi1>
      %parallel_loop3A_1007 = arith.constant 64 : i32
      %parallel_loop3A_1008 = vector.broadcast %parallel_loop3A_1007 : i32 to vector<16xi32>
      %parallel_loop3A_1009 = arith.muli %parallel_loop3A_918, %parallel_loop3A_1008 : vector<16xi32>
      %parallel_loop3A_1010 = arith.addi %parallel_loop3A_1009, %add3A_106 : vector<16xi32>
      %parallel_loop3A_1011 = arith.cmpf ogt, %parallel_loop3A_951, %broadcast_in_dim3A_97 : vector<16xf32>
      %parallel_loop3A_1012 = arith.constant 64 : i32
      %parallel_loop3A_1013 = vector.broadcast %parallel_loop3A_1012 : i32 to vector<16xi32>
      %parallel_loop3A_1014 = arith.cmpi slt, %parallel_loop3A_919, %parallel_loop3A_1013 : vector<16xi32>
      %parallel_loop3A_1015 = arith.andi %parallel_loop3A_1011, %parallel_loop3A_1014 : vector<16xi1>
      %parallel_loop3A_1016 = arith.constant 64 : i32
      %parallel_loop3A_1017 = vector.broadcast %parallel_loop3A_1016 : i32 to vector<16xi32>
      %parallel_loop3A_1018 = arith.muli %parallel_loop3A_919, %parallel_loop3A_1017 : vector<16xi32>
      %parallel_loop3A_1019 = arith.addi %parallel_loop3A_1018, %add3A_109 : vector<16xi32>
      tpu.vector_store_idx %arg9[%parallel_loop3A_992], %parallel_loop3A_927 masked %parallel_loop3A_988 : memref<4096xf32, #tpu.memory_space<vmem>>[vector<16xi32>], vector<16xf32>, vector<16xi1>
      tpu.vector_store_idx %arg9[%parallel_loop3A_1001], %parallel_loop3A_935 masked %parallel_loop3A_997 : memref<4096xf32, #tpu.memory_space<vmem>>[vector<16xi32>], vector<16xf32>, vector<16xi1>
      tpu.vector_store_idx %arg9[%parallel_loop3A_1010], %parallel_loop3A_943 masked %parallel_loop3A_1006 : memref<4096xf32, #tpu.memory_space<vmem>>[vector<16xi32>], vector<16xf32>, vector<16xi1>
      tpu.vector_store_idx %arg9[%parallel_loop3A_1019], %parallel_loop3A_951 masked %parallel_loop3A_1015 : memref<4096xf32, #tpu.memory_space<vmem>>[vector<16xi32>], vector<16xf32>, vector<16xi1>
      %parallel_loop3A_1020 = arith.extui %parallel_loop3A_988 : vector<16xi1> to vector<16xi32>
      %parallel_loop3A_1021 = arith.addi %parallel_loop3A_916, %parallel_loop3A_1020 : vector<16xi32>
      %parallel_loop3A_1022 = arith.extui %parallel_loop3A_997 : vector<16xi1> to vector<16xi32>
      %parallel_loop3A_1023 = arith.addi %parallel_loop3A_917, %parallel_loop3A_1022 : vector<16xi32>
      %parallel_loop3A_1024 = arith.extui %parallel_loop3A_1006 : vector<16xi1> to vector<16xi32>
      %parallel_loop3A_1025 = arith.addi %parallel_loop3A_918, %parallel_loop3A_1024 : vector<16xi32>
      %parallel_loop3A_1026 = arith.extui %parallel_loop3A_1015 : vector<16xi1> to vector<16xi32>
      %parallel_loop3A_1027 = arith.addi %parallel_loop3A_919, %parallel_loop3A_1026 : vector<16xi32>
      %parallel_loop3A_1028 = arith.cmpf ogt, %parallel_loop3A_959, %broadcast_in_dim3A_97 : vector<16xf32>
      %parallel_loop3A_1029 = arith.constant 64 : i32
      %parallel_loop3A_1030 = vector.broadcast %parallel_loop3A_1029 : i32 to vector<16xi32>
      %parallel_loop3A_1031 = arith.cmpi slt, %parallel_loop3A_1021, %parallel_loop3A_1030 : vector<16xi32>
      %parallel_loop3A_1032 = arith.andi %parallel_loop3A_1028, %parallel_loop3A_1031 : vector<16xi1>
      %parallel_loop3A_1033 = arith.constant 64 : i32
      %parallel_loop3A_1034 = vector.broadcast %parallel_loop3A_1033 : i32 to vector<16xi32>
      %parallel_loop3A_1035 = arith.muli %parallel_loop3A_1021, %parallel_loop3A_1034 : vector<16xi32>
      %parallel_loop3A_1036 = arith.addi %parallel_loop3A_1035, %add3A_100 : vector<16xi32>
      %parallel_loop3A_1037 = arith.cmpf ogt, %parallel_loop3A_967, %broadcast_in_dim3A_97 : vector<16xf32>
      %parallel_loop3A_1038 = arith.constant 64 : i32
      %parallel_loop3A_1039 = vector.broadcast %parallel_loop3A_1038 : i32 to vector<16xi32>
      %parallel_loop3A_1040 = arith.cmpi slt, %parallel_loop3A_1023, %parallel_loop3A_1039 : vector<16xi32>
      %parallel_loop3A_1041 = arith.andi %parallel_loop3A_1037, %parallel_loop3A_1040 : vector<16xi1>
      %parallel_loop3A_1042 = arith.constant 64 : i32
      %parallel_loop3A_1043 = vector.broadcast %parallel_loop3A_1042 : i32 to vector<16xi32>
      %parallel_loop3A_1044 = arith.muli %parallel_loop3A_1023, %parallel_loop3A_1043 : vector<16xi32>
      %parallel_loop3A_1045 = arith.addi %parallel_loop3A_1044, %add3A_103 : vector<16xi32>
      %parallel_loop3A_1046 = arith.cmpf ogt, %parallel_loop3A_975, %broadcast_in_dim3A_97 : vector<16xf32>
      %parallel_loop3A_1047 = arith.constant 64 : i32
      %parallel_loop3A_1048 = vector.broadcast %parallel_loop3A_1047 : i32 to vector<16xi32>
      %parallel_loop3A_1049 = arith.cmpi slt, %parallel_loop3A_1025, %parallel_loop3A_1048 : vector<16xi32>
      %parallel_loop3A_1050 = arith.andi %parallel_loop3A_1046, %parallel_loop3A_1049 : vector<16xi1>
      %parallel_loop3A_1051 = arith.constant 64 : i32
      %parallel_loop3A_1052 = vector.broadcast %parallel_loop3A_1051 : i32 to vector<16xi32>
      %parallel_loop3A_1053 = arith.muli %parallel_loop3A_1025, %parallel_loop3A_1052 : vector<16xi32>
      %parallel_loop3A_1054 = arith.addi %parallel_loop3A_1053, %add3A_106 : vector<16xi32>
      %parallel_loop3A_1055 = arith.cmpf ogt, %parallel_loop3A_983, %broadcast_in_dim3A_97 : vector<16xf32>
      %parallel_loop3A_1056 = arith.constant 64 : i32
      %parallel_loop3A_1057 = vector.broadcast %parallel_loop3A_1056 : i32 to vector<16xi32>
      %parallel_loop3A_1058 = arith.cmpi slt, %parallel_loop3A_1027, %parallel_loop3A_1057 : vector<16xi32>
      %parallel_loop3A_1059 = arith.andi %parallel_loop3A_1055, %parallel_loop3A_1058 : vector<16xi1>
      %parallel_loop3A_1060 = arith.constant 64 : i32
      %parallel_loop3A_1061 = vector.broadcast %parallel_loop3A_1060 : i32 to vector<16xi32>
      %parallel_loop3A_1062 = arith.muli %parallel_loop3A_1027, %parallel_loop3A_1061 : vector<16xi32>
      %parallel_loop3A_1063 = arith.addi %parallel_loop3A_1062, %add3A_109 : vector<16xi32>
      tpu.vector_store_idx %arg9[%parallel_loop3A_1036], %parallel_loop3A_959 masked %parallel_loop3A_1032 : memref<4096xf32, #tpu.memory_space<vmem>>[vector<16xi32>], vector<16xf32>, vector<16xi1>
      tpu.vector_store_idx %arg9[%parallel_loop3A_1045], %parallel_loop3A_967 masked %parallel_loop3A_1041 : memref<4096xf32, #tpu.memory_space<vmem>>[vector<16xi32>], vector<16xf32>, vector<16xi1>
      tpu.vector_store_idx %arg9[%parallel_loop3A_1054], %parallel_loop3A_975 masked %parallel_loop3A_1050 : memref<4096xf32, #tpu.memory_space<vmem>>[vector<16xi32>], vector<16xf32>, vector<16xi1>
      tpu.vector_store_idx %arg9[%parallel_loop3A_1063], %parallel_loop3A_983 masked %parallel_loop3A_1059 : memref<4096xf32, #tpu.memory_space<vmem>>[vector<16xi32>], vector<16xf32>, vector<16xi1>
      %parallel_loop3A_1064 = arith.extui %parallel_loop3A_1032 : vector<16xi1> to vector<16xi32>
      %parallel_loop3A_1065 = arith.addi %parallel_loop3A_1021, %parallel_loop3A_1064 : vector<16xi32>
      %parallel_loop3A_1066 = arith.extui %parallel_loop3A_1041 : vector<16xi1> to vector<16xi32>
      %parallel_loop3A_1067 = arith.addi %parallel_loop3A_1023, %parallel_loop3A_1066 : vector<16xi32>
      %parallel_loop3A_1068 = arith.extui %parallel_loop3A_1050 : vector<16xi1> to vector<16xi32>
      %parallel_loop3A_1069 = arith.addi %parallel_loop3A_1025, %parallel_loop3A_1068 : vector<16xi32>
      %parallel_loop3A_1070 = arith.extui %parallel_loop3A_1059 : vector<16xi1> to vector<16xi32>
      %parallel_loop3A_1071 = arith.addi %parallel_loop3A_1027, %parallel_loop3A_1070 : vector<16xi32>
      scf.yield %parallel_loop3A_1065, %parallel_loop3A_1067, %parallel_loop3A_1069, %parallel_loop3A_1071 : vector<16xi32>, vector<16xi32>, vector<16xi32>, vector<16xi32>
    } {sc.loop_unroll_factor = 1 : i64, sc.parallel_access}
    %max3A_114 = arith.maxsi %parallel_loop3A_113#0, %parallel_loop3A_113#1 : vector<16xi32>
    %max3A_115 = arith.maxsi %parallel_loop3A_113#2, %parallel_loop3A_113#3 : vector<16xi32>
    %max3A_116 = arith.maxsi %max3A_114, %max3A_115 : vector<16xi32>
    %reduce_max3A_117 = arith.constant true
    %reduce_max3A_118 = vector.broadcast %reduce_max3A_117 : i1 to vector<16xi1>
    %reduce_max3A_119 = arith.constant -2147483648 : i32
    %reduce_max3A_120 = vector.broadcast %reduce_max3A_119 : i32 to vector<16xi32>
    %reduce_max3A_121 = arith.xori %max3A_116, %reduce_max3A_120 : vector<16xi32>
    %reduce_max3A_122 = tpu.scan <max>, %reduce_max3A_121 masked %reduce_max3A_118 : vector<16xi32>, vector<16xi1> -> vector<16xi32>
    %reduce_max3A_123 = arith.xori %reduce_max3A_122, %reduce_max3A_120 : vector<16xi32>
    %reduce_max3A_124 = vector.extract %reduce_max3A_123[15] : i32 from vector<16xi32>
    %le3A_125 = arith.constant 64 : i32
    %le3A_126 = arith.cmpi sle, %reduce_max3A_124, %le3A_125 : i32
    %and3A_127 = arith.andi %and3A, %le3A_126 : i1
    %min3A = arith.constant 64 : i32
    %min3A_128 = arith.minsi %reduce_max3A_124, %min3A : i32
    %select_n3A = arith.select %and3A, %while3A_94#2, %while3A_94#1 : f32
    %while3A_129:2 = scf.while (%while3A_915 = %select_n3A, %while3A_916 = %while3A_94#1) : (f32, f32) -> (f32, f32) {
      %sub3A_917 = arith.subf %while3A_916, %while3A_915 : f32
      %mul3A_918 = arith.constant 5.000000e-01 : f32
      %mul3A_919 = arith.mulf %mul3A_918, %sub3A_917 : f32
      %add3A_920 = arith.addf %while3A_915, %mul3A_919 : f32
      %ne3A = arith.cmpf one, %add3A_920, %while3A_915 : f32
      %ne3A_921 = arith.cmpf one, %add3A_920, %while3A_916 : f32
      %and3A_922 = arith.andi %ne3A, %ne3A_921 : i1
      scf.condition(%and3A_922) %while3A_915, %while3A_916 : f32, f32
    } do {
    ^bb0(%while3A_915: f32, %while3A_916: f32):
      %sub3A_917 = arith.subf %while3A_916, %while3A_915 : f32
      %mul3A_918 = arith.constant 5.000000e-01 : f32
      %mul3A_919 = arith.mulf %mul3A_918, %sub3A_917 : f32
      %add3A_920 = arith.addf %while3A_915, %mul3A_919 : f32
      %convert_element_type3A_921 = arith.extui %and3A_127 : i1 to i32
      %cond3A_922 = arith.constant 0 : i32
      %cond3A_923 = arith.cmpi ne, %convert_element_type3A_921, %cond3A_922 : i32
      %cond3A_924 = scf.if %cond3A_923 -> (i32) {
        %broadcast_in_dim3A_931 = vector.broadcast %add3A_920 : f32 to vector<16xf32>
        %parallel_loop3A_932 = arith.constant 0 : i32
        %parallel_loop3A_933 = arith.constant 1 : i32
        %parallel_loop3A_934 = scf.for %parallel_loop3A_939 = %parallel_loop3A_932 to %min3A_128 step %parallel_loop3A_933 iter_args(%parallel_loop3A_940 = %broadcast_in_dim3A_3) -> (vector<16xi32>)  : i32 {
          %parallel_loop3A_941 = arith.constant 4 : i32
          %parallel_loop3A_942 = arith.muli %parallel_loop3A_939, %parallel_loop3A_941 : i32
          %parallel_loop3A_943 = arith.constant 0 : i32
          %parallel_loop3A_944 = arith.addi %parallel_loop3A_942, %parallel_loop3A_943 : i32
          %parallel_loop3A_945 = arith.constant 16 : i32
          %parallel_loop3A_946 = arith.muli %parallel_loop3A_944, %parallel_loop3A_945 : i32
          %parallel_loop3A_947 = arith.index_cast %parallel_loop3A_946 : i32 to index
          %parallel_loop3A_948 = tpu.vector_load %arg9[%parallel_loop3A_947] {strides = array<i32>} : memref<4096xf32, #tpu.memory_space<vmem>>, vector<16xf32>,
          %parallel_loop3A_949 = arith.cmpf ogt, %parallel_loop3A_948, %broadcast_in_dim3A_931 : vector<16xf32>
          %parallel_loop3A_950 = vector.broadcast %parallel_loop3A_939 : i32 to vector<16xi32>
          %parallel_loop3A_951 = arith.cmpi sgt, %parallel_loop3A_113#0, %parallel_loop3A_950 : vector<16xi32>
          %parallel_loop3A_952 = arith.andi %parallel_loop3A_949, %parallel_loop3A_951 : vector<16xi1>
          %parallel_loop3A_953 = arith.extui %parallel_loop3A_952 : vector<16xi1> to vector<16xi32>
          %parallel_loop3A_954 = arith.addi %parallel_loop3A_940, %parallel_loop3A_953 : vector<16xi32>
          %parallel_loop3A_955 = arith.constant 4 : i32
          %parallel_loop3A_956 = arith.muli %parallel_loop3A_939, %parallel_loop3A_955 : i32
          %parallel_loop3A_957 = arith.constant 1 : i32
          %parallel_loop3A_958 = arith.addi %parallel_loop3A_956, %parallel_loop3A_957 : i32
          %parallel_loop3A_959 = arith.constant 16 : i32
          %parallel_loop3A_960 = arith.muli %parallel_loop3A_958, %parallel_loop3A_959 : i32
          %parallel_loop3A_961 = arith.index_cast %parallel_loop3A_960 : i32 to index
          %parallel_loop3A_962 = tpu.vector_load %arg9[%parallel_loop3A_961] {strides = array<i32>} : memref<4096xf32, #tpu.memory_space<vmem>>, vector<16xf32>,
          %parallel_loop3A_963 = arith.cmpf ogt, %parallel_loop3A_962, %broadcast_in_dim3A_931 : vector<16xf32>
          %parallel_loop3A_964 = vector.broadcast %parallel_loop3A_939 : i32 to vector<16xi32>
          %parallel_loop3A_965 = arith.cmpi sgt, %parallel_loop3A_113#1, %parallel_loop3A_964 : vector<16xi32>
          %parallel_loop3A_966 = arith.andi %parallel_loop3A_963, %parallel_loop3A_965 : vector<16xi1>
          %parallel_loop3A_967 = arith.extui %parallel_loop3A_966 : vector<16xi1> to vector<16xi32>
          %parallel_loop3A_968 = arith.addi %parallel_loop3A_954, %parallel_loop3A_967 : vector<16xi32>
          %parallel_loop3A_969 = arith.constant 4 : i32
          %parallel_loop3A_970 = arith.muli %parallel_loop3A_939, %parallel_loop3A_969 : i32
          %parallel_loop3A_971 = arith.constant 2 : i32
          %parallel_loop3A_972 = arith.addi %parallel_loop3A_970, %parallel_loop3A_971 : i32
          %parallel_loop3A_973 = arith.constant 16 : i32
          %parallel_loop3A_974 = arith.muli %parallel_loop3A_972, %parallel_loop3A_973 : i32
          %parallel_loop3A_975 = arith.index_cast %parallel_loop3A_974 : i32 to index
          %parallel_loop3A_976 = tpu.vector_load %arg9[%parallel_loop3A_975] {strides = array<i32>} : memref<4096xf32, #tpu.memory_space<vmem>>, vector<16xf32>,
          %parallel_loop3A_977 = arith.cmpf ogt, %parallel_loop3A_976, %broadcast_in_dim3A_931 : vector<16xf32>
          %parallel_loop3A_978 = vector.broadcast %parallel_loop3A_939 : i32 to vector<16xi32>
          %parallel_loop3A_979 = arith.cmpi sgt, %parallel_loop3A_113#2, %parallel_loop3A_978 : vector<16xi32>
          %parallel_loop3A_980 = arith.andi %parallel_loop3A_977, %parallel_loop3A_979 : vector<16xi1>
          %parallel_loop3A_981 = arith.extui %parallel_loop3A_980 : vector<16xi1> to vector<16xi32>
          %parallel_loop3A_982 = arith.addi %parallel_loop3A_968, %parallel_loop3A_981 : vector<16xi32>
          %parallel_loop3A_983 = arith.constant 4 : i32
          %parallel_loop3A_984 = arith.muli %parallel_loop3A_939, %parallel_loop3A_983 : i32
          %parallel_loop3A_985 = arith.constant 3 : i32
          %parallel_loop3A_986 = arith.addi %parallel_loop3A_984, %parallel_loop3A_985 : i32
          %parallel_loop3A_987 = arith.constant 16 : i32
          %parallel_loop3A_988 = arith.muli %parallel_loop3A_986, %parallel_loop3A_987 : i32
          %parallel_loop3A_989 = arith.index_cast %parallel_loop3A_988 : i32 to index
          %parallel_loop3A_990 = tpu.vector_load %arg9[%parallel_loop3A_989] {strides = array<i32>} : memref<4096xf32, #tpu.memory_space<vmem>>, vector<16xf32>,
          %parallel_loop3A_991 = arith.cmpf ogt, %parallel_loop3A_990, %broadcast_in_dim3A_931 : vector<16xf32>
          %parallel_loop3A_992 = vector.broadcast %parallel_loop3A_939 : i32 to vector<16xi32>
          %parallel_loop3A_993 = arith.cmpi sgt, %parallel_loop3A_113#3, %parallel_loop3A_992 : vector<16xi32>
          %parallel_loop3A_994 = arith.andi %parallel_loop3A_991, %parallel_loop3A_993 : vector<16xi1>
          %parallel_loop3A_995 = arith.extui %parallel_loop3A_994 : vector<16xi1> to vector<16xi32>
          %parallel_loop3A_996 = arith.addi %parallel_loop3A_982, %parallel_loop3A_995 : vector<16xi32>
          scf.yield %parallel_loop3A_996 : vector<16xi32>
        } {sc.loop_unroll_factor = 1 : i64, sc.parallel_access}
        %reduce_sum3A_935 = arith.constant true
        %reduce_sum3A_936 = vector.broadcast %reduce_sum3A_935 : i1 to vector<16xi1>
        %reduce_sum3A_937 = tpu.scan <sum>, %parallel_loop3A_934 masked %reduce_sum3A_936 : vector<16xi32>, vector<16xi1> -> vector<16xi32>
        %reduce_sum3A_938 = vector.extract %reduce_sum3A_937[15] : i32 from vector<16xi32>
        scf.yield %reduce_sum3A_938 : i32
      } else {
        %broadcast_in_dim3A_931 = vector.broadcast %add3A_920 : f32 to vector<16xf32>
        %parallel_loop3A_932 = arith.constant 0 : i32
        %parallel_loop3A_933 = arith.constant 256 : i32
        %parallel_loop3A_934 = arith.constant 1 : i32
        %parallel_loop3A_935 = scf.for %parallel_loop3A_940 = %parallel_loop3A_932 to %parallel_loop3A_933 step %parallel_loop3A_934 iter_args(%parallel_loop3A_941 = %broadcast_in_dim3A_3) -> (vector<16xi32>)  : i32 {
          %parallel_loop3A_942 = arith.constant 8 : i32
          %parallel_loop3A_943 = arith.muli %parallel_loop3A_940, %parallel_loop3A_942 : i32
          %parallel_loop3A_944 = arith.constant 0 : i32
          %parallel_loop3A_945 = arith.addi %parallel_loop3A_943, %parallel_loop3A_944 : i32
          %parallel_loop3A_946 = arith.constant 16 : i32
          %parallel_loop3A_947 = arith.muli %parallel_loop3A_945, %parallel_loop3A_946 : i32
          %parallel_loop3A_948 = arith.index_cast %parallel_loop3A_947 : i32 to index
          %parallel_loop3A_949 = tpu.vector_load %arg8[%parallel_loop3A_948] {strides = array<i32>} : memref<32768xf32, #tpu.memory_space<vmem>>, vector<16xf32>,
          %parallel_loop3A_950 = arith.constant 8 : i32
          %parallel_loop3A_951 = arith.muli %parallel_loop3A_940, %parallel_loop3A_950 : i32
          %parallel_loop3A_952 = arith.constant 1 : i32
          %parallel_loop3A_953 = arith.addi %parallel_loop3A_951, %parallel_loop3A_952 : i32
          %parallel_loop3A_954 = arith.constant 16 : i32
          %parallel_loop3A_955 = arith.muli %parallel_loop3A_953, %parallel_loop3A_954 : i32
          %parallel_loop3A_956 = arith.index_cast %parallel_loop3A_955 : i32 to index
          %parallel_loop3A_957 = tpu.vector_load %arg8[%parallel_loop3A_956] {strides = array<i32>} : memref<32768xf32, #tpu.memory_space<vmem>>, vector<16xf32>,
          %parallel_loop3A_958 = arith.constant 8 : i32
          %parallel_loop3A_959 = arith.muli %parallel_loop3A_940, %parallel_loop3A_958 : i32
          %parallel_loop3A_960 = arith.constant 2 : i32
          %parallel_loop3A_961 = arith.addi %parallel_loop3A_959, %parallel_loop3A_960 : i32
          %parallel_loop3A_962 = arith.constant 16 : i32
          %parallel_loop3A_963 = arith.muli %parallel_loop3A_961, %parallel_loop3A_962 : i32
          %parallel_loop3A_964 = arith.index_cast %parallel_loop3A_963 : i32 to index
          %parallel_loop3A_965 = tpu.vector_load %arg8[%parallel_loop3A_964] {strides = array<i32>} : memref<32768xf32, #tpu.memory_space<vmem>>, vector<16xf32>,
          %parallel_loop3A_966 = arith.constant 8 : i32
          %parallel_loop3A_967 = arith.muli %parallel_loop3A_940, %parallel_loop3A_966 : i32
          %parallel_loop3A_968 = arith.constant 3 : i32
          %parallel_loop3A_969 = arith.addi %parallel_loop3A_967, %parallel_loop3A_968 : i32
          %parallel_loop3A_970 = arith.constant 16 : i32
          %parallel_loop3A_971 = arith.muli %parallel_loop3A_969, %parallel_loop3A_970 : i32
          %parallel_loop3A_972 = arith.index_cast %parallel_loop3A_971 : i32 to index
          %parallel_loop3A_973 = tpu.vector_load %arg8[%parallel_loop3A_972] {strides = array<i32>} : memref<32768xf32, #tpu.memory_space<vmem>>, vector<16xf32>,
          %parallel_loop3A_974 = arith.constant 8 : i32
          %parallel_loop3A_975 = arith.muli %parallel_loop3A_940, %parallel_loop3A_974 : i32
          %parallel_loop3A_976 = arith.constant 4 : i32
          %parallel_loop3A_977 = arith.addi %parallel_loop3A_975, %parallel_loop3A_976 : i32
          %parallel_loop3A_978 = arith.constant 16 : i32
          %parallel_loop3A_979 = arith.muli %parallel_loop3A_977, %parallel_loop3A_978 : i32
          %parallel_loop3A_980 = arith.index_cast %parallel_loop3A_979 : i32 to index
          %parallel_loop3A_981 = tpu.vector_load %arg8[%parallel_loop3A_980] {strides = array<i32>} : memref<32768xf32, #tpu.memory_space<vmem>>, vector<16xf32>,
          %parallel_loop3A_982 = arith.constant 8 : i32
          %parallel_loop3A_983 = arith.muli %parallel_loop3A_940, %parallel_loop3A_982 : i32
          %parallel_loop3A_984 = arith.constant 5 : i32
          %parallel_loop3A_985 = arith.addi %parallel_loop3A_983, %parallel_loop3A_984 : i32
          %parallel_loop3A_986 = arith.constant 16 : i32
          %parallel_loop3A_987 = arith.muli %parallel_loop3A_985, %parallel_loop3A_986 : i32
          %parallel_loop3A_988 = arith.index_cast %parallel_loop3A_987 : i32 to index
          %parallel_loop3A_989 = tpu.vector_load %arg8[%parallel_loop3A_988] {strides = array<i32>} : memref<32768xf32, #tpu.memory_space<vmem>>, vector<16xf32>,
          %parallel_loop3A_990 = arith.constant 8 : i32
          %parallel_loop3A_991 = arith.muli %parallel_loop3A_940, %parallel_loop3A_990 : i32
          %parallel_loop3A_992 = arith.constant 6 : i32
          %parallel_loop3A_993 = arith.addi %parallel_loop3A_991, %parallel_loop3A_992 : i32
          %parallel_loop3A_994 = arith.constant 16 : i32
          %parallel_loop3A_995 = arith.muli %parallel_loop3A_993, %parallel_loop3A_994 : i32
          %parallel_loop3A_996 = arith.index_cast %parallel_loop3A_995 : i32 to index
          %parallel_loop3A_997 = tpu.vector_load %arg8[%parallel_loop3A_996] {strides = array<i32>} : memref<32768xf32, #tpu.memory_space<vmem>>, vector<16xf32>,
          %parallel_loop3A_998 = arith.constant 8 : i32
          %parallel_loop3A_999 = arith.muli %parallel_loop3A_940, %parallel_loop3A_998 : i32
          %parallel_loop3A_1000 = arith.constant 7 : i32
          %parallel_loop3A_1001 = arith.addi %parallel_loop3A_999, %parallel_loop3A_1000 : i32
          %parallel_loop3A_1002 = arith.constant 16 : i32
          %parallel_loop3A_1003 = arith.muli %parallel_loop3A_1001, %parallel_loop3A_1002 : i32
          %parallel_loop3A_1004 = arith.index_cast %parallel_loop3A_1003 : i32 to index
          %parallel_loop3A_1005 = tpu.vector_load %arg8[%parallel_loop3A_1004] {strides = array<i32>} : memref<32768xf32, #tpu.memory_space<vmem>>, vector<16xf32>,
          %parallel_loop3A_1006 = arith.cmpf ogt, %parallel_loop3A_949, %broadcast_in_dim3A_931 : vector<16xf32>
          %parallel_loop3A_1007 = arith.extui %parallel_loop3A_1006 : vector<16xi1> to vector<16xi32>
          %parallel_loop3A_1008 = arith.cmpf ogt, %parallel_loop3A_957, %broadcast_in_dim3A_931 : vector<16xf32>
          %parallel_loop3A_1009 = arith.extui %parallel_loop3A_1008 : vector<16xi1> to vector<16xi32>
          %parallel_loop3A_1010 = arith.cmpf ogt, %parallel_loop3A_965, %broadcast_in_dim3A_931 : vector<16xf32>
          %parallel_loop3A_1011 = arith.extui %parallel_loop3A_1010 : vector<16xi1> to vector<16xi32>
          %parallel_loop3A_1012 = arith.cmpf ogt, %parallel_loop3A_973, %broadcast_in_dim3A_931 : vector<16xf32>
          %parallel_loop3A_1013 = arith.extui %parallel_loop3A_1012 : vector<16xi1> to vector<16xi32>
          %parallel_loop3A_1014 = arith.cmpf ogt, %parallel_loop3A_981, %broadcast_in_dim3A_931 : vector<16xf32>
          %parallel_loop3A_1015 = arith.extui %parallel_loop3A_1014 : vector<16xi1> to vector<16xi32>
          %parallel_loop3A_1016 = arith.cmpf ogt, %parallel_loop3A_989, %broadcast_in_dim3A_931 : vector<16xf32>
          %parallel_loop3A_1017 = arith.extui %parallel_loop3A_1016 : vector<16xi1> to vector<16xi32>
          %parallel_loop3A_1018 = arith.cmpf ogt, %parallel_loop3A_997, %broadcast_in_dim3A_931 : vector<16xf32>
          %parallel_loop3A_1019 = arith.extui %parallel_loop3A_1018 : vector<16xi1> to vector<16xi32>
          %parallel_loop3A_1020 = arith.cmpf ogt, %parallel_loop3A_1005, %broadcast_in_dim3A_931 : vector<16xf32>
          %parallel_loop3A_1021 = arith.extui %parallel_loop3A_1020 : vector<16xi1> to vector<16xi32>
          %parallel_loop3A_1022 = arith.addi %parallel_loop3A_1007, %parallel_loop3A_1009 : vector<16xi32>
          %parallel_loop3A_1023 = arith.addi %parallel_loop3A_1011, %parallel_loop3A_1013 : vector<16xi32>
          %parallel_loop3A_1024 = arith.addi %parallel_loop3A_1015, %parallel_loop3A_1017 : vector<16xi32>
          %parallel_loop3A_1025 = arith.addi %parallel_loop3A_1019, %parallel_loop3A_1021 : vector<16xi32>
          %parallel_loop3A_1026 = arith.addi %parallel_loop3A_1022, %parallel_loop3A_1023 : vector<16xi32>
          %parallel_loop3A_1027 = arith.addi %parallel_loop3A_1024, %parallel_loop3A_1025 : vector<16xi32>
          %parallel_loop3A_1028 = arith.addi %parallel_loop3A_1026, %parallel_loop3A_1027 : vector<16xi32>
          %parallel_loop3A_1029 = arith.addi %parallel_loop3A_941, %parallel_loop3A_1028 : vector<16xi32>
          scf.yield %parallel_loop3A_1029 : vector<16xi32>
        } {sc.loop_unroll_factor = 1 : i64, sc.parallel_access}
        %reduce_sum3A_936 = arith.constant true
        %reduce_sum3A_937 = vector.broadcast %reduce_sum3A_936 : i1 to vector<16xi1>
        %reduce_sum3A_938 = tpu.scan <sum>, %parallel_loop3A_935 masked %reduce_sum3A_937 : vector<16xi32>, vector<16xi1> -> vector<16xi32>
        %reduce_sum3A_939 = vector.extract %reduce_sum3A_938[15] : i32 from vector<16xi32>
        scf.yield %reduce_sum3A_939 : i32
      }
      %ge3A_925 = arith.constant 64 : i32
      %ge3A_926 = arith.cmpi sge, %cond3A_924, %ge3A_925 : i32
      %select_n3A_927 = arith.select %ge3A_926, %add3A_920, %while3A_915 : f32
      %ge3A_928 = arith.constant 64 : i32
      %ge3A_929 = arith.cmpi sge, %cond3A_924, %ge3A_928 : i32
      %select_n3A_930 = arith.select %ge3A_929, %while3A_916, %add3A_920 : f32
      scf.yield %select_n3A_927, %select_n3A_930 : f32, f32
    }
    %broadcast_in_dim3A_130 = vector.broadcast %while3A_129#1 : f32 to vector<16xf32>
    %convert_element_type3A = arith.extui %and3A_127 : i1 to i32
    %cond3A = arith.constant 0 : i32
    %cond3A_131 = arith.cmpi ne, %convert_element_type3A, %cond3A : i32
    %cond3A_132 = scf.if %cond3A_131 -> (i32) {
      %broadcast_in_dim3A_915 = vector.broadcast %while3A_129#1 : f32 to vector<16xf32>
      %parallel_loop3A_916 = arith.constant 0 : i32
      %parallel_loop3A_917 = arith.constant 1 : i32
      %parallel_loop3A_918 = scf.for %parallel_loop3A_923 = %parallel_loop3A_916 to %min3A_128 step %parallel_loop3A_917 iter_args(%parallel_loop3A_924 = %broadcast_in_dim3A_3) -> (vector<16xi32>)  : i32 {
        %parallel_loop3A_925 = arith.constant 4 : i32
        %parallel_loop3A_926 = arith.muli %parallel_loop3A_923, %parallel_loop3A_925 : i32
        %parallel_loop3A_927 = arith.constant 0 : i32
        %parallel_loop3A_928 = arith.addi %parallel_loop3A_926, %parallel_loop3A_927 : i32
        %parallel_loop3A_929 = arith.constant 16 : i32
        %parallel_loop3A_930 = arith.muli %parallel_loop3A_928, %parallel_loop3A_929 : i32
        %parallel_loop3A_931 = arith.index_cast %parallel_loop3A_930 : i32 to index
        %parallel_loop3A_932 = tpu.vector_load %arg9[%parallel_loop3A_931] {strides = array<i32>} : memref<4096xf32, #tpu.memory_space<vmem>>, vector<16xf32>,
        %parallel_loop3A_933 = arith.cmpf ogt, %parallel_loop3A_932, %broadcast_in_dim3A_915 : vector<16xf32>
        %parallel_loop3A_934 = vector.broadcast %parallel_loop3A_923 : i32 to vector<16xi32>
        %parallel_loop3A_935 = arith.cmpi sgt, %parallel_loop3A_113#0, %parallel_loop3A_934 : vector<16xi32>
        %parallel_loop3A_936 = arith.andi %parallel_loop3A_933, %parallel_loop3A_935 : vector<16xi1>
        %parallel_loop3A_937 = arith.extui %parallel_loop3A_936 : vector<16xi1> to vector<16xi32>
        %parallel_loop3A_938 = arith.addi %parallel_loop3A_924, %parallel_loop3A_937 : vector<16xi32>
        %parallel_loop3A_939 = arith.constant 4 : i32
        %parallel_loop3A_940 = arith.muli %parallel_loop3A_923, %parallel_loop3A_939 : i32
        %parallel_loop3A_941 = arith.constant 1 : i32
        %parallel_loop3A_942 = arith.addi %parallel_loop3A_940, %parallel_loop3A_941 : i32
        %parallel_loop3A_943 = arith.constant 16 : i32
        %parallel_loop3A_944 = arith.muli %parallel_loop3A_942, %parallel_loop3A_943 : i32
        %parallel_loop3A_945 = arith.index_cast %parallel_loop3A_944 : i32 to index
        %parallel_loop3A_946 = tpu.vector_load %arg9[%parallel_loop3A_945] {strides = array<i32>} : memref<4096xf32, #tpu.memory_space<vmem>>, vector<16xf32>,
        %parallel_loop3A_947 = arith.cmpf ogt, %parallel_loop3A_946, %broadcast_in_dim3A_915 : vector<16xf32>
        %parallel_loop3A_948 = vector.broadcast %parallel_loop3A_923 : i32 to vector<16xi32>
        %parallel_loop3A_949 = arith.cmpi sgt, %parallel_loop3A_113#1, %parallel_loop3A_948 : vector<16xi32>
        %parallel_loop3A_950 = arith.andi %parallel_loop3A_947, %parallel_loop3A_949 : vector<16xi1>
        %parallel_loop3A_951 = arith.extui %parallel_loop3A_950 : vector<16xi1> to vector<16xi32>
        %parallel_loop3A_952 = arith.addi %parallel_loop3A_938, %parallel_loop3A_951 : vector<16xi32>
        %parallel_loop3A_953 = arith.constant 4 : i32
        %parallel_loop3A_954 = arith.muli %parallel_loop3A_923, %parallel_loop3A_953 : i32
        %parallel_loop3A_955 = arith.constant 2 : i32
        %parallel_loop3A_956 = arith.addi %parallel_loop3A_954, %parallel_loop3A_955 : i32
        %parallel_loop3A_957 = arith.constant 16 : i32
        %parallel_loop3A_958 = arith.muli %parallel_loop3A_956, %parallel_loop3A_957 : i32
        %parallel_loop3A_959 = arith.index_cast %parallel_loop3A_958 : i32 to index
        %parallel_loop3A_960 = tpu.vector_load %arg9[%parallel_loop3A_959] {strides = array<i32>} : memref<4096xf32, #tpu.memory_space<vmem>>, vector<16xf32>,
        %parallel_loop3A_961 = arith.cmpf ogt, %parallel_loop3A_960, %broadcast_in_dim3A_915 : vector<16xf32>
        %parallel_loop3A_962 = vector.broadcast %parallel_loop3A_923 : i32 to vector<16xi32>
        %parallel_loop3A_963 = arith.cmpi sgt, %parallel_loop3A_113#2, %parallel_loop3A_962 : vector<16xi32>
        %parallel_loop3A_964 = arith.andi %parallel_loop3A_961, %parallel_loop3A_963 : vector<16xi1>
        %parallel_loop3A_965 = arith.extui %parallel_loop3A_964 : vector<16xi1> to vector<16xi32>
        %parallel_loop3A_966 = arith.addi %parallel_loop3A_952, %parallel_loop3A_965 : vector<16xi32>
        %parallel_loop3A_967 = arith.constant 4 : i32
        %parallel_loop3A_968 = arith.muli %parallel_loop3A_923, %parallel_loop3A_967 : i32
        %parallel_loop3A_969 = arith.constant 3 : i32
        %parallel_loop3A_970 = arith.addi %parallel_loop3A_968, %parallel_loop3A_969 : i32
        %parallel_loop3A_971 = arith.constant 16 : i32
        %parallel_loop3A_972 = arith.muli %parallel_loop3A_970, %parallel_loop3A_971 : i32
        %parallel_loop3A_973 = arith.index_cast %parallel_loop3A_972 : i32 to index
        %parallel_loop3A_974 = tpu.vector_load %arg9[%parallel_loop3A_973] {strides = array<i32>} : memref<4096xf32, #tpu.memory_space<vmem>>, vector<16xf32>,
        %parallel_loop3A_975 = arith.cmpf ogt, %parallel_loop3A_974, %broadcast_in_dim3A_915 : vector<16xf32>
        %parallel_loop3A_976 = vector.broadcast %parallel_loop3A_923 : i32 to vector<16xi32>
        %parallel_loop3A_977 = arith.cmpi sgt, %parallel_loop3A_113#3, %parallel_loop3A_976 : vector<16xi32>
        %parallel_loop3A_978 = arith.andi %parallel_loop3A_975, %parallel_loop3A_977 : vector<16xi1>
        %parallel_loop3A_979 = arith.extui %parallel_loop3A_978 : vector<16xi1> to vector<16xi32>
        %parallel_loop3A_980 = arith.addi %parallel_loop3A_966, %parallel_loop3A_979 : vector<16xi32>
        scf.yield %parallel_loop3A_980 : vector<16xi32>
      } {sc.loop_unroll_factor = 1 : i64, sc.parallel_access}
      %reduce_sum3A_919 = arith.constant true
      %reduce_sum3A_920 = vector.broadcast %reduce_sum3A_919 : i1 to vector<16xi1>
      %reduce_sum3A_921 = tpu.scan <sum>, %parallel_loop3A_918 masked %reduce_sum3A_920 : vector<16xi32>, vector<16xi1> -> vector<16xi32>
      %reduce_sum3A_922 = vector.extract %reduce_sum3A_921[15] : i32 from vector<16xi32>
      scf.yield %reduce_sum3A_922 : i32
    } else {
      %broadcast_in_dim3A_915 = vector.broadcast %while3A_129#1 : f32 to vector<16xf32>
      %parallel_loop3A_916 = arith.constant 0 : i32
      %parallel_loop3A_917 = arith.constant 256 : i32
      %parallel_loop3A_918 = arith.constant 1 : i32
      %parallel_loop3A_919 = scf.for %parallel_loop3A_924 = %parallel_loop3A_916 to %parallel_loop3A_917 step %parallel_loop3A_918 iter_args(%parallel_loop3A_925 = %broadcast_in_dim3A_3) -> (vector<16xi32>)  : i32 {
        %parallel_loop3A_926 = arith.constant 8 : i32
        %parallel_loop3A_927 = arith.muli %parallel_loop3A_924, %parallel_loop3A_926 : i32
        %parallel_loop3A_928 = arith.constant 0 : i32
        %parallel_loop3A_929 = arith.addi %parallel_loop3A_927, %parallel_loop3A_928 : i32
        %parallel_loop3A_930 = arith.constant 16 : i32
        %parallel_loop3A_931 = arith.muli %parallel_loop3A_929, %parallel_loop3A_930 : i32
        %parallel_loop3A_932 = arith.index_cast %parallel_loop3A_931 : i32 to index
        %parallel_loop3A_933 = tpu.vector_load %arg8[%parallel_loop3A_932] {strides = array<i32>} : memref<32768xf32, #tpu.memory_space<vmem>>, vector<16xf32>,
        %parallel_loop3A_934 = arith.constant 8 : i32
        %parallel_loop3A_935 = arith.muli %parallel_loop3A_924, %parallel_loop3A_934 : i32
        %parallel_loop3A_936 = arith.constant 1 : i32
        %parallel_loop3A_937 = arith.addi %parallel_loop3A_935, %parallel_loop3A_936 : i32
        %parallel_loop3A_938 = arith.constant 16 : i32
        %parallel_loop3A_939 = arith.muli %parallel_loop3A_937, %parallel_loop3A_938 : i32
        %parallel_loop3A_940 = arith.index_cast %parallel_loop3A_939 : i32 to index
        %parallel_loop3A_941 = tpu.vector_load %arg8[%parallel_loop3A_940] {strides = array<i32>} : memref<32768xf32, #tpu.memory_space<vmem>>, vector<16xf32>,
        %parallel_loop3A_942 = arith.constant 8 : i32
        %parallel_loop3A_943 = arith.muli %parallel_loop3A_924, %parallel_loop3A_942 : i32
        %parallel_loop3A_944 = arith.constant 2 : i32
        %parallel_loop3A_945 = arith.addi %parallel_loop3A_943, %parallel_loop3A_944 : i32
        %parallel_loop3A_946 = arith.constant 16 : i32
        %parallel_loop3A_947 = arith.muli %parallel_loop3A_945, %parallel_loop3A_946 : i32
        %parallel_loop3A_948 = arith.index_cast %parallel_loop3A_947 : i32 to index
        %parallel_loop3A_949 = tpu.vector_load %arg8[%parallel_loop3A_948] {strides = array<i32>} : memref<32768xf32, #tpu.memory_space<vmem>>, vector<16xf32>,
        %parallel_loop3A_950 = arith.constant 8 : i32
        %parallel_loop3A_951 = arith.muli %parallel_loop3A_924, %parallel_loop3A_950 : i32
        %parallel_loop3A_952 = arith.constant 3 : i32
        %parallel_loop3A_953 = arith.addi %parallel_loop3A_951, %parallel_loop3A_952 : i32
        %parallel_loop3A_954 = arith.constant 16 : i32
        %parallel_loop3A_955 = arith.muli %parallel_loop3A_953, %parallel_loop3A_954 : i32
        %parallel_loop3A_956 = arith.index_cast %parallel_loop3A_955 : i32 to index
        %parallel_loop3A_957 = tpu.vector_load %arg8[%parallel_loop3A_956] {strides = array<i32>} : memref<32768xf32, #tpu.memory_space<vmem>>, vector<16xf32>,
        %parallel_loop3A_958 = arith.constant 8 : i32
        %parallel_loop3A_959 = arith.muli %parallel_loop3A_924, %parallel_loop3A_958 : i32
        %parallel_loop3A_960 = arith.constant 4 : i32
        %parallel_loop3A_961 = arith.addi %parallel_loop3A_959, %parallel_loop3A_960 : i32
        %parallel_loop3A_962 = arith.constant 16 : i32
        %parallel_loop3A_963 = arith.muli %parallel_loop3A_961, %parallel_loop3A_962 : i32
        %parallel_loop3A_964 = arith.index_cast %parallel_loop3A_963 : i32 to index
        %parallel_loop3A_965 = tpu.vector_load %arg8[%parallel_loop3A_964] {strides = array<i32>} : memref<32768xf32, #tpu.memory_space<vmem>>, vector<16xf32>,
        %parallel_loop3A_966 = arith.constant 8 : i32
        %parallel_loop3A_967 = arith.muli %parallel_loop3A_924, %parallel_loop3A_966 : i32
        %parallel_loop3A_968 = arith.constant 5 : i32
        %parallel_loop3A_969 = arith.addi %parallel_loop3A_967, %parallel_loop3A_968 : i32
        %parallel_loop3A_970 = arith.constant 16 : i32
        %parallel_loop3A_971 = arith.muli %parallel_loop3A_969, %parallel_loop3A_970 : i32
        %parallel_loop3A_972 = arith.index_cast %parallel_loop3A_971 : i32 to index
        %parallel_loop3A_973 = tpu.vector_load %arg8[%parallel_loop3A_972] {strides = array<i32>} : memref<32768xf32, #tpu.memory_space<vmem>>, vector<16xf32>,
        %parallel_loop3A_974 = arith.constant 8 : i32
        %parallel_loop3A_975 = arith.muli %parallel_loop3A_924, %parallel_loop3A_974 : i32
        %parallel_loop3A_976 = arith.constant 6 : i32
        %parallel_loop3A_977 = arith.addi %parallel_loop3A_975, %parallel_loop3A_976 : i32
        %parallel_loop3A_978 = arith.constant 16 : i32
        %parallel_loop3A_979 = arith.muli %parallel_loop3A_977, %parallel_loop3A_978 : i32
        %parallel_loop3A_980 = arith.index_cast %parallel_loop3A_979 : i32 to index
        %parallel_loop3A_981 = tpu.vector_load %arg8[%parallel_loop3A_980] {strides = array<i32>} : memref<32768xf32, #tpu.memory_space<vmem>>, vector<16xf32>,
        %parallel_loop3A_982 = arith.constant 8 : i32
        %parallel_loop3A_983 = arith.muli %parallel_loop3A_924, %parallel_loop3A_982 : i32
        %parallel_loop3A_984 = arith.constant 7 : i32
        %parallel_loop3A_985 = arith.addi %parallel_loop3A_983, %parallel_loop3A_984 : i32
        %parallel_loop3A_986 = arith.constant 16 : i32
        %parallel_loop3A_987 = arith.muli %parallel_loop3A_985, %parallel_loop3A_986 : i32
        %parallel_loop3A_988 = arith.index_cast %parallel_loop3A_987 : i32 to index
        %parallel_loop3A_989 = tpu.vector_load %arg8[%parallel_loop3A_988] {strides = array<i32>} : memref<32768xf32, #tpu.memory_space<vmem>>, vector<16xf32>,
        %parallel_loop3A_990 = arith.cmpf ogt, %parallel_loop3A_933, %broadcast_in_dim3A_915 : vector<16xf32>
        %parallel_loop3A_991 = arith.extui %parallel_loop3A_990 : vector<16xi1> to vector<16xi32>
        %parallel_loop3A_992 = arith.cmpf ogt, %parallel_loop3A_941, %broadcast_in_dim3A_915 : vector<16xf32>
        %parallel_loop3A_993 = arith.extui %parallel_loop3A_992 : vector<16xi1> to vector<16xi32>
        %parallel_loop3A_994 = arith.cmpf ogt, %parallel_loop3A_949, %broadcast_in_dim3A_915 : vector<16xf32>
        %parallel_loop3A_995 = arith.extui %parallel_loop3A_994 : vector<16xi1> to vector<16xi32>
        %parallel_loop3A_996 = arith.cmpf ogt, %parallel_loop3A_957, %broadcast_in_dim3A_915 : vector<16xf32>
        %parallel_loop3A_997 = arith.extui %parallel_loop3A_996 : vector<16xi1> to vector<16xi32>
        %parallel_loop3A_998 = arith.cmpf ogt, %parallel_loop3A_965, %broadcast_in_dim3A_915 : vector<16xf32>
        %parallel_loop3A_999 = arith.extui %parallel_loop3A_998 : vector<16xi1> to vector<16xi32>
        %parallel_loop3A_1000 = arith.cmpf ogt, %parallel_loop3A_973, %broadcast_in_dim3A_915 : vector<16xf32>
        %parallel_loop3A_1001 = arith.extui %parallel_loop3A_1000 : vector<16xi1> to vector<16xi32>
        %parallel_loop3A_1002 = arith.cmpf ogt, %parallel_loop3A_981, %broadcast_in_dim3A_915 : vector<16xf32>
        %parallel_loop3A_1003 = arith.extui %parallel_loop3A_1002 : vector<16xi1> to vector<16xi32>
        %parallel_loop3A_1004 = arith.cmpf ogt, %parallel_loop3A_989, %broadcast_in_dim3A_915 : vector<16xf32>
        %parallel_loop3A_1005 = arith.extui %parallel_loop3A_1004 : vector<16xi1> to vector<16xi32>
        %parallel_loop3A_1006 = arith.addi %parallel_loop3A_991, %parallel_loop3A_993 : vector<16xi32>
        %parallel_loop3A_1007 = arith.addi %parallel_loop3A_995, %parallel_loop3A_997 : vector<16xi32>
        %parallel_loop3A_1008 = arith.addi %parallel_loop3A_999, %parallel_loop3A_1001 : vector<16xi32>
        %parallel_loop3A_1009 = arith.addi %parallel_loop3A_1003, %parallel_loop3A_1005 : vector<16xi32>
        %parallel_loop3A_1010 = arith.addi %parallel_loop3A_1006, %parallel_loop3A_1007 : vector<16xi32>
        %parallel_loop3A_1011 = arith.addi %parallel_loop3A_1008, %parallel_loop3A_1009 : vector<16xi32>
        %parallel_loop3A_1012 = arith.addi %parallel_loop3A_1010, %parallel_loop3A_1011 : vector<16xi32>
        %parallel_loop3A_1013 = arith.addi %parallel_loop3A_925, %parallel_loop3A_1012 : vector<16xi32>
        scf.yield %parallel_loop3A_1013 : vector<16xi32>
      } {sc.loop_unroll_factor = 1 : i64, sc.parallel_access}
      %reduce_sum3A_920 = arith.constant true
      %reduce_sum3A_921 = vector.broadcast %reduce_sum3A_920 : i1 to vector<16xi1>
      %reduce_sum3A_922 = tpu.scan <sum>, %parallel_loop3A_919 masked %reduce_sum3A_921 : vector<16xi32>, vector<16xi1> -> vector<16xi32>
      %reduce_sum3A_923 = vector.extract %reduce_sum3A_922[15] : i32 from vector<16xi32>
      scf.yield %reduce_sum3A_923 : i32
    }
    %sub3A = arith.constant 64 : i32
    %sub3A_133 = arith.subi %sub3A, %cond3A_132 : i32
    %parallel_loop3A_134 = arith.constant 0 : i32
    %parallel_loop3A_135 = arith.constant 256 : i32
    %parallel_loop3A_136 = arith.constant 1 : i32
    %parallel_loop3A_137:4 = scf.for %parallel_loop3A_915 = %parallel_loop3A_134 to %parallel_loop3A_135 step %parallel_loop3A_136 iter_args(%parallel_loop3A_916 = %broadcast_in_dim3A_3, %parallel_loop3A_917 = %broadcast_in_dim3A_3, %parallel_loop3A_918 = %broadcast_in_dim3A_3, %parallel_loop3A_919 = %broadcast_in_dim3A_3) -> (vector<16xi32>, vector<16xi32>, vector<16xi32>, vector<16xi32>)  : i32 {
      %parallel_loop3A_920 = arith.constant 8 : i32
      %parallel_loop3A_921 = arith.muli %parallel_loop3A_915, %parallel_loop3A_920 : i32
      %parallel_loop3A_922 = arith.constant 0 : i32
      %parallel_loop3A_923 = arith.addi %parallel_loop3A_921, %parallel_loop3A_922 : i32
      %parallel_loop3A_924 = arith.constant 16 : i32
      %parallel_loop3A_925 = arith.muli %parallel_loop3A_923, %parallel_loop3A_924 : i32
      %parallel_loop3A_926 = arith.index_cast %parallel_loop3A_925 : i32 to index
      %parallel_loop3A_927 = tpu.vector_load %arg8[%parallel_loop3A_926] {strides = array<i32>} : memref<32768xf32, #tpu.memory_space<vmem>>, vector<16xf32>,
      %parallel_loop3A_928 = arith.constant 8 : i32
      %parallel_loop3A_929 = arith.muli %parallel_loop3A_915, %parallel_loop3A_928 : i32
      %parallel_loop3A_930 = arith.constant 1 : i32
      %parallel_loop3A_931 = arith.addi %parallel_loop3A_929, %parallel_loop3A_930 : i32
      %parallel_loop3A_932 = arith.constant 16 : i32
      %parallel_loop3A_933 = arith.muli %parallel_loop3A_931, %parallel_loop3A_932 : i32
      %parallel_loop3A_934 = arith.index_cast %parallel_loop3A_933 : i32 to index
      %parallel_loop3A_935 = tpu.vector_load %arg8[%parallel_loop3A_934] {strides = array<i32>} : memref<32768xf32, #tpu.memory_space<vmem>>, vector<16xf32>,
      %parallel_loop3A_936 = arith.constant 8 : i32
      %parallel_loop3A_937 = arith.muli %parallel_loop3A_915, %parallel_loop3A_936 : i32
      %parallel_loop3A_938 = arith.constant 2 : i32
      %parallel_loop3A_939 = arith.addi %parallel_loop3A_937, %parallel_loop3A_938 : i32
      %parallel_loop3A_940 = arith.constant 16 : i32
      %parallel_loop3A_941 = arith.muli %parallel_loop3A_939, %parallel_loop3A_940 : i32
      %parallel_loop3A_942 = arith.index_cast %parallel_loop3A_941 : i32 to index
      %parallel_loop3A_943 = tpu.vector_load %arg8[%parallel_loop3A_942] {strides = array<i32>} : memref<32768xf32, #tpu.memory_space<vmem>>, vector<16xf32>,
      %parallel_loop3A_944 = arith.constant 8 : i32
      %parallel_loop3A_945 = arith.muli %parallel_loop3A_915, %parallel_loop3A_944 : i32
      %parallel_loop3A_946 = arith.constant 3 : i32
      %parallel_loop3A_947 = arith.addi %parallel_loop3A_945, %parallel_loop3A_946 : i32
      %parallel_loop3A_948 = arith.constant 16 : i32
      %parallel_loop3A_949 = arith.muli %parallel_loop3A_947, %parallel_loop3A_948 : i32
      %parallel_loop3A_950 = arith.index_cast %parallel_loop3A_949 : i32 to index
      %parallel_loop3A_951 = tpu.vector_load %arg8[%parallel_loop3A_950] {strides = array<i32>} : memref<32768xf32, #tpu.memory_space<vmem>>, vector<16xf32>,
      %parallel_loop3A_952 = arith.constant 8 : i32
      %parallel_loop3A_953 = arith.muli %parallel_loop3A_915, %parallel_loop3A_952 : i32
      %parallel_loop3A_954 = arith.constant 4 : i32
      %parallel_loop3A_955 = arith.addi %parallel_loop3A_953, %parallel_loop3A_954 : i32
      %parallel_loop3A_956 = arith.constant 16 : i32
      %parallel_loop3A_957 = arith.muli %parallel_loop3A_955, %parallel_loop3A_956 : i32
      %parallel_loop3A_958 = arith.index_cast %parallel_loop3A_957 : i32 to index
      %parallel_loop3A_959 = tpu.vector_load %arg8[%parallel_loop3A_958] {strides = array<i32>} : memref<32768xf32, #tpu.memory_space<vmem>>, vector<16xf32>,
      %parallel_loop3A_960 = arith.constant 8 : i32
      %parallel_loop3A_961 = arith.muli %parallel_loop3A_915, %parallel_loop3A_960 : i32
      %parallel_loop3A_962 = arith.constant 5 : i32
      %parallel_loop3A_963 = arith.addi %parallel_loop3A_961, %parallel_loop3A_962 : i32
      %parallel_loop3A_964 = arith.constant 16 : i32
      %parallel_loop3A_965 = arith.muli %parallel_loop3A_963, %parallel_loop3A_964 : i32
      %parallel_loop3A_966 = arith.index_cast %parallel_loop3A_965 : i32 to index
      %parallel_loop3A_967 = tpu.vector_load %arg8[%parallel_loop3A_966] {strides = array<i32>} : memref<32768xf32, #tpu.memory_space<vmem>>, vector<16xf32>,
      %parallel_loop3A_968 = arith.constant 8 : i32
      %parallel_loop3A_969 = arith.muli %parallel_loop3A_915, %parallel_loop3A_968 : i32
      %parallel_loop3A_970 = arith.constant 6 : i32
      %parallel_loop3A_971 = arith.addi %parallel_loop3A_969, %parallel_loop3A_970 : i32
      %parallel_loop3A_972 = arith.constant 16 : i32
      %parallel_loop3A_973 = arith.muli %parallel_loop3A_971, %parallel_loop3A_972 : i32
      %parallel_loop3A_974 = arith.index_cast %parallel_loop3A_973 : i32 to index
      %parallel_loop3A_975 = tpu.vector_load %arg8[%parallel_loop3A_974] {strides = array<i32>} : memref<32768xf32, #tpu.memory_space<vmem>>, vector<16xf32>,
      %parallel_loop3A_976 = arith.constant 8 : i32
      %parallel_loop3A_977 = arith.muli %parallel_loop3A_915, %parallel_loop3A_976 : i32
      %parallel_loop3A_978 = arith.constant 7 : i32
      %parallel_loop3A_979 = arith.addi %parallel_loop3A_977, %parallel_loop3A_978 : i32
      %parallel_loop3A_980 = arith.constant 16 : i32
      %parallel_loop3A_981 = arith.muli %parallel_loop3A_979, %parallel_loop3A_980 : i32
      %parallel_loop3A_982 = arith.index_cast %parallel_loop3A_981 : i32 to index
      %parallel_loop3A_983 = tpu.vector_load %arg8[%parallel_loop3A_982] {strides = array<i32>} : memref<32768xf32, #tpu.memory_space<vmem>>, vector<16xf32>,
      %parallel_loop3A_984 = arith.cmpf ogt, %parallel_loop3A_927, %broadcast_in_dim3A_130 : vector<16xf32>
      %parallel_loop3A_985 = arith.cmpf oeq, %parallel_loop3A_927, %broadcast_in_dim3A_130 : vector<16xf32>
      %parallel_loop3A_986 = arith.constant 128 : i32
      %parallel_loop3A_987 = vector.broadcast %parallel_loop3A_986 : i32 to vector<16xi32>
      %parallel_loop3A_988 = arith.cmpi slt, %parallel_loop3A_916, %parallel_loop3A_987 : vector<16xi32>
      %parallel_loop3A_989 = arith.andi %parallel_loop3A_985, %parallel_loop3A_988 : vector<16xi1>
      %parallel_loop3A_990 = arith.ori %parallel_loop3A_984, %parallel_loop3A_989 : vector<16xi1>
      %parallel_loop3A_991 = arith.constant 64 : i32
      %parallel_loop3A_992 = vector.broadcast %parallel_loop3A_991 : i32 to vector<16xi32>
      %parallel_loop3A_993 = arith.muli %parallel_loop3A_916, %parallel_loop3A_992 : vector<16xi32>
      %parallel_loop3A_994 = arith.addi %parallel_loop3A_993, %add3A_100 : vector<16xi32>
      %parallel_loop3A_995 = arith.cmpf ogt, %parallel_loop3A_935, %broadcast_in_dim3A_130 : vector<16xf32>
      %parallel_loop3A_996 = arith.cmpf oeq, %parallel_loop3A_935, %broadcast_in_dim3A_130 : vector<16xf32>
      %parallel_loop3A_997 = arith.constant 128 : i32
      %parallel_loop3A_998 = vector.broadcast %parallel_loop3A_997 : i32 to vector<16xi32>
      %parallel_loop3A_999 = arith.cmpi slt, %parallel_loop3A_917, %parallel_loop3A_998 : vector<16xi32>
      %parallel_loop3A_1000 = arith.andi %parallel_loop3A_996, %parallel_loop3A_999 : vector<16xi1>
      %parallel_loop3A_1001 = arith.ori %parallel_loop3A_995, %parallel_loop3A_1000 : vector<16xi1>
      %parallel_loop3A_1002 = arith.constant 64 : i32
      %parallel_loop3A_1003 = vector.broadcast %parallel_loop3A_1002 : i32 to vector<16xi32>
      %parallel_loop3A_1004 = arith.muli %parallel_loop3A_917, %parallel_loop3A_1003 : vector<16xi32>
      %parallel_loop3A_1005 = arith.addi %parallel_loop3A_1004, %add3A_103 : vector<16xi32>
      %parallel_loop3A_1006 = arith.cmpf ogt, %parallel_loop3A_943, %broadcast_in_dim3A_130 : vector<16xf32>
      %parallel_loop3A_1007 = arith.cmpf oeq, %parallel_loop3A_943, %broadcast_in_dim3A_130 : vector<16xf32>
      %parallel_loop3A_1008 = arith.constant 128 : i32
      %parallel_loop3A_1009 = vector.broadcast %parallel_loop3A_1008 : i32 to vector<16xi32>
      %parallel_loop3A_1010 = arith.cmpi slt, %parallel_loop3A_918, %parallel_loop3A_1009 : vector<16xi32>
      %parallel_loop3A_1011 = arith.andi %parallel_loop3A_1007, %parallel_loop3A_1010 : vector<16xi1>
      %parallel_loop3A_1012 = arith.ori %parallel_loop3A_1006, %parallel_loop3A_1011 : vector<16xi1>
      %parallel_loop3A_1013 = arith.constant 64 : i32
      %parallel_loop3A_1014 = vector.broadcast %parallel_loop3A_1013 : i32 to vector<16xi32>
      %parallel_loop3A_1015 = arith.muli %parallel_loop3A_918, %parallel_loop3A_1014 : vector<16xi32>
      %parallel_loop3A_1016 = arith.addi %parallel_loop3A_1015, %add3A_106 : vector<16xi32>
      %parallel_loop3A_1017 = arith.cmpf ogt, %parallel_loop3A_951, %broadcast_in_dim3A_130 : vector<16xf32>
      %parallel_loop3A_1018 = arith.cmpf oeq, %parallel_loop3A_951, %broadcast_in_dim3A_130 : vector<16xf32>
      %parallel_loop3A_1019 = arith.constant 128 : i32
      %parallel_loop3A_1020 = vector.broadcast %parallel_loop3A_1019 : i32 to vector<16xi32>
      %parallel_loop3A_1021 = arith.cmpi slt, %parallel_loop3A_919, %parallel_loop3A_1020 : vector<16xi32>
      %parallel_loop3A_1022 = arith.andi %parallel_loop3A_1018, %parallel_loop3A_1021 : vector<16xi1>
      %parallel_loop3A_1023 = arith.ori %parallel_loop3A_1017, %parallel_loop3A_1022 : vector<16xi1>
      %parallel_loop3A_1024 = arith.constant 64 : i32
      %parallel_loop3A_1025 = vector.broadcast %parallel_loop3A_1024 : i32 to vector<16xi32>
      %parallel_loop3A_1026 = arith.muli %parallel_loop3A_919, %parallel_loop3A_1025 : vector<16xi32>
      %parallel_loop3A_1027 = arith.addi %parallel_loop3A_1026, %add3A_109 : vector<16xi32>
      %parallel_loop3A_1028 = arith.constant 8 : i32
      %parallel_loop3A_1029 = arith.muli %parallel_loop3A_915, %parallel_loop3A_1028 : i32
      %parallel_loop3A_1030 = arith.constant 0 : i32
      %parallel_loop3A_1031 = arith.addi %parallel_loop3A_1029, %parallel_loop3A_1030 : i32
      %parallel_loop3A_1032 = arith.constant 0 : i32
      %parallel_loop3A_1033 = arith.addi %parallel_loop3A_1031, %parallel_loop3A_1032 : i32
      %parallel_loop3A_1034 = arith.constant 16 : i32
      %parallel_loop3A_1035 = arith.muli %parallel_loop3A_1033, %parallel_loop3A_1034 : i32
      %parallel_loop3A_1036 = vector.broadcast %parallel_loop3A_1035 : i32 to vector<16xi32>
      %parallel_loop3A_1037 = arith.addi %iota3A, %parallel_loop3A_1036 : vector<16xi32>
      tpu.vector_store_idx %arg10[%parallel_loop3A_994], %parallel_loop3A_1037 masked %parallel_loop3A_990 : memref<12288xi32, #tpu.memory_space<vmem>>[vector<16xi32>], vector<16xi32>, vector<16xi1>
      %parallel_loop3A_1038 = arith.constant 8 : i32
      %parallel_loop3A_1039 = arith.muli %parallel_loop3A_915, %parallel_loop3A_1038 : i32
      %parallel_loop3A_1040 = arith.constant 0 : i32
      %parallel_loop3A_1041 = arith.addi %parallel_loop3A_1039, %parallel_loop3A_1040 : i32
      %parallel_loop3A_1042 = arith.constant 1 : i32
      %parallel_loop3A_1043 = arith.addi %parallel_loop3A_1041, %parallel_loop3A_1042 : i32
      %parallel_loop3A_1044 = arith.constant 16 : i32
      %parallel_loop3A_1045 = arith.muli %parallel_loop3A_1043, %parallel_loop3A_1044 : i32
      %parallel_loop3A_1046 = vector.broadcast %parallel_loop3A_1045 : i32 to vector<16xi32>
      %parallel_loop3A_1047 = arith.addi %iota3A, %parallel_loop3A_1046 : vector<16xi32>
      tpu.vector_store_idx %arg10[%parallel_loop3A_1005], %parallel_loop3A_1047 masked %parallel_loop3A_1001 : memref<12288xi32, #tpu.memory_space<vmem>>[vector<16xi32>], vector<16xi32>, vector<16xi1>
      %parallel_loop3A_1048 = arith.constant 8 : i32
      %parallel_loop3A_1049 = arith.muli %parallel_loop3A_915, %parallel_loop3A_1048 : i32
      %parallel_loop3A_1050 = arith.constant 0 : i32
      %parallel_loop3A_1051 = arith.addi %parallel_loop3A_1049, %parallel_loop3A_1050 : i32
      %parallel_loop3A_1052 = arith.constant 2 : i32
      %parallel_loop3A_1053 = arith.addi %parallel_loop3A_1051, %parallel_loop3A_1052 : i32
      %parallel_loop3A_1054 = arith.constant 16 : i32
      %parallel_loop3A_1055 = arith.muli %parallel_loop3A_1053, %parallel_loop3A_1054 : i32
      %parallel_loop3A_1056 = vector.broadcast %parallel_loop3A_1055 : i32 to vector<16xi32>
      %parallel_loop3A_1057 = arith.addi %iota3A, %parallel_loop3A_1056 : vector<16xi32>
      tpu.vector_store_idx %arg10[%parallel_loop3A_1016], %parallel_loop3A_1057 masked %parallel_loop3A_1012 : memref<12288xi32, #tpu.memory_space<vmem>>[vector<16xi32>], vector<16xi32>, vector<16xi1>
      %parallel_loop3A_1058 = arith.constant 8 : i32
      %parallel_loop3A_1059 = arith.muli %parallel_loop3A_915, %parallel_loop3A_1058 : i32
      %parallel_loop3A_1060 = arith.constant 0 : i32
      %parallel_loop3A_1061 = arith.addi %parallel_loop3A_1059, %parallel_loop3A_1060 : i32
      %parallel_loop3A_1062 = arith.constant 3 : i32
      %parallel_loop3A_1063 = arith.addi %parallel_loop3A_1061, %parallel_loop3A_1062 : i32
      %parallel_loop3A_1064 = arith.constant 16 : i32
      %parallel_loop3A_1065 = arith.muli %parallel_loop3A_1063, %parallel_loop3A_1064 : i32
      %parallel_loop3A_1066 = vector.broadcast %parallel_loop3A_1065 : i32 to vector<16xi32>
      %parallel_loop3A_1067 = arith.addi %iota3A, %parallel_loop3A_1066 : vector<16xi32>
      tpu.vector_store_idx %arg10[%parallel_loop3A_1027], %parallel_loop3A_1067 masked %parallel_loop3A_1023 : memref<12288xi32, #tpu.memory_space<vmem>>[vector<16xi32>], vector<16xi32>, vector<16xi1>
      %parallel_loop3A_1068 = arith.extui %parallel_loop3A_990 : vector<16xi1> to vector<16xi32>
      %parallel_loop3A_1069 = arith.addi %parallel_loop3A_916, %parallel_loop3A_1068 : vector<16xi32>
      %parallel_loop3A_1070 = arith.extui %parallel_loop3A_1001 : vector<16xi1> to vector<16xi32>
      %parallel_loop3A_1071 = arith.addi %parallel_loop3A_917, %parallel_loop3A_1070 : vector<16xi32>
      %parallel_loop3A_1072 = arith.extui %parallel_loop3A_1012 : vector<16xi1> to vector<16xi32>
      %parallel_loop3A_1073 = arith.addi %parallel_loop3A_918, %parallel_loop3A_1072 : vector<16xi32>
      %parallel_loop3A_1074 = arith.extui %parallel_loop3A_1023 : vector<16xi1> to vector<16xi32>
      %parallel_loop3A_1075 = arith.addi %parallel_loop3A_919, %parallel_loop3A_1074 : vector<16xi32>
      %parallel_loop3A_1076 = arith.cmpf ogt, %parallel_loop3A_959, %broadcast_in_dim3A_130 : vector<16xf32>
      %parallel_loop3A_1077 = arith.cmpf oeq, %parallel_loop3A_959, %broadcast_in_dim3A_130 : vector<16xf32>
      %parallel_loop3A_1078 = arith.constant 128 : i32
      %parallel_loop3A_1079 = vector.broadcast %parallel_loop3A_1078 : i32 to vector<16xi32>
      %parallel_loop3A_1080 = arith.cmpi slt, %parallel_loop3A_1069, %parallel_loop3A_1079 : vector<16xi32>
      %parallel_loop3A_1081 = arith.andi %parallel_loop3A_1077, %parallel_loop3A_1080 : vector<16xi1>
      %parallel_loop3A_1082 = arith.ori %parallel_loop3A_1076, %parallel_loop3A_1081 : vector<16xi1>
      %parallel_loop3A_1083 = arith.constant 64 : i32
      %parallel_loop3A_1084 = vector.broadcast %parallel_loop3A_1083 : i32 to vector<16xi32>
      %parallel_loop3A_1085 = arith.muli %parallel_loop3A_1069, %parallel_loop3A_1084 : vector<16xi32>
      %parallel_loop3A_1086 = arith.addi %parallel_loop3A_1085, %add3A_100 : vector<16xi32>
      %parallel_loop3A_1087 = arith.cmpf ogt, %parallel_loop3A_967, %broadcast_in_dim3A_130 : vector<16xf32>
      %parallel_loop3A_1088 = arith.cmpf oeq, %parallel_loop3A_967, %broadcast_in_dim3A_130 : vector<16xf32>
      %parallel_loop3A_1089 = arith.constant 128 : i32
      %parallel_loop3A_1090 = vector.broadcast %parallel_loop3A_1089 : i32 to vector<16xi32>
      %parallel_loop3A_1091 = arith.cmpi slt, %parallel_loop3A_1071, %parallel_loop3A_1090 : vector<16xi32>
      %parallel_loop3A_1092 = arith.andi %parallel_loop3A_1088, %parallel_loop3A_1091 : vector<16xi1>
      %parallel_loop3A_1093 = arith.ori %parallel_loop3A_1087, %parallel_loop3A_1092 : vector<16xi1>
      %parallel_loop3A_1094 = arith.constant 64 : i32
      %parallel_loop3A_1095 = vector.broadcast %parallel_loop3A_1094 : i32 to vector<16xi32>
      %parallel_loop3A_1096 = arith.muli %parallel_loop3A_1071, %parallel_loop3A_1095 : vector<16xi32>
      %parallel_loop3A_1097 = arith.addi %parallel_loop3A_1096, %add3A_103 : vector<16xi32>
      %parallel_loop3A_1098 = arith.cmpf ogt, %parallel_loop3A_975, %broadcast_in_dim3A_130 : vector<16xf32>
      %parallel_loop3A_1099 = arith.cmpf oeq, %parallel_loop3A_975, %broadcast_in_dim3A_130 : vector<16xf32>
      %parallel_loop3A_1100 = arith.constant 128 : i32
      %parallel_loop3A_1101 = vector.broadcast %parallel_loop3A_1100 : i32 to vector<16xi32>
      %parallel_loop3A_1102 = arith.cmpi slt, %parallel_loop3A_1073, %parallel_loop3A_1101 : vector<16xi32>
      %parallel_loop3A_1103 = arith.andi %parallel_loop3A_1099, %parallel_loop3A_1102 : vector<16xi1>
      %parallel_loop3A_1104 = arith.ori %parallel_loop3A_1098, %parallel_loop3A_1103 : vector<16xi1>
      %parallel_loop3A_1105 = arith.constant 64 : i32
      %parallel_loop3A_1106 = vector.broadcast %parallel_loop3A_1105 : i32 to vector<16xi32>
      %parallel_loop3A_1107 = arith.muli %parallel_loop3A_1073, %parallel_loop3A_1106 : vector<16xi32>
      %parallel_loop3A_1108 = arith.addi %parallel_loop3A_1107, %add3A_106 : vector<16xi32>
      %parallel_loop3A_1109 = arith.cmpf ogt, %parallel_loop3A_983, %broadcast_in_dim3A_130 : vector<16xf32>
      %parallel_loop3A_1110 = arith.cmpf oeq, %parallel_loop3A_983, %broadcast_in_dim3A_130 : vector<16xf32>
      %parallel_loop3A_1111 = arith.constant 128 : i32
      %parallel_loop3A_1112 = vector.broadcast %parallel_loop3A_1111 : i32 to vector<16xi32>
      %parallel_loop3A_1113 = arith.cmpi slt, %parallel_loop3A_1075, %parallel_loop3A_1112 : vector<16xi32>
      %parallel_loop3A_1114 = arith.andi %parallel_loop3A_1110, %parallel_loop3A_1113 : vector<16xi1>
      %parallel_loop3A_1115 = arith.ori %parallel_loop3A_1109, %parallel_loop3A_1114 : vector<16xi1>
      %parallel_loop3A_1116 = arith.constant 64 : i32
      %parallel_loop3A_1117 = vector.broadcast %parallel_loop3A_1116 : i32 to vector<16xi32>
      %parallel_loop3A_1118 = arith.muli %parallel_loop3A_1075, %parallel_loop3A_1117 : vector<16xi32>
      %parallel_loop3A_1119 = arith.addi %parallel_loop3A_1118, %add3A_109 : vector<16xi32>
      %parallel_loop3A_1120 = arith.constant 8 : i32
      %parallel_loop3A_1121 = arith.muli %parallel_loop3A_915, %parallel_loop3A_1120 : i32
      %parallel_loop3A_1122 = arith.constant 4 : i32
      %parallel_loop3A_1123 = arith.addi %parallel_loop3A_1121, %parallel_loop3A_1122 : i32
      %parallel_loop3A_1124 = arith.constant 0 : i32
      %parallel_loop3A_1125 = arith.addi %parallel_loop3A_1123, %parallel_loop3A_1124 : i32
      %parallel_loop3A_1126 = arith.constant 16 : i32
      %parallel_loop3A_1127 = arith.muli %parallel_loop3A_1125, %parallel_loop3A_1126 : i32
      %parallel_loop3A_1128 = vector.broadcast %parallel_loop3A_1127 : i32 to vector<16xi32>
      %parallel_loop3A_1129 = arith.addi %iota3A, %parallel_loop3A_1128 : vector<16xi32>
      tpu.vector_store_idx %arg10[%parallel_loop3A_1086], %parallel_loop3A_1129 masked %parallel_loop3A_1082 : memref<12288xi32, #tpu.memory_space<vmem>>[vector<16xi32>], vector<16xi32>, vector<16xi1>
      %parallel_loop3A_1130 = arith.constant 8 : i32
      %parallel_loop3A_1131 = arith.muli %parallel_loop3A_915, %parallel_loop3A_1130 : i32
      %parallel_loop3A_1132 = arith.constant 4 : i32
      %parallel_loop3A_1133 = arith.addi %parallel_loop3A_1131, %parallel_loop3A_1132 : i32
      %parallel_loop3A_1134 = arith.constant 1 : i32
      %parallel_loop3A_1135 = arith.addi %parallel_loop3A_1133, %parallel_loop3A_1134 : i32
      %parallel_loop3A_1136 = arith.constant 16 : i32
      %parallel_loop3A_1137 = arith.muli %parallel_loop3A_1135, %parallel_loop3A_1136 : i32
      %parallel_loop3A_1138 = vector.broadcast %parallel_loop3A_1137 : i32 to vector<16xi32>
      %parallel_loop3A_1139 = arith.addi %iota3A, %parallel_loop3A_1138 : vector<16xi32>
      tpu.vector_store_idx %arg10[%parallel_loop3A_1097], %parallel_loop3A_1139 masked %parallel_loop3A_1093 : memref<12288xi32, #tpu.memory_space<vmem>>[vector<16xi32>], vector<16xi32>, vector<16xi1>
      %parallel_loop3A_1140 = arith.constant 8 : i32
      %parallel_loop3A_1141 = arith.muli %parallel_loop3A_915, %parallel_loop3A_1140 : i32
      %parallel_loop3A_1142 = arith.constant 4 : i32
      %parallel_loop3A_1143 = arith.addi %parallel_loop3A_1141, %parallel_loop3A_1142 : i32
      %parallel_loop3A_1144 = arith.constant 2 : i32
      %parallel_loop3A_1145 = arith.addi %parallel_loop3A_1143, %parallel_loop3A_1144 : i32
      %parallel_loop3A_1146 = arith.constant 16 : i32
      %parallel_loop3A_1147 = arith.muli %parallel_loop3A_1145, %parallel_loop3A_1146 : i32
      %parallel_loop3A_1148 = vector.broadcast %parallel_loop3A_1147 : i32 to vector<16xi32>
      %parallel_loop3A_1149 = arith.addi %iota3A, %parallel_loop3A_1148 : vector<16xi32>
      tpu.vector_store_idx %arg10[%parallel_loop3A_1108], %parallel_loop3A_1149 masked %parallel_loop3A_1104 : memref<12288xi32, #tpu.memory_space<vmem>>[vector<16xi32>], vector<16xi32>, vector<16xi1>
      %parallel_loop3A_1150 = arith.constant 8 : i32
      %parallel_loop3A_1151 = arith.muli %parallel_loop3A_915, %parallel_loop3A_1150 : i32
      %parallel_loop3A_1152 = arith.constant 4 : i32
      %parallel_loop3A_1153 = arith.addi %parallel_loop3A_1151, %parallel_loop3A_1152 : i32
      %parallel_loop3A_1154 = arith.constant 3 : i32
      %parallel_loop3A_1155 = arith.addi %parallel_loop3A_1153, %parallel_loop3A_1154 : i32
      %parallel_loop3A_1156 = arith.constant 16 : i32
      %parallel_loop3A_1157 = arith.muli %parallel_loop3A_1155, %parallel_loop3A_1156 : i32
      %parallel_loop3A_1158 = vector.broadcast %parallel_loop3A_1157 : i32 to vector<16xi32>
      %parallel_loop3A_1159 = arith.addi %iota3A, %parallel_loop3A_1158 : vector<16xi32>
      tpu.vector_store_idx %arg10[%parallel_loop3A_1119], %parallel_loop3A_1159 masked %parallel_loop3A_1115 : memref<12288xi32, #tpu.memory_space<vmem>>[vector<16xi32>], vector<16xi32>, vector<16xi1>
      %parallel_loop3A_1160 = arith.extui %parallel_loop3A_1082 : vector<16xi1> to vector<16xi32>
      %parallel_loop3A_1161 = arith.addi %parallel_loop3A_1069, %parallel_loop3A_1160 : vector<16xi32>
      %parallel_loop3A_1162 = arith.extui %parallel_loop3A_1093 : vector<16xi1> to vector<16xi32>
      %parallel_loop3A_1163 = arith.addi %parallel_loop3A_1071, %parallel_loop3A_1162 : vector<16xi32>
      %parallel_loop3A_1164 = arith.extui %parallel_loop3A_1104 : vector<16xi1> to vector<16xi32>
      %parallel_loop3A_1165 = arith.addi %parallel_loop3A_1073, %parallel_loop3A_1164 : vector<16xi32>
      %parallel_loop3A_1166 = arith.extui %parallel_loop3A_1115 : vector<16xi1> to vector<16xi32>
      %parallel_loop3A_1167 = arith.addi %parallel_loop3A_1075, %parallel_loop3A_1166 : vector<16xi32>
      scf.yield %parallel_loop3A_1161, %parallel_loop3A_1163, %parallel_loop3A_1165, %parallel_loop3A_1167 : vector<16xi32>, vector<16xi32>, vector<16xi32>, vector<16xi32>
    } {sc.loop_unroll_factor = 1 : i64, sc.parallel_access}
    %max3A_138 = arith.maxsi %parallel_loop3A_137#0, %parallel_loop3A_137#1 : vector<16xi32>
    %max3A_139 = arith.maxsi %parallel_loop3A_137#2, %parallel_loop3A_137#3 : vector<16xi32>
    %max3A_140 = arith.maxsi %max3A_138, %max3A_139 : vector<16xi32>
    %reduce_max3A_141 = arith.constant true
    %reduce_max3A_142 = vector.broadcast %reduce_max3A_141 : i1 to vector<16xi1>
    %reduce_max3A_143 = arith.constant -2147483648 : i32
    %reduce_max3A_144 = vector.broadcast %reduce_max3A_143 : i32 to vector<16xi32>
    %reduce_max3A_145 = arith.xori %max3A_140, %reduce_max3A_144 : vector<16xi32>
    %reduce_max3A_146 = tpu.scan <max>, %reduce_max3A_145 masked %reduce_max3A_142 : vector<16xi32>, vector<16xi1> -> vector<16xi32>
    %reduce_max3A_147 = arith.xori %reduce_max3A_146, %reduce_max3A_144 : vector<16xi32>
    %reduce_max3A_148 = vector.extract %reduce_max3A_147[15] : i32 from vector<16xi32>
    %min3A_149 = arith.constant 192 : i32
    %min3A_150 = arith.minsi %reduce_max3A_148, %min3A_149 : i32
    %broadcast_in_dim3A_151 = arith.constant 32768 : i32
    %broadcast_in_dim3A_152 = vector.broadcast %broadcast_in_dim3A_151 : i32 to vector<16xi32>
    %while3A_153 = arith.constant 0 : i32
    %while3A_154 = arith.subi %min3A_150, %while3A_153 : i32
    %while3A_155 = arith.addi %while3A_153, %while3A_154 : i32
    %while3A_156 = arith.constant 1 : i32
    %while3A_157 = arith.divsi %while3A_154, %while3A_156 : i32
    %while3A_158 = arith.muli %while3A_157, %while3A_156 : i32
    %while3A_159 = arith.addi %while3A_153, %while3A_158 : i32
    %while3A_160 = arith.constant 1 : i32
    %while3A_161 = scf.for %while3A_915 = %while3A_153 to %while3A_159 step %while3A_160 iter_args(%while3A_916 = %broadcast_in_dim3A_3) -> (vector<16xi32>)  : i32 {
      %gt3A = vector.broadcast %while3A_915 : i32 to vector<16xi32>
      %gt3A_917 = arith.cmpi sgt, %parallel_loop3A_137#0, %gt3A : vector<16xi32>
      %mul3A_918 = arith.constant 4 : i32
      %mul3A_919 = arith.muli %while3A_915, %mul3A_918 : i32
      %add3A_920 = arith.constant 0 : i32
      %add3A_921 = arith.addi %mul3A_919, %add3A_920 : i32
      %mul3A_922 = arith.constant 16 : i32
      %mul3A_923 = arith.muli %add3A_921, %mul3A_922 : i32
      %get3A_924 = arith.index_cast %mul3A_923 : i32 to index
      %get3A_925 = tpu.vector_load %arg10[%get3A_924] {strides = array<i32>} : memref<12288xi32, #tpu.memory_space<vmem>>, vector<16xi32>,
      %gather3A = tpu.vector_load_idx %arg8[%get3A_925] masked %gt3A_917 : memref<32768xf32, #tpu.memory_space<vmem>>[vector<16xi32>], vector<16xf32>, vector<16xi1>
      %eq3A_926 = arith.cmpf oeq, %gather3A, %broadcast_in_dim3A_130 : vector<16xf32>
      %and3A_927 = arith.andi %eq3A_926, %gt3A_917 : vector<16xi1>
      %le3A_928 = arith.cmpi sle, %get3A_925, %broadcast_in_dim3A_152 : vector<16xi32>
      %and3A_929 = arith.andi %and3A_927, %le3A_928 : vector<16xi1>
      %convert_element_type3A_930 = arith.extui %and3A_929 : vector<16xi1> to vector<16xi32>
      %add3A_931 = arith.addi %while3A_916, %convert_element_type3A_930 : vector<16xi32>
      %gt3A_932 = vector.broadcast %while3A_915 : i32 to vector<16xi32>
      %gt3A_933 = arith.cmpi sgt, %parallel_loop3A_137#1, %gt3A_932 : vector<16xi32>
      %mul3A_934 = arith.constant 4 : i32
      %mul3A_935 = arith.muli %while3A_915, %mul3A_934 : i32
      %add3A_936 = arith.constant 1 : i32
      %add3A_937 = arith.addi %mul3A_935, %add3A_936 : i32
      %mul3A_938 = arith.constant 16 : i32
      %mul3A_939 = arith.muli %add3A_937, %mul3A_938 : i32
      %get3A_940 = arith.index_cast %mul3A_939 : i32 to index
      %get3A_941 = tpu.vector_load %arg10[%get3A_940] {strides = array<i32>} : memref<12288xi32, #tpu.memory_space<vmem>>, vector<16xi32>,
      %gather3A_942 = tpu.vector_load_idx %arg8[%get3A_941] masked %gt3A_933 : memref<32768xf32, #tpu.memory_space<vmem>>[vector<16xi32>], vector<16xf32>, vector<16xi1>
      %eq3A_943 = arith.cmpf oeq, %gather3A_942, %broadcast_in_dim3A_130 : vector<16xf32>
      %and3A_944 = arith.andi %eq3A_943, %gt3A_933 : vector<16xi1>
      %le3A_945 = arith.cmpi sle, %get3A_941, %broadcast_in_dim3A_152 : vector<16xi32>
      %and3A_946 = arith.andi %and3A_944, %le3A_945 : vector<16xi1>
      %convert_element_type3A_947 = arith.extui %and3A_946 : vector<16xi1> to vector<16xi32>
      %add3A_948 = arith.addi %add3A_931, %convert_element_type3A_947 : vector<16xi32>
      %gt3A_949 = vector.broadcast %while3A_915 : i32 to vector<16xi32>
      %gt3A_950 = arith.cmpi sgt, %parallel_loop3A_137#2, %gt3A_949 : vector<16xi32>
      %mul3A_951 = arith.constant 4 : i32
      %mul3A_952 = arith.muli %while3A_915, %mul3A_951 : i32
      %add3A_953 = arith.constant 2 : i32
      %add3A_954 = arith.addi %mul3A_952, %add3A_953 : i32
      %mul3A_955 = arith.constant 16 : i32
      %mul3A_956 = arith.muli %add3A_954, %mul3A_955 : i32
      %get3A_957 = arith.index_cast %mul3A_956 : i32 to index
      %get3A_958 = tpu.vector_load %arg10[%get3A_957] {strides = array<i32>} : memref<12288xi32, #tpu.memory_space<vmem>>, vector<16xi32>,
      %gather3A_959 = tpu.vector_load_idx %arg8[%get3A_958] masked %gt3A_950 : memref<32768xf32, #tpu.memory_space<vmem>>[vector<16xi32>], vector<16xf32>, vector<16xi1>
      %eq3A_960 = arith.cmpf oeq, %gather3A_959, %broadcast_in_dim3A_130 : vector<16xf32>
      %and3A_961 = arith.andi %eq3A_960, %gt3A_950 : vector<16xi1>
      %le3A_962 = arith.cmpi sle, %get3A_958, %broadcast_in_dim3A_152 : vector<16xi32>
      %and3A_963 = arith.andi %and3A_961, %le3A_962 : vector<16xi1>
      %convert_element_type3A_964 = arith.extui %and3A_963 : vector<16xi1> to vector<16xi32>
      %add3A_965 = arith.addi %add3A_948, %convert_element_type3A_964 : vector<16xi32>
      %gt3A_966 = vector.broadcast %while3A_915 : i32 to vector<16xi32>
      %gt3A_967 = arith.cmpi sgt, %parallel_loop3A_137#3, %gt3A_966 : vector<16xi32>
      %mul3A_968 = arith.constant 4 : i32
      %mul3A_969 = arith.muli %while3A_915, %mul3A_968 : i32
      %add3A_970 = arith.constant 3 : i32
      %add3A_971 = arith.addi %mul3A_969, %add3A_970 : i32
      %mul3A_972 = arith.constant 16 : i32
      %mul3A_973 = arith.muli %add3A_971, %mul3A_972 : i32
      %get3A_974 = arith.index_cast %mul3A_973 : i32 to index
      %get3A_975 = tpu.vector_load %arg10[%get3A_974] {strides = array<i32>} : memref<12288xi32, #tpu.memory_space<vmem>>, vector<16xi32>,
      %gather3A_976 = tpu.vector_load_idx %arg8[%get3A_975] masked %gt3A_967 : memref<32768xf32, #tpu.memory_space<vmem>>[vector<16xi32>], vector<16xf32>, vector<16xi1>
      %eq3A_977 = arith.cmpf oeq, %gather3A_976, %broadcast_in_dim3A_130 : vector<16xf32>
      %and3A_978 = arith.andi %eq3A_977, %gt3A_967 : vector<16xi1>
      %le3A_979 = arith.cmpi sle, %get3A_975, %broadcast_in_dim3A_152 : vector<16xi32>
      %and3A_980 = arith.andi %and3A_978, %le3A_979 : vector<16xi1>
      %convert_element_type3A_981 = arith.extui %and3A_980 : vector<16xi1> to vector<16xi32>
      %add3A_982 = arith.addi %add3A_965, %convert_element_type3A_981 : vector<16xi32>
      scf.yield %add3A_982 : vector<16xi32>
    }
    %while3A_162 = arith.constant 1 : i32
    %while3A_163 = scf.for %while3A_915 = %while3A_159 to %while3A_155 step %while3A_162 iter_args(%while3A_916 = %while3A_161) -> (vector<16xi32>)  : i32 {
      %gt3A = vector.broadcast %while3A_915 : i32 to vector<16xi32>
      %gt3A_917 = arith.cmpi sgt, %parallel_loop3A_137#0, %gt3A : vector<16xi32>
      %mul3A_918 = arith.constant 4 : i32
      %mul3A_919 = arith.muli %while3A_915, %mul3A_918 : i32
      %add3A_920 = arith.constant 0 : i32
      %add3A_921 = arith.addi %mul3A_919, %add3A_920 : i32
      %mul3A_922 = arith.constant 16 : i32
      %mul3A_923 = arith.muli %add3A_921, %mul3A_922 : i32
      %get3A_924 = arith.index_cast %mul3A_923 : i32 to index
      %get3A_925 = tpu.vector_load %arg10[%get3A_924] {strides = array<i32>} : memref<12288xi32, #tpu.memory_space<vmem>>, vector<16xi32>,
      %gather3A = tpu.vector_load_idx %arg8[%get3A_925] masked %gt3A_917 : memref<32768xf32, #tpu.memory_space<vmem>>[vector<16xi32>], vector<16xf32>, vector<16xi1>
      %eq3A_926 = arith.cmpf oeq, %gather3A, %broadcast_in_dim3A_130 : vector<16xf32>
      %and3A_927 = arith.andi %eq3A_926, %gt3A_917 : vector<16xi1>
      %le3A_928 = arith.cmpi sle, %get3A_925, %broadcast_in_dim3A_152 : vector<16xi32>
      %and3A_929 = arith.andi %and3A_927, %le3A_928 : vector<16xi1>
      %convert_element_type3A_930 = arith.extui %and3A_929 : vector<16xi1> to vector<16xi32>
      %add3A_931 = arith.addi %while3A_916, %convert_element_type3A_930 : vector<16xi32>
      %gt3A_932 = vector.broadcast %while3A_915 : i32 to vector<16xi32>
      %gt3A_933 = arith.cmpi sgt, %parallel_loop3A_137#1, %gt3A_932 : vector<16xi32>
      %mul3A_934 = arith.constant 4 : i32
      %mul3A_935 = arith.muli %while3A_915, %mul3A_934 : i32
      %add3A_936 = arith.constant 1 : i32
      %add3A_937 = arith.addi %mul3A_935, %add3A_936 : i32
      %mul3A_938 = arith.constant 16 : i32
      %mul3A_939 = arith.muli %add3A_937, %mul3A_938 : i32
      %get3A_940 = arith.index_cast %mul3A_939 : i32 to index
      %get3A_941 = tpu.vector_load %arg10[%get3A_940] {strides = array<i32>} : memref<12288xi32, #tpu.memory_space<vmem>>, vector<16xi32>,
      %gather3A_942 = tpu.vector_load_idx %arg8[%get3A_941] masked %gt3A_933 : memref<32768xf32, #tpu.memory_space<vmem>>[vector<16xi32>], vector<16xf32>, vector<16xi1>
      %eq3A_943 = arith.cmpf oeq, %gather3A_942, %broadcast_in_dim3A_130 : vector<16xf32>
      %and3A_944 = arith.andi %eq3A_943, %gt3A_933 : vector<16xi1>
      %le3A_945 = arith.cmpi sle, %get3A_941, %broadcast_in_dim3A_152 : vector<16xi32>
      %and3A_946 = arith.andi %and3A_944, %le3A_945 : vector<16xi1>
      %convert_element_type3A_947 = arith.extui %and3A_946 : vector<16xi1> to vector<16xi32>
      %add3A_948 = arith.addi %add3A_931, %convert_element_type3A_947 : vector<16xi32>
      %gt3A_949 = vector.broadcast %while3A_915 : i32 to vector<16xi32>
      %gt3A_950 = arith.cmpi sgt, %parallel_loop3A_137#2, %gt3A_949 : vector<16xi32>
      %mul3A_951 = arith.constant 4 : i32
      %mul3A_952 = arith.muli %while3A_915, %mul3A_951 : i32
      %add3A_953 = arith.constant 2 : i32
      %add3A_954 = arith.addi %mul3A_952, %add3A_953 : i32
      %mul3A_955 = arith.constant 16 : i32
      %mul3A_956 = arith.muli %add3A_954, %mul3A_955 : i32
      %get3A_957 = arith.index_cast %mul3A_956 : i32 to index
      %get3A_958 = tpu.vector_load %arg10[%get3A_957] {strides = array<i32>} : memref<12288xi32, #tpu.memory_space<vmem>>, vector<16xi32>,
      %gather3A_959 = tpu.vector_load_idx %arg8[%get3A_958] masked %gt3A_950 : memref<32768xf32, #tpu.memory_space<vmem>>[vector<16xi32>], vector<16xf32>, vector<16xi1>
      %eq3A_960 = arith.cmpf oeq, %gather3A_959, %broadcast_in_dim3A_130 : vector<16xf32>
      %and3A_961 = arith.andi %eq3A_960, %gt3A_950 : vector<16xi1>
      %le3A_962 = arith.cmpi sle, %get3A_958, %broadcast_in_dim3A_152 : vector<16xi32>
      %and3A_963 = arith.andi %and3A_961, %le3A_962 : vector<16xi1>
      %convert_element_type3A_964 = arith.extui %and3A_963 : vector<16xi1> to vector<16xi32>
      %add3A_965 = arith.addi %add3A_948, %convert_element_type3A_964 : vector<16xi32>
      %gt3A_966 = vector.broadcast %while3A_915 : i32 to vector<16xi32>
      %gt3A_967 = arith.cmpi sgt, %parallel_loop3A_137#3, %gt3A_966 : vector<16xi32>
      %mul3A_968 = arith.constant 4 : i32
      %mul3A_969 = arith.muli %while3A_915, %mul3A_968 : i32
      %add3A_970 = arith.constant 3 : i32
      %add3A_971 = arith.addi %mul3A_969, %add3A_970 : i32
      %mul3A_972 = arith.constant 16 : i32
      %mul3A_973 = arith.muli %add3A_971, %mul3A_972 : i32
      %get3A_974 = arith.index_cast %mul3A_973 : i32 to index
      %get3A_975 = tpu.vector_load %arg10[%get3A_974] {strides = array<i32>} : memref<12288xi32, #tpu.memory_space<vmem>>, vector<16xi32>,
      %gather3A_976 = tpu.vector_load_idx %arg8[%get3A_975] masked %gt3A_967 : memref<32768xf32, #tpu.memory_space<vmem>>[vector<16xi32>], vector<16xf32>, vector<16xi1>
      %eq3A_977 = arith.cmpf oeq, %gather3A_976, %broadcast_in_dim3A_130 : vector<16xf32>
      %and3A_978 = arith.andi %eq3A_977, %gt3A_967 : vector<16xi1>
      %le3A_979 = arith.cmpi sle, %get3A_975, %broadcast_in_dim3A_152 : vector<16xi32>
      %and3A_980 = arith.andi %and3A_978, %le3A_979 : vector<16xi1>
      %convert_element_type3A_981 = arith.extui %and3A_980 : vector<16xi1> to vector<16xi32>
      %add3A_982 = arith.addi %add3A_965, %convert_element_type3A_981 : vector<16xi32>
      scf.yield %add3A_982 : vector<16xi32>
    }
    %reduce_sum3A_164 = arith.constant true
    %reduce_sum3A_165 = vector.broadcast %reduce_sum3A_164 : i1 to vector<16xi1>
    %reduce_sum3A_166 = tpu.scan <sum>, %while3A_163 masked %reduce_sum3A_165 : vector<16xi32>, vector<16xi1> -> vector<16xi32>
    %reduce_sum3A_167 = vector.extract %reduce_sum3A_166[15] : i32 from vector<16xi32>
    %eq3A = arith.cmpi eq, %reduce_sum3A_167, %sub3A_133 : i32
    %jit3A = arith.constant 32767 : i32
    %jit3A_168 = arith.constant -1 : i32
    %select_n3A_169 = arith.select %eq3A, %jit3A, %jit3A_168 : i32
    %while3A_170 = arith.constant 32768 : i32
    %while3A_171:2 = scf.while (%while3A_915 = %select_n3A_169, %while3A_916 = %while3A_170) : (i32, i32) -> (i32, i32) {
      %sub3A_917 = arith.subi %while3A_916, %while3A_915 : i32
      %gt3A = arith.constant 1 : i32
      %gt3A_918 = arith.cmpi sgt, %sub3A_917, %gt3A : i32
      scf.condition(%gt3A_918) %while3A_915, %while3A_916 : i32, i32
    } do {
    ^bb0(%while3A_915: i32, %while3A_916: i32):
      %add3A_917 = arith.addi %while3A_915, %while3A_916 : i32
      %div3A = arith.constant 2 : i32
      %div3A_918 = arith.divsi %add3A_917, %div3A : i32
      %broadcast_in_dim3A_919 = vector.broadcast %div3A_918 : i32 to vector<16xi32>
      %while3A_920 = arith.constant 0 : i32
      %while3A_921 = arith.subi %min3A_150, %while3A_920 : i32
      %while3A_922 = arith.addi %while3A_920, %while3A_921 : i32
      %while3A_923 = arith.constant 1 : i32
      %while3A_924 = arith.divsi %while3A_921, %while3A_923 : i32
      %while3A_925 = arith.muli %while3A_924, %while3A_923 : i32
      %while3A_926 = arith.addi %while3A_920, %while3A_925 : i32
      %while3A_927 = arith.constant 1 : i32
      %while3A_928 = scf.for %while3A_938 = %while3A_920 to %while3A_926 step %while3A_927 iter_args(%while3A_939 = %broadcast_in_dim3A_3) -> (vector<16xi32>)  : i32 {
        %gt3A = vector.broadcast %while3A_938 : i32 to vector<16xi32>
        %gt3A_940 = arith.cmpi sgt, %parallel_loop3A_137#0, %gt3A : vector<16xi32>
        %mul3A_941 = arith.constant 4 : i32
        %mul3A_942 = arith.muli %while3A_938, %mul3A_941 : i32
        %add3A_943 = arith.constant 0 : i32
        %add3A_944 = arith.addi %mul3A_942, %add3A_943 : i32
        %mul3A_945 = arith.constant 16 : i32
        %mul3A_946 = arith.muli %add3A_944, %mul3A_945 : i32
        %get3A_947 = arith.index_cast %mul3A_946 : i32 to index
        %get3A_948 = tpu.vector_load %arg10[%get3A_947] {strides = array<i32>} : memref<12288xi32, #tpu.memory_space<vmem>>, vector<16xi32>,
        %gather3A = tpu.vector_load_idx %arg8[%get3A_948] masked %gt3A_940 : memref<32768xf32, #tpu.memory_space<vmem>>[vector<16xi32>], vector<16xf32>, vector<16xi1>
        %eq3A_949 = arith.cmpf oeq, %gather3A, %broadcast_in_dim3A_130 : vector<16xf32>
        %and3A_950 = arith.andi %eq3A_949, %gt3A_940 : vector<16xi1>
        %le3A_951 = arith.cmpi sle, %get3A_948, %broadcast_in_dim3A_919 : vector<16xi32>
        %and3A_952 = arith.andi %and3A_950, %le3A_951 : vector<16xi1>
        %convert_element_type3A_953 = arith.extui %and3A_952 : vector<16xi1> to vector<16xi32>
        %add3A_954 = arith.addi %while3A_939, %convert_element_type3A_953 : vector<16xi32>
        %gt3A_955 = vector.broadcast %while3A_938 : i32 to vector<16xi32>
        %gt3A_956 = arith.cmpi sgt, %parallel_loop3A_137#1, %gt3A_955 : vector<16xi32>
        %mul3A_957 = arith.constant 4 : i32
        %mul3A_958 = arith.muli %while3A_938, %mul3A_957 : i32
        %add3A_959 = arith.constant 1 : i32
        %add3A_960 = arith.addi %mul3A_958, %add3A_959 : i32
        %mul3A_961 = arith.constant 16 : i32
        %mul3A_962 = arith.muli %add3A_960, %mul3A_961 : i32
        %get3A_963 = arith.index_cast %mul3A_962 : i32 to index
        %get3A_964 = tpu.vector_load %arg10[%get3A_963] {strides = array<i32>} : memref<12288xi32, #tpu.memory_space<vmem>>, vector<16xi32>,
        %gather3A_965 = tpu.vector_load_idx %arg8[%get3A_964] masked %gt3A_956 : memref<32768xf32, #tpu.memory_space<vmem>>[vector<16xi32>], vector<16xf32>, vector<16xi1>
        %eq3A_966 = arith.cmpf oeq, %gather3A_965, %broadcast_in_dim3A_130 : vector<16xf32>
        %and3A_967 = arith.andi %eq3A_966, %gt3A_956 : vector<16xi1>
        %le3A_968 = arith.cmpi sle, %get3A_964, %broadcast_in_dim3A_919 : vector<16xi32>
        %and3A_969 = arith.andi %and3A_967, %le3A_968 : vector<16xi1>
        %convert_element_type3A_970 = arith.extui %and3A_969 : vector<16xi1> to vector<16xi32>
        %add3A_971 = arith.addi %add3A_954, %convert_element_type3A_970 : vector<16xi32>
        %gt3A_972 = vector.broadcast %while3A_938 : i32 to vector<16xi32>
        %gt3A_973 = arith.cmpi sgt, %parallel_loop3A_137#2, %gt3A_972 : vector<16xi32>
        %mul3A_974 = arith.constant 4 : i32
        %mul3A_975 = arith.muli %while3A_938, %mul3A_974 : i32
        %add3A_976 = arith.constant 2 : i32
        %add3A_977 = arith.addi %mul3A_975, %add3A_976 : i32
        %mul3A_978 = arith.constant 16 : i32
        %mul3A_979 = arith.muli %add3A_977, %mul3A_978 : i32
        %get3A_980 = arith.index_cast %mul3A_979 : i32 to index
        %get3A_981 = tpu.vector_load %arg10[%get3A_980] {strides = array<i32>} : memref<12288xi32, #tpu.memory_space<vmem>>, vector<16xi32>,
        %gather3A_982 = tpu.vector_load_idx %arg8[%get3A_981] masked %gt3A_973 : memref<32768xf32, #tpu.memory_space<vmem>>[vector<16xi32>], vector<16xf32>, vector<16xi1>
        %eq3A_983 = arith.cmpf oeq, %gather3A_982, %broadcast_in_dim3A_130 : vector<16xf32>
        %and3A_984 = arith.andi %eq3A_983, %gt3A_973 : vector<16xi1>
        %le3A_985 = arith.cmpi sle, %get3A_981, %broadcast_in_dim3A_919 : vector<16xi32>
        %and3A_986 = arith.andi %and3A_984, %le3A_985 : vector<16xi1>
        %convert_element_type3A_987 = arith.extui %and3A_986 : vector<16xi1> to vector<16xi32>
        %add3A_988 = arith.addi %add3A_971, %convert_element_type3A_987 : vector<16xi32>
        %gt3A_989 = vector.broadcast %while3A_938 : i32 to vector<16xi32>
        %gt3A_990 = arith.cmpi sgt, %parallel_loop3A_137#3, %gt3A_989 : vector<16xi32>
        %mul3A_991 = arith.constant 4 : i32
        %mul3A_992 = arith.muli %while3A_938, %mul3A_991 : i32
        %add3A_993 = arith.constant 3 : i32
        %add3A_994 = arith.addi %mul3A_992, %add3A_993 : i32
        %mul3A_995 = arith.constant 16 : i32
        %mul3A_996 = arith.muli %add3A_994, %mul3A_995 : i32
        %get3A_997 = arith.index_cast %mul3A_996 : i32 to index
        %get3A_998 = tpu.vector_load %arg10[%get3A_997] {strides = array<i32>} : memref<12288xi32, #tpu.memory_space<vmem>>, vector<16xi32>,
        %gather3A_999 = tpu.vector_load_idx %arg8[%get3A_998] masked %gt3A_990 : memref<32768xf32, #tpu.memory_space<vmem>>[vector<16xi32>], vector<16xf32>, vector<16xi1>
        %eq3A_1000 = arith.cmpf oeq, %gather3A_999, %broadcast_in_dim3A_130 : vector<16xf32>
        %and3A_1001 = arith.andi %eq3A_1000, %gt3A_990 : vector<16xi1>
        %le3A_1002 = arith.cmpi sle, %get3A_998, %broadcast_in_dim3A_919 : vector<16xi32>
        %and3A_1003 = arith.andi %and3A_1001, %le3A_1002 : vector<16xi1>
        %convert_element_type3A_1004 = arith.extui %and3A_1003 : vector<16xi1> to vector<16xi32>
        %add3A_1005 = arith.addi %add3A_988, %convert_element_type3A_1004 : vector<16xi32>
        scf.yield %add3A_1005 : vector<16xi32>
      }
      %while3A_929 = arith.constant 1 : i32
      %while3A_930 = scf.for %while3A_938 = %while3A_926 to %while3A_922 step %while3A_929 iter_args(%while3A_939 = %while3A_928) -> (vector<16xi32>)  : i32 {
        %gt3A = vector.broadcast %while3A_938 : i32 to vector<16xi32>
        %gt3A_940 = arith.cmpi sgt, %parallel_loop3A_137#0, %gt3A : vector<16xi32>
        %mul3A_941 = arith.constant 4 : i32
        %mul3A_942 = arith.muli %while3A_938, %mul3A_941 : i32
        %add3A_943 = arith.constant 0 : i32
        %add3A_944 = arith.addi %mul3A_942, %add3A_943 : i32
        %mul3A_945 = arith.constant 16 : i32
        %mul3A_946 = arith.muli %add3A_944, %mul3A_945 : i32
        %get3A_947 = arith.index_cast %mul3A_946 : i32 to index
        %get3A_948 = tpu.vector_load %arg10[%get3A_947] {strides = array<i32>} : memref<12288xi32, #tpu.memory_space<vmem>>, vector<16xi32>,
        %gather3A = tpu.vector_load_idx %arg8[%get3A_948] masked %gt3A_940 : memref<32768xf32, #tpu.memory_space<vmem>>[vector<16xi32>], vector<16xf32>, vector<16xi1>
        %eq3A_949 = arith.cmpf oeq, %gather3A, %broadcast_in_dim3A_130 : vector<16xf32>
        %and3A_950 = arith.andi %eq3A_949, %gt3A_940 : vector<16xi1>
        %le3A_951 = arith.cmpi sle, %get3A_948, %broadcast_in_dim3A_919 : vector<16xi32>
        %and3A_952 = arith.andi %and3A_950, %le3A_951 : vector<16xi1>
        %convert_element_type3A_953 = arith.extui %and3A_952 : vector<16xi1> to vector<16xi32>
        %add3A_954 = arith.addi %while3A_939, %convert_element_type3A_953 : vector<16xi32>
        %gt3A_955 = vector.broadcast %while3A_938 : i32 to vector<16xi32>
        %gt3A_956 = arith.cmpi sgt, %parallel_loop3A_137#1, %gt3A_955 : vector<16xi32>
        %mul3A_957 = arith.constant 4 : i32
        %mul3A_958 = arith.muli %while3A_938, %mul3A_957 : i32
        %add3A_959 = arith.constant 1 : i32
        %add3A_960 = arith.addi %mul3A_958, %add3A_959 : i32
        %mul3A_961 = arith.constant 16 : i32
        %mul3A_962 = arith.muli %add3A_960, %mul3A_961 : i32
        %get3A_963 = arith.index_cast %mul3A_962 : i32 to index
        %get3A_964 = tpu.vector_load %arg10[%get3A_963] {strides = array<i32>} : memref<12288xi32, #tpu.memory_space<vmem>>, vector<16xi32>,
        %gather3A_965 = tpu.vector_load_idx %arg8[%get3A_964] masked %gt3A_956 : memref<32768xf32, #tpu.memory_space<vmem>>[vector<16xi32>], vector<16xf32>, vector<16xi1>
        %eq3A_966 = arith.cmpf oeq, %gather3A_965, %broadcast_in_dim3A_130 : vector<16xf32>
        %and3A_967 = arith.andi %eq3A_966, %gt3A_956 : vector<16xi1>
        %le3A_968 = arith.cmpi sle, %get3A_964, %broadcast_in_dim3A_919 : vector<16xi32>
        %and3A_969 = arith.andi %and3A_967, %le3A_968 : vector<16xi1>
        %convert_element_type3A_970 = arith.extui %and3A_969 : vector<16xi1> to vector<16xi32>
        %add3A_971 = arith.addi %add3A_954, %convert_element_type3A_970 : vector<16xi32>
        %gt3A_972 = vector.broadcast %while3A_938 : i32 to vector<16xi32>
        %gt3A_973 = arith.cmpi sgt, %parallel_loop3A_137#2, %gt3A_972 : vector<16xi32>
        %mul3A_974 = arith.constant 4 : i32
        %mul3A_975 = arith.muli %while3A_938, %mul3A_974 : i32
        %add3A_976 = arith.constant 2 : i32
        %add3A_977 = arith.addi %mul3A_975, %add3A_976 : i32
        %mul3A_978 = arith.constant 16 : i32
        %mul3A_979 = arith.muli %add3A_977, %mul3A_978 : i32
        %get3A_980 = arith.index_cast %mul3A_979 : i32 to index
        %get3A_981 = tpu.vector_load %arg10[%get3A_980] {strides = array<i32>} : memref<12288xi32, #tpu.memory_space<vmem>>, vector<16xi32>,
        %gather3A_982 = tpu.vector_load_idx %arg8[%get3A_981] masked %gt3A_973 : memref<32768xf32, #tpu.memory_space<vmem>>[vector<16xi32>], vector<16xf32>, vector<16xi1>
        %eq3A_983 = arith.cmpf oeq, %gather3A_982, %broadcast_in_dim3A_130 : vector<16xf32>
        %and3A_984 = arith.andi %eq3A_983, %gt3A_973 : vector<16xi1>
        %le3A_985 = arith.cmpi sle, %get3A_981, %broadcast_in_dim3A_919 : vector<16xi32>
        %and3A_986 = arith.andi %and3A_984, %le3A_985 : vector<16xi1>
        %convert_element_type3A_987 = arith.extui %and3A_986 : vector<16xi1> to vector<16xi32>
        %add3A_988 = arith.addi %add3A_971, %convert_element_type3A_987 : vector<16xi32>
        %gt3A_989 = vector.broadcast %while3A_938 : i32 to vector<16xi32>
        %gt3A_990 = arith.cmpi sgt, %parallel_loop3A_137#3, %gt3A_989 : vector<16xi32>
        %mul3A_991 = arith.constant 4 : i32
        %mul3A_992 = arith.muli %while3A_938, %mul3A_991 : i32
        %add3A_993 = arith.constant 3 : i32
        %add3A_994 = arith.addi %mul3A_992, %add3A_993 : i32
        %mul3A_995 = arith.constant 16 : i32
        %mul3A_996 = arith.muli %add3A_994, %mul3A_995 : i32
        %get3A_997 = arith.index_cast %mul3A_996 : i32 to index
        %get3A_998 = tpu.vector_load %arg10[%get3A_997] {strides = array<i32>} : memref<12288xi32, #tpu.memory_space<vmem>>, vector<16xi32>,
        %gather3A_999 = tpu.vector_load_idx %arg8[%get3A_998] masked %gt3A_990 : memref<32768xf32, #tpu.memory_space<vmem>>[vector<16xi32>], vector<16xf32>, vector<16xi1>
        %eq3A_1000 = arith.cmpf oeq, %gather3A_999, %broadcast_in_dim3A_130 : vector<16xf32>
        %and3A_1001 = arith.andi %eq3A_1000, %gt3A_990 : vector<16xi1>
        %le3A_1002 = arith.cmpi sle, %get3A_998, %broadcast_in_dim3A_919 : vector<16xi32>
        %and3A_1003 = arith.andi %and3A_1001, %le3A_1002 : vector<16xi1>
        %convert_element_type3A_1004 = arith.extui %and3A_1003 : vector<16xi1> to vector<16xi32>
        %add3A_1005 = arith.addi %add3A_988, %convert_element_type3A_1004 : vector<16xi32>
        scf.yield %add3A_1005 : vector<16xi32>
      }
      %reduce_sum3A_931 = arith.constant true
      %reduce_sum3A_932 = vector.broadcast %reduce_sum3A_931 : i1 to vector<16xi1>
      %reduce_sum3A_933 = tpu.scan <sum>, %while3A_930 masked %reduce_sum3A_932 : vector<16xi32>, vector<16xi1> -> vector<16xi32>
      %reduce_sum3A_934 = vector.extract %reduce_sum3A_933[15] : i32 from vector<16xi32>
      %lt3A = arith.cmpi slt, %reduce_sum3A_934, %sub3A_133 : i32
      %select_n3A_935 = arith.select %lt3A, %div3A_918, %while3A_915 : i32
      %lt3A_936 = arith.cmpi slt, %reduce_sum3A_934, %sub3A_133 : i32
      %select_n3A_937 = arith.select %lt3A_936, %while3A_916, %div3A_918 : i32
      scf.yield %select_n3A_935, %select_n3A_937 : i32, i32
    }
    %broadcast_in_dim3A_172 = vector.broadcast %while3A_171#1 : i32 to vector<16xi32>
    %while3A_173 = arith.constant 0 : i32
    %while3A_174 = arith.constant 0 : i32
    %while3A_175 = arith.subi %min3A_150, %while3A_173 : i32
    %while3A_176 = arith.addi %while3A_173, %while3A_175 : i32
    %while3A_177 = arith.constant 1 : i32
    %while3A_178 = arith.divsi %while3A_175, %while3A_177 : i32
    %while3A_179 = arith.muli %while3A_178, %while3A_177 : i32
    %while3A_180 = arith.addi %while3A_173, %while3A_179 : i32
    %while3A_181 = arith.constant 1 : i32
    %while3A_182 = scf.for %while3A_915 = %while3A_173 to %while3A_180 step %while3A_181 iter_args(%while3A_916 = %while3A_174) -> (i32)  : i32 {
      %gt3A = vector.broadcast %while3A_915 : i32 to vector<16xi32>
      %gt3A_917 = arith.cmpi sgt, %parallel_loop3A_137#0, %gt3A : vector<16xi32>
      %mul3A_918 = arith.constant 4 : i32
      %mul3A_919 = arith.muli %while3A_915, %mul3A_918 : i32
      %add3A_920 = arith.constant 0 : i32
      %add3A_921 = arith.addi %mul3A_919, %add3A_920 : i32
      %mul3A_922 = arith.constant 16 : i32
      %mul3A_923 = arith.muli %add3A_921, %mul3A_922 : i32
      %get3A_924 = arith.index_cast %mul3A_923 : i32 to index
      %get3A_925 = tpu.vector_load %arg10[%get3A_924] {strides = array<i32>} : memref<12288xi32, #tpu.memory_space<vmem>>, vector<16xi32>,
      %gather3A = tpu.vector_load_idx %arg8[%get3A_925] masked %gt3A_917 : memref<32768xf32, #tpu.memory_space<vmem>>[vector<16xi32>], vector<16xf32>, vector<16xi1>
      %gt3A_926 = arith.cmpf ogt, %gather3A, %broadcast_in_dim3A_130 : vector<16xf32>
      %and3A_927 = arith.andi %gt3A_926, %gt3A_917 : vector<16xi1>
      %eq3A_928 = arith.cmpf oeq, %gather3A, %broadcast_in_dim3A_130 : vector<16xf32>
      %and3A_929 = arith.andi %eq3A_928, %gt3A_917 : vector<16xi1>
      %le3A_930 = arith.cmpi sle, %get3A_925, %broadcast_in_dim3A_172 : vector<16xi32>
      %and3A_931 = arith.andi %and3A_929, %le3A_930 : vector<16xi1>
      %or3A = arith.ori %and3A_927, %and3A_931 : vector<16xi1>
      %swap3A_932 = arith.index_cast %while3A_916 : i32 to index
      %swap3A_933 = tpu.vector_load %arg11[%swap3A_932] masked %or3A {strides = array<i32>} : memref<80xf32, #tpu.memory_space<vmem>>, vector<16xf32>, vector<16xi1>
      tpu.vector_store %arg11[%swap3A_932], %gather3A masked %or3A {strides = array<i32>} : memref<80xf32, #tpu.memory_space<vmem>>, vector<16xf32>, vector<16xi1>
      %swap3A_934 = arith.index_cast %while3A_916 : i32 to index
      %swap3A_935 = tpu.vector_load %arg12[%swap3A_934] masked %or3A {strides = array<i32>} : memref<80xi32, #tpu.memory_space<vmem>>, vector<16xi32>, vector<16xi1>
      tpu.vector_store %arg12[%swap3A_934], %get3A_925 masked %or3A {strides = array<i32>} : memref<80xi32, #tpu.memory_space<vmem>>, vector<16xi32>, vector<16xi1>
      %all_reduce_population_count3A = tpu.all_reduce %or3A {dim = 0 : i64, kind = #tpu.reduction_kind<sum>} : vector<16xi1> -> vector<16xi32>
      %slice3A_936 = vector.extract_strided_slice %all_reduce_population_count3A {offsets = [0], sizes = [1], strides = [1]} : vector<16xi32> to vector<1xi32>
      %squeeze3A_937 = vector.extract %slice3A_936[0] : i32 from vector<1xi32>
      %add3A_938 = arith.addi %while3A_916, %squeeze3A_937 : i32
      %gt3A_939 = vector.broadcast %while3A_915 : i32 to vector<16xi32>
      %gt3A_940 = arith.cmpi sgt, %parallel_loop3A_137#1, %gt3A_939 : vector<16xi32>
      %mul3A_941 = arith.constant 4 : i32
      %mul3A_942 = arith.muli %while3A_915, %mul3A_941 : i32
      %add3A_943 = arith.constant 1 : i32
      %add3A_944 = arith.addi %mul3A_942, %add3A_943 : i32
      %mul3A_945 = arith.constant 16 : i32
      %mul3A_946 = arith.muli %add3A_944, %mul3A_945 : i32
      %get3A_947 = arith.index_cast %mul3A_946 : i32 to index
      %get3A_948 = tpu.vector_load %arg10[%get3A_947] {strides = array<i32>} : memref<12288xi32, #tpu.memory_space<vmem>>, vector<16xi32>,
      %gather3A_949 = tpu.vector_load_idx %arg8[%get3A_948] masked %gt3A_940 : memref<32768xf32, #tpu.memory_space<vmem>>[vector<16xi32>], vector<16xf32>, vector<16xi1>
      %gt3A_950 = arith.cmpf ogt, %gather3A_949, %broadcast_in_dim3A_130 : vector<16xf32>
      %and3A_951 = arith.andi %gt3A_950, %gt3A_940 : vector<16xi1>
      %eq3A_952 = arith.cmpf oeq, %gather3A_949, %broadcast_in_dim3A_130 : vector<16xf32>
      %and3A_953 = arith.andi %eq3A_952, %gt3A_940 : vector<16xi1>
      %le3A_954 = arith.cmpi sle, %get3A_948, %broadcast_in_dim3A_172 : vector<16xi32>
      %and3A_955 = arith.andi %and3A_953, %le3A_954 : vector<16xi1>
      %or3A_956 = arith.ori %and3A_951, %and3A_955 : vector<16xi1>
      %swap3A_957 = arith.index_cast %add3A_938 : i32 to index
      %swap3A_958 = tpu.vector_load %arg11[%swap3A_957] masked %or3A_956 {strides = array<i32>} : memref<80xf32, #tpu.memory_space<vmem>>, vector<16xf32>, vector<16xi1>
      tpu.vector_store %arg11[%swap3A_957], %gather3A_949 masked %or3A_956 {strides = array<i32>} : memref<80xf32, #tpu.memory_space<vmem>>, vector<16xf32>, vector<16xi1>
      %swap3A_959 = arith.index_cast %add3A_938 : i32 to index
      %swap3A_960 = tpu.vector_load %arg12[%swap3A_959] masked %or3A_956 {strides = array<i32>} : memref<80xi32, #tpu.memory_space<vmem>>, vector<16xi32>, vector<16xi1>
      tpu.vector_store %arg12[%swap3A_959], %get3A_948 masked %or3A_956 {strides = array<i32>} : memref<80xi32, #tpu.memory_space<vmem>>, vector<16xi32>, vector<16xi1>
      %all_reduce_population_count3A_961 = tpu.all_reduce %or3A_956 {dim = 0 : i64, kind = #tpu.reduction_kind<sum>} : vector<16xi1> -> vector<16xi32>
      %slice3A_962 = vector.extract_strided_slice %all_reduce_population_count3A_961 {offsets = [0], sizes = [1], strides = [1]} : vector<16xi32> to vector<1xi32>
      %squeeze3A_963 = vector.extract %slice3A_962[0] : i32 from vector<1xi32>
      %add3A_964 = arith.addi %add3A_938, %squeeze3A_963 : i32
      %gt3A_965 = vector.broadcast %while3A_915 : i32 to vector<16xi32>
      %gt3A_966 = arith.cmpi sgt, %parallel_loop3A_137#2, %gt3A_965 : vector<16xi32>
      %mul3A_967 = arith.constant 4 : i32
      %mul3A_968 = arith.muli %while3A_915, %mul3A_967 : i32
      %add3A_969 = arith.constant 2 : i32
      %add3A_970 = arith.addi %mul3A_968, %add3A_969 : i32
      %mul3A_971 = arith.constant 16 : i32
      %mul3A_972 = arith.muli %add3A_970, %mul3A_971 : i32
      %get3A_973 = arith.index_cast %mul3A_972 : i32 to index
      %get3A_974 = tpu.vector_load %arg10[%get3A_973] {strides = array<i32>} : memref<12288xi32, #tpu.memory_space<vmem>>, vector<16xi32>,
      %gather3A_975 = tpu.vector_load_idx %arg8[%get3A_974] masked %gt3A_966 : memref<32768xf32, #tpu.memory_space<vmem>>[vector<16xi32>], vector<16xf32>, vector<16xi1>
      %gt3A_976 = arith.cmpf ogt, %gather3A_975, %broadcast_in_dim3A_130 : vector<16xf32>
      %and3A_977 = arith.andi %gt3A_976, %gt3A_966 : vector<16xi1>
      %eq3A_978 = arith.cmpf oeq, %gather3A_975, %broadcast_in_dim3A_130 : vector<16xf32>
      %and3A_979 = arith.andi %eq3A_978, %gt3A_966 : vector<16xi1>
      %le3A_980 = arith.cmpi sle, %get3A_974, %broadcast_in_dim3A_172 : vector<16xi32>
      %and3A_981 = arith.andi %and3A_979, %le3A_980 : vector<16xi1>
      %or3A_982 = arith.ori %and3A_977, %and3A_981 : vector<16xi1>
      %swap3A_983 = arith.index_cast %add3A_964 : i32 to index
      %swap3A_984 = tpu.vector_load %arg11[%swap3A_983] masked %or3A_982 {strides = array<i32>} : memref<80xf32, #tpu.memory_space<vmem>>, vector<16xf32>, vector<16xi1>
      tpu.vector_store %arg11[%swap3A_983], %gather3A_975 masked %or3A_982 {strides = array<i32>} : memref<80xf32, #tpu.memory_space<vmem>>, vector<16xf32>, vector<16xi1>
      %swap3A_985 = arith.index_cast %add3A_964 : i32 to index
      %swap3A_986 = tpu.vector_load %arg12[%swap3A_985] masked %or3A_982 {strides = array<i32>} : memref<80xi32, #tpu.memory_space<vmem>>, vector<16xi32>, vector<16xi1>
      tpu.vector_store %arg12[%swap3A_985], %get3A_974 masked %or3A_982 {strides = array<i32>} : memref<80xi32, #tpu.memory_space<vmem>>, vector<16xi32>, vector<16xi1>
      %all_reduce_population_count3A_987 = tpu.all_reduce %or3A_982 {dim = 0 : i64, kind = #tpu.reduction_kind<sum>} : vector<16xi1> -> vector<16xi32>
      %slice3A_988 = vector.extract_strided_slice %all_reduce_population_count3A_987 {offsets = [0], sizes = [1], strides = [1]} : vector<16xi32> to vector<1xi32>
      %squeeze3A_989 = vector.extract %slice3A_988[0] : i32 from vector<1xi32>
      %add3A_990 = arith.addi %add3A_964, %squeeze3A_989 : i32
      %gt3A_991 = vector.broadcast %while3A_915 : i32 to vector<16xi32>
      %gt3A_992 = arith.cmpi sgt, %parallel_loop3A_137#3, %gt3A_991 : vector<16xi32>
      %mul3A_993 = arith.constant 4 : i32
      %mul3A_994 = arith.muli %while3A_915, %mul3A_993 : i32
      %add3A_995 = arith.constant 3 : i32
      %add3A_996 = arith.addi %mul3A_994, %add3A_995 : i32
      %mul3A_997 = arith.constant 16 : i32
      %mul3A_998 = arith.muli %add3A_996, %mul3A_997 : i32
      %get3A_999 = arith.index_cast %mul3A_998 : i32 to index
      %get3A_1000 = tpu.vector_load %arg10[%get3A_999] {strides = array<i32>} : memref<12288xi32, #tpu.memory_space<vmem>>, vector<16xi32>,
      %gather3A_1001 = tpu.vector_load_idx %arg8[%get3A_1000] masked %gt3A_992 : memref<32768xf32, #tpu.memory_space<vmem>>[vector<16xi32>], vector<16xf32>, vector<16xi1>
      %gt3A_1002 = arith.cmpf ogt, %gather3A_1001, %broadcast_in_dim3A_130 : vector<16xf32>
      %and3A_1003 = arith.andi %gt3A_1002, %gt3A_992 : vector<16xi1>
      %eq3A_1004 = arith.cmpf oeq, %gather3A_1001, %broadcast_in_dim3A_130 : vector<16xf32>
      %and3A_1005 = arith.andi %eq3A_1004, %gt3A_992 : vector<16xi1>
      %le3A_1006 = arith.cmpi sle, %get3A_1000, %broadcast_in_dim3A_172 : vector<16xi32>
      %and3A_1007 = arith.andi %and3A_1005, %le3A_1006 : vector<16xi1>
      %or3A_1008 = arith.ori %and3A_1003, %and3A_1007 : vector<16xi1>
      %swap3A_1009 = arith.index_cast %add3A_990 : i32 to index
      %swap3A_1010 = tpu.vector_load %arg11[%swap3A_1009] masked %or3A_1008 {strides = array<i32>} : memref<80xf32, #tpu.memory_space<vmem>>, vector<16xf32>, vector<16xi1>
      tpu.vector_store %arg11[%swap3A_1009], %gather3A_1001 masked %or3A_1008 {strides = array<i32>} : memref<80xf32, #tpu.memory_space<vmem>>, vector<16xf32>, vector<16xi1>
      %swap3A_1011 = arith.index_cast %add3A_990 : i32 to index
      %swap3A_1012 = tpu.vector_load %arg12[%swap3A_1011] masked %or3A_1008 {strides = array<i32>} : memref<80xi32, #tpu.memory_space<vmem>>, vector<16xi32>, vector<16xi1>
      tpu.vector_store %arg12[%swap3A_1011], %get3A_1000 masked %or3A_1008 {strides = array<i32>} : memref<80xi32, #tpu.memory_space<vmem>>, vector<16xi32>, vector<16xi1>
      %all_reduce_population_count3A_1013 = tpu.all_reduce %or3A_1008 {dim = 0 : i64, kind = #tpu.reduction_kind<sum>} : vector<16xi1> -> vector<16xi32>
      %slice3A_1014 = vector.extract_strided_slice %all_reduce_population_count3A_1013 {offsets = [0], sizes = [1], strides = [1]} : vector<16xi32> to vector<1xi32>
      %squeeze3A_1015 = vector.extract %slice3A_1014[0] : i32 from vector<1xi32>
      %add3A_1016 = arith.addi %add3A_990, %squeeze3A_1015 : i32
      scf.yield %add3A_1016 : i32
    }
    %while3A_183 = arith.constant 1 : i32
    %while3A_184 = scf.for %while3A_915 = %while3A_180 to %while3A_176 step %while3A_183 iter_args(%while3A_916 = %while3A_182) -> (i32)  : i32 {
      %gt3A = vector.broadcast %while3A_915 : i32 to vector<16xi32>
      %gt3A_917 = arith.cmpi sgt, %parallel_loop3A_137#0, %gt3A : vector<16xi32>
      %mul3A_918 = arith.constant 4 : i32
      %mul3A_919 = arith.muli %while3A_915, %mul3A_918 : i32
      %add3A_920 = arith.constant 0 : i32
      %add3A_921 = arith.addi %mul3A_919, %add3A_920 : i32
      %mul3A_922 = arith.constant 16 : i32
      %mul3A_923 = arith.muli %add3A_921, %mul3A_922 : i32
      %get3A_924 = arith.index_cast %mul3A_923 : i32 to index
      %get3A_925 = tpu.vector_load %arg10[%get3A_924] {strides = array<i32>} : memref<12288xi32, #tpu.memory_space<vmem>>, vector<16xi32>,
      %gather3A = tpu.vector_load_idx %arg8[%get3A_925] masked %gt3A_917 : memref<32768xf32, #tpu.memory_space<vmem>>[vector<16xi32>], vector<16xf32>, vector<16xi1>
      %gt3A_926 = arith.cmpf ogt, %gather3A, %broadcast_in_dim3A_130 : vector<16xf32>
      %and3A_927 = arith.andi %gt3A_926, %gt3A_917 : vector<16xi1>
      %eq3A_928 = arith.cmpf oeq, %gather3A, %broadcast_in_dim3A_130 : vector<16xf32>
      %and3A_929 = arith.andi %eq3A_928, %gt3A_917 : vector<16xi1>
      %le3A_930 = arith.cmpi sle, %get3A_925, %broadcast_in_dim3A_172 : vector<16xi32>
      %and3A_931 = arith.andi %and3A_929, %le3A_930 : vector<16xi1>
      %or3A = arith.ori %and3A_927, %and3A_931 : vector<16xi1>
      %swap3A_932 = arith.index_cast %while3A_916 : i32 to index
      %swap3A_933 = tpu.vector_load %arg11[%swap3A_932] masked %or3A {strides = array<i32>} : memref<80xf32, #tpu.memory_space<vmem>>, vector<16xf32>, vector<16xi1>
      tpu.vector_store %arg11[%swap3A_932], %gather3A masked %or3A {strides = array<i32>} : memref<80xf32, #tpu.memory_space<vmem>>, vector<16xf32>, vector<16xi1>
      %swap3A_934 = arith.index_cast %while3A_916 : i32 to index
      %swap3A_935 = tpu.vector_load %arg12[%swap3A_934] masked %or3A {strides = array<i32>} : memref<80xi32, #tpu.memory_space<vmem>>, vector<16xi32>, vector<16xi1>
      tpu.vector_store %arg12[%swap3A_934], %get3A_925 masked %or3A {strides = array<i32>} : memref<80xi32, #tpu.memory_space<vmem>>, vector<16xi32>, vector<16xi1>
      %all_reduce_population_count3A = tpu.all_reduce %or3A {dim = 0 : i64, kind = #tpu.reduction_kind<sum>} : vector<16xi1> -> vector<16xi32>
      %slice3A_936 = vector.extract_strided_slice %all_reduce_population_count3A {offsets = [0], sizes = [1], strides = [1]} : vector<16xi32> to vector<1xi32>
      %squeeze3A_937 = vector.extract %slice3A_936[0] : i32 from vector<1xi32>
      %add3A_938 = arith.addi %while3A_916, %squeeze3A_937 : i32
      %gt3A_939 = vector.broadcast %while3A_915 : i32 to vector<16xi32>
      %gt3A_940 = arith.cmpi sgt, %parallel_loop3A_137#1, %gt3A_939 : vector<16xi32>
      %mul3A_941 = arith.constant 4 : i32
      %mul3A_942 = arith.muli %while3A_915, %mul3A_941 : i32
      %add3A_943 = arith.constant 1 : i32
      %add3A_944 = arith.addi %mul3A_942, %add3A_943 : i32
      %mul3A_945 = arith.constant 16 : i32
      %mul3A_946 = arith.muli %add3A_944, %mul3A_945 : i32
      %get3A_947 = arith.index_cast %mul3A_946 : i32 to index
      %get3A_948 = tpu.vector_load %arg10[%get3A_947] {strides = array<i32>} : memref<12288xi32, #tpu.memory_space<vmem>>, vector<16xi32>,
      %gather3A_949 = tpu.vector_load_idx %arg8[%get3A_948] masked %gt3A_940 : memref<32768xf32, #tpu.memory_space<vmem>>[vector<16xi32>], vector<16xf32>, vector<16xi1>
      %gt3A_950 = arith.cmpf ogt, %gather3A_949, %broadcast_in_dim3A_130 : vector<16xf32>
      %and3A_951 = arith.andi %gt3A_950, %gt3A_940 : vector<16xi1>
      %eq3A_952 = arith.cmpf oeq, %gather3A_949, %broadcast_in_dim3A_130 : vector<16xf32>
      %and3A_953 = arith.andi %eq3A_952, %gt3A_940 : vector<16xi1>
      %le3A_954 = arith.cmpi sle, %get3A_948, %broadcast_in_dim3A_172 : vector<16xi32>
      %and3A_955 = arith.andi %and3A_953, %le3A_954 : vector<16xi1>
      %or3A_956 = arith.ori %and3A_951, %and3A_955 : vector<16xi1>
      %swap3A_957 = arith.index_cast %add3A_938 : i32 to index
      %swap3A_958 = tpu.vector_load %arg11[%swap3A_957] masked %or3A_956 {strides = array<i32>} : memref<80xf32, #tpu.memory_space<vmem>>, vector<16xf32>, vector<16xi1>
      tpu.vector_store %arg11[%swap3A_957], %gather3A_949 masked %or3A_956 {strides = array<i32>} : memref<80xf32, #tpu.memory_space<vmem>>, vector<16xf32>, vector<16xi1>
      %swap3A_959 = arith.index_cast %add3A_938 : i32 to index
      %swap3A_960 = tpu.vector_load %arg12[%swap3A_959] masked %or3A_956 {strides = array<i32>} : memref<80xi32, #tpu.memory_space<vmem>>, vector<16xi32>, vector<16xi1>
      tpu.vector_store %arg12[%swap3A_959], %get3A_948 masked %or3A_956 {strides = array<i32>} : memref<80xi32, #tpu.memory_space<vmem>>, vector<16xi32>, vector<16xi1>
      %all_reduce_population_count3A_961 = tpu.all_reduce %or3A_956 {dim = 0 : i64, kind = #tpu.reduction_kind<sum>} : vector<16xi1> -> vector<16xi32>
      %slice3A_962 = vector.extract_strided_slice %all_reduce_population_count3A_961 {offsets = [0], sizes = [1], strides = [1]} : vector<16xi32> to vector<1xi32>
      %squeeze3A_963 = vector.extract %slice3A_962[0] : i32 from vector<1xi32>
      %add3A_964 = arith.addi %add3A_938, %squeeze3A_963 : i32
      %gt3A_965 = vector.broadcast %while3A_915 : i32 to vector<16xi32>
      %gt3A_966 = arith.cmpi sgt, %parallel_loop3A_137#2, %gt3A_965 : vector<16xi32>
      %mul3A_967 = arith.constant 4 : i32
      %mul3A_968 = arith.muli %while3A_915, %mul3A_967 : i32
      %add3A_969 = arith.constant 2 : i32
      %add3A_970 = arith.addi %mul3A_968, %add3A_969 : i32
      %mul3A_971 = arith.constant 16 : i32
      %mul3A_972 = arith.muli %add3A_970, %mul3A_971 : i32
      %get3A_973 = arith.index_cast %mul3A_972 : i32 to index
      %get3A_974 = tpu.vector_load %arg10[%get3A_973] {strides = array<i32>} : memref<12288xi32, #tpu.memory_space<vmem>>, vector<16xi32>,
      %gather3A_975 = tpu.vector_load_idx %arg8[%get3A_974] masked %gt3A_966 : memref<32768xf32, #tpu.memory_space<vmem>>[vector<16xi32>], vector<16xf32>, vector<16xi1>
      %gt3A_976 = arith.cmpf ogt, %gather3A_975, %broadcast_in_dim3A_130 : vector<16xf32>
      %and3A_977 = arith.andi %gt3A_976, %gt3A_966 : vector<16xi1>
      %eq3A_978 = arith.cmpf oeq, %gather3A_975, %broadcast_in_dim3A_130 : vector<16xf32>
      %and3A_979 = arith.andi %eq3A_978, %gt3A_966 : vector<16xi1>
      %le3A_980 = arith.cmpi sle, %get3A_974, %broadcast_in_dim3A_172 : vector<16xi32>
      %and3A_981 = arith.andi %and3A_979, %le3A_980 : vector<16xi1>
      %or3A_982 = arith.ori %and3A_977, %and3A_981 : vector<16xi1>
      %swap3A_983 = arith.index_cast %add3A_964 : i32 to index
      %swap3A_984 = tpu.vector_load %arg11[%swap3A_983] masked %or3A_982 {strides = array<i32>} : memref<80xf32, #tpu.memory_space<vmem>>, vector<16xf32>, vector<16xi1>
      tpu.vector_store %arg11[%swap3A_983], %gather3A_975 masked %or3A_982 {strides = array<i32>} : memref<80xf32, #tpu.memory_space<vmem>>, vector<16xf32>, vector<16xi1>
      %swap3A_985 = arith.index_cast %add3A_964 : i32 to index
      %swap3A_986 = tpu.vector_load %arg12[%swap3A_985] masked %or3A_982 {strides = array<i32>} : memref<80xi32, #tpu.memory_space<vmem>>, vector<16xi32>, vector<16xi1>
      tpu.vector_store %arg12[%swap3A_985], %get3A_974 masked %or3A_982 {strides = array<i32>} : memref<80xi32, #tpu.memory_space<vmem>>, vector<16xi32>, vector<16xi1>
      %all_reduce_population_count3A_987 = tpu.all_reduce %or3A_982 {dim = 0 : i64, kind = #tpu.reduction_kind<sum>} : vector<16xi1> -> vector<16xi32>
      %slice3A_988 = vector.extract_strided_slice %all_reduce_population_count3A_987 {offsets = [0], sizes = [1], strides = [1]} : vector<16xi32> to vector<1xi32>
      %squeeze3A_989 = vector.extract %slice3A_988[0] : i32 from vector<1xi32>
      %add3A_990 = arith.addi %add3A_964, %squeeze3A_989 : i32
      %gt3A_991 = vector.broadcast %while3A_915 : i32 to vector<16xi32>
      %gt3A_992 = arith.cmpi sgt, %parallel_loop3A_137#3, %gt3A_991 : vector<16xi32>
      %mul3A_993 = arith.constant 4 : i32
      %mul3A_994 = arith.muli %while3A_915, %mul3A_993 : i32
      %add3A_995 = arith.constant 3 : i32
      %add3A_996 = arith.addi %mul3A_994, %add3A_995 : i32
      %mul3A_997 = arith.constant 16 : i32
      %mul3A_998 = arith.muli %add3A_996, %mul3A_997 : i32
      %get3A_999 = arith.index_cast %mul3A_998 : i32 to index
      %get3A_1000 = tpu.vector_load %arg10[%get3A_999] {strides = array<i32>} : memref<12288xi32, #tpu.memory_space<vmem>>, vector<16xi32>,
      %gather3A_1001 = tpu.vector_load_idx %arg8[%get3A_1000] masked %gt3A_992 : memref<32768xf32, #tpu.memory_space<vmem>>[vector<16xi32>], vector<16xf32>, vector<16xi1>
      %gt3A_1002 = arith.cmpf ogt, %gather3A_1001, %broadcast_in_dim3A_130 : vector<16xf32>
      %and3A_1003 = arith.andi %gt3A_1002, %gt3A_992 : vector<16xi1>
      %eq3A_1004 = arith.cmpf oeq, %gather3A_1001, %broadcast_in_dim3A_130 : vector<16xf32>
      %and3A_1005 = arith.andi %eq3A_1004, %gt3A_992 : vector<16xi1>
      %le3A_1006 = arith.cmpi sle, %get3A_1000, %broadcast_in_dim3A_172 : vector<16xi32>
      %and3A_1007 = arith.andi %and3A_1005, %le3A_1006 : vector<16xi1>
      %or3A_1008 = arith.ori %and3A_1003, %and3A_1007 : vector<16xi1>
      %swap3A_1009 = arith.index_cast %add3A_990 : i32 to index
      %swap3A_1010 = tpu.vector_load %arg11[%swap3A_1009] masked %or3A_1008 {strides = array<i32>} : memref<80xf32, #tpu.memory_space<vmem>>, vector<16xf32>, vector<16xi1>
      tpu.vector_store %arg11[%swap3A_1009], %gather3A_1001 masked %or3A_1008 {strides = array<i32>} : memref<80xf32, #tpu.memory_space<vmem>>, vector<16xf32>, vector<16xi1>
      %swap3A_1011 = arith.index_cast %add3A_990 : i32 to index
      %swap3A_1012 = tpu.vector_load %arg12[%swap3A_1011] masked %or3A_1008 {strides = array<i32>} : memref<80xi32, #tpu.memory_space<vmem>>, vector<16xi32>, vector<16xi1>
      tpu.vector_store %arg12[%swap3A_1011], %get3A_1000 masked %or3A_1008 {strides = array<i32>} : memref<80xi32, #tpu.memory_space<vmem>>, vector<16xi32>, vector<16xi1>
      %all_reduce_population_count3A_1013 = tpu.all_reduce %or3A_1008 {dim = 0 : i64, kind = #tpu.reduction_kind<sum>} : vector<16xi1> -> vector<16xi32>
      %slice3A_1014 = vector.extract_strided_slice %all_reduce_population_count3A_1013 {offsets = [0], sizes = [1], strides = [1]} : vector<16xi32> to vector<1xi32>
      %squeeze3A_1015 = vector.extract %slice3A_1014[0] : i32 from vector<1xi32>
      %add3A_1016 = arith.addi %add3A_990, %squeeze3A_1015 : i32
      scf.yield %add3A_1016 : i32
    }
    %get3A_185 = arith.constant 0 : index
    %get3A_186 = tpu.vector_load %arg12[%get3A_185] {strides = array<i32>} : memref<80xi32, #tpu.memory_space<vmem>>, vector<16xi32>,
    %swap3A = arith.constant 0 : index
    %swap3A_187 = tpu.vector_load %arg13[%swap3A] {strides = array<i32>} : memref<64xi32, #tpu.memory_space<vmem>>, vector<16xi32>,
    tpu.vector_store %arg13[%swap3A], %get3A_186 {strides = array<i32>} : memref<64xi32, #tpu.memory_space<vmem>>, vector<16xi32>,
    %get3A_188 = arith.constant 16 : index
    %get3A_189 = tpu.vector_load %arg12[%get3A_188] {strides = array<i32>} : memref<80xi32, #tpu.memory_space<vmem>>, vector<16xi32>,
    %swap3A_190 = arith.constant 16 : index
    %swap3A_191 = tpu.vector_load %arg13[%swap3A_190] {strides = array<i32>} : memref<64xi32, #tpu.memory_space<vmem>>, vector<16xi32>,
    tpu.vector_store %arg13[%swap3A_190], %get3A_189 {strides = array<i32>} : memref<64xi32, #tpu.memory_space<vmem>>, vector<16xi32>,
    %get3A_192 = arith.constant 32 : index
    %get3A_193 = tpu.vector_load %arg12[%get3A_192] {strides = array<i32>} : memref<80xi32, #tpu.memory_space<vmem>>, vector<16xi32>,
    %swap3A_194 = arith.constant 32 : index
    %swap3A_195 = tpu.vector_load %arg13[%swap3A_194] {strides = array<i32>} : memref<64xi32, #tpu.memory_space<vmem>>, vector<16xi32>,
    tpu.vector_store %arg13[%swap3A_194], %get3A_193 {strides = array<i32>} : memref<64xi32, #tpu.memory_space<vmem>>, vector<16xi32>,
    %get3A_196 = arith.constant 48 : index
    %get3A_197 = tpu.vector_load %arg12[%get3A_196] {strides = array<i32>} : memref<80xi32, #tpu.memory_space<vmem>>, vector<16xi32>,
    %swap3A_198 = arith.constant 48 : index
    %swap3A_199 = tpu.vector_load %arg13[%swap3A_198] {strides = array<i32>} : memref<64xi32, #tpu.memory_space<vmem>>, vector<16xi32>,
    tpu.vector_store %arg13[%swap3A_198], %get3A_197 {strides = array<i32>} : memref<64xi32, #tpu.memory_space<vmem>>, vector<16xi32>,
    %dma_start3A = arith.constant 0 : i32
    %dma_start3A_200 = arith.constant 0 : i32
    %dma_start3A_201 = tpu.memref_slice %arg4[%dma_start3A, %dma_start3A_200] : memref<32768x1024xf32, #tpu.memory_space<hbm>> -> memref<32768x1024xf32, #tpu.memory_space<hbm>>
    tpu.enqueue_indirect_dma source(%dma_start3A_201 : memref<32768x1024xf32, #tpu.memory_space<hbm>>) target(%arg14 : memref<64x1024xf32, #tpu.memory_space<vmem>>) offsets(%arg13 : memref<64xi32, #tpu.memory_space<vmem>>) semaphore(%arg19 : memref<!tpu.dma_semaphore, #tpu.memory_space<semaphore_mem>>)
    %parallel_loop3A_202 = arith.constant 0 : i32
    %parallel_loop3A_203 = arith.constant 256 : i32
    %parallel_loop3A_204 = arith.constant 1 : i32
    %parallel_loop3A_205 = arith.constant 0 : i32
    %parallel_loop3A_206 = scf.for %parallel_loop3A_915 = %parallel_loop3A_202 to %parallel_loop3A_203 step %parallel_loop3A_204 iter_args(%parallel_loop3A_916 = %parallel_loop3A_205) -> (i32)  : i32 {
      %parallel_loop3A_917 = arith.constant 8 : i32
      %parallel_loop3A_918 = arith.muli %parallel_loop3A_915, %parallel_loop3A_917 : i32
      %parallel_loop3A_919 = arith.constant 0 : i32
      %parallel_loop3A_920 = arith.addi %parallel_loop3A_918, %parallel_loop3A_919 : i32
      %parallel_loop3A_921 = arith.constant 16 : i32
      %parallel_loop3A_922 = arith.muli %parallel_loop3A_920, %parallel_loop3A_921 : i32
      %parallel_loop3A_923 = arith.index_cast %parallel_loop3A_922 : i32 to index
      %parallel_loop3A_924 = tpu.vector_load %arg8[%parallel_loop3A_923] {strides = array<i32>} : memref<32768xf32, #tpu.memory_space<vmem>>, vector<16xf32>,
      tpu.vector_store %arg8[%parallel_loop3A_923], %broadcast_in_dim3A_1 {strides = array<i32>} : memref<32768xf32, #tpu.memory_space<vmem>>, vector<16xf32>,
      %parallel_loop3A_925 = arith.constant 8 : i32
      %parallel_loop3A_926 = arith.muli %parallel_loop3A_915, %parallel_loop3A_925 : i32
      %parallel_loop3A_927 = arith.constant 1 : i32
      %parallel_loop3A_928 = arith.addi %parallel_loop3A_926, %parallel_loop3A_927 : i32
      %parallel_loop3A_929 = arith.constant 16 : i32
      %parallel_loop3A_930 = arith.muli %parallel_loop3A_928, %parallel_loop3A_929 : i32
      %parallel_loop3A_931 = arith.index_cast %parallel_loop3A_930 : i32 to index
      %parallel_loop3A_932 = tpu.vector_load %arg8[%parallel_loop3A_931] {strides = array<i32>} : memref<32768xf32, #tpu.memory_space<vmem>>, vector<16xf32>,
      tpu.vector_store %arg8[%parallel_loop3A_931], %broadcast_in_dim3A_1 {strides = array<i32>} : memref<32768xf32, #tpu.memory_space<vmem>>, vector<16xf32>,
      %parallel_loop3A_933 = arith.constant 8 : i32
      %parallel_loop3A_934 = arith.muli %parallel_loop3A_915, %parallel_loop3A_933 : i32
      %parallel_loop3A_935 = arith.constant 2 : i32
      %parallel_loop3A_936 = arith.addi %parallel_loop3A_934, %parallel_loop3A_935 : i32
      %parallel_loop3A_937 = arith.constant 16 : i32
      %parallel_loop3A_938 = arith.muli %parallel_loop3A_936, %parallel_loop3A_937 : i32
      %parallel_loop3A_939 = arith.index_cast %parallel_loop3A_938 : i32 to index
      %parallel_loop3A_940 = tpu.vector_load %arg8[%parallel_loop3A_939] {strides = array<i32>} : memref<32768xf32, #tpu.memory_space<vmem>>, vector<16xf32>,
      tpu.vector_store %arg8[%parallel_loop3A_939], %broadcast_in_dim3A_1 {strides = array<i32>} : memref<32768xf32, #tpu.memory_space<vmem>>, vector<16xf32>,
      %parallel_loop3A_941 = arith.constant 8 : i32
      %parallel_loop3A_942 = arith.muli %parallel_loop3A_915, %parallel_loop3A_941 : i32
      %parallel_loop3A_943 = arith.constant 3 : i32
      %parallel_loop3A_944 = arith.addi %parallel_loop3A_942, %parallel_loop3A_943 : i32
      %parallel_loop3A_945 = arith.constant 16 : i32
      %parallel_loop3A_946 = arith.muli %parallel_loop3A_944, %parallel_loop3A_945 : i32
      %parallel_loop3A_947 = arith.index_cast %parallel_loop3A_946 : i32 to index
      %parallel_loop3A_948 = tpu.vector_load %arg8[%parallel_loop3A_947] {strides = array<i32>} : memref<32768xf32, #tpu.memory_space<vmem>>, vector<16xf32>,
      tpu.vector_store %arg8[%parallel_loop3A_947], %broadcast_in_dim3A_1 {strides = array<i32>} : memref<32768xf32, #tpu.memory_space<vmem>>, vector<16xf32>,
      %parallel_loop3A_949 = arith.constant 8 : i32
      %parallel_loop3A_950 = arith.muli %parallel_loop3A_915, %parallel_loop3A_949 : i32
      %parallel_loop3A_951 = arith.constant 4 : i32
      %parallel_loop3A_952 = arith.addi %parallel_loop3A_950, %parallel_loop3A_951 : i32
      %parallel_loop3A_953 = arith.constant 16 : i32
      %parallel_loop3A_954 = arith.muli %parallel_loop3A_952, %parallel_loop3A_953 : i32
      %parallel_loop3A_955 = arith.index_cast %parallel_loop3A_954 : i32 to index
      %parallel_loop3A_956 = tpu.vector_load %arg8[%parallel_loop3A_955] {strides = array<i32>} : memref<32768xf32, #tpu.memory_space<vmem>>, vector<16xf32>,
      tpu.vector_store %arg8[%parallel_loop3A_955], %broadcast_in_dim3A_1 {strides = array<i32>} : memref<32768xf32, #tpu.memory_space<vmem>>, vector<16xf32>,
      %parallel_loop3A_957 = arith.constant 8 : i32
      %parallel_loop3A_958 = arith.muli %parallel_loop3A_915, %parallel_loop3A_957 : i32
      %parallel_loop3A_959 = arith.constant 5 : i32
      %parallel_loop3A_960 = arith.addi %parallel_loop3A_958, %parallel_loop3A_959 : i32
      %parallel_loop3A_961 = arith.constant 16 : i32
      %parallel_loop3A_962 = arith.muli %parallel_loop3A_960, %parallel_loop3A_961 : i32
      %parallel_loop3A_963 = arith.index_cast %parallel_loop3A_962 : i32 to index
      %parallel_loop3A_964 = tpu.vector_load %arg8[%parallel_loop3A_963] {strides = array<i32>} : memref<32768xf32, #tpu.memory_space<vmem>>, vector<16xf32>,
      tpu.vector_store %arg8[%parallel_loop3A_963], %broadcast_in_dim3A_1 {strides = array<i32>} : memref<32768xf32, #tpu.memory_space<vmem>>, vector<16xf32>,
      %parallel_loop3A_965 = arith.constant 8 : i32
      %parallel_loop3A_966 = arith.muli %parallel_loop3A_915, %parallel_loop3A_965 : i32
      %parallel_loop3A_967 = arith.constant 6 : i32
      %parallel_loop3A_968 = arith.addi %parallel_loop3A_966, %parallel_loop3A_967 : i32
      %parallel_loop3A_969 = arith.constant 16 : i32
      %parallel_loop3A_970 = arith.muli %parallel_loop3A_968, %parallel_loop3A_969 : i32
      %parallel_loop3A_971 = arith.index_cast %parallel_loop3A_970 : i32 to index
      %parallel_loop3A_972 = tpu.vector_load %arg8[%parallel_loop3A_971] {strides = array<i32>} : memref<32768xf32, #tpu.memory_space<vmem>>, vector<16xf32>,
      tpu.vector_store %arg8[%parallel_loop3A_971], %broadcast_in_dim3A_1 {strides = array<i32>} : memref<32768xf32, #tpu.memory_space<vmem>>, vector<16xf32>,
      %parallel_loop3A_973 = arith.constant 8 : i32
      %parallel_loop3A_974 = arith.muli %parallel_loop3A_915, %parallel_loop3A_973 : i32
      %parallel_loop3A_975 = arith.constant 7 : i32
      %parallel_loop3A_976 = arith.addi %parallel_loop3A_974, %parallel_loop3A_975 : i32
      %parallel_loop3A_977 = arith.constant 16 : i32
      %parallel_loop3A_978 = arith.muli %parallel_loop3A_976, %parallel_loop3A_977 : i32
      %parallel_loop3A_979 = arith.index_cast %parallel_loop3A_978 : i32 to index
      %parallel_loop3A_980 = tpu.vector_load %arg8[%parallel_loop3A_979] {strides = array<i32>} : memref<32768xf32, #tpu.memory_space<vmem>>, vector<16xf32>,
      tpu.vector_store %arg8[%parallel_loop3A_979], %broadcast_in_dim3A_1 {strides = array<i32>} : memref<32768xf32, #tpu.memory_space<vmem>>, vector<16xf32>,
      %parallel_loop3A_981 = arith.constant 0 : i32
      scf.yield %parallel_loop3A_981 : i32
    } {sc.loop_unroll_factor = 1 : i64, sc.parallel_access}
    %get3A_207 = arith.constant 0 : index
    %get3A_208 = tpu.vector_load %arg13[%get3A_207] {strides = array<i32>} : memref<64xi32, #tpu.memory_space<vmem>>, vector<16xi32>,
    %get3A_209 = arith.constant 0 : index
    %get3A_210 = tpu.vector_load %arg11[%get3A_209] {strides = array<i32>} : memref<80xf32, #tpu.memory_space<vmem>>, vector<16xf32>,
    tpu.vector_store_idx %arg8[%get3A_208], %get3A_210 : memref<32768xf32, #tpu.memory_space<vmem>>[vector<16xi32>], vector<16xf32>,
    %get3A_211 = arith.constant 16 : index
    %get3A_212 = tpu.vector_load %arg13[%get3A_211] {strides = array<i32>} : memref<64xi32, #tpu.memory_space<vmem>>, vector<16xi32>,
    %get3A_213 = arith.constant 16 : index
    %get3A_214 = tpu.vector_load %arg11[%get3A_213] {strides = array<i32>} : memref<80xf32, #tpu.memory_space<vmem>>, vector<16xf32>,
    tpu.vector_store_idx %arg8[%get3A_212], %get3A_214 : memref<32768xf32, #tpu.memory_space<vmem>>[vector<16xi32>], vector<16xf32>,
    %get3A_215 = arith.constant 32 : index
    %get3A_216 = tpu.vector_load %arg13[%get3A_215] {strides = array<i32>} : memref<64xi32, #tpu.memory_space<vmem>>, vector<16xi32>,
    %get3A_217 = arith.constant 32 : index
    %get3A_218 = tpu.vector_load %arg11[%get3A_217] {strides = array<i32>} : memref<80xf32, #tpu.memory_space<vmem>>, vector<16xf32>,
    tpu.vector_store_idx %arg8[%get3A_216], %get3A_218 : memref<32768xf32, #tpu.memory_space<vmem>>[vector<16xi32>], vector<16xf32>,
    %get3A_219 = arith.constant 48 : index
    %get3A_220 = tpu.vector_load %arg13[%get3A_219] {strides = array<i32>} : memref<64xi32, #tpu.memory_space<vmem>>, vector<16xi32>,
    %get3A_221 = arith.constant 48 : index
    %get3A_222 = tpu.vector_load %arg11[%get3A_221] {strides = array<i32>} : memref<80xf32, #tpu.memory_space<vmem>>, vector<16xf32>,
    tpu.vector_store_idx %arg8[%get3A_220], %get3A_222 : memref<32768xf32, #tpu.memory_space<vmem>>[vector<16xi32>], vector<16xf32>,
    %dma_start3A_223 = arith.constant 0 : i32
    %dma_start3A_224 = tpu.memref_slice %arg6[%add3A, %dma_start3A_223] : memref<32x32768xf32, #tpu.memory_space<hbm>> -> memref<1x32768xf32, #tpu.memory_space<hbm>>
    %dma_start3A_225 = tpu.memref_squeeze %dma_start3A_224 : memref<1x32768xf32, #tpu.memory_space<hbm>> -> memref<32768xf32, #tpu.memory_space<hbm>>
    %dma_start3A_226 = arith.constant 0 : i32
    %dma_start3A_227 = tpu.memref_slice %arg6[%add3A, %dma_start3A_226] : memref<32x32768xf32, #tpu.memory_space<hbm>> -> memref<1x32768xf32, #tpu.memory_space<hbm>>
    %dma_start3A_228 = tpu.memref_squeeze %dma_start3A_227 : memref<1x32768xf32, #tpu.memory_space<hbm>> -> memref<32768xf32, #tpu.memory_space<hbm>>
    tpu.enqueue_dma source(%arg8 : memref<32768xf32, #tpu.memory_space<vmem>>) target(%dma_start3A_228 : memref<32768xf32, #tpu.memory_space<hbm>>) target_semaphore(%arg20 : memref<!tpu.dma_semaphore, #tpu.memory_space<semaphore_mem>>)
    %dma_wait3A = arith.constant 0 : i32
    %dma_wait3A_229 = arith.constant 0 : i32
    %dma_wait3A_230 = tpu.memref_slice %arg4[%dma_wait3A, %dma_wait3A_229] : memref<32768x1024xf32, #tpu.memory_space<hbm>> -> memref<32768x1024xf32, #tpu.memory_space<hbm>>
    tpu.wait_indirect_dma semaphore(%arg19 : memref<!tpu.dma_semaphore, #tpu.memory_space<semaphore_mem>>) src(%dma_wait3A_230 : memref<32768x1024xf32, #tpu.memory_space<hbm>>) dst(%arg14 : memref<64x1024xf32, #tpu.memory_space<vmem>>)
    %get3A_231 = arith.constant 0 : index
    %get3A_232 = tpu.vector_load %arg11[%get3A_231] {strides = array<i32>} : memref<80xf32, #tpu.memory_space<vmem>>, vector<16xf32>,
    %slice3A = vector.extract_strided_slice %get3A_232 {offsets = [0], sizes = [1], strides = [1]} : vector<16xf32> to vector<1xf32>
    %squeeze3A = vector.extract %slice3A[0] : f32 from vector<1xf32>
    %broadcast_in_dim3A_233 = vector.broadcast %squeeze3A : f32 to vector<16xf32>
    %swap3A_234 = arith.constant 0 : index
    %swap3A_235 = tpu.vector_load %arg17[%swap3A_234] {strides = array<i32>} : memref<1024xf32, #tpu.memory_space<vmem>>, vector<16xf32>,
    tpu.vector_store %arg17[%swap3A_234], %broadcast_in_dim3A_233 {strides = array<i32>} : memref<1024xf32, #tpu.memory_space<vmem>>, vector<16xf32>,
    %slice3A_236 = vector.extract_strided_slice %get3A_232 {offsets = [1], sizes = [1], strides = [1]} : vector<16xf32> to vector<1xf32>
    %squeeze3A_237 = vector.extract %slice3A_236[0] : f32 from vector<1xf32>
    %broadcast_in_dim3A_238 = vector.broadcast %squeeze3A_237 : f32 to vector<16xf32>
    %swap3A_239 = arith.constant 16 : index
    %swap3A_240 = tpu.vector_load %arg17[%swap3A_239] {strides = array<i32>} : memref<1024xf32, #tpu.memory_space<vmem>>, vector<16xf32>,
    tpu.vector_store %arg17[%swap3A_239], %broadcast_in_dim3A_238 {strides = array<i32>} : memref<1024xf32, #tpu.memory_space<vmem>>, vector<16xf32>,
    %slice3A_241 = vector.extract_strided_slice %get3A_232 {offsets = [2], sizes = [1], strides = [1]} : vector<16xf32> to vector<1xf32>
    %squeeze3A_242 = vector.extract %slice3A_241[0] : f32 from vector<1xf32>
    %broadcast_in_dim3A_243 = vector.broadcast %squeeze3A_242 : f32 to vector<16xf32>
    %swap3A_244 = arith.constant 32 : index
    %swap3A_245 = tpu.vector_load %arg17[%swap3A_244] {strides = array<i32>} : memref<1024xf32, #tpu.memory_space<vmem>>, vector<16xf32>,
    tpu.vector_store %arg17[%swap3A_244], %broadcast_in_dim3A_243 {strides = array<i32>} : memref<1024xf32, #tpu.memory_space<vmem>>, vector<16xf32>,
    %slice3A_246 = vector.extract_strided_slice %get3A_232 {offsets = [3], sizes = [1], strides = [1]} : vector<16xf32> to vector<1xf32>
    %squeeze3A_247 = vector.extract %slice3A_246[0] : f32 from vector<1xf32>
    %broadcast_in_dim3A_248 = vector.broadcast %squeeze3A_247 : f32 to vector<16xf32>
    %swap3A_249 = arith.constant 48 : index
    %swap3A_250 = tpu.vector_load %arg17[%swap3A_249] {strides = array<i32>} : memref<1024xf32, #tpu.memory_space<vmem>>, vector<16xf32>,
    tpu.vector_store %arg17[%swap3A_249], %broadcast_in_dim3A_248 {strides = array<i32>} : memref<1024xf32, #tpu.memory_space<vmem>>, vector<16xf32>,
    %slice3A_251 = vector.extract_strided_slice %get3A_232 {offsets = [4], sizes = [1], strides = [1]} : vector<16xf32> to vector<1xf32>
    %squeeze3A_252 = vector.extract %slice3A_251[0] : f32 from vector<1xf32>
    %broadcast_in_dim3A_253 = vector.broadcast %squeeze3A_252 : f32 to vector<16xf32>
    %swap3A_254 = arith.constant 64 : index
    %swap3A_255 = tpu.vector_load %arg17[%swap3A_254] {strides = array<i32>} : memref<1024xf32, #tpu.memory_space<vmem>>, vector<16xf32>,
    tpu.vector_store %arg17[%swap3A_254], %broadcast_in_dim3A_253 {strides = array<i32>} : memref<1024xf32, #tpu.memory_space<vmem>>, vector<16xf32>,
    %slice3A_256 = vector.extract_strided_slice %get3A_232 {offsets = [5], sizes = [1], strides = [1]} : vector<16xf32> to vector<1xf32>
    %squeeze3A_257 = vector.extract %slice3A_256[0] : f32 from vector<1xf32>
    %broadcast_in_dim3A_258 = vector.broadcast %squeeze3A_257 : f32 to vector<16xf32>
    %swap3A_259 = arith.constant 80 : index
    %swap3A_260 = tpu.vector_load %arg17[%swap3A_259] {strides = array<i32>} : memref<1024xf32, #tpu.memory_space<vmem>>, vector<16xf32>,
    tpu.vector_store %arg17[%swap3A_259], %broadcast_in_dim3A_258 {strides = array<i32>} : memref<1024xf32, #tpu.memory_space<vmem>>, vector<16xf32>,
    %slice3A_261 = vector.extract_strided_slice %get3A_232 {offsets = [6], sizes = [1], strides = [1]} : vector<16xf32> to vector<1xf32>
    %squeeze3A_262 = vector.extract %slice3A_261[0] : f32 from vector<1xf32>
    %broadcast_in_dim3A_263 = vector.broadcast %squeeze3A_262 : f32 to vector<16xf32>
    %swap3A_264 = arith.constant 96 : index
    %swap3A_265 = tpu.vector_load %arg17[%swap3A_264] {strides = array<i32>} : memref<1024xf32, #tpu.memory_space<vmem>>, vector<16xf32>,
    tpu.vector_store %arg17[%swap3A_264], %broadcast_in_dim3A_263 {strides = array<i32>} : memref<1024xf32, #tpu.memory_space<vmem>>, vector<16xf32>,
    %slice3A_266 = vector.extract_strided_slice %get3A_232 {offsets = [7], sizes = [1], strides = [1]} : vector<16xf32> to vector<1xf32>
    %squeeze3A_267 = vector.extract %slice3A_266[0] : f32 from vector<1xf32>
    %broadcast_in_dim3A_268 = vector.broadcast %squeeze3A_267 : f32 to vector<16xf32>
    %swap3A_269 = arith.constant 112 : index
    %swap3A_270 = tpu.vector_load %arg17[%swap3A_269] {strides = array<i32>} : memref<1024xf32, #tpu.memory_space<vmem>>, vector<16xf32>,
    tpu.vector_store %arg17[%swap3A_269], %broadcast_in_dim3A_268 {strides = array<i32>} : memref<1024xf32, #tpu.memory_space<vmem>>, vector<16xf32>,
    %slice3A_271 = vector.extract_strided_slice %get3A_232 {offsets = [8], sizes = [1], strides = [1]} : vector<16xf32> to vector<1xf32>
    %squeeze3A_272 = vector.extract %slice3A_271[0] : f32 from vector<1xf32>
    %broadcast_in_dim3A_273 = vector.broadcast %squeeze3A_272 : f32 to vector<16xf32>
    %swap3A_274 = arith.constant 128 : index
    %swap3A_275 = tpu.vector_load %arg17[%swap3A_274] {strides = array<i32>} : memref<1024xf32, #tpu.memory_space<vmem>>, vector<16xf32>,
    tpu.vector_store %arg17[%swap3A_274], %broadcast_in_dim3A_273 {strides = array<i32>} : memref<1024xf32, #tpu.memory_space<vmem>>, vector<16xf32>,
    %slice3A_276 = vector.extract_strided_slice %get3A_232 {offsets = [9], sizes = [1], strides = [1]} : vector<16xf32> to vector<1xf32>
    %squeeze3A_277 = vector.extract %slice3A_276[0] : f32 from vector<1xf32>
    %broadcast_in_dim3A_278 = vector.broadcast %squeeze3A_277 : f32 to vector<16xf32>
    %swap3A_279 = arith.constant 144 : index
    %swap3A_280 = tpu.vector_load %arg17[%swap3A_279] {strides = array<i32>} : memref<1024xf32, #tpu.memory_space<vmem>>, vector<16xf32>,
    tpu.vector_store %arg17[%swap3A_279], %broadcast_in_dim3A_278 {strides = array<i32>} : memref<1024xf32, #tpu.memory_space<vmem>>, vector<16xf32>,
    %slice3A_281 = vector.extract_strided_slice %get3A_232 {offsets = [10], sizes = [1], strides = [1]} : vector<16xf32> to vector<1xf32>
    %squeeze3A_282 = vector.extract %slice3A_281[0] : f32 from vector<1xf32>
    %broadcast_in_dim3A_283 = vector.broadcast %squeeze3A_282 : f32 to vector<16xf32>
    %swap3A_284 = arith.constant 160 : index
    %swap3A_285 = tpu.vector_load %arg17[%swap3A_284] {strides = array<i32>} : memref<1024xf32, #tpu.memory_space<vmem>>, vector<16xf32>,
    tpu.vector_store %arg17[%swap3A_284], %broadcast_in_dim3A_283 {strides = array<i32>} : memref<1024xf32, #tpu.memory_space<vmem>>, vector<16xf32>,
    %slice3A_286 = vector.extract_strided_slice %get3A_232 {offsets = [11], sizes = [1], strides = [1]} : vector<16xf32> to vector<1xf32>
    %squeeze3A_287 = vector.extract %slice3A_286[0] : f32 from vector<1xf32>
    %broadcast_in_dim3A_288 = vector.broadcast %squeeze3A_287 : f32 to vector<16xf32>
    %swap3A_289 = arith.constant 176 : index
    %swap3A_290 = tpu.vector_load %arg17[%swap3A_289] {strides = array<i32>} : memref<1024xf32, #tpu.memory_space<vmem>>, vector<16xf32>,
    tpu.vector_store %arg17[%swap3A_289], %broadcast_in_dim3A_288 {strides = array<i32>} : memref<1024xf32, #tpu.memory_space<vmem>>, vector<16xf32>,
    %slice3A_291 = vector.extract_strided_slice %get3A_232 {offsets = [12], sizes = [1], strides = [1]} : vector<16xf32> to vector<1xf32>
    %squeeze3A_292 = vector.extract %slice3A_291[0] : f32 from vector<1xf32>
    %broadcast_in_dim3A_293 = vector.broadcast %squeeze3A_292 : f32 to vector<16xf32>
    %swap3A_294 = arith.constant 192 : index
    %swap3A_295 = tpu.vector_load %arg17[%swap3A_294] {strides = array<i32>} : memref<1024xf32, #tpu.memory_space<vmem>>, vector<16xf32>,
    tpu.vector_store %arg17[%swap3A_294], %broadcast_in_dim3A_293 {strides = array<i32>} : memref<1024xf32, #tpu.memory_space<vmem>>, vector<16xf32>,
    %slice3A_296 = vector.extract_strided_slice %get3A_232 {offsets = [13], sizes = [1], strides = [1]} : vector<16xf32> to vector<1xf32>
    %squeeze3A_297 = vector.extract %slice3A_296[0] : f32 from vector<1xf32>
    %broadcast_in_dim3A_298 = vector.broadcast %squeeze3A_297 : f32 to vector<16xf32>
    %swap3A_299 = arith.constant 208 : index
    %swap3A_300 = tpu.vector_load %arg17[%swap3A_299] {strides = array<i32>} : memref<1024xf32, #tpu.memory_space<vmem>>, vector<16xf32>,
    tpu.vector_store %arg17[%swap3A_299], %broadcast_in_dim3A_298 {strides = array<i32>} : memref<1024xf32, #tpu.memory_space<vmem>>, vector<16xf32>,
    %slice3A_301 = vector.extract_strided_slice %get3A_232 {offsets = [14], sizes = [1], strides = [1]} : vector<16xf32> to vector<1xf32>
    %squeeze3A_302 = vector.extract %slice3A_301[0] : f32 from vector<1xf32>
    %broadcast_in_dim3A_303 = vector.broadcast %squeeze3A_302 : f32 to vector<16xf32>
    %swap3A_304 = arith.constant 224 : index
    %swap3A_305 = tpu.vector_load %arg17[%swap3A_304] {strides = array<i32>} : memref<1024xf32, #tpu.memory_space<vmem>>, vector<16xf32>,
    tpu.vector_store %arg17[%swap3A_304], %broadcast_in_dim3A_303 {strides = array<i32>} : memref<1024xf32, #tpu.memory_space<vmem>>, vector<16xf32>,
    %slice3A_306 = vector.extract_strided_slice %get3A_232 {offsets = [15], sizes = [1], strides = [1]} : vector<16xf32> to vector<1xf32>
    %squeeze3A_307 = vector.extract %slice3A_306[0] : f32 from vector<1xf32>
    %broadcast_in_dim3A_308 = vector.broadcast %squeeze3A_307 : f32 to vector<16xf32>
    %swap3A_309 = arith.constant 240 : index
    %swap3A_310 = tpu.vector_load %arg17[%swap3A_309] {strides = array<i32>} : memref<1024xf32, #tpu.memory_space<vmem>>, vector<16xf32>,
    tpu.vector_store %arg17[%swap3A_309], %broadcast_in_dim3A_308 {strides = array<i32>} : memref<1024xf32, #tpu.memory_space<vmem>>, vector<16xf32>,
    %get3A_311 = arith.constant 16 : index
    %get3A_312 = tpu.vector_load %arg11[%get3A_311] {strides = array<i32>} : memref<80xf32, #tpu.memory_space<vmem>>, vector<16xf32>,
    %slice3A_313 = vector.extract_strided_slice %get3A_312 {offsets = [0], sizes = [1], strides = [1]} : vector<16xf32> to vector<1xf32>
    %squeeze3A_314 = vector.extract %slice3A_313[0] : f32 from vector<1xf32>
    %broadcast_in_dim3A_315 = vector.broadcast %squeeze3A_314 : f32 to vector<16xf32>
    %swap3A_316 = arith.constant 256 : index
    %swap3A_317 = tpu.vector_load %arg17[%swap3A_316] {strides = array<i32>} : memref<1024xf32, #tpu.memory_space<vmem>>, vector<16xf32>,
    tpu.vector_store %arg17[%swap3A_316], %broadcast_in_dim3A_315 {strides = array<i32>} : memref<1024xf32, #tpu.memory_space<vmem>>, vector<16xf32>,
    %slice3A_318 = vector.extract_strided_slice %get3A_312 {offsets = [1], sizes = [1], strides = [1]} : vector<16xf32> to vector<1xf32>
    %squeeze3A_319 = vector.extract %slice3A_318[0] : f32 from vector<1xf32>
    %broadcast_in_dim3A_320 = vector.broadcast %squeeze3A_319 : f32 to vector<16xf32>
    %swap3A_321 = arith.constant 272 : index
    %swap3A_322 = tpu.vector_load %arg17[%swap3A_321] {strides = array<i32>} : memref<1024xf32, #tpu.memory_space<vmem>>, vector<16xf32>,
    tpu.vector_store %arg17[%swap3A_321], %broadcast_in_dim3A_320 {strides = array<i32>} : memref<1024xf32, #tpu.memory_space<vmem>>, vector<16xf32>,
    %slice3A_323 = vector.extract_strided_slice %get3A_312 {offsets = [2], sizes = [1], strides = [1]} : vector<16xf32> to vector<1xf32>
    %squeeze3A_324 = vector.extract %slice3A_323[0] : f32 from vector<1xf32>
    %broadcast_in_dim3A_325 = vector.broadcast %squeeze3A_324 : f32 to vector<16xf32>
    %swap3A_326 = arith.constant 288 : index
    %swap3A_327 = tpu.vector_load %arg17[%swap3A_326] {strides = array<i32>} : memref<1024xf32, #tpu.memory_space<vmem>>, vector<16xf32>,
    tpu.vector_store %arg17[%swap3A_326], %broadcast_in_dim3A_325 {strides = array<i32>} : memref<1024xf32, #tpu.memory_space<vmem>>, vector<16xf32>,
    %slice3A_328 = vector.extract_strided_slice %get3A_312 {offsets = [3], sizes = [1], strides = [1]} : vector<16xf32> to vector<1xf32>
    %squeeze3A_329 = vector.extract %slice3A_328[0] : f32 from vector<1xf32>
    %broadcast_in_dim3A_330 = vector.broadcast %squeeze3A_329 : f32 to vector<16xf32>
    %swap3A_331 = arith.constant 304 : index
    %swap3A_332 = tpu.vector_load %arg17[%swap3A_331] {strides = array<i32>} : memref<1024xf32, #tpu.memory_space<vmem>>, vector<16xf32>,
    tpu.vector_store %arg17[%swap3A_331], %broadcast_in_dim3A_330 {strides = array<i32>} : memref<1024xf32, #tpu.memory_space<vmem>>, vector<16xf32>,
    %slice3A_333 = vector.extract_strided_slice %get3A_312 {offsets = [4], sizes = [1], strides = [1]} : vector<16xf32> to vector<1xf32>
    %squeeze3A_334 = vector.extract %slice3A_333[0] : f32 from vector<1xf32>
    %broadcast_in_dim3A_335 = vector.broadcast %squeeze3A_334 : f32 to vector<16xf32>
    %swap3A_336 = arith.constant 320 : index
    %swap3A_337 = tpu.vector_load %arg17[%swap3A_336] {strides = array<i32>} : memref<1024xf32, #tpu.memory_space<vmem>>, vector<16xf32>,
    tpu.vector_store %arg17[%swap3A_336], %broadcast_in_dim3A_335 {strides = array<i32>} : memref<1024xf32, #tpu.memory_space<vmem>>, vector<16xf32>,
    %slice3A_338 = vector.extract_strided_slice %get3A_312 {offsets = [5], sizes = [1], strides = [1]} : vector<16xf32> to vector<1xf32>
    %squeeze3A_339 = vector.extract %slice3A_338[0] : f32 from vector<1xf32>
    %broadcast_in_dim3A_340 = vector.broadcast %squeeze3A_339 : f32 to vector<16xf32>
    %swap3A_341 = arith.constant 336 : index
    %swap3A_342 = tpu.vector_load %arg17[%swap3A_341] {strides = array<i32>} : memref<1024xf32, #tpu.memory_space<vmem>>, vector<16xf32>,
    tpu.vector_store %arg17[%swap3A_341], %broadcast_in_dim3A_340 {strides = array<i32>} : memref<1024xf32, #tpu.memory_space<vmem>>, vector<16xf32>,
    %slice3A_343 = vector.extract_strided_slice %get3A_312 {offsets = [6], sizes = [1], strides = [1]} : vector<16xf32> to vector<1xf32>
    %squeeze3A_344 = vector.extract %slice3A_343[0] : f32 from vector<1xf32>
    %broadcast_in_dim3A_345 = vector.broadcast %squeeze3A_344 : f32 to vector<16xf32>
    %swap3A_346 = arith.constant 352 : index
    %swap3A_347 = tpu.vector_load %arg17[%swap3A_346] {strides = array<i32>} : memref<1024xf32, #tpu.memory_space<vmem>>, vector<16xf32>,
    tpu.vector_store %arg17[%swap3A_346], %broadcast_in_dim3A_345 {strides = array<i32>} : memref<1024xf32, #tpu.memory_space<vmem>>, vector<16xf32>,
    %slice3A_348 = vector.extract_strided_slice %get3A_312 {offsets = [7], sizes = [1], strides = [1]} : vector<16xf32> to vector<1xf32>
    %squeeze3A_349 = vector.extract %slice3A_348[0] : f32 from vector<1xf32>
    %broadcast_in_dim3A_350 = vector.broadcast %squeeze3A_349 : f32 to vector<16xf32>
    %swap3A_351 = arith.constant 368 : index
    %swap3A_352 = tpu.vector_load %arg17[%swap3A_351] {strides = array<i32>} : memref<1024xf32, #tpu.memory_space<vmem>>, vector<16xf32>,
    tpu.vector_store %arg17[%swap3A_351], %broadcast_in_dim3A_350 {strides = array<i32>} : memref<1024xf32, #tpu.memory_space<vmem>>, vector<16xf32>,
    %slice3A_353 = vector.extract_strided_slice %get3A_312 {offsets = [8], sizes = [1], strides = [1]} : vector<16xf32> to vector<1xf32>
    %squeeze3A_354 = vector.extract %slice3A_353[0] : f32 from vector<1xf32>
    %broadcast_in_dim3A_355 = vector.broadcast %squeeze3A_354 : f32 to vector<16xf32>
    %swap3A_356 = arith.constant 384 : index
    %swap3A_357 = tpu.vector_load %arg17[%swap3A_356] {strides = array<i32>} : memref<1024xf32, #tpu.memory_space<vmem>>, vector<16xf32>,
    tpu.vector_store %arg17[%swap3A_356], %broadcast_in_dim3A_355 {strides = array<i32>} : memref<1024xf32, #tpu.memory_space<vmem>>, vector<16xf32>,
    %slice3A_358 = vector.extract_strided_slice %get3A_312 {offsets = [9], sizes = [1], strides = [1]} : vector<16xf32> to vector<1xf32>
    %squeeze3A_359 = vector.extract %slice3A_358[0] : f32 from vector<1xf32>
    %broadcast_in_dim3A_360 = vector.broadcast %squeeze3A_359 : f32 to vector<16xf32>
    %swap3A_361 = arith.constant 400 : index
    %swap3A_362 = tpu.vector_load %arg17[%swap3A_361] {strides = array<i32>} : memref<1024xf32, #tpu.memory_space<vmem>>, vector<16xf32>,
    tpu.vector_store %arg17[%swap3A_361], %broadcast_in_dim3A_360 {strides = array<i32>} : memref<1024xf32, #tpu.memory_space<vmem>>, vector<16xf32>,
    %slice3A_363 = vector.extract_strided_slice %get3A_312 {offsets = [10], sizes = [1], strides = [1]} : vector<16xf32> to vector<1xf32>
    %squeeze3A_364 = vector.extract %slice3A_363[0] : f32 from vector<1xf32>
    %broadcast_in_dim3A_365 = vector.broadcast %squeeze3A_364 : f32 to vector<16xf32>
    %swap3A_366 = arith.constant 416 : index
    %swap3A_367 = tpu.vector_load %arg17[%swap3A_366] {strides = array<i32>} : memref<1024xf32, #tpu.memory_space<vmem>>, vector<16xf32>,
    tpu.vector_store %arg17[%swap3A_366], %broadcast_in_dim3A_365 {strides = array<i32>} : memref<1024xf32, #tpu.memory_space<vmem>>, vector<16xf32>,
    %slice3A_368 = vector.extract_strided_slice %get3A_312 {offsets = [11], sizes = [1], strides = [1]} : vector<16xf32> to vector<1xf32>
    %squeeze3A_369 = vector.extract %slice3A_368[0] : f32 from vector<1xf32>
    %broadcast_in_dim3A_370 = vector.broadcast %squeeze3A_369 : f32 to vector<16xf32>
    %swap3A_371 = arith.constant 432 : index
    %swap3A_372 = tpu.vector_load %arg17[%swap3A_371] {strides = array<i32>} : memref<1024xf32, #tpu.memory_space<vmem>>, vector<16xf32>,
    tpu.vector_store %arg17[%swap3A_371], %broadcast_in_dim3A_370 {strides = array<i32>} : memref<1024xf32, #tpu.memory_space<vmem>>, vector<16xf32>,
    %slice3A_373 = vector.extract_strided_slice %get3A_312 {offsets = [12], sizes = [1], strides = [1]} : vector<16xf32> to vector<1xf32>
    %squeeze3A_374 = vector.extract %slice3A_373[0] : f32 from vector<1xf32>
    %broadcast_in_dim3A_375 = vector.broadcast %squeeze3A_374 : f32 to vector<16xf32>
    %swap3A_376 = arith.constant 448 : index
    %swap3A_377 = tpu.vector_load %arg17[%swap3A_376] {strides = array<i32>} : memref<1024xf32, #tpu.memory_space<vmem>>, vector<16xf32>,
    tpu.vector_store %arg17[%swap3A_376], %broadcast_in_dim3A_375 {strides = array<i32>} : memref<1024xf32, #tpu.memory_space<vmem>>, vector<16xf32>,
    %slice3A_378 = vector.extract_strided_slice %get3A_312 {offsets = [13], sizes = [1], strides = [1]} : vector<16xf32> to vector<1xf32>
    %squeeze3A_379 = vector.extract %slice3A_378[0] : f32 from vector<1xf32>
    %broadcast_in_dim3A_380 = vector.broadcast %squeeze3A_379 : f32 to vector<16xf32>
    %swap3A_381 = arith.constant 464 : index
    %swap3A_382 = tpu.vector_load %arg17[%swap3A_381] {strides = array<i32>} : memref<1024xf32, #tpu.memory_space<vmem>>, vector<16xf32>,
    tpu.vector_store %arg17[%swap3A_381], %broadcast_in_dim3A_380 {strides = array<i32>} : memref<1024xf32, #tpu.memory_space<vmem>>, vector<16xf32>,
    %slice3A_383 = vector.extract_strided_slice %get3A_312 {offsets = [14], sizes = [1], strides = [1]} : vector<16xf32> to vector<1xf32>
    %squeeze3A_384 = vector.extract %slice3A_383[0] : f32 from vector<1xf32>
    %broadcast_in_dim3A_385 = vector.broadcast %squeeze3A_384 : f32 to vector<16xf32>
    %swap3A_386 = arith.constant 480 : index
    %swap3A_387 = tpu.vector_load %arg17[%swap3A_386] {strides = array<i32>} : memref<1024xf32, #tpu.memory_space<vmem>>, vector<16xf32>,
    tpu.vector_store %arg17[%swap3A_386], %broadcast_in_dim3A_385 {strides = array<i32>} : memref<1024xf32, #tpu.memory_space<vmem>>, vector<16xf32>,
    %slice3A_388 = vector.extract_strided_slice %get3A_312 {offsets = [15], sizes = [1], strides = [1]} : vector<16xf32> to vector<1xf32>
    %squeeze3A_389 = vector.extract %slice3A_388[0] : f32 from vector<1xf32>
    %broadcast_in_dim3A_390 = vector.broadcast %squeeze3A_389 : f32 to vector<16xf32>
    %swap3A_391 = arith.constant 496 : index
    %swap3A_392 = tpu.vector_load %arg17[%swap3A_391] {strides = array<i32>} : memref<1024xf32, #tpu.memory_space<vmem>>, vector<16xf32>,
    tpu.vector_store %arg17[%swap3A_391], %broadcast_in_dim3A_390 {strides = array<i32>} : memref<1024xf32, #tpu.memory_space<vmem>>, vector<16xf32>,
    %get3A_393 = arith.constant 32 : index
    %get3A_394 = tpu.vector_load %arg11[%get3A_393] {strides = array<i32>} : memref<80xf32, #tpu.memory_space<vmem>>, vector<16xf32>,
    %slice3A_395 = vector.extract_strided_slice %get3A_394 {offsets = [0], sizes = [1], strides = [1]} : vector<16xf32> to vector<1xf32>
    %squeeze3A_396 = vector.extract %slice3A_395[0] : f32 from vector<1xf32>
    %broadcast_in_dim3A_397 = vector.broadcast %squeeze3A_396 : f32 to vector<16xf32>
    %swap3A_398 = arith.constant 512 : index
    %swap3A_399 = tpu.vector_load %arg17[%swap3A_398] {strides = array<i32>} : memref<1024xf32, #tpu.memory_space<vmem>>, vector<16xf32>,
    tpu.vector_store %arg17[%swap3A_398], %broadcast_in_dim3A_397 {strides = array<i32>} : memref<1024xf32, #tpu.memory_space<vmem>>, vector<16xf32>,
    %slice3A_400 = vector.extract_strided_slice %get3A_394 {offsets = [1], sizes = [1], strides = [1]} : vector<16xf32> to vector<1xf32>
    %squeeze3A_401 = vector.extract %slice3A_400[0] : f32 from vector<1xf32>
    %broadcast_in_dim3A_402 = vector.broadcast %squeeze3A_401 : f32 to vector<16xf32>
    %swap3A_403 = arith.constant 528 : index
    %swap3A_404 = tpu.vector_load %arg17[%swap3A_403] {strides = array<i32>} : memref<1024xf32, #tpu.memory_space<vmem>>, vector<16xf32>,
    tpu.vector_store %arg17[%swap3A_403], %broadcast_in_dim3A_402 {strides = array<i32>} : memref<1024xf32, #tpu.memory_space<vmem>>, vector<16xf32>,
    %slice3A_405 = vector.extract_strided_slice %get3A_394 {offsets = [2], sizes = [1], strides = [1]} : vector<16xf32> to vector<1xf32>
    %squeeze3A_406 = vector.extract %slice3A_405[0] : f32 from vector<1xf32>
    %broadcast_in_dim3A_407 = vector.broadcast %squeeze3A_406 : f32 to vector<16xf32>
    %swap3A_408 = arith.constant 544 : index
    %swap3A_409 = tpu.vector_load %arg17[%swap3A_408] {strides = array<i32>} : memref<1024xf32, #tpu.memory_space<vmem>>, vector<16xf32>,
    tpu.vector_store %arg17[%swap3A_408], %broadcast_in_dim3A_407 {strides = array<i32>} : memref<1024xf32, #tpu.memory_space<vmem>>, vector<16xf32>,
    %slice3A_410 = vector.extract_strided_slice %get3A_394 {offsets = [3], sizes = [1], strides = [1]} : vector<16xf32> to vector<1xf32>
    %squeeze3A_411 = vector.extract %slice3A_410[0] : f32 from vector<1xf32>
    %broadcast_in_dim3A_412 = vector.broadcast %squeeze3A_411 : f32 to vector<16xf32>
    %swap3A_413 = arith.constant 560 : index
    %swap3A_414 = tpu.vector_load %arg17[%swap3A_413] {strides = array<i32>} : memref<1024xf32, #tpu.memory_space<vmem>>, vector<16xf32>,
    tpu.vector_store %arg17[%swap3A_413], %broadcast_in_dim3A_412 {strides = array<i32>} : memref<1024xf32, #tpu.memory_space<vmem>>, vector<16xf32>,
    %slice3A_415 = vector.extract_strided_slice %get3A_394 {offsets = [4], sizes = [1], strides = [1]} : vector<16xf32> to vector<1xf32>
    %squeeze3A_416 = vector.extract %slice3A_415[0] : f32 from vector<1xf32>
    %broadcast_in_dim3A_417 = vector.broadcast %squeeze3A_416 : f32 to vector<16xf32>
    %swap3A_418 = arith.constant 576 : index
    %swap3A_419 = tpu.vector_load %arg17[%swap3A_418] {strides = array<i32>} : memref<1024xf32, #tpu.memory_space<vmem>>, vector<16xf32>,
    tpu.vector_store %arg17[%swap3A_418], %broadcast_in_dim3A_417 {strides = array<i32>} : memref<1024xf32, #tpu.memory_space<vmem>>, vector<16xf32>,
    %slice3A_420 = vector.extract_strided_slice %get3A_394 {offsets = [5], sizes = [1], strides = [1]} : vector<16xf32> to vector<1xf32>
    %squeeze3A_421 = vector.extract %slice3A_420[0] : f32 from vector<1xf32>
    %broadcast_in_dim3A_422 = vector.broadcast %squeeze3A_421 : f32 to vector<16xf32>
    %swap3A_423 = arith.constant 592 : index
    %swap3A_424 = tpu.vector_load %arg17[%swap3A_423] {strides = array<i32>} : memref<1024xf32, #tpu.memory_space<vmem>>, vector<16xf32>,
    tpu.vector_store %arg17[%swap3A_423], %broadcast_in_dim3A_422 {strides = array<i32>} : memref<1024xf32, #tpu.memory_space<vmem>>, vector<16xf32>,
    %slice3A_425 = vector.extract_strided_slice %get3A_394 {offsets = [6], sizes = [1], strides = [1]} : vector<16xf32> to vector<1xf32>
    %squeeze3A_426 = vector.extract %slice3A_425[0] : f32 from vector<1xf32>
    %broadcast_in_dim3A_427 = vector.broadcast %squeeze3A_426 : f32 to vector<16xf32>
    %swap3A_428 = arith.constant 608 : index
    %swap3A_429 = tpu.vector_load %arg17[%swap3A_428] {strides = array<i32>} : memref<1024xf32, #tpu.memory_space<vmem>>, vector<16xf32>,
    tpu.vector_store %arg17[%swap3A_428], %broadcast_in_dim3A_427 {strides = array<i32>} : memref<1024xf32, #tpu.memory_space<vmem>>, vector<16xf32>,
    %slice3A_430 = vector.extract_strided_slice %get3A_394 {offsets = [7], sizes = [1], strides = [1]} : vector<16xf32> to vector<1xf32>
    %squeeze3A_431 = vector.extract %slice3A_430[0] : f32 from vector<1xf32>
    %broadcast_in_dim3A_432 = vector.broadcast %squeeze3A_431 : f32 to vector<16xf32>
    %swap3A_433 = arith.constant 624 : index
    %swap3A_434 = tpu.vector_load %arg17[%swap3A_433] {strides = array<i32>} : memref<1024xf32, #tpu.memory_space<vmem>>, vector<16xf32>,
    tpu.vector_store %arg17[%swap3A_433], %broadcast_in_dim3A_432 {strides = array<i32>} : memref<1024xf32, #tpu.memory_space<vmem>>, vector<16xf32>,
    %slice3A_435 = vector.extract_strided_slice %get3A_394 {offsets = [8], sizes = [1], strides = [1]} : vector<16xf32> to vector<1xf32>
    %squeeze3A_436 = vector.extract %slice3A_435[0] : f32 from vector<1xf32>
    %broadcast_in_dim3A_437 = vector.broadcast %squeeze3A_436 : f32 to vector<16xf32>
    %swap3A_438 = arith.constant 640 : index
    %swap3A_439 = tpu.vector_load %arg17[%swap3A_438] {strides = array<i32>} : memref<1024xf32, #tpu.memory_space<vmem>>, vector<16xf32>,
    tpu.vector_store %arg17[%swap3A_438], %broadcast_in_dim3A_437 {strides = array<i32>} : memref<1024xf32, #tpu.memory_space<vmem>>, vector<16xf32>,
    %slice3A_440 = vector.extract_strided_slice %get3A_394 {offsets = [9], sizes = [1], strides = [1]} : vector<16xf32> to vector<1xf32>
    %squeeze3A_441 = vector.extract %slice3A_440[0] : f32 from vector<1xf32>
    %broadcast_in_dim3A_442 = vector.broadcast %squeeze3A_441 : f32 to vector<16xf32>
    %swap3A_443 = arith.constant 656 : index
    %swap3A_444 = tpu.vector_load %arg17[%swap3A_443] {strides = array<i32>} : memref<1024xf32, #tpu.memory_space<vmem>>, vector<16xf32>,
    tpu.vector_store %arg17[%swap3A_443], %broadcast_in_dim3A_442 {strides = array<i32>} : memref<1024xf32, #tpu.memory_space<vmem>>, vector<16xf32>,
    %slice3A_445 = vector.extract_strided_slice %get3A_394 {offsets = [10], sizes = [1], strides = [1]} : vector<16xf32> to vector<1xf32>
    %squeeze3A_446 = vector.extract %slice3A_445[0] : f32 from vector<1xf32>
    %broadcast_in_dim3A_447 = vector.broadcast %squeeze3A_446 : f32 to vector<16xf32>
    %swap3A_448 = arith.constant 672 : index
    %swap3A_449 = tpu.vector_load %arg17[%swap3A_448] {strides = array<i32>} : memref<1024xf32, #tpu.memory_space<vmem>>, vector<16xf32>,
    tpu.vector_store %arg17[%swap3A_448], %broadcast_in_dim3A_447 {strides = array<i32>} : memref<1024xf32, #tpu.memory_space<vmem>>, vector<16xf32>,
    %slice3A_450 = vector.extract_strided_slice %get3A_394 {offsets = [11], sizes = [1], strides = [1]} : vector<16xf32> to vector<1xf32>
    %squeeze3A_451 = vector.extract %slice3A_450[0] : f32 from vector<1xf32>
    %broadcast_in_dim3A_452 = vector.broadcast %squeeze3A_451 : f32 to vector<16xf32>
    %swap3A_453 = arith.constant 688 : index
    %swap3A_454 = tpu.vector_load %arg17[%swap3A_453] {strides = array<i32>} : memref<1024xf32, #tpu.memory_space<vmem>>, vector<16xf32>,
    tpu.vector_store %arg17[%swap3A_453], %broadcast_in_dim3A_452 {strides = array<i32>} : memref<1024xf32, #tpu.memory_space<vmem>>, vector<16xf32>,
    %slice3A_455 = vector.extract_strided_slice %get3A_394 {offsets = [12], sizes = [1], strides = [1]} : vector<16xf32> to vector<1xf32>
    %squeeze3A_456 = vector.extract %slice3A_455[0] : f32 from vector<1xf32>
    %broadcast_in_dim3A_457 = vector.broadcast %squeeze3A_456 : f32 to vector<16xf32>
    %swap3A_458 = arith.constant 704 : index
    %swap3A_459 = tpu.vector_load %arg17[%swap3A_458] {strides = array<i32>} : memref<1024xf32, #tpu.memory_space<vmem>>, vector<16xf32>,
    tpu.vector_store %arg17[%swap3A_458], %broadcast_in_dim3A_457 {strides = array<i32>} : memref<1024xf32, #tpu.memory_space<vmem>>, vector<16xf32>,
    %slice3A_460 = vector.extract_strided_slice %get3A_394 {offsets = [13], sizes = [1], strides = [1]} : vector<16xf32> to vector<1xf32>
    %squeeze3A_461 = vector.extract %slice3A_460[0] : f32 from vector<1xf32>
    %broadcast_in_dim3A_462 = vector.broadcast %squeeze3A_461 : f32 to vector<16xf32>
    %swap3A_463 = arith.constant 720 : index
    %swap3A_464 = tpu.vector_load %arg17[%swap3A_463] {strides = array<i32>} : memref<1024xf32, #tpu.memory_space<vmem>>, vector<16xf32>,
    tpu.vector_store %arg17[%swap3A_463], %broadcast_in_dim3A_462 {strides = array<i32>} : memref<1024xf32, #tpu.memory_space<vmem>>, vector<16xf32>,
    %slice3A_465 = vector.extract_strided_slice %get3A_394 {offsets = [14], sizes = [1], strides = [1]} : vector<16xf32> to vector<1xf32>
    %squeeze3A_466 = vector.extract %slice3A_465[0] : f32 from vector<1xf32>
    %broadcast_in_dim3A_467 = vector.broadcast %squeeze3A_466 : f32 to vector<16xf32>
    %swap3A_468 = arith.constant 736 : index
    %swap3A_469 = tpu.vector_load %arg17[%swap3A_468] {strides = array<i32>} : memref<1024xf32, #tpu.memory_space<vmem>>, vector<16xf32>,
    tpu.vector_store %arg17[%swap3A_468], %broadcast_in_dim3A_467 {strides = array<i32>} : memref<1024xf32, #tpu.memory_space<vmem>>, vector<16xf32>,
    %slice3A_470 = vector.extract_strided_slice %get3A_394 {offsets = [15], sizes = [1], strides = [1]} : vector<16xf32> to vector<1xf32>
    %squeeze3A_471 = vector.extract %slice3A_470[0] : f32 from vector<1xf32>
    %broadcast_in_dim3A_472 = vector.broadcast %squeeze3A_471 : f32 to vector<16xf32>
    %swap3A_473 = arith.constant 752 : index
    %swap3A_474 = tpu.vector_load %arg17[%swap3A_473] {strides = array<i32>} : memref<1024xf32, #tpu.memory_space<vmem>>, vector<16xf32>,
    tpu.vector_store %arg17[%swap3A_473], %broadcast_in_dim3A_472 {strides = array<i32>} : memref<1024xf32, #tpu.memory_space<vmem>>, vector<16xf32>,
    %get3A_475 = arith.constant 48 : index
    %get3A_476 = tpu.vector_load %arg11[%get3A_475] {strides = array<i32>} : memref<80xf32, #tpu.memory_space<vmem>>, vector<16xf32>,
    %slice3A_477 = vector.extract_strided_slice %get3A_476 {offsets = [0], sizes = [1], strides = [1]} : vector<16xf32> to vector<1xf32>
    %squeeze3A_478 = vector.extract %slice3A_477[0] : f32 from vector<1xf32>
    %broadcast_in_dim3A_479 = vector.broadcast %squeeze3A_478 : f32 to vector<16xf32>
    %swap3A_480 = arith.constant 768 : index
    %swap3A_481 = tpu.vector_load %arg17[%swap3A_480] {strides = array<i32>} : memref<1024xf32, #tpu.memory_space<vmem>>, vector<16xf32>,
    tpu.vector_store %arg17[%swap3A_480], %broadcast_in_dim3A_479 {strides = array<i32>} : memref<1024xf32, #tpu.memory_space<vmem>>, vector<16xf32>,
    %slice3A_482 = vector.extract_strided_slice %get3A_476 {offsets = [1], sizes = [1], strides = [1]} : vector<16xf32> to vector<1xf32>
    %squeeze3A_483 = vector.extract %slice3A_482[0] : f32 from vector<1xf32>
    %broadcast_in_dim3A_484 = vector.broadcast %squeeze3A_483 : f32 to vector<16xf32>
    %swap3A_485 = arith.constant 784 : index
    %swap3A_486 = tpu.vector_load %arg17[%swap3A_485] {strides = array<i32>} : memref<1024xf32, #tpu.memory_space<vmem>>, vector<16xf32>,
    tpu.vector_store %arg17[%swap3A_485], %broadcast_in_dim3A_484 {strides = array<i32>} : memref<1024xf32, #tpu.memory_space<vmem>>, vector<16xf32>,
    %slice3A_487 = vector.extract_strided_slice %get3A_476 {offsets = [2], sizes = [1], strides = [1]} : vector<16xf32> to vector<1xf32>
    %squeeze3A_488 = vector.extract %slice3A_487[0] : f32 from vector<1xf32>
    %broadcast_in_dim3A_489 = vector.broadcast %squeeze3A_488 : f32 to vector<16xf32>
    %swap3A_490 = arith.constant 800 : index
    %swap3A_491 = tpu.vector_load %arg17[%swap3A_490] {strides = array<i32>} : memref<1024xf32, #tpu.memory_space<vmem>>, vector<16xf32>,
    tpu.vector_store %arg17[%swap3A_490], %broadcast_in_dim3A_489 {strides = array<i32>} : memref<1024xf32, #tpu.memory_space<vmem>>, vector<16xf32>,
    %slice3A_492 = vector.extract_strided_slice %get3A_476 {offsets = [3], sizes = [1], strides = [1]} : vector<16xf32> to vector<1xf32>
    %squeeze3A_493 = vector.extract %slice3A_492[0] : f32 from vector<1xf32>
    %broadcast_in_dim3A_494 = vector.broadcast %squeeze3A_493 : f32 to vector<16xf32>
    %swap3A_495 = arith.constant 816 : index
    %swap3A_496 = tpu.vector_load %arg17[%swap3A_495] {strides = array<i32>} : memref<1024xf32, #tpu.memory_space<vmem>>, vector<16xf32>,
    tpu.vector_store %arg17[%swap3A_495], %broadcast_in_dim3A_494 {strides = array<i32>} : memref<1024xf32, #tpu.memory_space<vmem>>, vector<16xf32>,
    %slice3A_497 = vector.extract_strided_slice %get3A_476 {offsets = [4], sizes = [1], strides = [1]} : vector<16xf32> to vector<1xf32>
    %squeeze3A_498 = vector.extract %slice3A_497[0] : f32 from vector<1xf32>
    %broadcast_in_dim3A_499 = vector.broadcast %squeeze3A_498 : f32 to vector<16xf32>
    %swap3A_500 = arith.constant 832 : index
    %swap3A_501 = tpu.vector_load %arg17[%swap3A_500] {strides = array<i32>} : memref<1024xf32, #tpu.memory_space<vmem>>, vector<16xf32>,
    tpu.vector_store %arg17[%swap3A_500], %broadcast_in_dim3A_499 {strides = array<i32>} : memref<1024xf32, #tpu.memory_space<vmem>>, vector<16xf32>,
    %slice3A_502 = vector.extract_strided_slice %get3A_476 {offsets = [5], sizes = [1], strides = [1]} : vector<16xf32> to vector<1xf32>
    %squeeze3A_503 = vector.extract %slice3A_502[0] : f32 from vector<1xf32>
    %broadcast_in_dim3A_504 = vector.broadcast %squeeze3A_503 : f32 to vector<16xf32>
    %swap3A_505 = arith.constant 848 : index
    %swap3A_506 = tpu.vector_load %arg17[%swap3A_505] {strides = array<i32>} : memref<1024xf32, #tpu.memory_space<vmem>>, vector<16xf32>,
    tpu.vector_store %arg17[%swap3A_505], %broadcast_in_dim3A_504 {strides = array<i32>} : memref<1024xf32, #tpu.memory_space<vmem>>, vector<16xf32>,
    %slice3A_507 = vector.extract_strided_slice %get3A_476 {offsets = [6], sizes = [1], strides = [1]} : vector<16xf32> to vector<1xf32>
    %squeeze3A_508 = vector.extract %slice3A_507[0] : f32 from vector<1xf32>
    %broadcast_in_dim3A_509 = vector.broadcast %squeeze3A_508 : f32 to vector<16xf32>
    %swap3A_510 = arith.constant 864 : index
    %swap3A_511 = tpu.vector_load %arg17[%swap3A_510] {strides = array<i32>} : memref<1024xf32, #tpu.memory_space<vmem>>, vector<16xf32>,
    tpu.vector_store %arg17[%swap3A_510], %broadcast_in_dim3A_509 {strides = array<i32>} : memref<1024xf32, #tpu.memory_space<vmem>>, vector<16xf32>,
    %slice3A_512 = vector.extract_strided_slice %get3A_476 {offsets = [7], sizes = [1], strides = [1]} : vector<16xf32> to vector<1xf32>
    %squeeze3A_513 = vector.extract %slice3A_512[0] : f32 from vector<1xf32>
    %broadcast_in_dim3A_514 = vector.broadcast %squeeze3A_513 : f32 to vector<16xf32>
    %swap3A_515 = arith.constant 880 : index
    %swap3A_516 = tpu.vector_load %arg17[%swap3A_515] {strides = array<i32>} : memref<1024xf32, #tpu.memory_space<vmem>>, vector<16xf32>,
    tpu.vector_store %arg17[%swap3A_515], %broadcast_in_dim3A_514 {strides = array<i32>} : memref<1024xf32, #tpu.memory_space<vmem>>, vector<16xf32>,
    %slice3A_517 = vector.extract_strided_slice %get3A_476 {offsets = [8], sizes = [1], strides = [1]} : vector<16xf32> to vector<1xf32>
    %squeeze3A_518 = vector.extract %slice3A_517[0] : f32 from vector<1xf32>
    %broadcast_in_dim3A_519 = vector.broadcast %squeeze3A_518 : f32 to vector<16xf32>
    %swap3A_520 = arith.constant 896 : index
    %swap3A_521 = tpu.vector_load %arg17[%swap3A_520] {strides = array<i32>} : memref<1024xf32, #tpu.memory_space<vmem>>, vector<16xf32>,
    tpu.vector_store %arg17[%swap3A_520], %broadcast_in_dim3A_519 {strides = array<i32>} : memref<1024xf32, #tpu.memory_space<vmem>>, vector<16xf32>,
    %slice3A_522 = vector.extract_strided_slice %get3A_476 {offsets = [9], sizes = [1], strides = [1]} : vector<16xf32> to vector<1xf32>
    %squeeze3A_523 = vector.extract %slice3A_522[0] : f32 from vector<1xf32>
    %broadcast_in_dim3A_524 = vector.broadcast %squeeze3A_523 : f32 to vector<16xf32>
    %swap3A_525 = arith.constant 912 : index
    %swap3A_526 = tpu.vector_load %arg17[%swap3A_525] {strides = array<i32>} : memref<1024xf32, #tpu.memory_space<vmem>>, vector<16xf32>,
    tpu.vector_store %arg17[%swap3A_525], %broadcast_in_dim3A_524 {strides = array<i32>} : memref<1024xf32, #tpu.memory_space<vmem>>, vector<16xf32>,
    %slice3A_527 = vector.extract_strided_slice %get3A_476 {offsets = [10], sizes = [1], strides = [1]} : vector<16xf32> to vector<1xf32>
    %squeeze3A_528 = vector.extract %slice3A_527[0] : f32 from vector<1xf32>
    %broadcast_in_dim3A_529 = vector.broadcast %squeeze3A_528 : f32 to vector<16xf32>
    %swap3A_530 = arith.constant 928 : index
    %swap3A_531 = tpu.vector_load %arg17[%swap3A_530] {strides = array<i32>} : memref<1024xf32, #tpu.memory_space<vmem>>, vector<16xf32>,
    tpu.vector_store %arg17[%swap3A_530], %broadcast_in_dim3A_529 {strides = array<i32>} : memref<1024xf32, #tpu.memory_space<vmem>>, vector<16xf32>,
    %slice3A_532 = vector.extract_strided_slice %get3A_476 {offsets = [11], sizes = [1], strides = [1]} : vector<16xf32> to vector<1xf32>
    %squeeze3A_533 = vector.extract %slice3A_532[0] : f32 from vector<1xf32>
    %broadcast_in_dim3A_534 = vector.broadcast %squeeze3A_533 : f32 to vector<16xf32>
    %swap3A_535 = arith.constant 944 : index
    %swap3A_536 = tpu.vector_load %arg17[%swap3A_535] {strides = array<i32>} : memref<1024xf32, #tpu.memory_space<vmem>>, vector<16xf32>,
    tpu.vector_store %arg17[%swap3A_535], %broadcast_in_dim3A_534 {strides = array<i32>} : memref<1024xf32, #tpu.memory_space<vmem>>, vector<16xf32>,
    %slice3A_537 = vector.extract_strided_slice %get3A_476 {offsets = [12], sizes = [1], strides = [1]} : vector<16xf32> to vector<1xf32>
    %squeeze3A_538 = vector.extract %slice3A_537[0] : f32 from vector<1xf32>
    %broadcast_in_dim3A_539 = vector.broadcast %squeeze3A_538 : f32 to vector<16xf32>
    %swap3A_540 = arith.constant 960 : index
    %swap3A_541 = tpu.vector_load %arg17[%swap3A_540] {strides = array<i32>} : memref<1024xf32, #tpu.memory_space<vmem>>, vector<16xf32>,
    tpu.vector_store %arg17[%swap3A_540], %broadcast_in_dim3A_539 {strides = array<i32>} : memref<1024xf32, #tpu.memory_space<vmem>>, vector<16xf32>,
    %slice3A_542 = vector.extract_strided_slice %get3A_476 {offsets = [13], sizes = [1], strides = [1]} : vector<16xf32> to vector<1xf32>
    %squeeze3A_543 = vector.extract %slice3A_542[0] : f32 from vector<1xf32>
    %broadcast_in_dim3A_544 = vector.broadcast %squeeze3A_543 : f32 to vector<16xf32>
    %swap3A_545 = arith.constant 976 : index
    %swap3A_546 = tpu.vector_load %arg17[%swap3A_545] {strides = array<i32>} : memref<1024xf32, #tpu.memory_space<vmem>>, vector<16xf32>,
    tpu.vector_store %arg17[%swap3A_545], %broadcast_in_dim3A_544 {strides = array<i32>} : memref<1024xf32, #tpu.memory_space<vmem>>, vector<16xf32>,
    %slice3A_547 = vector.extract_strided_slice %get3A_476 {offsets = [14], sizes = [1], strides = [1]} : vector<16xf32> to vector<1xf32>
    %squeeze3A_548 = vector.extract %slice3A_547[0] : f32 from vector<1xf32>
    %broadcast_in_dim3A_549 = vector.broadcast %squeeze3A_548 : f32 to vector<16xf32>
    %swap3A_550 = arith.constant 992 : index
    %swap3A_551 = tpu.vector_load %arg17[%swap3A_550] {strides = array<i32>} : memref<1024xf32, #tpu.memory_space<vmem>>, vector<16xf32>,
    tpu.vector_store %arg17[%swap3A_550], %broadcast_in_dim3A_549 {strides = array<i32>} : memref<1024xf32, #tpu.memory_space<vmem>>, vector<16xf32>,
    %slice3A_552 = vector.extract_strided_slice %get3A_476 {offsets = [15], sizes = [1], strides = [1]} : vector<16xf32> to vector<1xf32>
    %squeeze3A_553 = vector.extract %slice3A_552[0] : f32 from vector<1xf32>
    %broadcast_in_dim3A_554 = vector.broadcast %squeeze3A_553 : f32 to vector<16xf32>
    %swap3A_555 = arith.constant 1008 : index
    %swap3A_556 = tpu.vector_load %arg17[%swap3A_555] {strides = array<i32>} : memref<1024xf32, #tpu.memory_space<vmem>>, vector<16xf32>,
    tpu.vector_store %arg17[%swap3A_555], %broadcast_in_dim3A_554 {strides = array<i32>} : memref<1024xf32, #tpu.memory_space<vmem>>, vector<16xf32>,
    %parallel_loop3A_557 = arith.constant 0 : i32
    %parallel_loop3A_558 = arith.constant 32 : i32
    %parallel_loop3A_559 = arith.constant 1 : i32
    %parallel_loop3A_560:8 = scf.for %parallel_loop3A_915 = %parallel_loop3A_557 to %parallel_loop3A_558 step %parallel_loop3A_559 iter_args(%parallel_loop3A_916 = %broadcast_in_dim3A_1, %parallel_loop3A_917 = %broadcast_in_dim3A_1, %parallel_loop3A_918 = %broadcast_in_dim3A_1, %parallel_loop3A_919 = %broadcast_in_dim3A_1, %parallel_loop3A_920 = %broadcast_in_dim3A_1, %parallel_loop3A_921 = %broadcast_in_dim3A_1, %parallel_loop3A_922 = %broadcast_in_dim3A_1, %parallel_loop3A_923 = %broadcast_in_dim3A_1) -> (vector<16xf32>, vector<16xf32>, vector<16xf32>, vector<16xf32>, vector<16xf32>, vector<16xf32>, vector<16xf32>, vector<16xf32>)  : i32 {
      %parallel_loop3A_924 = arith.constant 2 : i32
      %parallel_loop3A_925 = arith.muli %parallel_loop3A_915, %parallel_loop3A_924 : i32
      %parallel_loop3A_926 = arith.constant 0 : i32
      %parallel_loop3A_927 = arith.addi %parallel_loop3A_925, %parallel_loop3A_926 : i32
      %parallel_loop3A_928 = arith.constant 16 : i32
      %parallel_loop3A_929 = arith.muli %parallel_loop3A_927, %parallel_loop3A_928 : i32
      %parallel_loop3A_930 = arith.index_cast %parallel_loop3A_929 : i32 to index
      %parallel_loop3A_931 = tpu.vector_load %arg17[%parallel_loop3A_930] {strides = array<i32>} : memref<1024xf32, #tpu.memory_space<vmem>>, vector<16xf32>,
      %parallel_loop3A_932 = arith.index_cast %parallel_loop3A_927 : i32 to index
      %parallel_loop3A_933 = arith.constant 0 : index
      %parallel_loop3A_934 = tpu.vector_load %arg14[%parallel_loop3A_932, %parallel_loop3A_933] {strides = array<i32>} : memref<64x1024xf32, #tpu.memory_space<vmem>>, vector<16xf32>,
      %parallel_loop3A_935 = arith.index_cast %parallel_loop3A_927 : i32 to index
      %parallel_loop3A_936 = arith.constant 16 : index
      %parallel_loop3A_937 = tpu.vector_load %arg14[%parallel_loop3A_935, %parallel_loop3A_936] {strides = array<i32>} : memref<64x1024xf32, #tpu.memory_space<vmem>>, vector<16xf32>,
      %parallel_loop3A_938 = arith.index_cast %parallel_loop3A_927 : i32 to index
      %parallel_loop3A_939 = arith.constant 32 : index
      %parallel_loop3A_940 = tpu.vector_load %arg14[%parallel_loop3A_938, %parallel_loop3A_939] {strides = array<i32>} : memref<64x1024xf32, #tpu.memory_space<vmem>>, vector<16xf32>,
      %parallel_loop3A_941 = arith.index_cast %parallel_loop3A_927 : i32 to index
      %parallel_loop3A_942 = arith.constant 48 : index
      %parallel_loop3A_943 = tpu.vector_load %arg14[%parallel_loop3A_941, %parallel_loop3A_942] {strides = array<i32>} : memref<64x1024xf32, #tpu.memory_space<vmem>>, vector<16xf32>,
      %parallel_loop3A_944 = arith.index_cast %parallel_loop3A_927 : i32 to index
      %parallel_loop3A_945 = arith.constant 64 : index
      %parallel_loop3A_946 = tpu.vector_load %arg14[%parallel_loop3A_944, %parallel_loop3A_945] {strides = array<i32>} : memref<64x1024xf32, #tpu.memory_space<vmem>>, vector<16xf32>,
      %parallel_loop3A_947 = arith.index_cast %parallel_loop3A_927 : i32 to index
      %parallel_loop3A_948 = arith.constant 80 : index
      %parallel_loop3A_949 = tpu.vector_load %arg14[%parallel_loop3A_947, %parallel_loop3A_948] {strides = array<i32>} : memref<64x1024xf32, #tpu.memory_space<vmem>>, vector<16xf32>,
      %parallel_loop3A_950 = arith.index_cast %parallel_loop3A_927 : i32 to index
      %parallel_loop3A_951 = arith.constant 96 : index
      %parallel_loop3A_952 = tpu.vector_load %arg14[%parallel_loop3A_950, %parallel_loop3A_951] {strides = array<i32>} : memref<64x1024xf32, #tpu.memory_space<vmem>>, vector<16xf32>,
      %parallel_loop3A_953 = arith.index_cast %parallel_loop3A_927 : i32 to index
      %parallel_loop3A_954 = arith.constant 112 : index
      %parallel_loop3A_955 = tpu.vector_load %arg14[%parallel_loop3A_953, %parallel_loop3A_954] {strides = array<i32>} : memref<64x1024xf32, #tpu.memory_space<vmem>>, vector<16xf32>,
      %parallel_loop3A_956 = arith.mulf %parallel_loop3A_931, %parallel_loop3A_934 : vector<16xf32>
      %parallel_loop3A_957 = arith.addf %parallel_loop3A_916, %parallel_loop3A_956 : vector<16xf32>
      %parallel_loop3A_958 = arith.mulf %parallel_loop3A_931, %parallel_loop3A_937 : vector<16xf32>
      %parallel_loop3A_959 = arith.addf %parallel_loop3A_917, %parallel_loop3A_958 : vector<16xf32>
      %parallel_loop3A_960 = arith.mulf %parallel_loop3A_931, %parallel_loop3A_940 : vector<16xf32>
      %parallel_loop3A_961 = arith.addf %parallel_loop3A_918, %parallel_loop3A_960 : vector<16xf32>
      %parallel_loop3A_962 = arith.mulf %parallel_loop3A_931, %parallel_loop3A_943 : vector<16xf32>
      %parallel_loop3A_963 = arith.addf %parallel_loop3A_919, %parallel_loop3A_962 : vector<16xf32>
      %parallel_loop3A_964 = arith.mulf %parallel_loop3A_931, %parallel_loop3A_946 : vector<16xf32>
      %parallel_loop3A_965 = arith.addf %parallel_loop3A_920, %parallel_loop3A_964 : vector<16xf32>
      %parallel_loop3A_966 = arith.mulf %parallel_loop3A_931, %parallel_loop3A_949 : vector<16xf32>
      %parallel_loop3A_967 = arith.addf %parallel_loop3A_921, %parallel_loop3A_966 : vector<16xf32>
      %parallel_loop3A_968 = arith.mulf %parallel_loop3A_931, %parallel_loop3A_952 : vector<16xf32>
      %parallel_loop3A_969 = arith.addf %parallel_loop3A_922, %parallel_loop3A_968 : vector<16xf32>
      %parallel_loop3A_970 = arith.mulf %parallel_loop3A_931, %parallel_loop3A_955 : vector<16xf32>
      %parallel_loop3A_971 = arith.addf %parallel_loop3A_923, %parallel_loop3A_970 : vector<16xf32>
      %parallel_loop3A_972 = arith.constant 2 : i32
      %parallel_loop3A_973 = arith.muli %parallel_loop3A_915, %parallel_loop3A_972 : i32
      %parallel_loop3A_974 = arith.constant 1 : i32
      %parallel_loop3A_975 = arith.addi %parallel_loop3A_973, %parallel_loop3A_974 : i32
      %parallel_loop3A_976 = arith.constant 16 : i32
      %parallel_loop3A_977 = arith.muli %parallel_loop3A_975, %parallel_loop3A_976 : i32
      %parallel_loop3A_978 = arith.index_cast %parallel_loop3A_977 : i32 to index
      %parallel_loop3A_979 = tpu.vector_load %arg17[%parallel_loop3A_978] {strides = array<i32>} : memref<1024xf32, #tpu.memory_space<vmem>>, vector<16xf32>,
      %parallel_loop3A_980 = arith.index_cast %parallel_loop3A_975 : i32 to index
      %parallel_loop3A_981 = arith.constant 0 : index
      %parallel_loop3A_982 = tpu.vector_load %arg14[%parallel_loop3A_980, %parallel_loop3A_981] {strides = array<i32>} : memref<64x1024xf32, #tpu.memory_space<vmem>>, vector<16xf32>,
      %parallel_loop3A_983 = arith.index_cast %parallel_loop3A_975 : i32 to index
      %parallel_loop3A_984 = arith.constant 16 : index
      %parallel_loop3A_985 = tpu.vector_load %arg14[%parallel_loop3A_983, %parallel_loop3A_984] {strides = array<i32>} : memref<64x1024xf32, #tpu.memory_space<vmem>>, vector<16xf32>,
      %parallel_loop3A_986 = arith.index_cast %parallel_loop3A_975 : i32 to index
      %parallel_loop3A_987 = arith.constant 32 : index
      %parallel_loop3A_988 = tpu.vector_load %arg14[%parallel_loop3A_986, %parallel_loop3A_987] {strides = array<i32>} : memref<64x1024xf32, #tpu.memory_space<vmem>>, vector<16xf32>,
      %parallel_loop3A_989 = arith.index_cast %parallel_loop3A_975 : i32 to index
      %parallel_loop3A_990 = arith.constant 48 : index
      %parallel_loop3A_991 = tpu.vector_load %arg14[%parallel_loop3A_989, %parallel_loop3A_990] {strides = array<i32>} : memref<64x1024xf32, #tpu.memory_space<vmem>>, vector<16xf32>,
      %parallel_loop3A_992 = arith.index_cast %parallel_loop3A_975 : i32 to index
      %parallel_loop3A_993 = arith.constant 64 : index
      %parallel_loop3A_994 = tpu.vector_load %arg14[%parallel_loop3A_992, %parallel_loop3A_993] {strides = array<i32>} : memref<64x1024xf32, #tpu.memory_space<vmem>>, vector<16xf32>,
      %parallel_loop3A_995 = arith.index_cast %parallel_loop3A_975 : i32 to index
      %parallel_loop3A_996 = arith.constant 80 : index
      %parallel_loop3A_997 = tpu.vector_load %arg14[%parallel_loop3A_995, %parallel_loop3A_996] {strides = array<i32>} : memref<64x1024xf32, #tpu.memory_space<vmem>>, vector<16xf32>,
      %parallel_loop3A_998 = arith.index_cast %parallel_loop3A_975 : i32 to index
      %parallel_loop3A_999 = arith.constant 96 : index
      %parallel_loop3A_1000 = tpu.vector_load %arg14[%parallel_loop3A_998, %parallel_loop3A_999] {strides = array<i32>} : memref<64x1024xf32, #tpu.memory_space<vmem>>, vector<16xf32>,
      %parallel_loop3A_1001 = arith.index_cast %parallel_loop3A_975 : i32 to index
      %parallel_loop3A_1002 = arith.constant 112 : index
      %parallel_loop3A_1003 = tpu.vector_load %arg14[%parallel_loop3A_1001, %parallel_loop3A_1002] {strides = array<i32>} : memref<64x1024xf32, #tpu.memory_space<vmem>>, vector<16xf32>,
      %parallel_loop3A_1004 = arith.mulf %parallel_loop3A_979, %parallel_loop3A_982 : vector<16xf32>
      %parallel_loop3A_1005 = arith.addf %parallel_loop3A_957, %parallel_loop3A_1004 : vector<16xf32>
      %parallel_loop3A_1006 = arith.mulf %parallel_loop3A_979, %parallel_loop3A_985 : vector<16xf32>
      %parallel_loop3A_1007 = arith.addf %parallel_loop3A_959, %parallel_loop3A_1006 : vector<16xf32>
      %parallel_loop3A_1008 = arith.mulf %parallel_loop3A_979, %parallel_loop3A_988 : vector<16xf32>
      %parallel_loop3A_1009 = arith.addf %parallel_loop3A_961, %parallel_loop3A_1008 : vector<16xf32>
      %parallel_loop3A_1010 = arith.mulf %parallel_loop3A_979, %parallel_loop3A_991 : vector<16xf32>
      %parallel_loop3A_1011 = arith.addf %parallel_loop3A_963, %parallel_loop3A_1010 : vector<16xf32>
      %parallel_loop3A_1012 = arith.mulf %parallel_loop3A_979, %parallel_loop3A_994 : vector<16xf32>
      %parallel_loop3A_1013 = arith.addf %parallel_loop3A_965, %parallel_loop3A_1012 : vector<16xf32>
      %parallel_loop3A_1014 = arith.mulf %parallel_loop3A_979, %parallel_loop3A_997 : vector<16xf32>
      %parallel_loop3A_1015 = arith.addf %parallel_loop3A_967, %parallel_loop3A_1014 : vector<16xf32>
      %parallel_loop3A_1016 = arith.mulf %parallel_loop3A_979, %parallel_loop3A_1000 : vector<16xf32>
      %parallel_loop3A_1017 = arith.addf %parallel_loop3A_969, %parallel_loop3A_1016 : vector<16xf32>
      %parallel_loop3A_1018 = arith.mulf %parallel_loop3A_979, %parallel_loop3A_1003 : vector<16xf32>
      %parallel_loop3A_1019 = arith.addf %parallel_loop3A_971, %parallel_loop3A_1018 : vector<16xf32>
      scf.yield %parallel_loop3A_1005, %parallel_loop3A_1007, %parallel_loop3A_1009, %parallel_loop3A_1011, %parallel_loop3A_1013, %parallel_loop3A_1015, %parallel_loop3A_1017, %parallel_loop3A_1019 : vector<16xf32>, vector<16xf32>, vector<16xf32>, vector<16xf32>, vector<16xf32>, vector<16xf32>, vector<16xf32>, vector<16xf32>
    } {sc.loop_unroll_factor = 1 : i64, sc.parallel_access}
    %get3A_561 = arith.constant 0 : index
    %get3A_562 = tpu.vector_load %arg15[%get3A_561] {strides = array<i32>} : memref<1024xf32, #tpu.memory_space<vmem>>, vector<16xf32>,
    %add3A_563 = arith.addf %parallel_loop3A_560#0, %get3A_562 : vector<16xf32>
    %swap3A_564 = arith.constant 0 : index
    %swap3A_565 = tpu.vector_load %arg16[%swap3A_564] {strides = array<i32>} : memref<1024xf32, #tpu.memory_space<vmem>>, vector<16xf32>,
    tpu.vector_store %arg16[%swap3A_564], %add3A_563 {strides = array<i32>} : memref<1024xf32, #tpu.memory_space<vmem>>, vector<16xf32>,
    %get3A_566 = arith.constant 16 : index
    %get3A_567 = tpu.vector_load %arg15[%get3A_566] {strides = array<i32>} : memref<1024xf32, #tpu.memory_space<vmem>>, vector<16xf32>,
    %add3A_568 = arith.addf %parallel_loop3A_560#1, %get3A_567 : vector<16xf32>
    %swap3A_569 = arith.constant 16 : index
    %swap3A_570 = tpu.vector_load %arg16[%swap3A_569] {strides = array<i32>} : memref<1024xf32, #tpu.memory_space<vmem>>, vector<16xf32>,
    tpu.vector_store %arg16[%swap3A_569], %add3A_568 {strides = array<i32>} : memref<1024xf32, #tpu.memory_space<vmem>>, vector<16xf32>,
    %get3A_571 = arith.constant 32 : index
    %get3A_572 = tpu.vector_load %arg15[%get3A_571] {strides = array<i32>} : memref<1024xf32, #tpu.memory_space<vmem>>, vector<16xf32>,
    %add3A_573 = arith.addf %parallel_loop3A_560#2, %get3A_572 : vector<16xf32>
    %swap3A_574 = arith.constant 32 : index
    %swap3A_575 = tpu.vector_load %arg16[%swap3A_574] {strides = array<i32>} : memref<1024xf32, #tpu.memory_space<vmem>>, vector<16xf32>,
    tpu.vector_store %arg16[%swap3A_574], %add3A_573 {strides = array<i32>} : memref<1024xf32, #tpu.memory_space<vmem>>, vector<16xf32>,
    %get3A_576 = arith.constant 48 : index
    %get3A_577 = tpu.vector_load %arg15[%get3A_576] {strides = array<i32>} : memref<1024xf32, #tpu.memory_space<vmem>>, vector<16xf32>,
    %add3A_578 = arith.addf %parallel_loop3A_560#3, %get3A_577 : vector<16xf32>
    %swap3A_579 = arith.constant 48 : index
    %swap3A_580 = tpu.vector_load %arg16[%swap3A_579] {strides = array<i32>} : memref<1024xf32, #tpu.memory_space<vmem>>, vector<16xf32>,
    tpu.vector_store %arg16[%swap3A_579], %add3A_578 {strides = array<i32>} : memref<1024xf32, #tpu.memory_space<vmem>>, vector<16xf32>,
    %get3A_581 = arith.constant 64 : index
    %get3A_582 = tpu.vector_load %arg15[%get3A_581] {strides = array<i32>} : memref<1024xf32, #tpu.memory_space<vmem>>, vector<16xf32>,
    %add3A_583 = arith.addf %parallel_loop3A_560#4, %get3A_582 : vector<16xf32>
    %swap3A_584 = arith.constant 64 : index
    %swap3A_585 = tpu.vector_load %arg16[%swap3A_584] {strides = array<i32>} : memref<1024xf32, #tpu.memory_space<vmem>>, vector<16xf32>,
    tpu.vector_store %arg16[%swap3A_584], %add3A_583 {strides = array<i32>} : memref<1024xf32, #tpu.memory_space<vmem>>, vector<16xf32>,
    %get3A_586 = arith.constant 80 : index
    %get3A_587 = tpu.vector_load %arg15[%get3A_586] {strides = array<i32>} : memref<1024xf32, #tpu.memory_space<vmem>>, vector<16xf32>,
    %add3A_588 = arith.addf %parallel_loop3A_560#5, %get3A_587 : vector<16xf32>
    %swap3A_589 = arith.constant 80 : index
    %swap3A_590 = tpu.vector_load %arg16[%swap3A_589] {strides = array<i32>} : memref<1024xf32, #tpu.memory_space<vmem>>, vector<16xf32>,
    tpu.vector_store %arg16[%swap3A_589], %add3A_588 {strides = array<i32>} : memref<1024xf32, #tpu.memory_space<vmem>>, vector<16xf32>,
    %get3A_591 = arith.constant 96 : index
    %get3A_592 = tpu.vector_load %arg15[%get3A_591] {strides = array<i32>} : memref<1024xf32, #tpu.memory_space<vmem>>, vector<16xf32>,
    %add3A_593 = arith.addf %parallel_loop3A_560#6, %get3A_592 : vector<16xf32>
    %swap3A_594 = arith.constant 96 : index
    %swap3A_595 = tpu.vector_load %arg16[%swap3A_594] {strides = array<i32>} : memref<1024xf32, #tpu.memory_space<vmem>>, vector<16xf32>,
    tpu.vector_store %arg16[%swap3A_594], %add3A_593 {strides = array<i32>} : memref<1024xf32, #tpu.memory_space<vmem>>, vector<16xf32>,
    %get3A_596 = arith.constant 112 : index
    %get3A_597 = tpu.vector_load %arg15[%get3A_596] {strides = array<i32>} : memref<1024xf32, #tpu.memory_space<vmem>>, vector<16xf32>,
    %add3A_598 = arith.addf %parallel_loop3A_560#7, %get3A_597 : vector<16xf32>
    %swap3A_599 = arith.constant 112 : index
    %swap3A_600 = tpu.vector_load %arg16[%swap3A_599] {strides = array<i32>} : memref<1024xf32, #tpu.memory_space<vmem>>, vector<16xf32>,
    tpu.vector_store %arg16[%swap3A_599], %add3A_598 {strides = array<i32>} : memref<1024xf32, #tpu.memory_space<vmem>>, vector<16xf32>,
    %parallel_loop3A_601 = arith.constant 0 : i32
    %parallel_loop3A_602 = arith.constant 32 : i32
    %parallel_loop3A_603 = arith.constant 1 : i32
    %parallel_loop3A_604:8 = scf.for %parallel_loop3A_915 = %parallel_loop3A_601 to %parallel_loop3A_602 step %parallel_loop3A_603 iter_args(%parallel_loop3A_916 = %broadcast_in_dim3A_1, %parallel_loop3A_917 = %broadcast_in_dim3A_1, %parallel_loop3A_918 = %broadcast_in_dim3A_1, %parallel_loop3A_919 = %broadcast_in_dim3A_1, %parallel_loop3A_920 = %broadcast_in_dim3A_1, %parallel_loop3A_921 = %broadcast_in_dim3A_1, %parallel_loop3A_922 = %broadcast_in_dim3A_1, %parallel_loop3A_923 = %broadcast_in_dim3A_1) -> (vector<16xf32>, vector<16xf32>, vector<16xf32>, vector<16xf32>, vector<16xf32>, vector<16xf32>, vector<16xf32>, vector<16xf32>)  : i32 {
      %parallel_loop3A_924 = arith.constant 2 : i32
      %parallel_loop3A_925 = arith.muli %parallel_loop3A_915, %parallel_loop3A_924 : i32
      %parallel_loop3A_926 = arith.constant 0 : i32
      %parallel_loop3A_927 = arith.addi %parallel_loop3A_925, %parallel_loop3A_926 : i32
      %parallel_loop3A_928 = arith.constant 16 : i32
      %parallel_loop3A_929 = arith.muli %parallel_loop3A_927, %parallel_loop3A_928 : i32
      %parallel_loop3A_930 = arith.index_cast %parallel_loop3A_929 : i32 to index
      %parallel_loop3A_931 = tpu.vector_load %arg17[%parallel_loop3A_930] {strides = array<i32>} : memref<1024xf32, #tpu.memory_space<vmem>>, vector<16xf32>,
      %parallel_loop3A_932 = arith.index_cast %parallel_loop3A_927 : i32 to index
      %parallel_loop3A_933 = arith.constant 128 : index
      %parallel_loop3A_934 = tpu.vector_load %arg14[%parallel_loop3A_932, %parallel_loop3A_933] {strides = array<i32>} : memref<64x1024xf32, #tpu.memory_space<vmem>>, vector<16xf32>,
      %parallel_loop3A_935 = arith.index_cast %parallel_loop3A_927 : i32 to index
      %parallel_loop3A_936 = arith.constant 144 : index
      %parallel_loop3A_937 = tpu.vector_load %arg14[%parallel_loop3A_935, %parallel_loop3A_936] {strides = array<i32>} : memref<64x1024xf32, #tpu.memory_space<vmem>>, vector<16xf32>,
      %parallel_loop3A_938 = arith.index_cast %parallel_loop3A_927 : i32 to index
      %parallel_loop3A_939 = arith.constant 160 : index
      %parallel_loop3A_940 = tpu.vector_load %arg14[%parallel_loop3A_938, %parallel_loop3A_939] {strides = array<i32>} : memref<64x1024xf32, #tpu.memory_space<vmem>>, vector<16xf32>,
      %parallel_loop3A_941 = arith.index_cast %parallel_loop3A_927 : i32 to index
      %parallel_loop3A_942 = arith.constant 176 : index
      %parallel_loop3A_943 = tpu.vector_load %arg14[%parallel_loop3A_941, %parallel_loop3A_942] {strides = array<i32>} : memref<64x1024xf32, #tpu.memory_space<vmem>>, vector<16xf32>,
      %parallel_loop3A_944 = arith.index_cast %parallel_loop3A_927 : i32 to index
      %parallel_loop3A_945 = arith.constant 192 : index
      %parallel_loop3A_946 = tpu.vector_load %arg14[%parallel_loop3A_944, %parallel_loop3A_945] {strides = array<i32>} : memref<64x1024xf32, #tpu.memory_space<vmem>>, vector<16xf32>,
      %parallel_loop3A_947 = arith.index_cast %parallel_loop3A_927 : i32 to index
      %parallel_loop3A_948 = arith.constant 208 : index
      %parallel_loop3A_949 = tpu.vector_load %arg14[%parallel_loop3A_947, %parallel_loop3A_948] {strides = array<i32>} : memref<64x1024xf32, #tpu.memory_space<vmem>>, vector<16xf32>,
      %parallel_loop3A_950 = arith.index_cast %parallel_loop3A_927 : i32 to index
      %parallel_loop3A_951 = arith.constant 224 : index
      %parallel_loop3A_952 = tpu.vector_load %arg14[%parallel_loop3A_950, %parallel_loop3A_951] {strides = array<i32>} : memref<64x1024xf32, #tpu.memory_space<vmem>>, vector<16xf32>,
      %parallel_loop3A_953 = arith.index_cast %parallel_loop3A_927 : i32 to index
      %parallel_loop3A_954 = arith.constant 240 : index
      %parallel_loop3A_955 = tpu.vector_load %arg14[%parallel_loop3A_953, %parallel_loop3A_954] {strides = array<i32>} : memref<64x1024xf32, #tpu.memory_space<vmem>>, vector<16xf32>,
      %parallel_loop3A_956 = arith.mulf %parallel_loop3A_931, %parallel_loop3A_934 : vector<16xf32>
      %parallel_loop3A_957 = arith.addf %parallel_loop3A_916, %parallel_loop3A_956 : vector<16xf32>
      %parallel_loop3A_958 = arith.mulf %parallel_loop3A_931, %parallel_loop3A_937 : vector<16xf32>
      %parallel_loop3A_959 = arith.addf %parallel_loop3A_917, %parallel_loop3A_958 : vector<16xf32>
      %parallel_loop3A_960 = arith.mulf %parallel_loop3A_931, %parallel_loop3A_940 : vector<16xf32>
      %parallel_loop3A_961 = arith.addf %parallel_loop3A_918, %parallel_loop3A_960 : vector<16xf32>
      %parallel_loop3A_962 = arith.mulf %parallel_loop3A_931, %parallel_loop3A_943 : vector<16xf32>
      %parallel_loop3A_963 = arith.addf %parallel_loop3A_919, %parallel_loop3A_962 : vector<16xf32>
      %parallel_loop3A_964 = arith.mulf %parallel_loop3A_931, %parallel_loop3A_946 : vector<16xf32>
      %parallel_loop3A_965 = arith.addf %parallel_loop3A_920, %parallel_loop3A_964 : vector<16xf32>
      %parallel_loop3A_966 = arith.mulf %parallel_loop3A_931, %parallel_loop3A_949 : vector<16xf32>
      %parallel_loop3A_967 = arith.addf %parallel_loop3A_921, %parallel_loop3A_966 : vector<16xf32>
      %parallel_loop3A_968 = arith.mulf %parallel_loop3A_931, %parallel_loop3A_952 : vector<16xf32>
      %parallel_loop3A_969 = arith.addf %parallel_loop3A_922, %parallel_loop3A_968 : vector<16xf32>
      %parallel_loop3A_970 = arith.mulf %parallel_loop3A_931, %parallel_loop3A_955 : vector<16xf32>
      %parallel_loop3A_971 = arith.addf %parallel_loop3A_923, %parallel_loop3A_970 : vector<16xf32>
      %parallel_loop3A_972 = arith.constant 2 : i32
      %parallel_loop3A_973 = arith.muli %parallel_loop3A_915, %parallel_loop3A_972 : i32
      %parallel_loop3A_974 = arith.constant 1 : i32
      %parallel_loop3A_975 = arith.addi %parallel_loop3A_973, %parallel_loop3A_974 : i32
      %parallel_loop3A_976 = arith.constant 16 : i32
      %parallel_loop3A_977 = arith.muli %parallel_loop3A_975, %parallel_loop3A_976 : i32
      %parallel_loop3A_978 = arith.index_cast %parallel_loop3A_977 : i32 to index
      %parallel_loop3A_979 = tpu.vector_load %arg17[%parallel_loop3A_978] {strides = array<i32>} : memref<1024xf32, #tpu.memory_space<vmem>>, vector<16xf32>,
      %parallel_loop3A_980 = arith.index_cast %parallel_loop3A_975 : i32 to index
      %parallel_loop3A_981 = arith.constant 128 : index
      %parallel_loop3A_982 = tpu.vector_load %arg14[%parallel_loop3A_980, %parallel_loop3A_981] {strides = array<i32>} : memref<64x1024xf32, #tpu.memory_space<vmem>>, vector<16xf32>,
      %parallel_loop3A_983 = arith.index_cast %parallel_loop3A_975 : i32 to index
      %parallel_loop3A_984 = arith.constant 144 : index
      %parallel_loop3A_985 = tpu.vector_load %arg14[%parallel_loop3A_983, %parallel_loop3A_984] {strides = array<i32>} : memref<64x1024xf32, #tpu.memory_space<vmem>>, vector<16xf32>,
      %parallel_loop3A_986 = arith.index_cast %parallel_loop3A_975 : i32 to index
      %parallel_loop3A_987 = arith.constant 160 : index
      %parallel_loop3A_988 = tpu.vector_load %arg14[%parallel_loop3A_986, %parallel_loop3A_987] {strides = array<i32>} : memref<64x1024xf32, #tpu.memory_space<vmem>>, vector<16xf32>,
      %parallel_loop3A_989 = arith.index_cast %parallel_loop3A_975 : i32 to index
      %parallel_loop3A_990 = arith.constant 176 : index
      %parallel_loop3A_991 = tpu.vector_load %arg14[%parallel_loop3A_989, %parallel_loop3A_990] {strides = array<i32>} : memref<64x1024xf32, #tpu.memory_space<vmem>>, vector<16xf32>,
      %parallel_loop3A_992 = arith.index_cast %parallel_loop3A_975 : i32 to index
      %parallel_loop3A_993 = arith.constant 192 : index
      %parallel_loop3A_994 = tpu.vector_load %arg14[%parallel_loop3A_992, %parallel_loop3A_993] {strides = array<i32>} : memref<64x1024xf32, #tpu.memory_space<vmem>>, vector<16xf32>,
      %parallel_loop3A_995 = arith.index_cast %parallel_loop3A_975 : i32 to index
      %parallel_loop3A_996 = arith.constant 208 : index
      %parallel_loop3A_997 = tpu.vector_load %arg14[%parallel_loop3A_995, %parallel_loop3A_996] {strides = array<i32>} : memref<64x1024xf32, #tpu.memory_space<vmem>>, vector<16xf32>,
      %parallel_loop3A_998 = arith.index_cast %parallel_loop3A_975 : i32 to index
      %parallel_loop3A_999 = arith.constant 224 : index
      %parallel_loop3A_1000 = tpu.vector_load %arg14[%parallel_loop3A_998, %parallel_loop3A_999] {strides = array<i32>} : memref<64x1024xf32, #tpu.memory_space<vmem>>, vector<16xf32>,
      %parallel_loop3A_1001 = arith.index_cast %parallel_loop3A_975 : i32 to index
      %parallel_loop3A_1002 = arith.constant 240 : index
      %parallel_loop3A_1003 = tpu.vector_load %arg14[%parallel_loop3A_1001, %parallel_loop3A_1002] {strides = array<i32>} : memref<64x1024xf32, #tpu.memory_space<vmem>>, vector<16xf32>,
      %parallel_loop3A_1004 = arith.mulf %parallel_loop3A_979, %parallel_loop3A_982 : vector<16xf32>
      %parallel_loop3A_1005 = arith.addf %parallel_loop3A_957, %parallel_loop3A_1004 : vector<16xf32>
      %parallel_loop3A_1006 = arith.mulf %parallel_loop3A_979, %parallel_loop3A_985 : vector<16xf32>
      %parallel_loop3A_1007 = arith.addf %parallel_loop3A_959, %parallel_loop3A_1006 : vector<16xf32>
      %parallel_loop3A_1008 = arith.mulf %parallel_loop3A_979, %parallel_loop3A_988 : vector<16xf32>
      %parallel_loop3A_1009 = arith.addf %parallel_loop3A_961, %parallel_loop3A_1008 : vector<16xf32>
      %parallel_loop3A_1010 = arith.mulf %parallel_loop3A_979, %parallel_loop3A_991 : vector<16xf32>
      %parallel_loop3A_1011 = arith.addf %parallel_loop3A_963, %parallel_loop3A_1010 : vector<16xf32>
      %parallel_loop3A_1012 = arith.mulf %parallel_loop3A_979, %parallel_loop3A_994 : vector<16xf32>
      %parallel_loop3A_1013 = arith.addf %parallel_loop3A_965, %parallel_loop3A_1012 : vector<16xf32>
      %parallel_loop3A_1014 = arith.mulf %parallel_loop3A_979, %parallel_loop3A_997 : vector<16xf32>
      %parallel_loop3A_1015 = arith.addf %parallel_loop3A_967, %parallel_loop3A_1014 : vector<16xf32>
      %parallel_loop3A_1016 = arith.mulf %parallel_loop3A_979, %parallel_loop3A_1000 : vector<16xf32>
      %parallel_loop3A_1017 = arith.addf %parallel_loop3A_969, %parallel_loop3A_1016 : vector<16xf32>
      %parallel_loop3A_1018 = arith.mulf %parallel_loop3A_979, %parallel_loop3A_1003 : vector<16xf32>
      %parallel_loop3A_1019 = arith.addf %parallel_loop3A_971, %parallel_loop3A_1018 : vector<16xf32>
      scf.yield %parallel_loop3A_1005, %parallel_loop3A_1007, %parallel_loop3A_1009, %parallel_loop3A_1011, %parallel_loop3A_1013, %parallel_loop3A_1015, %parallel_loop3A_1017, %parallel_loop3A_1019 : vector<16xf32>, vector<16xf32>, vector<16xf32>, vector<16xf32>, vector<16xf32>, vector<16xf32>, vector<16xf32>, vector<16xf32>
    } {sc.loop_unroll_factor = 1 : i64, sc.parallel_access}
    %get3A_605 = arith.constant 128 : index
    %get3A_606 = tpu.vector_load %arg15[%get3A_605] {strides = array<i32>} : memref<1024xf32, #tpu.memory_space<vmem>>, vector<16xf32>,
    %add3A_607 = arith.addf %parallel_loop3A_604#0, %get3A_606 : vector<16xf32>
    %swap3A_608 = arith.constant 128 : index
    %swap3A_609 = tpu.vector_load %arg16[%swap3A_608] {strides = array<i32>} : memref<1024xf32, #tpu.memory_space<vmem>>, vector<16xf32>,
    tpu.vector_store %arg16[%swap3A_608], %add3A_607 {strides = array<i32>} : memref<1024xf32, #tpu.memory_space<vmem>>, vector<16xf32>,
    %get3A_610 = arith.constant 144 : index
    %get3A_611 = tpu.vector_load %arg15[%get3A_610] {strides = array<i32>} : memref<1024xf32, #tpu.memory_space<vmem>>, vector<16xf32>,
    %add3A_612 = arith.addf %parallel_loop3A_604#1, %get3A_611 : vector<16xf32>
    %swap3A_613 = arith.constant 144 : index
    %swap3A_614 = tpu.vector_load %arg16[%swap3A_613] {strides = array<i32>} : memref<1024xf32, #tpu.memory_space<vmem>>, vector<16xf32>,
    tpu.vector_store %arg16[%swap3A_613], %add3A_612 {strides = array<i32>} : memref<1024xf32, #tpu.memory_space<vmem>>, vector<16xf32>,
    %get3A_615 = arith.constant 160 : index
    %get3A_616 = tpu.vector_load %arg15[%get3A_615] {strides = array<i32>} : memref<1024xf32, #tpu.memory_space<vmem>>, vector<16xf32>,
    %add3A_617 = arith.addf %parallel_loop3A_604#2, %get3A_616 : vector<16xf32>
    %swap3A_618 = arith.constant 160 : index
    %swap3A_619 = tpu.vector_load %arg16[%swap3A_618] {strides = array<i32>} : memref<1024xf32, #tpu.memory_space<vmem>>, vector<16xf32>,
    tpu.vector_store %arg16[%swap3A_618], %add3A_617 {strides = array<i32>} : memref<1024xf32, #tpu.memory_space<vmem>>, vector<16xf32>,
    %get3A_620 = arith.constant 176 : index
    %get3A_621 = tpu.vector_load %arg15[%get3A_620] {strides = array<i32>} : memref<1024xf32, #tpu.memory_space<vmem>>, vector<16xf32>,
    %add3A_622 = arith.addf %parallel_loop3A_604#3, %get3A_621 : vector<16xf32>
    %swap3A_623 = arith.constant 176 : index
    %swap3A_624 = tpu.vector_load %arg16[%swap3A_623] {strides = array<i32>} : memref<1024xf32, #tpu.memory_space<vmem>>, vector<16xf32>,
    tpu.vector_store %arg16[%swap3A_623], %add3A_622 {strides = array<i32>} : memref<1024xf32, #tpu.memory_space<vmem>>, vector<16xf32>,
    %get3A_625 = arith.constant 192 : index
    %get3A_626 = tpu.vector_load %arg15[%get3A_625] {strides = array<i32>} : memref<1024xf32, #tpu.memory_space<vmem>>, vector<16xf32>,
    %add3A_627 = arith.addf %parallel_loop3A_604#4, %get3A_626 : vector<16xf32>
    %swap3A_628 = arith.constant 192 : index
    %swap3A_629 = tpu.vector_load %arg16[%swap3A_628] {strides = array<i32>} : memref<1024xf32, #tpu.memory_space<vmem>>, vector<16xf32>,
    tpu.vector_store %arg16[%swap3A_628], %add3A_627 {strides = array<i32>} : memref<1024xf32, #tpu.memory_space<vmem>>, vector<16xf32>,
    %get3A_630 = arith.constant 208 : index
    %get3A_631 = tpu.vector_load %arg15[%get3A_630] {strides = array<i32>} : memref<1024xf32, #tpu.memory_space<vmem>>, vector<16xf32>,
    %add3A_632 = arith.addf %parallel_loop3A_604#5, %get3A_631 : vector<16xf32>
    %swap3A_633 = arith.constant 208 : index
    %swap3A_634 = tpu.vector_load %arg16[%swap3A_633] {strides = array<i32>} : memref<1024xf32, #tpu.memory_space<vmem>>, vector<16xf32>,
    tpu.vector_store %arg16[%swap3A_633], %add3A_632 {strides = array<i32>} : memref<1024xf32, #tpu.memory_space<vmem>>, vector<16xf32>,
    %get3A_635 = arith.constant 224 : index
    %get3A_636 = tpu.vector_load %arg15[%get3A_635] {strides = array<i32>} : memref<1024xf32, #tpu.memory_space<vmem>>, vector<16xf32>,
    %add3A_637 = arith.addf %parallel_loop3A_604#6, %get3A_636 : vector<16xf32>
    %swap3A_638 = arith.constant 224 : index
    %swap3A_639 = tpu.vector_load %arg16[%swap3A_638] {strides = array<i32>} : memref<1024xf32, #tpu.memory_space<vmem>>, vector<16xf32>,
    tpu.vector_store %arg16[%swap3A_638], %add3A_637 {strides = array<i32>} : memref<1024xf32, #tpu.memory_space<vmem>>, vector<16xf32>,
    %get3A_640 = arith.constant 240 : index
    %get3A_641 = tpu.vector_load %arg15[%get3A_640] {strides = array<i32>} : memref<1024xf32, #tpu.memory_space<vmem>>, vector<16xf32>,
    %add3A_642 = arith.addf %parallel_loop3A_604#7, %get3A_641 : vector<16xf32>
    %swap3A_643 = arith.constant 240 : index
    %swap3A_644 = tpu.vector_load %arg16[%swap3A_643] {strides = array<i32>} : memref<1024xf32, #tpu.memory_space<vmem>>, vector<16xf32>,
    tpu.vector_store %arg16[%swap3A_643], %add3A_642 {strides = array<i32>} : memref<1024xf32, #tpu.memory_space<vmem>>, vector<16xf32>,
    %parallel_loop3A_645 = arith.constant 0 : i32
    %parallel_loop3A_646 = arith.constant 32 : i32
    %parallel_loop3A_647 = arith.constant 1 : i32
    %parallel_loop3A_648:8 = scf.for %parallel_loop3A_915 = %parallel_loop3A_645 to %parallel_loop3A_646 step %parallel_loop3A_647 iter_args(%parallel_loop3A_916 = %broadcast_in_dim3A_1, %parallel_loop3A_917 = %broadcast_in_dim3A_1, %parallel_loop3A_918 = %broadcast_in_dim3A_1, %parallel_loop3A_919 = %broadcast_in_dim3A_1, %parallel_loop3A_920 = %broadcast_in_dim3A_1, %parallel_loop3A_921 = %broadcast_in_dim3A_1, %parallel_loop3A_922 = %broadcast_in_dim3A_1, %parallel_loop3A_923 = %broadcast_in_dim3A_1) -> (vector<16xf32>, vector<16xf32>, vector<16xf32>, vector<16xf32>, vector<16xf32>, vector<16xf32>, vector<16xf32>, vector<16xf32>)  : i32 {
      %parallel_loop3A_924 = arith.constant 2 : i32
      %parallel_loop3A_925 = arith.muli %parallel_loop3A_915, %parallel_loop3A_924 : i32
      %parallel_loop3A_926 = arith.constant 0 : i32
      %parallel_loop3A_927 = arith.addi %parallel_loop3A_925, %parallel_loop3A_926 : i32
      %parallel_loop3A_928 = arith.constant 16 : i32
      %parallel_loop3A_929 = arith.muli %parallel_loop3A_927, %parallel_loop3A_928 : i32
      %parallel_loop3A_930 = arith.index_cast %parallel_loop3A_929 : i32 to index
      %parallel_loop3A_931 = tpu.vector_load %arg17[%parallel_loop3A_930] {strides = array<i32>} : memref<1024xf32, #tpu.memory_space<vmem>>, vector<16xf32>,
      %parallel_loop3A_932 = arith.index_cast %parallel_loop3A_927 : i32 to index
      %parallel_loop3A_933 = arith.constant 256 : index
      %parallel_loop3A_934 = tpu.vector_load %arg14[%parallel_loop3A_932, %parallel_loop3A_933] {strides = array<i32>} : memref<64x1024xf32, #tpu.memory_space<vmem>>, vector<16xf32>,
      %parallel_loop3A_935 = arith.index_cast %parallel_loop3A_927 : i32 to index
      %parallel_loop3A_936 = arith.constant 272 : index
      %parallel_loop3A_937 = tpu.vector_load %arg14[%parallel_loop3A_935, %parallel_loop3A_936] {strides = array<i32>} : memref<64x1024xf32, #tpu.memory_space<vmem>>, vector<16xf32>,
      %parallel_loop3A_938 = arith.index_cast %parallel_loop3A_927 : i32 to index
      %parallel_loop3A_939 = arith.constant 288 : index
      %parallel_loop3A_940 = tpu.vector_load %arg14[%parallel_loop3A_938, %parallel_loop3A_939] {strides = array<i32>} : memref<64x1024xf32, #tpu.memory_space<vmem>>, vector<16xf32>,
      %parallel_loop3A_941 = arith.index_cast %parallel_loop3A_927 : i32 to index
      %parallel_loop3A_942 = arith.constant 304 : index
      %parallel_loop3A_943 = tpu.vector_load %arg14[%parallel_loop3A_941, %parallel_loop3A_942] {strides = array<i32>} : memref<64x1024xf32, #tpu.memory_space<vmem>>, vector<16xf32>,
      %parallel_loop3A_944 = arith.index_cast %parallel_loop3A_927 : i32 to index
      %parallel_loop3A_945 = arith.constant 320 : index
      %parallel_loop3A_946 = tpu.vector_load %arg14[%parallel_loop3A_944, %parallel_loop3A_945] {strides = array<i32>} : memref<64x1024xf32, #tpu.memory_space<vmem>>, vector<16xf32>,
      %parallel_loop3A_947 = arith.index_cast %parallel_loop3A_927 : i32 to index
      %parallel_loop3A_948 = arith.constant 336 : index
      %parallel_loop3A_949 = tpu.vector_load %arg14[%parallel_loop3A_947, %parallel_loop3A_948] {strides = array<i32>} : memref<64x1024xf32, #tpu.memory_space<vmem>>, vector<16xf32>,
      %parallel_loop3A_950 = arith.index_cast %parallel_loop3A_927 : i32 to index
      %parallel_loop3A_951 = arith.constant 352 : index
      %parallel_loop3A_952 = tpu.vector_load %arg14[%parallel_loop3A_950, %parallel_loop3A_951] {strides = array<i32>} : memref<64x1024xf32, #tpu.memory_space<vmem>>, vector<16xf32>,
      %parallel_loop3A_953 = arith.index_cast %parallel_loop3A_927 : i32 to index
      %parallel_loop3A_954 = arith.constant 368 : index
      %parallel_loop3A_955 = tpu.vector_load %arg14[%parallel_loop3A_953, %parallel_loop3A_954] {strides = array<i32>} : memref<64x1024xf32, #tpu.memory_space<vmem>>, vector<16xf32>,
      %parallel_loop3A_956 = arith.mulf %parallel_loop3A_931, %parallel_loop3A_934 : vector<16xf32>
      %parallel_loop3A_957 = arith.addf %parallel_loop3A_916, %parallel_loop3A_956 : vector<16xf32>
      %parallel_loop3A_958 = arith.mulf %parallel_loop3A_931, %parallel_loop3A_937 : vector<16xf32>
      %parallel_loop3A_959 = arith.addf %parallel_loop3A_917, %parallel_loop3A_958 : vector<16xf32>
      %parallel_loop3A_960 = arith.mulf %parallel_loop3A_931, %parallel_loop3A_940 : vector<16xf32>
      %parallel_loop3A_961 = arith.addf %parallel_loop3A_918, %parallel_loop3A_960 : vector<16xf32>
      %parallel_loop3A_962 = arith.mulf %parallel_loop3A_931, %parallel_loop3A_943 : vector<16xf32>
      %parallel_loop3A_963 = arith.addf %parallel_loop3A_919, %parallel_loop3A_962 : vector<16xf32>
      %parallel_loop3A_964 = arith.mulf %parallel_loop3A_931, %parallel_loop3A_946 : vector<16xf32>
      %parallel_loop3A_965 = arith.addf %parallel_loop3A_920, %parallel_loop3A_964 : vector<16xf32>
      %parallel_loop3A_966 = arith.mulf %parallel_loop3A_931, %parallel_loop3A_949 : vector<16xf32>
      %parallel_loop3A_967 = arith.addf %parallel_loop3A_921, %parallel_loop3A_966 : vector<16xf32>
      %parallel_loop3A_968 = arith.mulf %parallel_loop3A_931, %parallel_loop3A_952 : vector<16xf32>
      %parallel_loop3A_969 = arith.addf %parallel_loop3A_922, %parallel_loop3A_968 : vector<16xf32>
      %parallel_loop3A_970 = arith.mulf %parallel_loop3A_931, %parallel_loop3A_955 : vector<16xf32>
      %parallel_loop3A_971 = arith.addf %parallel_loop3A_923, %parallel_loop3A_970 : vector<16xf32>
      %parallel_loop3A_972 = arith.constant 2 : i32
      %parallel_loop3A_973 = arith.muli %parallel_loop3A_915, %parallel_loop3A_972 : i32
      %parallel_loop3A_974 = arith.constant 1 : i32
      %parallel_loop3A_975 = arith.addi %parallel_loop3A_973, %parallel_loop3A_974 : i32
      %parallel_loop3A_976 = arith.constant 16 : i32
      %parallel_loop3A_977 = arith.muli %parallel_loop3A_975, %parallel_loop3A_976 : i32
      %parallel_loop3A_978 = arith.index_cast %parallel_loop3A_977 : i32 to index
      %parallel_loop3A_979 = tpu.vector_load %arg17[%parallel_loop3A_978] {strides = array<i32>} : memref<1024xf32, #tpu.memory_space<vmem>>, vector<16xf32>,
      %parallel_loop3A_980 = arith.index_cast %parallel_loop3A_975 : i32 to index
      %parallel_loop3A_981 = arith.constant 256 : index
      %parallel_loop3A_982 = tpu.vector_load %arg14[%parallel_loop3A_980, %parallel_loop3A_981] {strides = array<i32>} : memref<64x1024xf32, #tpu.memory_space<vmem>>, vector<16xf32>,
      %parallel_loop3A_983 = arith.index_cast %parallel_loop3A_975 : i32 to index
      %parallel_loop3A_984 = arith.constant 272 : index
      %parallel_loop3A_985 = tpu.vector_load %arg14[%parallel_loop3A_983, %parallel_loop3A_984] {strides = array<i32>} : memref<64x1024xf32, #tpu.memory_space<vmem>>, vector<16xf32>,
      %parallel_loop3A_986 = arith.index_cast %parallel_loop3A_975 : i32 to index
      %parallel_loop3A_987 = arith.constant 288 : index
      %parallel_loop3A_988 = tpu.vector_load %arg14[%parallel_loop3A_986, %parallel_loop3A_987] {strides = array<i32>} : memref<64x1024xf32, #tpu.memory_space<vmem>>, vector<16xf32>,
      %parallel_loop3A_989 = arith.index_cast %parallel_loop3A_975 : i32 to index
      %parallel_loop3A_990 = arith.constant 304 : index
      %parallel_loop3A_991 = tpu.vector_load %arg14[%parallel_loop3A_989, %parallel_loop3A_990] {strides = array<i32>} : memref<64x1024xf32, #tpu.memory_space<vmem>>, vector<16xf32>,
      %parallel_loop3A_992 = arith.index_cast %parallel_loop3A_975 : i32 to index
      %parallel_loop3A_993 = arith.constant 320 : index
      %parallel_loop3A_994 = tpu.vector_load %arg14[%parallel_loop3A_992, %parallel_loop3A_993] {strides = array<i32>} : memref<64x1024xf32, #tpu.memory_space<vmem>>, vector<16xf32>,
      %parallel_loop3A_995 = arith.index_cast %parallel_loop3A_975 : i32 to index
      %parallel_loop3A_996 = arith.constant 336 : index
      %parallel_loop3A_997 = tpu.vector_load %arg14[%parallel_loop3A_995, %parallel_loop3A_996] {strides = array<i32>} : memref<64x1024xf32, #tpu.memory_space<vmem>>, vector<16xf32>,
      %parallel_loop3A_998 = arith.index_cast %parallel_loop3A_975 : i32 to index
      %parallel_loop3A_999 = arith.constant 352 : index
      %parallel_loop3A_1000 = tpu.vector_load %arg14[%parallel_loop3A_998, %parallel_loop3A_999] {strides = array<i32>} : memref<64x1024xf32, #tpu.memory_space<vmem>>, vector<16xf32>,
      %parallel_loop3A_1001 = arith.index_cast %parallel_loop3A_975 : i32 to index
      %parallel_loop3A_1002 = arith.constant 368 : index
      %parallel_loop3A_1003 = tpu.vector_load %arg14[%parallel_loop3A_1001, %parallel_loop3A_1002] {strides = array<i32>} : memref<64x1024xf32, #tpu.memory_space<vmem>>, vector<16xf32>,
      %parallel_loop3A_1004 = arith.mulf %parallel_loop3A_979, %parallel_loop3A_982 : vector<16xf32>
      %parallel_loop3A_1005 = arith.addf %parallel_loop3A_957, %parallel_loop3A_1004 : vector<16xf32>
      %parallel_loop3A_1006 = arith.mulf %parallel_loop3A_979, %parallel_loop3A_985 : vector<16xf32>
      %parallel_loop3A_1007 = arith.addf %parallel_loop3A_959, %parallel_loop3A_1006 : vector<16xf32>
      %parallel_loop3A_1008 = arith.mulf %parallel_loop3A_979, %parallel_loop3A_988 : vector<16xf32>
      %parallel_loop3A_1009 = arith.addf %parallel_loop3A_961, %parallel_loop3A_1008 : vector<16xf32>
      %parallel_loop3A_1010 = arith.mulf %parallel_loop3A_979, %parallel_loop3A_991 : vector<16xf32>
      %parallel_loop3A_1011 = arith.addf %parallel_loop3A_963, %parallel_loop3A_1010 : vector<16xf32>
      %parallel_loop3A_1012 = arith.mulf %parallel_loop3A_979, %parallel_loop3A_994 : vector<16xf32>
      %parallel_loop3A_1013 = arith.addf %parallel_loop3A_965, %parallel_loop3A_1012 : vector<16xf32>
      %parallel_loop3A_1014 = arith.mulf %parallel_loop3A_979, %parallel_loop3A_997 : vector<16xf32>
      %parallel_loop3A_1015 = arith.addf %parallel_loop3A_967, %parallel_loop3A_1014 : vector<16xf32>
      %parallel_loop3A_1016 = arith.mulf %parallel_loop3A_979, %parallel_loop3A_1000 : vector<16xf32>
      %parallel_loop3A_1017 = arith.addf %parallel_loop3A_969, %parallel_loop3A_1016 : vector<16xf32>
      %parallel_loop3A_1018 = arith.mulf %parallel_loop3A_979, %parallel_loop3A_1003 : vector<16xf32>
      %parallel_loop3A_1019 = arith.addf %parallel_loop3A_971, %parallel_loop3A_1018 : vector<16xf32>
      scf.yield %parallel_loop3A_1005, %parallel_loop3A_1007, %parallel_loop3A_1009, %parallel_loop3A_1011, %parallel_loop3A_1013, %parallel_loop3A_1015, %parallel_loop3A_1017, %parallel_loop3A_1019 : vector<16xf32>, vector<16xf32>, vector<16xf32>, vector<16xf32>, vector<16xf32>, vector<16xf32>, vector<16xf32>, vector<16xf32>
    } {sc.loop_unroll_factor = 1 : i64, sc.parallel_access}
    %get3A_649 = arith.constant 256 : index
    %get3A_650 = tpu.vector_load %arg15[%get3A_649] {strides = array<i32>} : memref<1024xf32, #tpu.memory_space<vmem>>, vector<16xf32>,
    %add3A_651 = arith.addf %parallel_loop3A_648#0, %get3A_650 : vector<16xf32>
    %swap3A_652 = arith.constant 256 : index
    %swap3A_653 = tpu.vector_load %arg16[%swap3A_652] {strides = array<i32>} : memref<1024xf32, #tpu.memory_space<vmem>>, vector<16xf32>,
    tpu.vector_store %arg16[%swap3A_652], %add3A_651 {strides = array<i32>} : memref<1024xf32, #tpu.memory_space<vmem>>, vector<16xf32>,
    %get3A_654 = arith.constant 272 : index
    %get3A_655 = tpu.vector_load %arg15[%get3A_654] {strides = array<i32>} : memref<1024xf32, #tpu.memory_space<vmem>>, vector<16xf32>,
    %add3A_656 = arith.addf %parallel_loop3A_648#1, %get3A_655 : vector<16xf32>
    %swap3A_657 = arith.constant 272 : index
    %swap3A_658 = tpu.vector_load %arg16[%swap3A_657] {strides = array<i32>} : memref<1024xf32, #tpu.memory_space<vmem>>, vector<16xf32>,
    tpu.vector_store %arg16[%swap3A_657], %add3A_656 {strides = array<i32>} : memref<1024xf32, #tpu.memory_space<vmem>>, vector<16xf32>,
    %get3A_659 = arith.constant 288 : index
    %get3A_660 = tpu.vector_load %arg15[%get3A_659] {strides = array<i32>} : memref<1024xf32, #tpu.memory_space<vmem>>, vector<16xf32>,
    %add3A_661 = arith.addf %parallel_loop3A_648#2, %get3A_660 : vector<16xf32>
    %swap3A_662 = arith.constant 288 : index
    %swap3A_663 = tpu.vector_load %arg16[%swap3A_662] {strides = array<i32>} : memref<1024xf32, #tpu.memory_space<vmem>>, vector<16xf32>,
    tpu.vector_store %arg16[%swap3A_662], %add3A_661 {strides = array<i32>} : memref<1024xf32, #tpu.memory_space<vmem>>, vector<16xf32>,
    %get3A_664 = arith.constant 304 : index
    %get3A_665 = tpu.vector_load %arg15[%get3A_664] {strides = array<i32>} : memref<1024xf32, #tpu.memory_space<vmem>>, vector<16xf32>,
    %add3A_666 = arith.addf %parallel_loop3A_648#3, %get3A_665 : vector<16xf32>
    %swap3A_667 = arith.constant 304 : index
    %swap3A_668 = tpu.vector_load %arg16[%swap3A_667] {strides = array<i32>} : memref<1024xf32, #tpu.memory_space<vmem>>, vector<16xf32>,
    tpu.vector_store %arg16[%swap3A_667], %add3A_666 {strides = array<i32>} : memref<1024xf32, #tpu.memory_space<vmem>>, vector<16xf32>,
    %get3A_669 = arith.constant 320 : index
    %get3A_670 = tpu.vector_load %arg15[%get3A_669] {strides = array<i32>} : memref<1024xf32, #tpu.memory_space<vmem>>, vector<16xf32>,
    %add3A_671 = arith.addf %parallel_loop3A_648#4, %get3A_670 : vector<16xf32>
    %swap3A_672 = arith.constant 320 : index
    %swap3A_673 = tpu.vector_load %arg16[%swap3A_672] {strides = array<i32>} : memref<1024xf32, #tpu.memory_space<vmem>>, vector<16xf32>,
    tpu.vector_store %arg16[%swap3A_672], %add3A_671 {strides = array<i32>} : memref<1024xf32, #tpu.memory_space<vmem>>, vector<16xf32>,
    %get3A_674 = arith.constant 336 : index
    %get3A_675 = tpu.vector_load %arg15[%get3A_674] {strides = array<i32>} : memref<1024xf32, #tpu.memory_space<vmem>>, vector<16xf32>,
    %add3A_676 = arith.addf %parallel_loop3A_648#5, %get3A_675 : vector<16xf32>
    %swap3A_677 = arith.constant 336 : index
    %swap3A_678 = tpu.vector_load %arg16[%swap3A_677] {strides = array<i32>} : memref<1024xf32, #tpu.memory_space<vmem>>, vector<16xf32>,
    tpu.vector_store %arg16[%swap3A_677], %add3A_676 {strides = array<i32>} : memref<1024xf32, #tpu.memory_space<vmem>>, vector<16xf32>,
    %get3A_679 = arith.constant 352 : index
    %get3A_680 = tpu.vector_load %arg15[%get3A_679] {strides = array<i32>} : memref<1024xf32, #tpu.memory_space<vmem>>, vector<16xf32>,
    %add3A_681 = arith.addf %parallel_loop3A_648#6, %get3A_680 : vector<16xf32>
    %swap3A_682 = arith.constant 352 : index
    %swap3A_683 = tpu.vector_load %arg16[%swap3A_682] {strides = array<i32>} : memref<1024xf32, #tpu.memory_space<vmem>>, vector<16xf32>,
    tpu.vector_store %arg16[%swap3A_682], %add3A_681 {strides = array<i32>} : memref<1024xf32, #tpu.memory_space<vmem>>, vector<16xf32>,
    %get3A_684 = arith.constant 368 : index
    %get3A_685 = tpu.vector_load %arg15[%get3A_684] {strides = array<i32>} : memref<1024xf32, #tpu.memory_space<vmem>>, vector<16xf32>,
    %add3A_686 = arith.addf %parallel_loop3A_648#7, %get3A_685 : vector<16xf32>
    %swap3A_687 = arith.constant 368 : index
    %swap3A_688 = tpu.vector_load %arg16[%swap3A_687] {strides = array<i32>} : memref<1024xf32, #tpu.memory_space<vmem>>, vector<16xf32>,
    tpu.vector_store %arg16[%swap3A_687], %add3A_686 {strides = array<i32>} : memref<1024xf32, #tpu.memory_space<vmem>>, vector<16xf32>,
    %parallel_loop3A_689 = arith.constant 0 : i32
    %parallel_loop3A_690 = arith.constant 32 : i32
    %parallel_loop3A_691 = arith.constant 1 : i32
    %parallel_loop3A_692:8 = scf.for %parallel_loop3A_915 = %parallel_loop3A_689 to %parallel_loop3A_690 step %parallel_loop3A_691 iter_args(%parallel_loop3A_916 = %broadcast_in_dim3A_1, %parallel_loop3A_917 = %broadcast_in_dim3A_1, %parallel_loop3A_918 = %broadcast_in_dim3A_1, %parallel_loop3A_919 = %broadcast_in_dim3A_1, %parallel_loop3A_920 = %broadcast_in_dim3A_1, %parallel_loop3A_921 = %broadcast_in_dim3A_1, %parallel_loop3A_922 = %broadcast_in_dim3A_1, %parallel_loop3A_923 = %broadcast_in_dim3A_1) -> (vector<16xf32>, vector<16xf32>, vector<16xf32>, vector<16xf32>, vector<16xf32>, vector<16xf32>, vector<16xf32>, vector<16xf32>)  : i32 {
      %parallel_loop3A_924 = arith.constant 2 : i32
      %parallel_loop3A_925 = arith.muli %parallel_loop3A_915, %parallel_loop3A_924 : i32
      %parallel_loop3A_926 = arith.constant 0 : i32
      %parallel_loop3A_927 = arith.addi %parallel_loop3A_925, %parallel_loop3A_926 : i32
      %parallel_loop3A_928 = arith.constant 16 : i32
      %parallel_loop3A_929 = arith.muli %parallel_loop3A_927, %parallel_loop3A_928 : i32
      %parallel_loop3A_930 = arith.index_cast %parallel_loop3A_929 : i32 to index
      %parallel_loop3A_931 = tpu.vector_load %arg17[%parallel_loop3A_930] {strides = array<i32>} : memref<1024xf32, #tpu.memory_space<vmem>>, vector<16xf32>,
      %parallel_loop3A_932 = arith.index_cast %parallel_loop3A_927 : i32 to index
      %parallel_loop3A_933 = arith.constant 384 : index
      %parallel_loop3A_934 = tpu.vector_load %arg14[%parallel_loop3A_932, %parallel_loop3A_933] {strides = array<i32>} : memref<64x1024xf32, #tpu.memory_space<vmem>>, vector<16xf32>,
      %parallel_loop3A_935 = arith.index_cast %parallel_loop3A_927 : i32 to index
      %parallel_loop3A_936 = arith.constant 400 : index
      %parallel_loop3A_937 = tpu.vector_load %arg14[%parallel_loop3A_935, %parallel_loop3A_936] {strides = array<i32>} : memref<64x1024xf32, #tpu.memory_space<vmem>>, vector<16xf32>,
      %parallel_loop3A_938 = arith.index_cast %parallel_loop3A_927 : i32 to index
      %parallel_loop3A_939 = arith.constant 416 : index
      %parallel_loop3A_940 = tpu.vector_load %arg14[%parallel_loop3A_938, %parallel_loop3A_939] {strides = array<i32>} : memref<64x1024xf32, #tpu.memory_space<vmem>>, vector<16xf32>,
      %parallel_loop3A_941 = arith.index_cast %parallel_loop3A_927 : i32 to index
      %parallel_loop3A_942 = arith.constant 432 : index
      %parallel_loop3A_943 = tpu.vector_load %arg14[%parallel_loop3A_941, %parallel_loop3A_942] {strides = array<i32>} : memref<64x1024xf32, #tpu.memory_space<vmem>>, vector<16xf32>,
      %parallel_loop3A_944 = arith.index_cast %parallel_loop3A_927 : i32 to index
      %parallel_loop3A_945 = arith.constant 448 : index
      %parallel_loop3A_946 = tpu.vector_load %arg14[%parallel_loop3A_944, %parallel_loop3A_945] {strides = array<i32>} : memref<64x1024xf32, #tpu.memory_space<vmem>>, vector<16xf32>,
      %parallel_loop3A_947 = arith.index_cast %parallel_loop3A_927 : i32 to index
      %parallel_loop3A_948 = arith.constant 464 : index
      %parallel_loop3A_949 = tpu.vector_load %arg14[%parallel_loop3A_947, %parallel_loop3A_948] {strides = array<i32>} : memref<64x1024xf32, #tpu.memory_space<vmem>>, vector<16xf32>,
      %parallel_loop3A_950 = arith.index_cast %parallel_loop3A_927 : i32 to index
      %parallel_loop3A_951 = arith.constant 480 : index
      %parallel_loop3A_952 = tpu.vector_load %arg14[%parallel_loop3A_950, %parallel_loop3A_951] {strides = array<i32>} : memref<64x1024xf32, #tpu.memory_space<vmem>>, vector<16xf32>,
      %parallel_loop3A_953 = arith.index_cast %parallel_loop3A_927 : i32 to index
      %parallel_loop3A_954 = arith.constant 496 : index
      %parallel_loop3A_955 = tpu.vector_load %arg14[%parallel_loop3A_953, %parallel_loop3A_954] {strides = array<i32>} : memref<64x1024xf32, #tpu.memory_space<vmem>>, vector<16xf32>,
      %parallel_loop3A_956 = arith.mulf %parallel_loop3A_931, %parallel_loop3A_934 : vector<16xf32>
      %parallel_loop3A_957 = arith.addf %parallel_loop3A_916, %parallel_loop3A_956 : vector<16xf32>
      %parallel_loop3A_958 = arith.mulf %parallel_loop3A_931, %parallel_loop3A_937 : vector<16xf32>
      %parallel_loop3A_959 = arith.addf %parallel_loop3A_917, %parallel_loop3A_958 : vector<16xf32>
      %parallel_loop3A_960 = arith.mulf %parallel_loop3A_931, %parallel_loop3A_940 : vector<16xf32>
      %parallel_loop3A_961 = arith.addf %parallel_loop3A_918, %parallel_loop3A_960 : vector<16xf32>
      %parallel_loop3A_962 = arith.mulf %parallel_loop3A_931, %parallel_loop3A_943 : vector<16xf32>
      %parallel_loop3A_963 = arith.addf %parallel_loop3A_919, %parallel_loop3A_962 : vector<16xf32>
      %parallel_loop3A_964 = arith.mulf %parallel_loop3A_931, %parallel_loop3A_946 : vector<16xf32>
      %parallel_loop3A_965 = arith.addf %parallel_loop3A_920, %parallel_loop3A_964 : vector<16xf32>
      %parallel_loop3A_966 = arith.mulf %parallel_loop3A_931, %parallel_loop3A_949 : vector<16xf32>
      %parallel_loop3A_967 = arith.addf %parallel_loop3A_921, %parallel_loop3A_966 : vector<16xf32>
      %parallel_loop3A_968 = arith.mulf %parallel_loop3A_931, %parallel_loop3A_952 : vector<16xf32>
      %parallel_loop3A_969 = arith.addf %parallel_loop3A_922, %parallel_loop3A_968 : vector<16xf32>
      %parallel_loop3A_970 = arith.mulf %parallel_loop3A_931, %parallel_loop3A_955 : vector<16xf32>
      %parallel_loop3A_971 = arith.addf %parallel_loop3A_923, %parallel_loop3A_970 : vector<16xf32>
      %parallel_loop3A_972 = arith.constant 2 : i32
      %parallel_loop3A_973 = arith.muli %parallel_loop3A_915, %parallel_loop3A_972 : i32
      %parallel_loop3A_974 = arith.constant 1 : i32
      %parallel_loop3A_975 = arith.addi %parallel_loop3A_973, %parallel_loop3A_974 : i32
      %parallel_loop3A_976 = arith.constant 16 : i32
      %parallel_loop3A_977 = arith.muli %parallel_loop3A_975, %parallel_loop3A_976 : i32
      %parallel_loop3A_978 = arith.index_cast %parallel_loop3A_977 : i32 to index
      %parallel_loop3A_979 = tpu.vector_load %arg17[%parallel_loop3A_978] {strides = array<i32>} : memref<1024xf32, #tpu.memory_space<vmem>>, vector<16xf32>,
      %parallel_loop3A_980 = arith.index_cast %parallel_loop3A_975 : i32 to index
      %parallel_loop3A_981 = arith.constant 384 : index
      %parallel_loop3A_982 = tpu.vector_load %arg14[%parallel_loop3A_980, %parallel_loop3A_981] {strides = array<i32>} : memref<64x1024xf32, #tpu.memory_space<vmem>>, vector<16xf32>,
      %parallel_loop3A_983 = arith.index_cast %parallel_loop3A_975 : i32 to index
      %parallel_loop3A_984 = arith.constant 400 : index
      %parallel_loop3A_985 = tpu.vector_load %arg14[%parallel_loop3A_983, %parallel_loop3A_984] {strides = array<i32>} : memref<64x1024xf32, #tpu.memory_space<vmem>>, vector<16xf32>,
      %parallel_loop3A_986 = arith.index_cast %parallel_loop3A_975 : i32 to index
      %parallel_loop3A_987 = arith.constant 416 : index
      %parallel_loop3A_988 = tpu.vector_load %arg14[%parallel_loop3A_986, %parallel_loop3A_987] {strides = array<i32>} : memref<64x1024xf32, #tpu.memory_space<vmem>>, vector<16xf32>,
      %parallel_loop3A_989 = arith.index_cast %parallel_loop3A_975 : i32 to index
      %parallel_loop3A_990 = arith.constant 432 : index
      %parallel_loop3A_991 = tpu.vector_load %arg14[%parallel_loop3A_989, %parallel_loop3A_990] {strides = array<i32>} : memref<64x1024xf32, #tpu.memory_space<vmem>>, vector<16xf32>,
      %parallel_loop3A_992 = arith.index_cast %parallel_loop3A_975 : i32 to index
      %parallel_loop3A_993 = arith.constant 448 : index
      %parallel_loop3A_994 = tpu.vector_load %arg14[%parallel_loop3A_992, %parallel_loop3A_993] {strides = array<i32>} : memref<64x1024xf32, #tpu.memory_space<vmem>>, vector<16xf32>,
      %parallel_loop3A_995 = arith.index_cast %parallel_loop3A_975 : i32 to index
      %parallel_loop3A_996 = arith.constant 464 : index
      %parallel_loop3A_997 = tpu.vector_load %arg14[%parallel_loop3A_995, %parallel_loop3A_996] {strides = array<i32>} : memref<64x1024xf32, #tpu.memory_space<vmem>>, vector<16xf32>,
      %parallel_loop3A_998 = arith.index_cast %parallel_loop3A_975 : i32 to index
      %parallel_loop3A_999 = arith.constant 480 : index
      %parallel_loop3A_1000 = tpu.vector_load %arg14[%parallel_loop3A_998, %parallel_loop3A_999] {strides = array<i32>} : memref<64x1024xf32, #tpu.memory_space<vmem>>, vector<16xf32>,
      %parallel_loop3A_1001 = arith.index_cast %parallel_loop3A_975 : i32 to index
      %parallel_loop3A_1002 = arith.constant 496 : index
      %parallel_loop3A_1003 = tpu.vector_load %arg14[%parallel_loop3A_1001, %parallel_loop3A_1002] {strides = array<i32>} : memref<64x1024xf32, #tpu.memory_space<vmem>>, vector<16xf32>,
      %parallel_loop3A_1004 = arith.mulf %parallel_loop3A_979, %parallel_loop3A_982 : vector<16xf32>
      %parallel_loop3A_1005 = arith.addf %parallel_loop3A_957, %parallel_loop3A_1004 : vector<16xf32>
      %parallel_loop3A_1006 = arith.mulf %parallel_loop3A_979, %parallel_loop3A_985 : vector<16xf32>
      %parallel_loop3A_1007 = arith.addf %parallel_loop3A_959, %parallel_loop3A_1006 : vector<16xf32>
      %parallel_loop3A_1008 = arith.mulf %parallel_loop3A_979, %parallel_loop3A_988 : vector<16xf32>
      %parallel_loop3A_1009 = arith.addf %parallel_loop3A_961, %parallel_loop3A_1008 : vector<16xf32>
      %parallel_loop3A_1010 = arith.mulf %parallel_loop3A_979, %parallel_loop3A_991 : vector<16xf32>
      %parallel_loop3A_1011 = arith.addf %parallel_loop3A_963, %parallel_loop3A_1010 : vector<16xf32>
      %parallel_loop3A_1012 = arith.mulf %parallel_loop3A_979, %parallel_loop3A_994 : vector<16xf32>
      %parallel_loop3A_1013 = arith.addf %parallel_loop3A_965, %parallel_loop3A_1012 : vector<16xf32>
      %parallel_loop3A_1014 = arith.mulf %parallel_loop3A_979, %parallel_loop3A_997 : vector<16xf32>
      %parallel_loop3A_1015 = arith.addf %parallel_loop3A_967, %parallel_loop3A_1014 : vector<16xf32>
      %parallel_loop3A_1016 = arith.mulf %parallel_loop3A_979, %parallel_loop3A_1000 : vector<16xf32>
      %parallel_loop3A_1017 = arith.addf %parallel_loop3A_969, %parallel_loop3A_1016 : vector<16xf32>
      %parallel_loop3A_1018 = arith.mulf %parallel_loop3A_979, %parallel_loop3A_1003 : vector<16xf32>
      %parallel_loop3A_1019 = arith.addf %parallel_loop3A_971, %parallel_loop3A_1018 : vector<16xf32>
      scf.yield %parallel_loop3A_1005, %parallel_loop3A_1007, %parallel_loop3A_1009, %parallel_loop3A_1011, %parallel_loop3A_1013, %parallel_loop3A_1015, %parallel_loop3A_1017, %parallel_loop3A_1019 : vector<16xf32>, vector<16xf32>, vector<16xf32>, vector<16xf32>, vector<16xf32>, vector<16xf32>, vector<16xf32>, vector<16xf32>
    } {sc.loop_unroll_factor = 1 : i64, sc.parallel_access}
    %get3A_693 = arith.constant 384 : index
    %get3A_694 = tpu.vector_load %arg15[%get3A_693] {strides = array<i32>} : memref<1024xf32, #tpu.memory_space<vmem>>, vector<16xf32>,
    %add3A_695 = arith.addf %parallel_loop3A_692#0, %get3A_694 : vector<16xf32>
    %swap3A_696 = arith.constant 384 : index
    %swap3A_697 = tpu.vector_load %arg16[%swap3A_696] {strides = array<i32>} : memref<1024xf32, #tpu.memory_space<vmem>>, vector<16xf32>,
    tpu.vector_store %arg16[%swap3A_696], %add3A_695 {strides = array<i32>} : memref<1024xf32, #tpu.memory_space<vmem>>, vector<16xf32>,
    %get3A_698 = arith.constant 400 : index
    %get3A_699 = tpu.vector_load %arg15[%get3A_698] {strides = array<i32>} : memref<1024xf32, #tpu.memory_space<vmem>>, vector<16xf32>,
    %add3A_700 = arith.addf %parallel_loop3A_692#1, %get3A_699 : vector<16xf32>
    %swap3A_701 = arith.constant 400 : index
    %swap3A_702 = tpu.vector_load %arg16[%swap3A_701] {strides = array<i32>} : memref<1024xf32, #tpu.memory_space<vmem>>, vector<16xf32>,
    tpu.vector_store %arg16[%swap3A_701], %add3A_700 {strides = array<i32>} : memref<1024xf32, #tpu.memory_space<vmem>>, vector<16xf32>,
    %get3A_703 = arith.constant 416 : index
    %get3A_704 = tpu.vector_load %arg15[%get3A_703] {strides = array<i32>} : memref<1024xf32, #tpu.memory_space<vmem>>, vector<16xf32>,
    %add3A_705 = arith.addf %parallel_loop3A_692#2, %get3A_704 : vector<16xf32>
    %swap3A_706 = arith.constant 416 : index
    %swap3A_707 = tpu.vector_load %arg16[%swap3A_706] {strides = array<i32>} : memref<1024xf32, #tpu.memory_space<vmem>>, vector<16xf32>,
    tpu.vector_store %arg16[%swap3A_706], %add3A_705 {strides = array<i32>} : memref<1024xf32, #tpu.memory_space<vmem>>, vector<16xf32>,
    %get3A_708 = arith.constant 432 : index
    %get3A_709 = tpu.vector_load %arg15[%get3A_708] {strides = array<i32>} : memref<1024xf32, #tpu.memory_space<vmem>>, vector<16xf32>,
    %add3A_710 = arith.addf %parallel_loop3A_692#3, %get3A_709 : vector<16xf32>
    %swap3A_711 = arith.constant 432 : index
    %swap3A_712 = tpu.vector_load %arg16[%swap3A_711] {strides = array<i32>} : memref<1024xf32, #tpu.memory_space<vmem>>, vector<16xf32>,
    tpu.vector_store %arg16[%swap3A_711], %add3A_710 {strides = array<i32>} : memref<1024xf32, #tpu.memory_space<vmem>>, vector<16xf32>,
    %get3A_713 = arith.constant 448 : index
    %get3A_714 = tpu.vector_load %arg15[%get3A_713] {strides = array<i32>} : memref<1024xf32, #tpu.memory_space<vmem>>, vector<16xf32>,
    %add3A_715 = arith.addf %parallel_loop3A_692#4, %get3A_714 : vector<16xf32>
    %swap3A_716 = arith.constant 448 : index
    %swap3A_717 = tpu.vector_load %arg16[%swap3A_716] {strides = array<i32>} : memref<1024xf32, #tpu.memory_space<vmem>>, vector<16xf32>,
    tpu.vector_store %arg16[%swap3A_716], %add3A_715 {strides = array<i32>} : memref<1024xf32, #tpu.memory_space<vmem>>, vector<16xf32>,
    %get3A_718 = arith.constant 464 : index
    %get3A_719 = tpu.vector_load %arg15[%get3A_718] {strides = array<i32>} : memref<1024xf32, #tpu.memory_space<vmem>>, vector<16xf32>,
    %add3A_720 = arith.addf %parallel_loop3A_692#5, %get3A_719 : vector<16xf32>
    %swap3A_721 = arith.constant 464 : index
    %swap3A_722 = tpu.vector_load %arg16[%swap3A_721] {strides = array<i32>} : memref<1024xf32, #tpu.memory_space<vmem>>, vector<16xf32>,
    tpu.vector_store %arg16[%swap3A_721], %add3A_720 {strides = array<i32>} : memref<1024xf32, #tpu.memory_space<vmem>>, vector<16xf32>,
    %get3A_723 = arith.constant 480 : index
    %get3A_724 = tpu.vector_load %arg15[%get3A_723] {strides = array<i32>} : memref<1024xf32, #tpu.memory_space<vmem>>, vector<16xf32>,
    %add3A_725 = arith.addf %parallel_loop3A_692#6, %get3A_724 : vector<16xf32>
    %swap3A_726 = arith.constant 480 : index
    %swap3A_727 = tpu.vector_load %arg16[%swap3A_726] {strides = array<i32>} : memref<1024xf32, #tpu.memory_space<vmem>>, vector<16xf32>,
    tpu.vector_store %arg16[%swap3A_726], %add3A_725 {strides = array<i32>} : memref<1024xf32, #tpu.memory_space<vmem>>, vector<16xf32>,
    %get3A_728 = arith.constant 496 : index
    %get3A_729 = tpu.vector_load %arg15[%get3A_728] {strides = array<i32>} : memref<1024xf32, #tpu.memory_space<vmem>>, vector<16xf32>,
    %add3A_730 = arith.addf %parallel_loop3A_692#7, %get3A_729 : vector<16xf32>
    %swap3A_731 = arith.constant 496 : index
    %swap3A_732 = tpu.vector_load %arg16[%swap3A_731] {strides = array<i32>} : memref<1024xf32, #tpu.memory_space<vmem>>, vector<16xf32>,
    tpu.vector_store %arg16[%swap3A_731], %add3A_730 {strides = array<i32>} : memref<1024xf32, #tpu.memory_space<vmem>>, vector<16xf32>,
    %parallel_loop3A_733 = arith.constant 0 : i32
    %parallel_loop3A_734 = arith.constant 32 : i32
    %parallel_loop3A_735 = arith.constant 1 : i32
    %parallel_loop3A_736:8 = scf.for %parallel_loop3A_915 = %parallel_loop3A_733 to %parallel_loop3A_734 step %parallel_loop3A_735 iter_args(%parallel_loop3A_916 = %broadcast_in_dim3A_1, %parallel_loop3A_917 = %broadcast_in_dim3A_1, %parallel_loop3A_918 = %broadcast_in_dim3A_1, %parallel_loop3A_919 = %broadcast_in_dim3A_1, %parallel_loop3A_920 = %broadcast_in_dim3A_1, %parallel_loop3A_921 = %broadcast_in_dim3A_1, %parallel_loop3A_922 = %broadcast_in_dim3A_1, %parallel_loop3A_923 = %broadcast_in_dim3A_1) -> (vector<16xf32>, vector<16xf32>, vector<16xf32>, vector<16xf32>, vector<16xf32>, vector<16xf32>, vector<16xf32>, vector<16xf32>)  : i32 {
      %parallel_loop3A_924 = arith.constant 2 : i32
      %parallel_loop3A_925 = arith.muli %parallel_loop3A_915, %parallel_loop3A_924 : i32
      %parallel_loop3A_926 = arith.constant 0 : i32
      %parallel_loop3A_927 = arith.addi %parallel_loop3A_925, %parallel_loop3A_926 : i32
      %parallel_loop3A_928 = arith.constant 16 : i32
      %parallel_loop3A_929 = arith.muli %parallel_loop3A_927, %parallel_loop3A_928 : i32
      %parallel_loop3A_930 = arith.index_cast %parallel_loop3A_929 : i32 to index
      %parallel_loop3A_931 = tpu.vector_load %arg17[%parallel_loop3A_930] {strides = array<i32>} : memref<1024xf32, #tpu.memory_space<vmem>>, vector<16xf32>,
      %parallel_loop3A_932 = arith.index_cast %parallel_loop3A_927 : i32 to index
      %parallel_loop3A_933 = arith.constant 512 : index
      %parallel_loop3A_934 = tpu.vector_load %arg14[%parallel_loop3A_932, %parallel_loop3A_933] {strides = array<i32>} : memref<64x1024xf32, #tpu.memory_space<vmem>>, vector<16xf32>,
      %parallel_loop3A_935 = arith.index_cast %parallel_loop3A_927 : i32 to index
      %parallel_loop3A_936 = arith.constant 528 : index
      %parallel_loop3A_937 = tpu.vector_load %arg14[%parallel_loop3A_935, %parallel_loop3A_936] {strides = array<i32>} : memref<64x1024xf32, #tpu.memory_space<vmem>>, vector<16xf32>,
      %parallel_loop3A_938 = arith.index_cast %parallel_loop3A_927 : i32 to index
      %parallel_loop3A_939 = arith.constant 544 : index
      %parallel_loop3A_940 = tpu.vector_load %arg14[%parallel_loop3A_938, %parallel_loop3A_939] {strides = array<i32>} : memref<64x1024xf32, #tpu.memory_space<vmem>>, vector<16xf32>,
      %parallel_loop3A_941 = arith.index_cast %parallel_loop3A_927 : i32 to index
      %parallel_loop3A_942 = arith.constant 560 : index
      %parallel_loop3A_943 = tpu.vector_load %arg14[%parallel_loop3A_941, %parallel_loop3A_942] {strides = array<i32>} : memref<64x1024xf32, #tpu.memory_space<vmem>>, vector<16xf32>,
      %parallel_loop3A_944 = arith.index_cast %parallel_loop3A_927 : i32 to index
      %parallel_loop3A_945 = arith.constant 576 : index
      %parallel_loop3A_946 = tpu.vector_load %arg14[%parallel_loop3A_944, %parallel_loop3A_945] {strides = array<i32>} : memref<64x1024xf32, #tpu.memory_space<vmem>>, vector<16xf32>,
      %parallel_loop3A_947 = arith.index_cast %parallel_loop3A_927 : i32 to index
      %parallel_loop3A_948 = arith.constant 592 : index
      %parallel_loop3A_949 = tpu.vector_load %arg14[%parallel_loop3A_947, %parallel_loop3A_948] {strides = array<i32>} : memref<64x1024xf32, #tpu.memory_space<vmem>>, vector<16xf32>,
      %parallel_loop3A_950 = arith.index_cast %parallel_loop3A_927 : i32 to index
      %parallel_loop3A_951 = arith.constant 608 : index
      %parallel_loop3A_952 = tpu.vector_load %arg14[%parallel_loop3A_950, %parallel_loop3A_951] {strides = array<i32>} : memref<64x1024xf32, #tpu.memory_space<vmem>>, vector<16xf32>,
      %parallel_loop3A_953 = arith.index_cast %parallel_loop3A_927 : i32 to index
      %parallel_loop3A_954 = arith.constant 624 : index
      %parallel_loop3A_955 = tpu.vector_load %arg14[%parallel_loop3A_953, %parallel_loop3A_954] {strides = array<i32>} : memref<64x1024xf32, #tpu.memory_space<vmem>>, vector<16xf32>,
      %parallel_loop3A_956 = arith.mulf %parallel_loop3A_931, %parallel_loop3A_934 : vector<16xf32>
      %parallel_loop3A_957 = arith.addf %parallel_loop3A_916, %parallel_loop3A_956 : vector<16xf32>
      %parallel_loop3A_958 = arith.mulf %parallel_loop3A_931, %parallel_loop3A_937 : vector<16xf32>
      %parallel_loop3A_959 = arith.addf %parallel_loop3A_917, %parallel_loop3A_958 : vector<16xf32>
      %parallel_loop3A_960 = arith.mulf %parallel_loop3A_931, %parallel_loop3A_940 : vector<16xf32>
      %parallel_loop3A_961 = arith.addf %parallel_loop3A_918, %parallel_loop3A_960 : vector<16xf32>
      %parallel_loop3A_962 = arith.mulf %parallel_loop3A_931, %parallel_loop3A_943 : vector<16xf32>
      %parallel_loop3A_963 = arith.addf %parallel_loop3A_919, %parallel_loop3A_962 : vector<16xf32>
      %parallel_loop3A_964 = arith.mulf %parallel_loop3A_931, %parallel_loop3A_946 : vector<16xf32>
      %parallel_loop3A_965 = arith.addf %parallel_loop3A_920, %parallel_loop3A_964 : vector<16xf32>
      %parallel_loop3A_966 = arith.mulf %parallel_loop3A_931, %parallel_loop3A_949 : vector<16xf32>
      %parallel_loop3A_967 = arith.addf %parallel_loop3A_921, %parallel_loop3A_966 : vector<16xf32>
      %parallel_loop3A_968 = arith.mulf %parallel_loop3A_931, %parallel_loop3A_952 : vector<16xf32>
      %parallel_loop3A_969 = arith.addf %parallel_loop3A_922, %parallel_loop3A_968 : vector<16xf32>
      %parallel_loop3A_970 = arith.mulf %parallel_loop3A_931, %parallel_loop3A_955 : vector<16xf32>
      %parallel_loop3A_971 = arith.addf %parallel_loop3A_923, %parallel_loop3A_970 : vector<16xf32>
      %parallel_loop3A_972 = arith.constant 2 : i32
      %parallel_loop3A_973 = arith.muli %parallel_loop3A_915, %parallel_loop3A_972 : i32
      %parallel_loop3A_974 = arith.constant 1 : i32
      %parallel_loop3A_975 = arith.addi %parallel_loop3A_973, %parallel_loop3A_974 : i32
      %parallel_loop3A_976 = arith.constant 16 : i32
      %parallel_loop3A_977 = arith.muli %parallel_loop3A_975, %parallel_loop3A_976 : i32
      %parallel_loop3A_978 = arith.index_cast %parallel_loop3A_977 : i32 to index
      %parallel_loop3A_979 = tpu.vector_load %arg17[%parallel_loop3A_978] {strides = array<i32>} : memref<1024xf32, #tpu.memory_space<vmem>>, vector<16xf32>,
      %parallel_loop3A_980 = arith.index_cast %parallel_loop3A_975 : i32 to index
      %parallel_loop3A_981 = arith.constant 512 : index
      %parallel_loop3A_982 = tpu.vector_load %arg14[%parallel_loop3A_980, %parallel_loop3A_981] {strides = array<i32>} : memref<64x1024xf32, #tpu.memory_space<vmem>>, vector<16xf32>,
      %parallel_loop3A_983 = arith.index_cast %parallel_loop3A_975 : i32 to index
      %parallel_loop3A_984 = arith.constant 528 : index
      %parallel_loop3A_985 = tpu.vector_load %arg14[%parallel_loop3A_983, %parallel_loop3A_984] {strides = array<i32>} : memref<64x1024xf32, #tpu.memory_space<vmem>>, vector<16xf32>,
      %parallel_loop3A_986 = arith.index_cast %parallel_loop3A_975 : i32 to index
      %parallel_loop3A_987 = arith.constant 544 : index
      %parallel_loop3A_988 = tpu.vector_load %arg14[%parallel_loop3A_986, %parallel_loop3A_987] {strides = array<i32>} : memref<64x1024xf32, #tpu.memory_space<vmem>>, vector<16xf32>,
      %parallel_loop3A_989 = arith.index_cast %parallel_loop3A_975 : i32 to index
      %parallel_loop3A_990 = arith.constant 560 : index
      %parallel_loop3A_991 = tpu.vector_load %arg14[%parallel_loop3A_989, %parallel_loop3A_990] {strides = array<i32>} : memref<64x1024xf32, #tpu.memory_space<vmem>>, vector<16xf32>,
      %parallel_loop3A_992 = arith.index_cast %parallel_loop3A_975 : i32 to index
      %parallel_loop3A_993 = arith.constant 576 : index
      %parallel_loop3A_994 = tpu.vector_load %arg14[%parallel_loop3A_992, %parallel_loop3A_993] {strides = array<i32>} : memref<64x1024xf32, #tpu.memory_space<vmem>>, vector<16xf32>,
      %parallel_loop3A_995 = arith.index_cast %parallel_loop3A_975 : i32 to index
      %parallel_loop3A_996 = arith.constant 592 : index
      %parallel_loop3A_997 = tpu.vector_load %arg14[%parallel_loop3A_995, %parallel_loop3A_996] {strides = array<i32>} : memref<64x1024xf32, #tpu.memory_space<vmem>>, vector<16xf32>,
      %parallel_loop3A_998 = arith.index_cast %parallel_loop3A_975 : i32 to index
      %parallel_loop3A_999 = arith.constant 608 : index
      %parallel_loop3A_1000 = tpu.vector_load %arg14[%parallel_loop3A_998, %parallel_loop3A_999] {strides = array<i32>} : memref<64x1024xf32, #tpu.memory_space<vmem>>, vector<16xf32>,
      %parallel_loop3A_1001 = arith.index_cast %parallel_loop3A_975 : i32 to index
      %parallel_loop3A_1002 = arith.constant 624 : index
      %parallel_loop3A_1003 = tpu.vector_load %arg14[%parallel_loop3A_1001, %parallel_loop3A_1002] {strides = array<i32>} : memref<64x1024xf32, #tpu.memory_space<vmem>>, vector<16xf32>,
      %parallel_loop3A_1004 = arith.mulf %parallel_loop3A_979, %parallel_loop3A_982 : vector<16xf32>
      %parallel_loop3A_1005 = arith.addf %parallel_loop3A_957, %parallel_loop3A_1004 : vector<16xf32>
      %parallel_loop3A_1006 = arith.mulf %parallel_loop3A_979, %parallel_loop3A_985 : vector<16xf32>
      %parallel_loop3A_1007 = arith.addf %parallel_loop3A_959, %parallel_loop3A_1006 : vector<16xf32>
      %parallel_loop3A_1008 = arith.mulf %parallel_loop3A_979, %parallel_loop3A_988 : vector<16xf32>
      %parallel_loop3A_1009 = arith.addf %parallel_loop3A_961, %parallel_loop3A_1008 : vector<16xf32>
      %parallel_loop3A_1010 = arith.mulf %parallel_loop3A_979, %parallel_loop3A_991 : vector<16xf32>
      %parallel_loop3A_1011 = arith.addf %parallel_loop3A_963, %parallel_loop3A_1010 : vector<16xf32>
      %parallel_loop3A_1012 = arith.mulf %parallel_loop3A_979, %parallel_loop3A_994 : vector<16xf32>
      %parallel_loop3A_1013 = arith.addf %parallel_loop3A_965, %parallel_loop3A_1012 : vector<16xf32>
      %parallel_loop3A_1014 = arith.mulf %parallel_loop3A_979, %parallel_loop3A_997 : vector<16xf32>
      %parallel_loop3A_1015 = arith.addf %parallel_loop3A_967, %parallel_loop3A_1014 : vector<16xf32>
      %parallel_loop3A_1016 = arith.mulf %parallel_loop3A_979, %parallel_loop3A_1000 : vector<16xf32>
      %parallel_loop3A_1017 = arith.addf %parallel_loop3A_969, %parallel_loop3A_1016 : vector<16xf32>
      %parallel_loop3A_1018 = arith.mulf %parallel_loop3A_979, %parallel_loop3A_1003 : vector<16xf32>
      %parallel_loop3A_1019 = arith.addf %parallel_loop3A_971, %parallel_loop3A_1018 : vector<16xf32>
      scf.yield %parallel_loop3A_1005, %parallel_loop3A_1007, %parallel_loop3A_1009, %parallel_loop3A_1011, %parallel_loop3A_1013, %parallel_loop3A_1015, %parallel_loop3A_1017, %parallel_loop3A_1019 : vector<16xf32>, vector<16xf32>, vector<16xf32>, vector<16xf32>, vector<16xf32>, vector<16xf32>, vector<16xf32>, vector<16xf32>
    } {sc.loop_unroll_factor = 1 : i64, sc.parallel_access}
    %get3A_737 = arith.constant 512 : index
    %get3A_738 = tpu.vector_load %arg15[%get3A_737] {strides = array<i32>} : memref<1024xf32, #tpu.memory_space<vmem>>, vector<16xf32>,
    %add3A_739 = arith.addf %parallel_loop3A_736#0, %get3A_738 : vector<16xf32>
    %swap3A_740 = arith.constant 512 : index
    %swap3A_741 = tpu.vector_load %arg16[%swap3A_740] {strides = array<i32>} : memref<1024xf32, #tpu.memory_space<vmem>>, vector<16xf32>,
    tpu.vector_store %arg16[%swap3A_740], %add3A_739 {strides = array<i32>} : memref<1024xf32, #tpu.memory_space<vmem>>, vector<16xf32>,
    %get3A_742 = arith.constant 528 : index
    %get3A_743 = tpu.vector_load %arg15[%get3A_742] {strides = array<i32>} : memref<1024xf32, #tpu.memory_space<vmem>>, vector<16xf32>,
    %add3A_744 = arith.addf %parallel_loop3A_736#1, %get3A_743 : vector<16xf32>
    %swap3A_745 = arith.constant 528 : index
    %swap3A_746 = tpu.vector_load %arg16[%swap3A_745] {strides = array<i32>} : memref<1024xf32, #tpu.memory_space<vmem>>, vector<16xf32>,
    tpu.vector_store %arg16[%swap3A_745], %add3A_744 {strides = array<i32>} : memref<1024xf32, #tpu.memory_space<vmem>>, vector<16xf32>,
    %get3A_747 = arith.constant 544 : index
    %get3A_748 = tpu.vector_load %arg15[%get3A_747] {strides = array<i32>} : memref<1024xf32, #tpu.memory_space<vmem>>, vector<16xf32>,
    %add3A_749 = arith.addf %parallel_loop3A_736#2, %get3A_748 : vector<16xf32>
    %swap3A_750 = arith.constant 544 : index
    %swap3A_751 = tpu.vector_load %arg16[%swap3A_750] {strides = array<i32>} : memref<1024xf32, #tpu.memory_space<vmem>>, vector<16xf32>,
    tpu.vector_store %arg16[%swap3A_750], %add3A_749 {strides = array<i32>} : memref<1024xf32, #tpu.memory_space<vmem>>, vector<16xf32>,
    %get3A_752 = arith.constant 560 : index
    %get3A_753 = tpu.vector_load %arg15[%get3A_752] {strides = array<i32>} : memref<1024xf32, #tpu.memory_space<vmem>>, vector<16xf32>,
    %add3A_754 = arith.addf %parallel_loop3A_736#3, %get3A_753 : vector<16xf32>
    %swap3A_755 = arith.constant 560 : index
    %swap3A_756 = tpu.vector_load %arg16[%swap3A_755] {strides = array<i32>} : memref<1024xf32, #tpu.memory_space<vmem>>, vector<16xf32>,
    tpu.vector_store %arg16[%swap3A_755], %add3A_754 {strides = array<i32>} : memref<1024xf32, #tpu.memory_space<vmem>>, vector<16xf32>,
    %get3A_757 = arith.constant 576 : index
    %get3A_758 = tpu.vector_load %arg15[%get3A_757] {strides = array<i32>} : memref<1024xf32, #tpu.memory_space<vmem>>, vector<16xf32>,
    %add3A_759 = arith.addf %parallel_loop3A_736#4, %get3A_758 : vector<16xf32>
    %swap3A_760 = arith.constant 576 : index
    %swap3A_761 = tpu.vector_load %arg16[%swap3A_760] {strides = array<i32>} : memref<1024xf32, #tpu.memory_space<vmem>>, vector<16xf32>,
    tpu.vector_store %arg16[%swap3A_760], %add3A_759 {strides = array<i32>} : memref<1024xf32, #tpu.memory_space<vmem>>, vector<16xf32>,
    %get3A_762 = arith.constant 592 : index
    %get3A_763 = tpu.vector_load %arg15[%get3A_762] {strides = array<i32>} : memref<1024xf32, #tpu.memory_space<vmem>>, vector<16xf32>,
    %add3A_764 = arith.addf %parallel_loop3A_736#5, %get3A_763 : vector<16xf32>
    %swap3A_765 = arith.constant 592 : index
    %swap3A_766 = tpu.vector_load %arg16[%swap3A_765] {strides = array<i32>} : memref<1024xf32, #tpu.memory_space<vmem>>, vector<16xf32>,
    tpu.vector_store %arg16[%swap3A_765], %add3A_764 {strides = array<i32>} : memref<1024xf32, #tpu.memory_space<vmem>>, vector<16xf32>,
    %get3A_767 = arith.constant 608 : index
    %get3A_768 = tpu.vector_load %arg15[%get3A_767] {strides = array<i32>} : memref<1024xf32, #tpu.memory_space<vmem>>, vector<16xf32>,
    %add3A_769 = arith.addf %parallel_loop3A_736#6, %get3A_768 : vector<16xf32>
    %swap3A_770 = arith.constant 608 : index
    %swap3A_771 = tpu.vector_load %arg16[%swap3A_770] {strides = array<i32>} : memref<1024xf32, #tpu.memory_space<vmem>>, vector<16xf32>,
    tpu.vector_store %arg16[%swap3A_770], %add3A_769 {strides = array<i32>} : memref<1024xf32, #tpu.memory_space<vmem>>, vector<16xf32>,
    %get3A_772 = arith.constant 624 : index
    %get3A_773 = tpu.vector_load %arg15[%get3A_772] {strides = array<i32>} : memref<1024xf32, #tpu.memory_space<vmem>>, vector<16xf32>,
    %add3A_774 = arith.addf %parallel_loop3A_736#7, %get3A_773 : vector<16xf32>
    %swap3A_775 = arith.constant 624 : index
    %swap3A_776 = tpu.vector_load %arg16[%swap3A_775] {strides = array<i32>} : memref<1024xf32, #tpu.memory_space<vmem>>, vector<16xf32>,
    tpu.vector_store %arg16[%swap3A_775], %add3A_774 {strides = array<i32>} : memref<1024xf32, #tpu.memory_space<vmem>>, vector<16xf32>,
    %parallel_loop3A_777 = arith.constant 0 : i32
    %parallel_loop3A_778 = arith.constant 32 : i32
    %parallel_loop3A_779 = arith.constant 1 : i32
    %parallel_loop3A_780:8 = scf.for %parallel_loop3A_915 = %parallel_loop3A_777 to %parallel_loop3A_778 step %parallel_loop3A_779 iter_args(%parallel_loop3A_916 = %broadcast_in_dim3A_1, %parallel_loop3A_917 = %broadcast_in_dim3A_1, %parallel_loop3A_918 = %broadcast_in_dim3A_1, %parallel_loop3A_919 = %broadcast_in_dim3A_1, %parallel_loop3A_920 = %broadcast_in_dim3A_1, %parallel_loop3A_921 = %broadcast_in_dim3A_1, %parallel_loop3A_922 = %broadcast_in_dim3A_1, %parallel_loop3A_923 = %broadcast_in_dim3A_1) -> (vector<16xf32>, vector<16xf32>, vector<16xf32>, vector<16xf32>, vector<16xf32>, vector<16xf32>, vector<16xf32>, vector<16xf32>)  : i32 {
      %parallel_loop3A_924 = arith.constant 2 : i32
      %parallel_loop3A_925 = arith.muli %parallel_loop3A_915, %parallel_loop3A_924 : i32
      %parallel_loop3A_926 = arith.constant 0 : i32
      %parallel_loop3A_927 = arith.addi %parallel_loop3A_925, %parallel_loop3A_926 : i32
      %parallel_loop3A_928 = arith.constant 16 : i32
      %parallel_loop3A_929 = arith.muli %parallel_loop3A_927, %parallel_loop3A_928 : i32
      %parallel_loop3A_930 = arith.index_cast %parallel_loop3A_929 : i32 to index
      %parallel_loop3A_931 = tpu.vector_load %arg17[%parallel_loop3A_930] {strides = array<i32>} : memref<1024xf32, #tpu.memory_space<vmem>>, vector<16xf32>,
      %parallel_loop3A_932 = arith.index_cast %parallel_loop3A_927 : i32 to index
      %parallel_loop3A_933 = arith.constant 640 : index
      %parallel_loop3A_934 = tpu.vector_load %arg14[%parallel_loop3A_932, %parallel_loop3A_933] {strides = array<i32>} : memref<64x1024xf32, #tpu.memory_space<vmem>>, vector<16xf32>,
      %parallel_loop3A_935 = arith.index_cast %parallel_loop3A_927 : i32 to index
      %parallel_loop3A_936 = arith.constant 656 : index
      %parallel_loop3A_937 = tpu.vector_load %arg14[%parallel_loop3A_935, %parallel_loop3A_936] {strides = array<i32>} : memref<64x1024xf32, #tpu.memory_space<vmem>>, vector<16xf32>,
      %parallel_loop3A_938 = arith.index_cast %parallel_loop3A_927 : i32 to index
      %parallel_loop3A_939 = arith.constant 672 : index
      %parallel_loop3A_940 = tpu.vector_load %arg14[%parallel_loop3A_938, %parallel_loop3A_939] {strides = array<i32>} : memref<64x1024xf32, #tpu.memory_space<vmem>>, vector<16xf32>,
      %parallel_loop3A_941 = arith.index_cast %parallel_loop3A_927 : i32 to index
      %parallel_loop3A_942 = arith.constant 688 : index
      %parallel_loop3A_943 = tpu.vector_load %arg14[%parallel_loop3A_941, %parallel_loop3A_942] {strides = array<i32>} : memref<64x1024xf32, #tpu.memory_space<vmem>>, vector<16xf32>,
      %parallel_loop3A_944 = arith.index_cast %parallel_loop3A_927 : i32 to index
      %parallel_loop3A_945 = arith.constant 704 : index
      %parallel_loop3A_946 = tpu.vector_load %arg14[%parallel_loop3A_944, %parallel_loop3A_945] {strides = array<i32>} : memref<64x1024xf32, #tpu.memory_space<vmem>>, vector<16xf32>,
      %parallel_loop3A_947 = arith.index_cast %parallel_loop3A_927 : i32 to index
      %parallel_loop3A_948 = arith.constant 720 : index
      %parallel_loop3A_949 = tpu.vector_load %arg14[%parallel_loop3A_947, %parallel_loop3A_948] {strides = array<i32>} : memref<64x1024xf32, #tpu.memory_space<vmem>>, vector<16xf32>,
      %parallel_loop3A_950 = arith.index_cast %parallel_loop3A_927 : i32 to index
      %parallel_loop3A_951 = arith.constant 736 : index
      %parallel_loop3A_952 = tpu.vector_load %arg14[%parallel_loop3A_950, %parallel_loop3A_951] {strides = array<i32>} : memref<64x1024xf32, #tpu.memory_space<vmem>>, vector<16xf32>,
      %parallel_loop3A_953 = arith.index_cast %parallel_loop3A_927 : i32 to index
      %parallel_loop3A_954 = arith.constant 752 : index
      %parallel_loop3A_955 = tpu.vector_load %arg14[%parallel_loop3A_953, %parallel_loop3A_954] {strides = array<i32>} : memref<64x1024xf32, #tpu.memory_space<vmem>>, vector<16xf32>,
      %parallel_loop3A_956 = arith.mulf %parallel_loop3A_931, %parallel_loop3A_934 : vector<16xf32>
      %parallel_loop3A_957 = arith.addf %parallel_loop3A_916, %parallel_loop3A_956 : vector<16xf32>
      %parallel_loop3A_958 = arith.mulf %parallel_loop3A_931, %parallel_loop3A_937 : vector<16xf32>
      %parallel_loop3A_959 = arith.addf %parallel_loop3A_917, %parallel_loop3A_958 : vector<16xf32>
      %parallel_loop3A_960 = arith.mulf %parallel_loop3A_931, %parallel_loop3A_940 : vector<16xf32>
      %parallel_loop3A_961 = arith.addf %parallel_loop3A_918, %parallel_loop3A_960 : vector<16xf32>
      %parallel_loop3A_962 = arith.mulf %parallel_loop3A_931, %parallel_loop3A_943 : vector<16xf32>
      %parallel_loop3A_963 = arith.addf %parallel_loop3A_919, %parallel_loop3A_962 : vector<16xf32>
      %parallel_loop3A_964 = arith.mulf %parallel_loop3A_931, %parallel_loop3A_946 : vector<16xf32>
      %parallel_loop3A_965 = arith.addf %parallel_loop3A_920, %parallel_loop3A_964 : vector<16xf32>
      %parallel_loop3A_966 = arith.mulf %parallel_loop3A_931, %parallel_loop3A_949 : vector<16xf32>
      %parallel_loop3A_967 = arith.addf %parallel_loop3A_921, %parallel_loop3A_966 : vector<16xf32>
      %parallel_loop3A_968 = arith.mulf %parallel_loop3A_931, %parallel_loop3A_952 : vector<16xf32>
      %parallel_loop3A_969 = arith.addf %parallel_loop3A_922, %parallel_loop3A_968 : vector<16xf32>
      %parallel_loop3A_970 = arith.mulf %parallel_loop3A_931, %parallel_loop3A_955 : vector<16xf32>
      %parallel_loop3A_971 = arith.addf %parallel_loop3A_923, %parallel_loop3A_970 : vector<16xf32>
      %parallel_loop3A_972 = arith.constant 2 : i32
      %parallel_loop3A_973 = arith.muli %parallel_loop3A_915, %parallel_loop3A_972 : i32
      %parallel_loop3A_974 = arith.constant 1 : i32
      %parallel_loop3A_975 = arith.addi %parallel_loop3A_973, %parallel_loop3A_974 : i32
      %parallel_loop3A_976 = arith.constant 16 : i32
      %parallel_loop3A_977 = arith.muli %parallel_loop3A_975, %parallel_loop3A_976 : i32
      %parallel_loop3A_978 = arith.index_cast %parallel_loop3A_977 : i32 to index
      %parallel_loop3A_979 = tpu.vector_load %arg17[%parallel_loop3A_978] {strides = array<i32>} : memref<1024xf32, #tpu.memory_space<vmem>>, vector<16xf32>,
      %parallel_loop3A_980 = arith.index_cast %parallel_loop3A_975 : i32 to index
      %parallel_loop3A_981 = arith.constant 640 : index
      %parallel_loop3A_982 = tpu.vector_load %arg14[%parallel_loop3A_980, %parallel_loop3A_981] {strides = array<i32>} : memref<64x1024xf32, #tpu.memory_space<vmem>>, vector<16xf32>,
      %parallel_loop3A_983 = arith.index_cast %parallel_loop3A_975 : i32 to index
      %parallel_loop3A_984 = arith.constant 656 : index
      %parallel_loop3A_985 = tpu.vector_load %arg14[%parallel_loop3A_983, %parallel_loop3A_984] {strides = array<i32>} : memref<64x1024xf32, #tpu.memory_space<vmem>>, vector<16xf32>,
      %parallel_loop3A_986 = arith.index_cast %parallel_loop3A_975 : i32 to index
      %parallel_loop3A_987 = arith.constant 672 : index
      %parallel_loop3A_988 = tpu.vector_load %arg14[%parallel_loop3A_986, %parallel_loop3A_987] {strides = array<i32>} : memref<64x1024xf32, #tpu.memory_space<vmem>>, vector<16xf32>,
      %parallel_loop3A_989 = arith.index_cast %parallel_loop3A_975 : i32 to index
      %parallel_loop3A_990 = arith.constant 688 : index
      %parallel_loop3A_991 = tpu.vector_load %arg14[%parallel_loop3A_989, %parallel_loop3A_990] {strides = array<i32>} : memref<64x1024xf32, #tpu.memory_space<vmem>>, vector<16xf32>,
      %parallel_loop3A_992 = arith.index_cast %parallel_loop3A_975 : i32 to index
      %parallel_loop3A_993 = arith.constant 704 : index
      %parallel_loop3A_994 = tpu.vector_load %arg14[%parallel_loop3A_992, %parallel_loop3A_993] {strides = array<i32>} : memref<64x1024xf32, #tpu.memory_space<vmem>>, vector<16xf32>,
      %parallel_loop3A_995 = arith.index_cast %parallel_loop3A_975 : i32 to index
      %parallel_loop3A_996 = arith.constant 720 : index
      %parallel_loop3A_997 = tpu.vector_load %arg14[%parallel_loop3A_995, %parallel_loop3A_996] {strides = array<i32>} : memref<64x1024xf32, #tpu.memory_space<vmem>>, vector<16xf32>,
      %parallel_loop3A_998 = arith.index_cast %parallel_loop3A_975 : i32 to index
      %parallel_loop3A_999 = arith.constant 736 : index
      %parallel_loop3A_1000 = tpu.vector_load %arg14[%parallel_loop3A_998, %parallel_loop3A_999] {strides = array<i32>} : memref<64x1024xf32, #tpu.memory_space<vmem>>, vector<16xf32>,
      %parallel_loop3A_1001 = arith.index_cast %parallel_loop3A_975 : i32 to index
      %parallel_loop3A_1002 = arith.constant 752 : index
      %parallel_loop3A_1003 = tpu.vector_load %arg14[%parallel_loop3A_1001, %parallel_loop3A_1002] {strides = array<i32>} : memref<64x1024xf32, #tpu.memory_space<vmem>>, vector<16xf32>,
      %parallel_loop3A_1004 = arith.mulf %parallel_loop3A_979, %parallel_loop3A_982 : vector<16xf32>
      %parallel_loop3A_1005 = arith.addf %parallel_loop3A_957, %parallel_loop3A_1004 : vector<16xf32>
      %parallel_loop3A_1006 = arith.mulf %parallel_loop3A_979, %parallel_loop3A_985 : vector<16xf32>
      %parallel_loop3A_1007 = arith.addf %parallel_loop3A_959, %parallel_loop3A_1006 : vector<16xf32>
      %parallel_loop3A_1008 = arith.mulf %parallel_loop3A_979, %parallel_loop3A_988 : vector<16xf32>
      %parallel_loop3A_1009 = arith.addf %parallel_loop3A_961, %parallel_loop3A_1008 : vector<16xf32>
      %parallel_loop3A_1010 = arith.mulf %parallel_loop3A_979, %parallel_loop3A_991 : vector<16xf32>
      %parallel_loop3A_1011 = arith.addf %parallel_loop3A_963, %parallel_loop3A_1010 : vector<16xf32>
      %parallel_loop3A_1012 = arith.mulf %parallel_loop3A_979, %parallel_loop3A_994 : vector<16xf32>
      %parallel_loop3A_1013 = arith.addf %parallel_loop3A_965, %parallel_loop3A_1012 : vector<16xf32>
      %parallel_loop3A_1014 = arith.mulf %parallel_loop3A_979, %parallel_loop3A_997 : vector<16xf32>
      %parallel_loop3A_1015 = arith.addf %parallel_loop3A_967, %parallel_loop3A_1014 : vector<16xf32>
      %parallel_loop3A_1016 = arith.mulf %parallel_loop3A_979, %parallel_loop3A_1000 : vector<16xf32>
      %parallel_loop3A_1017 = arith.addf %parallel_loop3A_969, %parallel_loop3A_1016 : vector<16xf32>
      %parallel_loop3A_1018 = arith.mulf %parallel_loop3A_979, %parallel_loop3A_1003 : vector<16xf32>
      %parallel_loop3A_1019 = arith.addf %parallel_loop3A_971, %parallel_loop3A_1018 : vector<16xf32>
      scf.yield %parallel_loop3A_1005, %parallel_loop3A_1007, %parallel_loop3A_1009, %parallel_loop3A_1011, %parallel_loop3A_1013, %parallel_loop3A_1015, %parallel_loop3A_1017, %parallel_loop3A_1019 : vector<16xf32>, vector<16xf32>, vector<16xf32>, vector<16xf32>, vector<16xf32>, vector<16xf32>, vector<16xf32>, vector<16xf32>
    } {sc.loop_unroll_factor = 1 : i64, sc.parallel_access}
    %get3A_781 = arith.constant 640 : index
    %get3A_782 = tpu.vector_load %arg15[%get3A_781] {strides = array<i32>} : memref<1024xf32, #tpu.memory_space<vmem>>, vector<16xf32>,
    %add3A_783 = arith.addf %parallel_loop3A_780#0, %get3A_782 : vector<16xf32>
    %swap3A_784 = arith.constant 640 : index
    %swap3A_785 = tpu.vector_load %arg16[%swap3A_784] {strides = array<i32>} : memref<1024xf32, #tpu.memory_space<vmem>>, vector<16xf32>,
    tpu.vector_store %arg16[%swap3A_784], %add3A_783 {strides = array<i32>} : memref<1024xf32, #tpu.memory_space<vmem>>, vector<16xf32>,
    %get3A_786 = arith.constant 656 : index
    %get3A_787 = tpu.vector_load %arg15[%get3A_786] {strides = array<i32>} : memref<1024xf32, #tpu.memory_space<vmem>>, vector<16xf32>,
    %add3A_788 = arith.addf %parallel_loop3A_780#1, %get3A_787 : vector<16xf32>
    %swap3A_789 = arith.constant 656 : index
    %swap3A_790 = tpu.vector_load %arg16[%swap3A_789] {strides = array<i32>} : memref<1024xf32, #tpu.memory_space<vmem>>, vector<16xf32>,
    tpu.vector_store %arg16[%swap3A_789], %add3A_788 {strides = array<i32>} : memref<1024xf32, #tpu.memory_space<vmem>>, vector<16xf32>,
    %get3A_791 = arith.constant 672 : index
    %get3A_792 = tpu.vector_load %arg15[%get3A_791] {strides = array<i32>} : memref<1024xf32, #tpu.memory_space<vmem>>, vector<16xf32>,
    %add3A_793 = arith.addf %parallel_loop3A_780#2, %get3A_792 : vector<16xf32>
    %swap3A_794 = arith.constant 672 : index
    %swap3A_795 = tpu.vector_load %arg16[%swap3A_794] {strides = array<i32>} : memref<1024xf32, #tpu.memory_space<vmem>>, vector<16xf32>,
    tpu.vector_store %arg16[%swap3A_794], %add3A_793 {strides = array<i32>} : memref<1024xf32, #tpu.memory_space<vmem>>, vector<16xf32>,
    %get3A_796 = arith.constant 688 : index
    %get3A_797 = tpu.vector_load %arg15[%get3A_796] {strides = array<i32>} : memref<1024xf32, #tpu.memory_space<vmem>>, vector<16xf32>,
    %add3A_798 = arith.addf %parallel_loop3A_780#3, %get3A_797 : vector<16xf32>
    %swap3A_799 = arith.constant 688 : index
    %swap3A_800 = tpu.vector_load %arg16[%swap3A_799] {strides = array<i32>} : memref<1024xf32, #tpu.memory_space<vmem>>, vector<16xf32>,
    tpu.vector_store %arg16[%swap3A_799], %add3A_798 {strides = array<i32>} : memref<1024xf32, #tpu.memory_space<vmem>>, vector<16xf32>,
    %get3A_801 = arith.constant 704 : index
    %get3A_802 = tpu.vector_load %arg15[%get3A_801] {strides = array<i32>} : memref<1024xf32, #tpu.memory_space<vmem>>, vector<16xf32>,
    %add3A_803 = arith.addf %parallel_loop3A_780#4, %get3A_802 : vector<16xf32>
    %swap3A_804 = arith.constant 704 : index
    %swap3A_805 = tpu.vector_load %arg16[%swap3A_804] {strides = array<i32>} : memref<1024xf32, #tpu.memory_space<vmem>>, vector<16xf32>,
    tpu.vector_store %arg16[%swap3A_804], %add3A_803 {strides = array<i32>} : memref<1024xf32, #tpu.memory_space<vmem>>, vector<16xf32>,
    %get3A_806 = arith.constant 720 : index
    %get3A_807 = tpu.vector_load %arg15[%get3A_806] {strides = array<i32>} : memref<1024xf32, #tpu.memory_space<vmem>>, vector<16xf32>,
    %add3A_808 = arith.addf %parallel_loop3A_780#5, %get3A_807 : vector<16xf32>
    %swap3A_809 = arith.constant 720 : index
    %swap3A_810 = tpu.vector_load %arg16[%swap3A_809] {strides = array<i32>} : memref<1024xf32, #tpu.memory_space<vmem>>, vector<16xf32>,
    tpu.vector_store %arg16[%swap3A_809], %add3A_808 {strides = array<i32>} : memref<1024xf32, #tpu.memory_space<vmem>>, vector<16xf32>,
    %get3A_811 = arith.constant 736 : index
    %get3A_812 = tpu.vector_load %arg15[%get3A_811] {strides = array<i32>} : memref<1024xf32, #tpu.memory_space<vmem>>, vector<16xf32>,
    %add3A_813 = arith.addf %parallel_loop3A_780#6, %get3A_812 : vector<16xf32>
    %swap3A_814 = arith.constant 736 : index
    %swap3A_815 = tpu.vector_load %arg16[%swap3A_814] {strides = array<i32>} : memref<1024xf32, #tpu.memory_space<vmem>>, vector<16xf32>,
    tpu.vector_store %arg16[%swap3A_814], %add3A_813 {strides = array<i32>} : memref<1024xf32, #tpu.memory_space<vmem>>, vector<16xf32>,
    %get3A_816 = arith.constant 752 : index
    %get3A_817 = tpu.vector_load %arg15[%get3A_816] {strides = array<i32>} : memref<1024xf32, #tpu.memory_space<vmem>>, vector<16xf32>,
    %add3A_818 = arith.addf %parallel_loop3A_780#7, %get3A_817 : vector<16xf32>
    %swap3A_819 = arith.constant 752 : index
    %swap3A_820 = tpu.vector_load %arg16[%swap3A_819] {strides = array<i32>} : memref<1024xf32, #tpu.memory_space<vmem>>, vector<16xf32>,
    tpu.vector_store %arg16[%swap3A_819], %add3A_818 {strides = array<i32>} : memref<1024xf32, #tpu.memory_space<vmem>>, vector<16xf32>,
    %parallel_loop3A_821 = arith.constant 0 : i32
    %parallel_loop3A_822 = arith.constant 32 : i32
    %parallel_loop3A_823 = arith.constant 1 : i32
    %parallel_loop3A_824:8 = scf.for %parallel_loop3A_915 = %parallel_loop3A_821 to %parallel_loop3A_822 step %parallel_loop3A_823 iter_args(%parallel_loop3A_916 = %broadcast_in_dim3A_1, %parallel_loop3A_917 = %broadcast_in_dim3A_1, %parallel_loop3A_918 = %broadcast_in_dim3A_1, %parallel_loop3A_919 = %broadcast_in_dim3A_1, %parallel_loop3A_920 = %broadcast_in_dim3A_1, %parallel_loop3A_921 = %broadcast_in_dim3A_1, %parallel_loop3A_922 = %broadcast_in_dim3A_1, %parallel_loop3A_923 = %broadcast_in_dim3A_1) -> (vector<16xf32>, vector<16xf32>, vector<16xf32>, vector<16xf32>, vector<16xf32>, vector<16xf32>, vector<16xf32>, vector<16xf32>)  : i32 {
      %parallel_loop3A_924 = arith.constant 2 : i32
      %parallel_loop3A_925 = arith.muli %parallel_loop3A_915, %parallel_loop3A_924 : i32
      %parallel_loop3A_926 = arith.constant 0 : i32
      %parallel_loop3A_927 = arith.addi %parallel_loop3A_925, %parallel_loop3A_926 : i32
      %parallel_loop3A_928 = arith.constant 16 : i32
      %parallel_loop3A_929 = arith.muli %parallel_loop3A_927, %parallel_loop3A_928 : i32
      %parallel_loop3A_930 = arith.index_cast %parallel_loop3A_929 : i32 to index
      %parallel_loop3A_931 = tpu.vector_load %arg17[%parallel_loop3A_930] {strides = array<i32>} : memref<1024xf32, #tpu.memory_space<vmem>>, vector<16xf32>,
      %parallel_loop3A_932 = arith.index_cast %parallel_loop3A_927 : i32 to index
      %parallel_loop3A_933 = arith.constant 768 : index
      %parallel_loop3A_934 = tpu.vector_load %arg14[%parallel_loop3A_932, %parallel_loop3A_933] {strides = array<i32>} : memref<64x1024xf32, #tpu.memory_space<vmem>>, vector<16xf32>,
      %parallel_loop3A_935 = arith.index_cast %parallel_loop3A_927 : i32 to index
      %parallel_loop3A_936 = arith.constant 784 : index
      %parallel_loop3A_937 = tpu.vector_load %arg14[%parallel_loop3A_935, %parallel_loop3A_936] {strides = array<i32>} : memref<64x1024xf32, #tpu.memory_space<vmem>>, vector<16xf32>,
      %parallel_loop3A_938 = arith.index_cast %parallel_loop3A_927 : i32 to index
      %parallel_loop3A_939 = arith.constant 800 : index
      %parallel_loop3A_940 = tpu.vector_load %arg14[%parallel_loop3A_938, %parallel_loop3A_939] {strides = array<i32>} : memref<64x1024xf32, #tpu.memory_space<vmem>>, vector<16xf32>,
      %parallel_loop3A_941 = arith.index_cast %parallel_loop3A_927 : i32 to index
      %parallel_loop3A_942 = arith.constant 816 : index
      %parallel_loop3A_943 = tpu.vector_load %arg14[%parallel_loop3A_941, %parallel_loop3A_942] {strides = array<i32>} : memref<64x1024xf32, #tpu.memory_space<vmem>>, vector<16xf32>,
      %parallel_loop3A_944 = arith.index_cast %parallel_loop3A_927 : i32 to index
      %parallel_loop3A_945 = arith.constant 832 : index
      %parallel_loop3A_946 = tpu.vector_load %arg14[%parallel_loop3A_944, %parallel_loop3A_945] {strides = array<i32>} : memref<64x1024xf32, #tpu.memory_space<vmem>>, vector<16xf32>,
      %parallel_loop3A_947 = arith.index_cast %parallel_loop3A_927 : i32 to index
      %parallel_loop3A_948 = arith.constant 848 : index
      %parallel_loop3A_949 = tpu.vector_load %arg14[%parallel_loop3A_947, %parallel_loop3A_948] {strides = array<i32>} : memref<64x1024xf32, #tpu.memory_space<vmem>>, vector<16xf32>,
      %parallel_loop3A_950 = arith.index_cast %parallel_loop3A_927 : i32 to index
      %parallel_loop3A_951 = arith.constant 864 : index
      %parallel_loop3A_952 = tpu.vector_load %arg14[%parallel_loop3A_950, %parallel_loop3A_951] {strides = array<i32>} : memref<64x1024xf32, #tpu.memory_space<vmem>>, vector<16xf32>,
      %parallel_loop3A_953 = arith.index_cast %parallel_loop3A_927 : i32 to index
      %parallel_loop3A_954 = arith.constant 880 : index
      %parallel_loop3A_955 = tpu.vector_load %arg14[%parallel_loop3A_953, %parallel_loop3A_954] {strides = array<i32>} : memref<64x1024xf32, #tpu.memory_space<vmem>>, vector<16xf32>,
      %parallel_loop3A_956 = arith.mulf %parallel_loop3A_931, %parallel_loop3A_934 : vector<16xf32>
      %parallel_loop3A_957 = arith.addf %parallel_loop3A_916, %parallel_loop3A_956 : vector<16xf32>
      %parallel_loop3A_958 = arith.mulf %parallel_loop3A_931, %parallel_loop3A_937 : vector<16xf32>
      %parallel_loop3A_959 = arith.addf %parallel_loop3A_917, %parallel_loop3A_958 : vector<16xf32>
      %parallel_loop3A_960 = arith.mulf %parallel_loop3A_931, %parallel_loop3A_940 : vector<16xf32>
      %parallel_loop3A_961 = arith.addf %parallel_loop3A_918, %parallel_loop3A_960 : vector<16xf32>
      %parallel_loop3A_962 = arith.mulf %parallel_loop3A_931, %parallel_loop3A_943 : vector<16xf32>
      %parallel_loop3A_963 = arith.addf %parallel_loop3A_919, %parallel_loop3A_962 : vector<16xf32>
      %parallel_loop3A_964 = arith.mulf %parallel_loop3A_931, %parallel_loop3A_946 : vector<16xf32>
      %parallel_loop3A_965 = arith.addf %parallel_loop3A_920, %parallel_loop3A_964 : vector<16xf32>
      %parallel_loop3A_966 = arith.mulf %parallel_loop3A_931, %parallel_loop3A_949 : vector<16xf32>
      %parallel_loop3A_967 = arith.addf %parallel_loop3A_921, %parallel_loop3A_966 : vector<16xf32>
      %parallel_loop3A_968 = arith.mulf %parallel_loop3A_931, %parallel_loop3A_952 : vector<16xf32>
      %parallel_loop3A_969 = arith.addf %parallel_loop3A_922, %parallel_loop3A_968 : vector<16xf32>
      %parallel_loop3A_970 = arith.mulf %parallel_loop3A_931, %parallel_loop3A_955 : vector<16xf32>
      %parallel_loop3A_971 = arith.addf %parallel_loop3A_923, %parallel_loop3A_970 : vector<16xf32>
      %parallel_loop3A_972 = arith.constant 2 : i32
      %parallel_loop3A_973 = arith.muli %parallel_loop3A_915, %parallel_loop3A_972 : i32
      %parallel_loop3A_974 = arith.constant 1 : i32
      %parallel_loop3A_975 = arith.addi %parallel_loop3A_973, %parallel_loop3A_974 : i32
      %parallel_loop3A_976 = arith.constant 16 : i32
      %parallel_loop3A_977 = arith.muli %parallel_loop3A_975, %parallel_loop3A_976 : i32
      %parallel_loop3A_978 = arith.index_cast %parallel_loop3A_977 : i32 to index
      %parallel_loop3A_979 = tpu.vector_load %arg17[%parallel_loop3A_978] {strides = array<i32>} : memref<1024xf32, #tpu.memory_space<vmem>>, vector<16xf32>,
      %parallel_loop3A_980 = arith.index_cast %parallel_loop3A_975 : i32 to index
      %parallel_loop3A_981 = arith.constant 768 : index
      %parallel_loop3A_982 = tpu.vector_load %arg14[%parallel_loop3A_980, %parallel_loop3A_981] {strides = array<i32>} : memref<64x1024xf32, #tpu.memory_space<vmem>>, vector<16xf32>,
      %parallel_loop3A_983 = arith.index_cast %parallel_loop3A_975 : i32 to index
      %parallel_loop3A_984 = arith.constant 784 : index
      %parallel_loop3A_985 = tpu.vector_load %arg14[%parallel_loop3A_983, %parallel_loop3A_984] {strides = array<i32>} : memref<64x1024xf32, #tpu.memory_space<vmem>>, vector<16xf32>,
      %parallel_loop3A_986 = arith.index_cast %parallel_loop3A_975 : i32 to index
      %parallel_loop3A_987 = arith.constant 800 : index
      %parallel_loop3A_988 = tpu.vector_load %arg14[%parallel_loop3A_986, %parallel_loop3A_987] {strides = array<i32>} : memref<64x1024xf32, #tpu.memory_space<vmem>>, vector<16xf32>,
      %parallel_loop3A_989 = arith.index_cast %parallel_loop3A_975 : i32 to index
      %parallel_loop3A_990 = arith.constant 816 : index
      %parallel_loop3A_991 = tpu.vector_load %arg14[%parallel_loop3A_989, %parallel_loop3A_990] {strides = array<i32>} : memref<64x1024xf32, #tpu.memory_space<vmem>>, vector<16xf32>,
      %parallel_loop3A_992 = arith.index_cast %parallel_loop3A_975 : i32 to index
      %parallel_loop3A_993 = arith.constant 832 : index
      %parallel_loop3A_994 = tpu.vector_load %arg14[%parallel_loop3A_992, %parallel_loop3A_993] {strides = array<i32>} : memref<64x1024xf32, #tpu.memory_space<vmem>>, vector<16xf32>,
      %parallel_loop3A_995 = arith.index_cast %parallel_loop3A_975 : i32 to index
      %parallel_loop3A_996 = arith.constant 848 : index
      %parallel_loop3A_997 = tpu.vector_load %arg14[%parallel_loop3A_995, %parallel_loop3A_996] {strides = array<i32>} : memref<64x1024xf32, #tpu.memory_space<vmem>>, vector<16xf32>,
      %parallel_loop3A_998 = arith.index_cast %parallel_loop3A_975 : i32 to index
      %parallel_loop3A_999 = arith.constant 864 : index
      %parallel_loop3A_1000 = tpu.vector_load %arg14[%parallel_loop3A_998, %parallel_loop3A_999] {strides = array<i32>} : memref<64x1024xf32, #tpu.memory_space<vmem>>, vector<16xf32>,
      %parallel_loop3A_1001 = arith.index_cast %parallel_loop3A_975 : i32 to index
      %parallel_loop3A_1002 = arith.constant 880 : index
      %parallel_loop3A_1003 = tpu.vector_load %arg14[%parallel_loop3A_1001, %parallel_loop3A_1002] {strides = array<i32>} : memref<64x1024xf32, #tpu.memory_space<vmem>>, vector<16xf32>,
      %parallel_loop3A_1004 = arith.mulf %parallel_loop3A_979, %parallel_loop3A_982 : vector<16xf32>
      %parallel_loop3A_1005 = arith.addf %parallel_loop3A_957, %parallel_loop3A_1004 : vector<16xf32>
      %parallel_loop3A_1006 = arith.mulf %parallel_loop3A_979, %parallel_loop3A_985 : vector<16xf32>
      %parallel_loop3A_1007 = arith.addf %parallel_loop3A_959, %parallel_loop3A_1006 : vector<16xf32>
      %parallel_loop3A_1008 = arith.mulf %parallel_loop3A_979, %parallel_loop3A_988 : vector<16xf32>
      %parallel_loop3A_1009 = arith.addf %parallel_loop3A_961, %parallel_loop3A_1008 : vector<16xf32>
      %parallel_loop3A_1010 = arith.mulf %parallel_loop3A_979, %parallel_loop3A_991 : vector<16xf32>
      %parallel_loop3A_1011 = arith.addf %parallel_loop3A_963, %parallel_loop3A_1010 : vector<16xf32>
      %parallel_loop3A_1012 = arith.mulf %parallel_loop3A_979, %parallel_loop3A_994 : vector<16xf32>
      %parallel_loop3A_1013 = arith.addf %parallel_loop3A_965, %parallel_loop3A_1012 : vector<16xf32>
      %parallel_loop3A_1014 = arith.mulf %parallel_loop3A_979, %parallel_loop3A_997 : vector<16xf32>
      %parallel_loop3A_1015 = arith.addf %parallel_loop3A_967, %parallel_loop3A_1014 : vector<16xf32>
      %parallel_loop3A_1016 = arith.mulf %parallel_loop3A_979, %parallel_loop3A_1000 : vector<16xf32>
      %parallel_loop3A_1017 = arith.addf %parallel_loop3A_969, %parallel_loop3A_1016 : vector<16xf32>
      %parallel_loop3A_1018 = arith.mulf %parallel_loop3A_979, %parallel_loop3A_1003 : vector<16xf32>
      %parallel_loop3A_1019 = arith.addf %parallel_loop3A_971, %parallel_loop3A_1018 : vector<16xf32>
      scf.yield %parallel_loop3A_1005, %parallel_loop3A_1007, %parallel_loop3A_1009, %parallel_loop3A_1011, %parallel_loop3A_1013, %parallel_loop3A_1015, %parallel_loop3A_1017, %parallel_loop3A_1019 : vector<16xf32>, vector<16xf32>, vector<16xf32>, vector<16xf32>, vector<16xf32>, vector<16xf32>, vector<16xf32>, vector<16xf32>
    } {sc.loop_unroll_factor = 1 : i64, sc.parallel_access}
    %get3A_825 = arith.constant 768 : index
    %get3A_826 = tpu.vector_load %arg15[%get3A_825] {strides = array<i32>} : memref<1024xf32, #tpu.memory_space<vmem>>, vector<16xf32>,
    %add3A_827 = arith.addf %parallel_loop3A_824#0, %get3A_826 : vector<16xf32>
    %swap3A_828 = arith.constant 768 : index
    %swap3A_829 = tpu.vector_load %arg16[%swap3A_828] {strides = array<i32>} : memref<1024xf32, #tpu.memory_space<vmem>>, vector<16xf32>,
    tpu.vector_store %arg16[%swap3A_828], %add3A_827 {strides = array<i32>} : memref<1024xf32, #tpu.memory_space<vmem>>, vector<16xf32>,
    %get3A_830 = arith.constant 784 : index
    %get3A_831 = tpu.vector_load %arg15[%get3A_830] {strides = array<i32>} : memref<1024xf32, #tpu.memory_space<vmem>>, vector<16xf32>,
    %add3A_832 = arith.addf %parallel_loop3A_824#1, %get3A_831 : vector<16xf32>
    %swap3A_833 = arith.constant 784 : index
    %swap3A_834 = tpu.vector_load %arg16[%swap3A_833] {strides = array<i32>} : memref<1024xf32, #tpu.memory_space<vmem>>, vector<16xf32>,
    tpu.vector_store %arg16[%swap3A_833], %add3A_832 {strides = array<i32>} : memref<1024xf32, #tpu.memory_space<vmem>>, vector<16xf32>,
    %get3A_835 = arith.constant 800 : index
    %get3A_836 = tpu.vector_load %arg15[%get3A_835] {strides = array<i32>} : memref<1024xf32, #tpu.memory_space<vmem>>, vector<16xf32>,
    %add3A_837 = arith.addf %parallel_loop3A_824#2, %get3A_836 : vector<16xf32>
    %swap3A_838 = arith.constant 800 : index
    %swap3A_839 = tpu.vector_load %arg16[%swap3A_838] {strides = array<i32>} : memref<1024xf32, #tpu.memory_space<vmem>>, vector<16xf32>,
    tpu.vector_store %arg16[%swap3A_838], %add3A_837 {strides = array<i32>} : memref<1024xf32, #tpu.memory_space<vmem>>, vector<16xf32>,
    %get3A_840 = arith.constant 816 : index
    %get3A_841 = tpu.vector_load %arg15[%get3A_840] {strides = array<i32>} : memref<1024xf32, #tpu.memory_space<vmem>>, vector<16xf32>,
    %add3A_842 = arith.addf %parallel_loop3A_824#3, %get3A_841 : vector<16xf32>
    %swap3A_843 = arith.constant 816 : index
    %swap3A_844 = tpu.vector_load %arg16[%swap3A_843] {strides = array<i32>} : memref<1024xf32, #tpu.memory_space<vmem>>, vector<16xf32>,
    tpu.vector_store %arg16[%swap3A_843], %add3A_842 {strides = array<i32>} : memref<1024xf32, #tpu.memory_space<vmem>>, vector<16xf32>,
    %get3A_845 = arith.constant 832 : index
    %get3A_846 = tpu.vector_load %arg15[%get3A_845] {strides = array<i32>} : memref<1024xf32, #tpu.memory_space<vmem>>, vector<16xf32>,
    %add3A_847 = arith.addf %parallel_loop3A_824#4, %get3A_846 : vector<16xf32>
    %swap3A_848 = arith.constant 832 : index
    %swap3A_849 = tpu.vector_load %arg16[%swap3A_848] {strides = array<i32>} : memref<1024xf32, #tpu.memory_space<vmem>>, vector<16xf32>,
    tpu.vector_store %arg16[%swap3A_848], %add3A_847 {strides = array<i32>} : memref<1024xf32, #tpu.memory_space<vmem>>, vector<16xf32>,
    %get3A_850 = arith.constant 848 : index
    %get3A_851 = tpu.vector_load %arg15[%get3A_850] {strides = array<i32>} : memref<1024xf32, #tpu.memory_space<vmem>>, vector<16xf32>,
    %add3A_852 = arith.addf %parallel_loop3A_824#5, %get3A_851 : vector<16xf32>
    %swap3A_853 = arith.constant 848 : index
    %swap3A_854 = tpu.vector_load %arg16[%swap3A_853] {strides = array<i32>} : memref<1024xf32, #tpu.memory_space<vmem>>, vector<16xf32>,
    tpu.vector_store %arg16[%swap3A_853], %add3A_852 {strides = array<i32>} : memref<1024xf32, #tpu.memory_space<vmem>>, vector<16xf32>,
    %get3A_855 = arith.constant 864 : index
    %get3A_856 = tpu.vector_load %arg15[%get3A_855] {strides = array<i32>} : memref<1024xf32, #tpu.memory_space<vmem>>, vector<16xf32>,
    %add3A_857 = arith.addf %parallel_loop3A_824#6, %get3A_856 : vector<16xf32>
    %swap3A_858 = arith.constant 864 : index
    %swap3A_859 = tpu.vector_load %arg16[%swap3A_858] {strides = array<i32>} : memref<1024xf32, #tpu.memory_space<vmem>>, vector<16xf32>,
    tpu.vector_store %arg16[%swap3A_858], %add3A_857 {strides = array<i32>} : memref<1024xf32, #tpu.memory_space<vmem>>, vector<16xf32>,
    %get3A_860 = arith.constant 880 : index
    %get3A_861 = tpu.vector_load %arg15[%get3A_860] {strides = array<i32>} : memref<1024xf32, #tpu.memory_space<vmem>>, vector<16xf32>,
    %add3A_862 = arith.addf %parallel_loop3A_824#7, %get3A_861 : vector<16xf32>
    %swap3A_863 = arith.constant 880 : index
    %swap3A_864 = tpu.vector_load %arg16[%swap3A_863] {strides = array<i32>} : memref<1024xf32, #tpu.memory_space<vmem>>, vector<16xf32>,
    tpu.vector_store %arg16[%swap3A_863], %add3A_862 {strides = array<i32>} : memref<1024xf32, #tpu.memory_space<vmem>>, vector<16xf32>,
    %parallel_loop3A_865 = arith.constant 0 : i32
    %parallel_loop3A_866 = arith.constant 32 : i32
    %parallel_loop3A_867 = arith.constant 1 : i32
    %parallel_loop3A_868:8 = scf.for %parallel_loop3A_915 = %parallel_loop3A_865 to %parallel_loop3A_866 step %parallel_loop3A_867 iter_args(%parallel_loop3A_916 = %broadcast_in_dim3A_1, %parallel_loop3A_917 = %broadcast_in_dim3A_1, %parallel_loop3A_918 = %broadcast_in_dim3A_1, %parallel_loop3A_919 = %broadcast_in_dim3A_1, %parallel_loop3A_920 = %broadcast_in_dim3A_1, %parallel_loop3A_921 = %broadcast_in_dim3A_1, %parallel_loop3A_922 = %broadcast_in_dim3A_1, %parallel_loop3A_923 = %broadcast_in_dim3A_1) -> (vector<16xf32>, vector<16xf32>, vector<16xf32>, vector<16xf32>, vector<16xf32>, vector<16xf32>, vector<16xf32>, vector<16xf32>)  : i32 {
      %parallel_loop3A_924 = arith.constant 2 : i32
      %parallel_loop3A_925 = arith.muli %parallel_loop3A_915, %parallel_loop3A_924 : i32
      %parallel_loop3A_926 = arith.constant 0 : i32
      %parallel_loop3A_927 = arith.addi %parallel_loop3A_925, %parallel_loop3A_926 : i32
      %parallel_loop3A_928 = arith.constant 16 : i32
      %parallel_loop3A_929 = arith.muli %parallel_loop3A_927, %parallel_loop3A_928 : i32
      %parallel_loop3A_930 = arith.index_cast %parallel_loop3A_929 : i32 to index
      %parallel_loop3A_931 = tpu.vector_load %arg17[%parallel_loop3A_930] {strides = array<i32>} : memref<1024xf32, #tpu.memory_space<vmem>>, vector<16xf32>,
      %parallel_loop3A_932 = arith.index_cast %parallel_loop3A_927 : i32 to index
      %parallel_loop3A_933 = arith.constant 896 : index
      %parallel_loop3A_934 = tpu.vector_load %arg14[%parallel_loop3A_932, %parallel_loop3A_933] {strides = array<i32>} : memref<64x1024xf32, #tpu.memory_space<vmem>>, vector<16xf32>,
      %parallel_loop3A_935 = arith.index_cast %parallel_loop3A_927 : i32 to index
      %parallel_loop3A_936 = arith.constant 912 : index
      %parallel_loop3A_937 = tpu.vector_load %arg14[%parallel_loop3A_935, %parallel_loop3A_936] {strides = array<i32>} : memref<64x1024xf32, #tpu.memory_space<vmem>>, vector<16xf32>,
      %parallel_loop3A_938 = arith.index_cast %parallel_loop3A_927 : i32 to index
      %parallel_loop3A_939 = arith.constant 928 : index
      %parallel_loop3A_940 = tpu.vector_load %arg14[%parallel_loop3A_938, %parallel_loop3A_939] {strides = array<i32>} : memref<64x1024xf32, #tpu.memory_space<vmem>>, vector<16xf32>,
      %parallel_loop3A_941 = arith.index_cast %parallel_loop3A_927 : i32 to index
      %parallel_loop3A_942 = arith.constant 944 : index
      %parallel_loop3A_943 = tpu.vector_load %arg14[%parallel_loop3A_941, %parallel_loop3A_942] {strides = array<i32>} : memref<64x1024xf32, #tpu.memory_space<vmem>>, vector<16xf32>,
      %parallel_loop3A_944 = arith.index_cast %parallel_loop3A_927 : i32 to index
      %parallel_loop3A_945 = arith.constant 960 : index
      %parallel_loop3A_946 = tpu.vector_load %arg14[%parallel_loop3A_944, %parallel_loop3A_945] {strides = array<i32>} : memref<64x1024xf32, #tpu.memory_space<vmem>>, vector<16xf32>,
      %parallel_loop3A_947 = arith.index_cast %parallel_loop3A_927 : i32 to index
      %parallel_loop3A_948 = arith.constant 976 : index
      %parallel_loop3A_949 = tpu.vector_load %arg14[%parallel_loop3A_947, %parallel_loop3A_948] {strides = array<i32>} : memref<64x1024xf32, #tpu.memory_space<vmem>>, vector<16xf32>,
      %parallel_loop3A_950 = arith.index_cast %parallel_loop3A_927 : i32 to index
      %parallel_loop3A_951 = arith.constant 992 : index
      %parallel_loop3A_952 = tpu.vector_load %arg14[%parallel_loop3A_950, %parallel_loop3A_951] {strides = array<i32>} : memref<64x1024xf32, #tpu.memory_space<vmem>>, vector<16xf32>,
      %parallel_loop3A_953 = arith.index_cast %parallel_loop3A_927 : i32 to index
      %parallel_loop3A_954 = arith.constant 1008 : index
      %parallel_loop3A_955 = tpu.vector_load %arg14[%parallel_loop3A_953, %parallel_loop3A_954] {strides = array<i32>} : memref<64x1024xf32, #tpu.memory_space<vmem>>, vector<16xf32>,
      %parallel_loop3A_956 = arith.mulf %parallel_loop3A_931, %parallel_loop3A_934 : vector<16xf32>
      %parallel_loop3A_957 = arith.addf %parallel_loop3A_916, %parallel_loop3A_956 : vector<16xf32>
      %parallel_loop3A_958 = arith.mulf %parallel_loop3A_931, %parallel_loop3A_937 : vector<16xf32>
      %parallel_loop3A_959 = arith.addf %parallel_loop3A_917, %parallel_loop3A_958 : vector<16xf32>
      %parallel_loop3A_960 = arith.mulf %parallel_loop3A_931, %parallel_loop3A_940 : vector<16xf32>
      %parallel_loop3A_961 = arith.addf %parallel_loop3A_918, %parallel_loop3A_960 : vector<16xf32>
      %parallel_loop3A_962 = arith.mulf %parallel_loop3A_931, %parallel_loop3A_943 : vector<16xf32>
      %parallel_loop3A_963 = arith.addf %parallel_loop3A_919, %parallel_loop3A_962 : vector<16xf32>
      %parallel_loop3A_964 = arith.mulf %parallel_loop3A_931, %parallel_loop3A_946 : vector<16xf32>
      %parallel_loop3A_965 = arith.addf %parallel_loop3A_920, %parallel_loop3A_964 : vector<16xf32>
      %parallel_loop3A_966 = arith.mulf %parallel_loop3A_931, %parallel_loop3A_949 : vector<16xf32>
      %parallel_loop3A_967 = arith.addf %parallel_loop3A_921, %parallel_loop3A_966 : vector<16xf32>
      %parallel_loop3A_968 = arith.mulf %parallel_loop3A_931, %parallel_loop3A_952 : vector<16xf32>
      %parallel_loop3A_969 = arith.addf %parallel_loop3A_922, %parallel_loop3A_968 : vector<16xf32>
      %parallel_loop3A_970 = arith.mulf %parallel_loop3A_931, %parallel_loop3A_955 : vector<16xf32>
      %parallel_loop3A_971 = arith.addf %parallel_loop3A_923, %parallel_loop3A_970 : vector<16xf32>
      %parallel_loop3A_972 = arith.constant 2 : i32
      %parallel_loop3A_973 = arith.muli %parallel_loop3A_915, %parallel_loop3A_972 : i32
      %parallel_loop3A_974 = arith.constant 1 : i32
      %parallel_loop3A_975 = arith.addi %parallel_loop3A_973, %parallel_loop3A_974 : i32
      %parallel_loop3A_976 = arith.constant 16 : i32
      %parallel_loop3A_977 = arith.muli %parallel_loop3A_975, %parallel_loop3A_976 : i32
      %parallel_loop3A_978 = arith.index_cast %parallel_loop3A_977 : i32 to index
      %parallel_loop3A_979 = tpu.vector_load %arg17[%parallel_loop3A_978] {strides = array<i32>} : memref<1024xf32, #tpu.memory_space<vmem>>, vector<16xf32>,
      %parallel_loop3A_980 = arith.index_cast %parallel_loop3A_975 : i32 to index
      %parallel_loop3A_981 = arith.constant 896 : index
      %parallel_loop3A_982 = tpu.vector_load %arg14[%parallel_loop3A_980, %parallel_loop3A_981] {strides = array<i32>} : memref<64x1024xf32, #tpu.memory_space<vmem>>, vector<16xf32>,
      %parallel_loop3A_983 = arith.index_cast %parallel_loop3A_975 : i32 to index
      %parallel_loop3A_984 = arith.constant 912 : index
      %parallel_loop3A_985 = tpu.vector_load %arg14[%parallel_loop3A_983, %parallel_loop3A_984] {strides = array<i32>} : memref<64x1024xf32, #tpu.memory_space<vmem>>, vector<16xf32>,
      %parallel_loop3A_986 = arith.index_cast %parallel_loop3A_975 : i32 to index
      %parallel_loop3A_987 = arith.constant 928 : index
      %parallel_loop3A_988 = tpu.vector_load %arg14[%parallel_loop3A_986, %parallel_loop3A_987] {strides = array<i32>} : memref<64x1024xf32, #tpu.memory_space<vmem>>, vector<16xf32>,
      %parallel_loop3A_989 = arith.index_cast %parallel_loop3A_975 : i32 to index
      %parallel_loop3A_990 = arith.constant 944 : index
      %parallel_loop3A_991 = tpu.vector_load %arg14[%parallel_loop3A_989, %parallel_loop3A_990] {strides = array<i32>} : memref<64x1024xf32, #tpu.memory_space<vmem>>, vector<16xf32>,
      %parallel_loop3A_992 = arith.index_cast %parallel_loop3A_975 : i32 to index
      %parallel_loop3A_993 = arith.constant 960 : index
      %parallel_loop3A_994 = tpu.vector_load %arg14[%parallel_loop3A_992, %parallel_loop3A_993] {strides = array<i32>} : memref<64x1024xf32, #tpu.memory_space<vmem>>, vector<16xf32>,
      %parallel_loop3A_995 = arith.index_cast %parallel_loop3A_975 : i32 to index
      %parallel_loop3A_996 = arith.constant 976 : index
      %parallel_loop3A_997 = tpu.vector_load %arg14[%parallel_loop3A_995, %parallel_loop3A_996] {strides = array<i32>} : memref<64x1024xf32, #tpu.memory_space<vmem>>, vector<16xf32>,
      %parallel_loop3A_998 = arith.index_cast %parallel_loop3A_975 : i32 to index
      %parallel_loop3A_999 = arith.constant 992 : index
      %parallel_loop3A_1000 = tpu.vector_load %arg14[%parallel_loop3A_998, %parallel_loop3A_999] {strides = array<i32>} : memref<64x1024xf32, #tpu.memory_space<vmem>>, vector<16xf32>,
      %parallel_loop3A_1001 = arith.index_cast %parallel_loop3A_975 : i32 to index
      %parallel_loop3A_1002 = arith.constant 1008 : index
      %parallel_loop3A_1003 = tpu.vector_load %arg14[%parallel_loop3A_1001, %parallel_loop3A_1002] {strides = array<i32>} : memref<64x1024xf32, #tpu.memory_space<vmem>>, vector<16xf32>,
      %parallel_loop3A_1004 = arith.mulf %parallel_loop3A_979, %parallel_loop3A_982 : vector<16xf32>
      %parallel_loop3A_1005 = arith.addf %parallel_loop3A_957, %parallel_loop3A_1004 : vector<16xf32>
      %parallel_loop3A_1006 = arith.mulf %parallel_loop3A_979, %parallel_loop3A_985 : vector<16xf32>
      %parallel_loop3A_1007 = arith.addf %parallel_loop3A_959, %parallel_loop3A_1006 : vector<16xf32>
      %parallel_loop3A_1008 = arith.mulf %parallel_loop3A_979, %parallel_loop3A_988 : vector<16xf32>
      %parallel_loop3A_1009 = arith.addf %parallel_loop3A_961, %parallel_loop3A_1008 : vector<16xf32>
      %parallel_loop3A_1010 = arith.mulf %parallel_loop3A_979, %parallel_loop3A_991 : vector<16xf32>
      %parallel_loop3A_1011 = arith.addf %parallel_loop3A_963, %parallel_loop3A_1010 : vector<16xf32>
      %parallel_loop3A_1012 = arith.mulf %parallel_loop3A_979, %parallel_loop3A_994 : vector<16xf32>
      %parallel_loop3A_1013 = arith.addf %parallel_loop3A_965, %parallel_loop3A_1012 : vector<16xf32>
      %parallel_loop3A_1014 = arith.mulf %parallel_loop3A_979, %parallel_loop3A_997 : vector<16xf32>
      %parallel_loop3A_1015 = arith.addf %parallel_loop3A_967, %parallel_loop3A_1014 : vector<16xf32>
      %parallel_loop3A_1016 = arith.mulf %parallel_loop3A_979, %parallel_loop3A_1000 : vector<16xf32>
      %parallel_loop3A_1017 = arith.addf %parallel_loop3A_969, %parallel_loop3A_1016 : vector<16xf32>
      %parallel_loop3A_1018 = arith.mulf %parallel_loop3A_979, %parallel_loop3A_1003 : vector<16xf32>
      %parallel_loop3A_1019 = arith.addf %parallel_loop3A_971, %parallel_loop3A_1018 : vector<16xf32>
      scf.yield %parallel_loop3A_1005, %parallel_loop3A_1007, %parallel_loop3A_1009, %parallel_loop3A_1011, %parallel_loop3A_1013, %parallel_loop3A_1015, %parallel_loop3A_1017, %parallel_loop3A_1019 : vector<16xf32>, vector<16xf32>, vector<16xf32>, vector<16xf32>, vector<16xf32>, vector<16xf32>, vector<16xf32>, vector<16xf32>
    } {sc.loop_unroll_factor = 1 : i64, sc.parallel_access}
    %get3A_869 = arith.constant 896 : index
    %get3A_870 = tpu.vector_load %arg15[%get3A_869] {strides = array<i32>} : memref<1024xf32, #tpu.memory_space<vmem>>, vector<16xf32>,
    %add3A_871 = arith.addf %parallel_loop3A_868#0, %get3A_870 : vector<16xf32>
    %swap3A_872 = arith.constant 896 : index
    %swap3A_873 = tpu.vector_load %arg16[%swap3A_872] {strides = array<i32>} : memref<1024xf32, #tpu.memory_space<vmem>>, vector<16xf32>,
    tpu.vector_store %arg16[%swap3A_872], %add3A_871 {strides = array<i32>} : memref<1024xf32, #tpu.memory_space<vmem>>, vector<16xf32>,
    %get3A_874 = arith.constant 912 : index
    %get3A_875 = tpu.vector_load %arg15[%get3A_874] {strides = array<i32>} : memref<1024xf32, #tpu.memory_space<vmem>>, vector<16xf32>,
    %add3A_876 = arith.addf %parallel_loop3A_868#1, %get3A_875 : vector<16xf32>
    %swap3A_877 = arith.constant 912 : index
    %swap3A_878 = tpu.vector_load %arg16[%swap3A_877] {strides = array<i32>} : memref<1024xf32, #tpu.memory_space<vmem>>, vector<16xf32>,
    tpu.vector_store %arg16[%swap3A_877], %add3A_876 {strides = array<i32>} : memref<1024xf32, #tpu.memory_space<vmem>>, vector<16xf32>,
    %get3A_879 = arith.constant 928 : index
    %get3A_880 = tpu.vector_load %arg15[%get3A_879] {strides = array<i32>} : memref<1024xf32, #tpu.memory_space<vmem>>, vector<16xf32>,
    %add3A_881 = arith.addf %parallel_loop3A_868#2, %get3A_880 : vector<16xf32>
    %swap3A_882 = arith.constant 928 : index
    %swap3A_883 = tpu.vector_load %arg16[%swap3A_882] {strides = array<i32>} : memref<1024xf32, #tpu.memory_space<vmem>>, vector<16xf32>,
    tpu.vector_store %arg16[%swap3A_882], %add3A_881 {strides = array<i32>} : memref<1024xf32, #tpu.memory_space<vmem>>, vector<16xf32>,
    %get3A_884 = arith.constant 944 : index
    %get3A_885 = tpu.vector_load %arg15[%get3A_884] {strides = array<i32>} : memref<1024xf32, #tpu.memory_space<vmem>>, vector<16xf32>,
    %add3A_886 = arith.addf %parallel_loop3A_868#3, %get3A_885 : vector<16xf32>
    %swap3A_887 = arith.constant 944 : index
    %swap3A_888 = tpu.vector_load %arg16[%swap3A_887] {strides = array<i32>} : memref<1024xf32, #tpu.memory_space<vmem>>, vector<16xf32>,
    tpu.vector_store %arg16[%swap3A_887], %add3A_886 {strides = array<i32>} : memref<1024xf32, #tpu.memory_space<vmem>>, vector<16xf32>,
    %get3A_889 = arith.constant 960 : index
    %get3A_890 = tpu.vector_load %arg15[%get3A_889] {strides = array<i32>} : memref<1024xf32, #tpu.memory_space<vmem>>, vector<16xf32>,
    %add3A_891 = arith.addf %parallel_loop3A_868#4, %get3A_890 : vector<16xf32>
    %swap3A_892 = arith.constant 960 : index
    %swap3A_893 = tpu.vector_load %arg16[%swap3A_892] {strides = array<i32>} : memref<1024xf32, #tpu.memory_space<vmem>>, vector<16xf32>,
    tpu.vector_store %arg16[%swap3A_892], %add3A_891 {strides = array<i32>} : memref<1024xf32, #tpu.memory_space<vmem>>, vector<16xf32>,
    %get3A_894 = arith.constant 976 : index
    %get3A_895 = tpu.vector_load %arg15[%get3A_894] {strides = array<i32>} : memref<1024xf32, #tpu.memory_space<vmem>>, vector<16xf32>,
    %add3A_896 = arith.addf %parallel_loop3A_868#5, %get3A_895 : vector<16xf32>
    %swap3A_897 = arith.constant 976 : index
    %swap3A_898 = tpu.vector_load %arg16[%swap3A_897] {strides = array<i32>} : memref<1024xf32, #tpu.memory_space<vmem>>, vector<16xf32>,
    tpu.vector_store %arg16[%swap3A_897], %add3A_896 {strides = array<i32>} : memref<1024xf32, #tpu.memory_space<vmem>>, vector<16xf32>,
    %get3A_899 = arith.constant 992 : index
    %get3A_900 = tpu.vector_load %arg15[%get3A_899] {strides = array<i32>} : memref<1024xf32, #tpu.memory_space<vmem>>, vector<16xf32>,
    %add3A_901 = arith.addf %parallel_loop3A_868#6, %get3A_900 : vector<16xf32>
    %swap3A_902 = arith.constant 992 : index
    %swap3A_903 = tpu.vector_load %arg16[%swap3A_902] {strides = array<i32>} : memref<1024xf32, #tpu.memory_space<vmem>>, vector<16xf32>,
    tpu.vector_store %arg16[%swap3A_902], %add3A_901 {strides = array<i32>} : memref<1024xf32, #tpu.memory_space<vmem>>, vector<16xf32>,
    %get3A_904 = arith.constant 1008 : index
    %get3A_905 = tpu.vector_load %arg15[%get3A_904] {strides = array<i32>} : memref<1024xf32, #tpu.memory_space<vmem>>, vector<16xf32>,
    %add3A_906 = arith.addf %parallel_loop3A_868#7, %get3A_905 : vector<16xf32>
    %swap3A_907 = arith.constant 1008 : index
    %swap3A_908 = tpu.vector_load %arg16[%swap3A_907] {strides = array<i32>} : memref<1024xf32, #tpu.memory_space<vmem>>, vector<16xf32>,
    tpu.vector_store %arg16[%swap3A_907], %add3A_906 {strides = array<i32>} : memref<1024xf32, #tpu.memory_space<vmem>>, vector<16xf32>,
    "tpu.region"() ({
      %run_scoped3A = tpu.sem_alloc : memref<!tpu.dma_semaphore, #tpu.memory_space<semaphore_mem>>
      %dma_start3A_915 = arith.constant 0 : i32
      %dma_start3A_916 = tpu.memref_slice %arg7[%add3A, %dma_start3A_915] : memref<32x1024xf32, #tpu.memory_space<hbm>> -> memref<1x1024xf32, #tpu.memory_space<hbm>>
      %dma_start3A_917 = tpu.memref_squeeze %dma_start3A_916 : memref<1x1024xf32, #tpu.memory_space<hbm>> -> memref<1024xf32, #tpu.memory_space<hbm>>
      %dma_start3A_918 = arith.constant 0 : i32
      %dma_start3A_919 = tpu.memref_slice %arg7[%add3A, %dma_start3A_918] : memref<32x1024xf32, #tpu.memory_space<hbm>> -> memref<1x1024xf32, #tpu.memory_space<hbm>>
      %dma_start3A_920 = tpu.memref_squeeze %dma_start3A_919 : memref<1x1024xf32, #tpu.memory_space<hbm>> -> memref<1024xf32, #tpu.memory_space<hbm>>
      tpu.enqueue_dma source(%arg16 : memref<1024xf32, #tpu.memory_space<vmem>>) target(%dma_start3A_920 : memref<1024xf32, #tpu.memory_space<hbm>>) target_semaphore(%run_scoped3A : memref<!tpu.dma_semaphore, #tpu.memory_space<semaphore_mem>>)
      %dma_wait3A_921 = arith.constant 0 : i32
      %dma_wait3A_922 = tpu.memref_slice %arg7[%add3A, %dma_wait3A_921] : memref<32x1024xf32, #tpu.memory_space<hbm>> -> memref<1x1024xf32, #tpu.memory_space<hbm>>
      %dma_wait3A_923 = tpu.memref_squeeze %dma_wait3A_922 : memref<1x1024xf32, #tpu.memory_space<hbm>> -> memref<1024xf32, #tpu.memory_space<hbm>>
      %dma_wait3A_924 = arith.constant 0 : i32
      %dma_wait3A_925 = tpu.memref_slice %arg7[%add3A, %dma_wait3A_924] : memref<32x1024xf32, #tpu.memory_space<hbm>> -> memref<1x1024xf32, #tpu.memory_space<hbm>>
      %dma_wait3A_926 = tpu.memref_squeeze %dma_wait3A_925 : memref<1x1024xf32, #tpu.memory_space<hbm>> -> memref<1024xf32, #tpu.memory_space<hbm>>
      tpu.wait_dma2 semaphore(%run_scoped3A : memref<!tpu.dma_semaphore, #tpu.memory_space<semaphore_mem>>) src(%arg16 : memref<1024xf32, #tpu.memory_space<vmem>>) dst(%dma_wait3A_926 : memref<1024xf32, #tpu.memory_space<hbm>>)
      tpu.yield
    }) : () -> ()
    %dma_wait3A_909 = arith.constant 0 : i32
    %dma_wait3A_910 = tpu.memref_slice %arg6[%add3A, %dma_wait3A_909] : memref<32x32768xf32, #tpu.memory_space<hbm>> -> memref<1x32768xf32, #tpu.memory_space<hbm>>
    %dma_wait3A_911 = tpu.memref_squeeze %dma_wait3A_910 : memref<1x32768xf32, #tpu.memory_space<hbm>> -> memref<32768xf32, #tpu.memory_space<hbm>>
    %dma_wait3A_912 = arith.constant 0 : i32
    %dma_wait3A_913 = tpu.memref_slice %arg6[%add3A, %dma_wait3A_912] : memref<32x32768xf32, #tpu.memory_space<hbm>> -> memref<1x32768xf32, #tpu.memory_space<hbm>>
    %dma_wait3A_914 = tpu.memref_squeeze %dma_wait3A_913 : memref<1x32768xf32, #tpu.memory_space<hbm>> -> memref<32768xf32, #tpu.memory_space<hbm>>
    tpu.wait_dma2 semaphore(%arg20 : memref<!tpu.dma_semaphore, #tpu.memory_space<semaphore_mem>>) src(%arg8 : memref<32768xf32, #tpu.memory_space<vmem>>) dst(%dma_wait3A_914 : memref<32768xf32, #tpu.memory_space<hbm>>)
    return
  }
}

module attributes {stable_mosaic.version = 14 : i64} {
  func.func @_enc_body(%arg0: i32, %arg1: memref<32x1024xf32, #tpu.memory_space<vmem>>, %arg2: memref<1x1024xf32, #tpu.memory_space<vmem>>, %arg3: memref<1024x2048xf32, #tpu.memory_space<vmem>>, %arg4: memref<1x2048xf32, #tpu.memory_space<vmem>>, %arg5: memref<32x2048xf32, #tpu.memory_space<vmem>>, %arg6: memref<32x16x16xf32, #tpu.memory_space<vmem>>) attributes {dimension_semantics = [#tpu.dimension_semantics<arbitrary>], iteration_bounds = array<i64: 16>, scalar_prefetch = 0 : i64, scratch_operands = 0 : i64, tpu.core_type = #tpu.core_type<tc>, window_params = [{pipeline_mode = #tpu.pipeline_mode<synchronous>, transform_indices = @transform_0, window_bounds = array<i64: 32, 1024>}, {pipeline_mode = #tpu.pipeline_mode<synchronous>, transform_indices = @transform_1, window_bounds = array<i64: 1, 1024>}, {transform_indices = @transform_2, window_bounds = array<i64: 1024, 2048>}, {transform_indices = @transform_3, window_bounds = array<i64: 1, 2048>}, {transform_indices = @transform_4, window_bounds = array<i64: 32, 2048>}, {pipeline_mode = #tpu.pipeline_mode<synchronous>, transform_indices = @transform_5, window_bounds = array<i64: 32, 16, 16>}]} {
    %get3A = arith.constant 0 : index
    %get3A_0 = arith.constant 0 : index
    %get3A_1 = vector.load %arg1[%get3A, %get3A_0] : memref<32x1024xf32, #tpu.memory_space<vmem>>, vector<32x1024xf32>
    %get3A_2 = arith.constant 0 : index
    %get3A_3 = arith.constant 0 : index
    %get3A_4 = vector.load %arg2[%get3A_2, %get3A_3] : memref<1x1024xf32, #tpu.memory_space<vmem>>, vector<1x1024xf32>
    %sub3A = vector.broadcast %get3A_4 : vector<1x1024xf32> to vector<32x1024xf32>
    %sub3A_5 = arith.subf %get3A_1, %sub3A : vector<32x1024xf32>
    %get3A_6 = arith.constant 0 : index
    %get3A_7 = arith.constant 0 : index
    %get3A_8 = vector.load %arg3[%get3A_6, %get3A_7] : memref<1024x2048xf32, #tpu.memory_space<vmem>>, vector<1024x2048xf32>
    %dot_general3A = arith.constant dense<0.000000e+00> : vector<32x2048xf32>
    %dot_general3A_9 = tpu.matmul %sub3A_5, %get3A_8, %dot_general3A {dimension_numbers = #tpu.dot_dimension_numbers<[1], [0], [0], [1], [0, 0, 1, 1], [], []>, transpose_lhs_hint = false} : vector<32x1024xf32>, vector<1024x2048xf32>, vector<32x2048xf32> -> vector<32x2048xf32>
    %get3A_10 = arith.constant 0 : index
    %get3A_11 = arith.constant 0 : index
    %get3A_12 = vector.load %arg4[%get3A_10, %get3A_11] : memref<1x2048xf32, #tpu.memory_space<vmem>>, vector<1x2048xf32>
    %add3A = vector.broadcast %get3A_12 : vector<1x2048xf32> to vector<32x2048xf32>
    %add3A_13 = arith.addf %dot_general3A_9, %add3A : vector<32x2048xf32>
    %max3A = arith.constant 0.000000e+00 : f32
    %max3A_14 = vector.broadcast %max3A : f32 to vector<32x2048xf32>
    %max3A_15 = arith.maximumf %add3A_13, %max3A_14 : vector<32x2048xf32>
    %swap3A = arith.constant 0 : index
    %swap3A_16 = arith.constant 0 : index
    %swap3A_17 = vector.load %arg5[%swap3A, %swap3A_16] : memref<32x2048xf32, #tpu.memory_space<vmem>>, vector<32x2048xf32>
    tpu.vector_store %arg5[%swap3A, %swap3A_16], %max3A_15 {strides = array<i32>} : memref<32x2048xf32, #tpu.memory_space<vmem>>, vector<32x2048xf32>,
    %reduce_max3A = arith.constant dense<0xFF800000> : vector<32xf32>
    %reduce_max3A_18 = vector.multi_reduction <maximumf>, %max3A_15, %reduce_max3A [1] : vector<32x2048xf32> to vector<32xf32>
    %broadcast_in_dim3A = vector.shape_cast %reduce_max3A_18 : vector<32xf32> to vector<32x1x1xf32>
    %broadcast_in_dim3A_19 = vector.shape_cast %broadcast_in_dim3A : vector<32x1x1xf32> to vector<32x1x1xf32>
    %broadcast_in_dim3A_20 = vector.broadcast %broadcast_in_dim3A_19 : vector<32x1x1xf32> to vector<32x1x16xf32>
    %swap3A_21 = arith.constant 0 : index
    %swap3A_22 = arith.index_cast %arg0 : i32 to index
    %swap3A_23 = arith.constant 0 : index
    %swap3A_24 = vector.load %arg6[%swap3A_21, %swap3A_22, %swap3A_23] : memref<32x16x16xf32, #tpu.memory_space<vmem>>, vector<32x1x16xf32>
    tpu.vector_store %arg6[%swap3A_21, %swap3A_22, %swap3A_23], %broadcast_in_dim3A_20 {strides = array<i32>} : memref<32x16x16xf32, #tpu.memory_space<vmem>>, vector<32x1x16xf32>,
    return
  }
  func.func @transform_0(%arg0: i32) -> (i32, i32) {
    %c0_i32 = arith.constant 0 : i32
    %c0_i32_0 = arith.constant 0 : i32
    %c0_i32_1 = arith.constant 0 : i32
    return %c0_i32, %c0_i32_0 : i32, i32
  }
  func.func @transform_1(%arg0: i32) -> (i32, i32) {
    %c0_i32 = arith.constant 0 : i32
    %c0_i32_0 = arith.constant 0 : i32
    %c0_i32_1 = arith.constant 0 : i32
    return %c0_i32, %c0_i32_0 : i32, i32
  }
  func.func @transform_2(%arg0: i32) -> (i32, i32) {
    %c0_i32 = arith.constant 0 : i32
    %c0_i32_0 = arith.constant 0 : i32
    return %c0_i32, %arg0 : i32, i32
  }
  func.func @transform_3(%arg0: i32) -> (i32, i32) {
    %c0_i32 = arith.constant 0 : i32
    %c0_i32_0 = arith.constant 0 : i32
    return %c0_i32, %arg0 : i32, i32
  }
  func.func @transform_4(%arg0: i32) -> (i32, i32) {
    %c0_i32 = arith.constant 0 : i32
    %c0_i32_0 = arith.constant 0 : i32
    return %c0_i32, %arg0 : i32, i32
  }
  func.func @transform_5(%arg0: i32) -> (i32, i32, i32) {
    %c0_i32 = arith.constant 0 : i32
    %c0_i32_0 = arith.constant 0 : i32
    %c0_i32_1 = arith.constant 0 : i32
    %c0_i32_2 = arith.constant 0 : i32
    return %c0_i32, %c0_i32_0, %c0_i32_1 : i32, i32, i32
  }
}

</mosaic_0001>

<sc_bundles>
// kernel: kernel.4.cloned.1.call-start
scs
__scs_entry_jumppad:
0x0: {  	(pc) =	sbr.rel $0x88, $3  }
0x1: {  	(tag) =	ssettag $0x0;
	lr =	simm.s32 $0x1  }
0x2: {  	[smem:$0x3F9C] =	sst lr;
	_ =	strace $0xD0000000  }
0x3: {  	_ = 	snop  }
0x4: {  	_ = 	snop  }
0x5: {  	_ = 	snop  }
0x6: {  	_ = 	snop  }
0x7: {  	_ = 	snop  }
__scs_overlays_trampoline_lowered:
0x8: {  	[smem:$0x3FAB] =	sst s0  }
0x9: {  	[smem:$0x3FAC] =	sst s1  }
0xa: {  	[smem:$0x3FAD] =	sst s2  }
0xb: {  	[smem:$0x3FAE] =	sst s3  }
0xc: {  	[smem:$0x3FAF] =	sst s4  }
0xd: {  	[smem:$0x3FB0] =	sst s5  }
0xe: {  	[smem:$0x3FB1] =	sst s6  }
0xf: {  	[smem:$0x3FB2] =	sst s7  }
0x10: {  	[smem:$0x3FB3] =	sst s8  }
0x11: {  	[smem:$0x3FB4] =	sst s9;
	s0 =	simm.s32 @!p0 $0x0  }
0x12: {  	s1 =	sld [smem:$0x3F9A];
	s0 =	simm.s32 @p0 $0x1  }
0x13: {  	[smem:$0x3FB5] =	sst s0;
	s0 =	simm.s32 @!p1 $0x0  }
0x14: {  	s2 =	sld [smem:$0x3F99];
	s0 =	simm.s32 @p1 $0x1  }
0x15: {  	[smem:$0x3FB6] =	sst s0;
	s0 =	simm.s32 @!p2 $0x0  }
0x16: {  	s3 =	sld [smem:$0x3FDB];
	s0 =	simm.s32 @p2 $0x1  }
0x17: {  	s4 =	simm.s32 $0x1BF5;
	[smem:$0x3FB8] =	sst s0  }
0x18: {  	s0 =	sld [smem:$0x3F9B];
	_ =	swait.ge [sflag:s4], $0x0  }
0x19: {  	s7 =	sld [smem:$0x3F9C]  }
0x1a: {  	s8 =	sadd.s32 $0xFFFFE003, lr  }
0x1b: {  	s9 =	sadd.s32 $0xFFFFFEF7, lr;
	s5 =	simm.s32 $0xFFFFFFFF;
	p2 =	slt.u32 s8, $0xFFFFF086  }
0x1c: {  	p1 =	slt.u32 s9, $0xF7A;
	s5 =	simm.s32 @!p2 $0x0  }
0x1d: {  	s5 =	simm.s32 @p1 $0x1;
	p0 =	seq.s32 s7, s2  }
0x1e: {  	s7 =	smul.u32 @!p0 $0xF7A, s2;
	p2 =	seq.s32 @!p0 s5, $0x0  }
0x1f: {  	s9 =	smul.u32 $0xF7A, s1;
	s8 =	simm.s32 @!p0 $0x1BF5;
	p2 =	por !p2, p0  }
0x20: {  	[sflag:s8] =	ssyncset.s32 @!p0 $0xFFFFF086;
	s6 =	sadd.s32 @!p0 s3, s7;
	s7 =	simm.s32 @!p0 $0x108  }
0x21: {  	s3 =	sadd.s32 s3, s9;
	s6 =	sadd.s32 @!p0 $0x88, s6;
	s7 =	simm.s32 @p2 $0x1082  }
0x22: {  	[simem:s7], [sflag:s8] =	dma.local @!p0 [hbm:s6], $0xF7A  }
0x23: {  	s9 =	sor.u32 $0xD0000000, s2;
	s6 =	simm.s32 $0x108;
	_ =	swait.ge @!p0 [sflag:s8], $0x0  }
0x24: {  	s3 =	sadd.s32 $0x88, s3;
	s6 =	simm.s32 @!p1 $0x1082;
	[sflag:s4] =	ssyncset.s32 $0xFFFFF086  }
0x25: {  	[simem:s6], [sflag:s4] =	dma.local [hbm:s3], $0xF7A  }
0x26: {  	[smem:$0x3F9C] =	sst s1;
	(tag) =	ssettag s2;
	_ =	strace s9  }
0x27: {  	s1 =	sld [smem:$0x3FAC]  }
0x28: {  	s2 =	sld [smem:$0x3FAD]  }
0x29: {  	s4 =	sld [smem:$0x3FAF]  }
0x2a: {  	p0 =	seq.s32 s5, $0x0;
	s5 =	sld [smem:$0x3FB0]  }
0x2b: {  	s6 =	sld [smem:$0x3FB1]  }
0x2c: {  	s7 =	sld [smem:$0x3FB2]  }
0x2d: {  	s3 =	simm.s32 $0x108;
	s8 =	sld [smem:$0x3FB3]  }
0x2e: {  	s3 =	simm.s32 @!p0 $0x1082;
	s9 =	sld [smem:$0x3FB4]  }
0x2f: {  	lr =	sadd.s32 s0, s3;
	s0 =	sld [smem:$0x3FAB]  }
0x30: {  	s3 =	sld [smem:$0x3FAE]  }
0x31: {  	[smem:$0x3FB7] =	sst s10  }
0x32: {  	s10 =	sld [smem:$0x3FB5];
	_ =	sdelay $0x3  }
0x33: {  	p0 =	seq.s32 s10, $0x1;
	s10 =	sld [smem:$0x3FB7];
	_ =	sdelay $0x3  }
0x34: {  	[smem:$0x3FB7] =	sst s10  }
0x35: {  	s10 =	sld [smem:$0x3FB6];
	_ =	sdelay $0x3  }
0x36: {  	p1 =	seq.s32 s10, $0x1;
	s10 =	sld [smem:$0x3FB7];
	_ =	sdelay $0x3  }
0x37: {  	[smem:$0x3FB7] =	sst s10  }
0x38: {  	s10 =	sld [smem:$0x3FB8]  }
0x39: {  	_ = 	snop;
	(pc) =	sbr.ind lr, $3  }
0x3a: {  	_ = 	snop  }
0x3b: {  	_ = 	snop  }
0x3c: {  	p2 =	seq.s32 s10, $0x1;
	s10 =	sld [smem:$0x3FB7]  }
0x3d: {  	_ =	shalt  }
0x3e: {  	_ =	shalt  }
0x3f: {  	_ =	shalt  }
0x40: {  	_ =	shalt  }
0x41: {  	_ =	shalt  }
0x42: {  	_ =	shalt  }
0x43: {  	_ =	shalt  }
0x44: {  	_ =	shalt  }
0x45: {  	_ =	shalt  }
0x46: {  	_ =	shalt  }
0x47: {  	_ =	shalt  }
0x48: {  	_ =	shalt  }
0x49: {  	_ =	shalt  }
0x4a: {  	_ =	shalt  }
0x4b: {  	_ =	shalt  }
0x4c: {  	_ =	shalt  }
0x4d: {  	_ =	shalt  }
0x4e: {  	_ =	shalt  }
0x4f: {  	_ =	shalt  }
0x50: {  	_ =	shalt  }
0x51: {  	_ =	shalt  }
0x52: {  	_ =	shalt  }
0x53: {  	_ =	shalt  }
0x54: {  	_ =	shalt  }
0x55: {  	_ =	shalt  }
0x56: {  	_ =	shalt  }
0x57: {  	_ =	shalt  }
0x58: {  	_ =	shalt  }
0x59: {  	_ =	shalt  }
0x5a: {  	_ =	shalt  }
0x5b: {  	_ =	shalt  }
0x5c: {  	_ =	shalt  }
0x5d: {  	_ =	shalt  }
0x5e: {  	_ =	shalt  }
0x5f: {  	_ =	shalt  }
0x60: {  	_ =	shalt  }
0x61: {  	_ =	shalt  }
0x62: {  	_ =	shalt  }
0x63: {  	_ =	shalt  }
0x64: {  	_ =	shalt  }
0x65: {  	_ =	shalt  }
0x66: {  	_ =	shalt  }
0x67: {  	_ =	shalt  }
0x68: {  	_ =	shalt  }
0x69: {  	_ =	shalt  }
0x6a: {  	_ =	shalt  }
0x6b: {  	_ =	shalt  }
0x6c: {  	_ =	shalt  }
0x6d: {  	_ =	shalt  }
0x6e: {  	_ =	shalt  }
0x6f: {  	_ =	shalt  }
0x70: {  	_ =	shalt  }
0x71: {  	_ =	shalt  }
0x72: {  	_ =	shalt  }
0x73: {  	_ =	shalt  }
0x74: {  	_ =	shalt  }
0x75: {  	_ =	shalt  }
0x76: {  	_ =	shalt  }
0x77: {  	_ =	shalt  }
0x78: {  	_ =	shalt  }
0x79: {  	_ =	shalt  }
0x7a: {  	_ =	shalt  }
0x7b: {  	_ =	shalt  }
0x7c: {  	_ =	shalt  }
0x7d: {  	_ =	shalt  }
0x7e: {  	_ =	shalt  }
0x7f: {  	_ =	shalt  }
0x80: {  	_ =	shalt  }
0x81: {  	_ =	shalt  }
0x82: {  	_ =	shalt  }
0x83: {  	_ =	shalt  }
0x84: {  	_ =	shalt  }
0x85: {  	_ =	shalt  }
0x86: {  	_ =	shalt  }
0x87: {  	_ =	shalt  }
.Lfunc_end0:
.L_simem_size_0:
called_computation_lowered:
.L_overlay_start_0:
0x88: {  	s2 =	sld [smem:$0x3FD9]  }
0x89: {  	s3 =	sld [smem:$0x3FFE];
	_ =	sdelay $0x1  }
0x8a: {  	s1 =	srdreg.scid  }
0x8b: {  	s0 =	sand.u32 $0x1, s1  }
0x8c: {  	s14 =	sshll.u32 s0, $0xA;
	s2 =	sadd.s32 s3, s2  }
0x8d: {  	s2 =	sadd.s32 s2, s14  }
0x8e: {  	[smem:$0x3FC3] =	sst s2  }
0x8f: {  	_ = 	snop  }
0x90: {  	s2 =	sld [smem:$0x3FD0];
	_ =	sdelay $0x1  }
0x91: {  	s15 =	sld [smem:$0x3FC8]  }
0x92: {  	s5 =	simm.s32 $0xA;
	s6 =	simm.s32 $0x10;
	s4 =	sld [smem:$0x3FC5]  }
0x93: {  	[smem:s6], [sflag:s5] =	dma.local [hbm:s2], $0x1  }
0x94: {  	_ =	swait.eq [sflag:s5], $0x1  }
0x95: {  	[sflag:s5] =	ssyncset.done $0x0  }
0x96: {  	s16 =	sld [smem:$0x10];
	[sflag:s5] =	ssyncadd.s32 $0xFFFFFFFF  }
0x97: {  	s17 =	sld [smem:$0x11];
	(tm) =	ssettm $0x1  }
0x98: {  	s18 =	sld [smem:$0x3FFB];
	_ =	sdelay $0x3  }
0x99: {  	_ =	strace s18  }
0x9a: {  	s6 =	sld [smem:$0x3FFC];
	_ =	sdelay $0x3  }
0x9b: {  	_ =	strace s6  }
0x9c: {  	s6 =	sld [smem:$0x3FFD];
	_ =	sdelay $0x3  }
0x9d: {  	_ =	strace s6  }
0x9e: {  	_ =	strace $0x8FFFFFFF  }
0x9f: {  	s19 =	sld [smem:$0x3FDB];
	_ =	sdelay $0x1  }
0xa0: {  	s7 =	simm.s32 $_scs_section_size  }
0xa1: {  	s8 =	simm.s32 $_size__tile_overlayer_lowered;
	s9 =	simm.s32 $_tile_overlayer_lowered  }
0xa2: {  	s22 =	simm.s32 $0x1BFF;
	s21 =	sshll.u32 s9, $0x1;
	s6 =	sadd.s32 s7, s19  }
0xa3: {  	s10 =	simm.s32 $0x0;
	s20 =	sshll.u32 s8, $0x1;
	s8 =	sadd.s32 s21, s6  }
0xa4: {  	[timem:s10], [sflag:s22] =	dma.local [hbm:s8], s20  }
0xa5: {  	_ =	swait.ge [sflag:s22], s20  }
0xa6: {  	s7 =	ssub.s32 $0x0, s20;
	[sflag:s22] =	ssyncset.done $0x0  }
0xa7: {  	[sflag:s22] =	ssyncadd.s32 s7;
	_ =	sdelay $0x1  }
0xa8: {  	s23 =	simm.s32 $0x1B8B  }
0xa9: {  	_ =	swait.ge [sflag:s23], $0x1  }
0xaa: {  	[sflag:s23] =	ssyncset.done $0x0  }
0xab: {  	s25 =	simm.s32 $0x1B8E;
	s24 =	sld [smem:$0x3FFE];
	[sflag:s23] =	ssyncadd.s32 $0xFFFFFFFF  }
0xac: {  	s26 =	simm.s32 $execute0_lowered;
	[smem:$0x3FD2] =	sst s25  }
0xad: {  	s8 =	sshll.u32 s26, $0x1;
	_ =	strace $0x80000046;
	[dreg:$0x1] =	wrdreg $0xFFFFFFFF  }
0xae: {  	s28 =	simm.s32 $_size_execute0_lowered;
	s6 =	sadd.s32 s6, s8;
	[dreg:$0x0] =	wrdreg $0x0  }
0xaf: {  	s8 =	sshll.u32 s28, $0x1;
	[dreg:$0x2] =	wrdreg s6  }
0xb0: {  	[dreg:$0x3] =	wrdreg s8  }
0xb1: {  	[dreg:$0x4] =	wrdreg $0xC0  }
0xb2: {  	_ =	task [dreg:s10], $0x5FFFF  }
0xb3: {  	[dreg:$0x1] =	wrdreg $0xFFFFFFFF  }
0xb4: {  	[dreg:$0x0] =	wrdreg $0x60  }
0xb5: {  	[dreg:$0x2] =	wrdreg s24  }
0xb6: {  	[dreg:$0x3] =	wrdreg s4  }
0xb7: {  	[dreg:$0x4] =	wrdreg s15  }
0xb8: {  	[dreg:$0x5] =	wrdreg s17  }
0xb9: {  	[dreg:$0x6] =	wrdreg s16  }
0xba: {  	[dreg:$0x7] =	wrdreg $0x9  }
0xbb: {  	_ =	task.clear_ibuf [dreg:s10], $0x8FFFF;
	_ =	strace $0x90000046  }
0xbc: {  	s29 =	simm.s32 $0x9;
	_ =	strace $0x80000048  }
0xbd: {  	_ =	swait.ge [sflag:s29], $0x1  }
0xbe: {  	[sflag:s29] =	ssyncadd.s32 $0xFFFFFFFF  }
0xbf: {  	_ =	strace $0x90000048  }
0xc0: {  	_ =	sfence  }
0xc1: {  	s30 =	sld [smem:$0x0];
	_ =	sdelay $0x2  }
0xc2: {  	s31 =	sshll.u32 s1, $0xD;
	s1 =	sshrl.u32 s1, $0x2  }
0xc3: {  	s3 =	sand.u32 $0x4000, s31;
	s1 =	sadd.s32 s1, s30  }
0xc4: {  	s0 =	sor.u32 s3, s0;
	s1 =	sshll.u32 s1, $0x11  }
0xc5: {  	s0 =	sor.u32 s1, s0  }
0xc6: {  	s0 =	sadd.s32 $0x8F2B, s0  }
0xc7: {  	[sflag:s0] =	ssyncadd.remote.s32 $0x1  }
0xc8: {  	_ =	sfence.sel $0xFFFF  }
0xc9: {  	[dreg:$0x0] =	wrdreg $0xFFFFFFFF;
	(pc) =	sbr.abs _section_cstart, $3  }
0xca: {  	[dreg:$0x1] =	wrdreg $0xFFFFFFFF  }
0xcb: {  	_ =	task.clear_ibuf [dreg:s10], $0x2FFFF;
	_ =	strace $0x9FFFFFFF  }
0xcc: {  	(tm) =	ssettm $0x7FFFFFFF  }
0xcd: {  	_ =	shalt  }
tec
execute0_lowered:
.L_overlay_start_1:
0x0: {  	(tag) =	ssettag $0x1  }
0x1: {  	s0 =	rddreg [dreg:$0x0]  }
0x2: {  	s1 =	rddreg [dreg:$0x1]  }
0x3: {  	s2 =	rddreg [dreg:$0x3];
	s3 =	srdreg.scid  }
0x4: {  	s6 =	stileid.u32;
	s11 =	rddreg [dreg:$0x4];
	s13 =	simm.s32 $0x80  }
0x5: {  	s14 =	simm.s32 $0x400;
	s15 =	simm.s32 $0x3;
	s18 =	simm.s32 $0x8000  }
0x6: {  	s19 =	simm.s32 $0x9000;
	s16 =	simm.s32 $0x1B180;
	s17 =	simm.s32 $0x1B980  }
0x7: {  	s20 =	simm.s32 $0x1;
	s21 =	simm.s32 $0x1C580;
	s22 =	simm.s32 $0x2  }
0x8: {  	s23 =	simm.s32 $0x0;
	s3 =	sand.u32 $0x1, s3;
	s4 =	sshll.u32 s6, $0x1  }
0x9: {  	s7 =	sshrl.u32 s6, $0x2;
	s5 =	sor.u32 s3, s4;
	s4 =	simm.s32 $0x0  }
0xa: {  	s29 =	sshll.u32 s7, $0x12;
	s3 =	ssub.s32 $0x2, s3;
	s28 =	sshll.u32 s5, $0x7  }
0xb: {  	s31 =	sshll.u32 s7, $0xD;
	s7 =	sadd.s32 $0x100, s1;
	s9 =	sand.u32 $0x380, s28  }
0xc: {  	[smem:$0x7FF] =	sst s4;
	s5 =	sshll.u32 s5, $0x8;
	s6 =	sor.u32 s29, s9  }
0xd: {  	s30 =	sshrl.u32 s3, $0x1;
	_ =	strace $0x80000047;
	s10 =	sshrl.u32 s6, $0x3  }
0xe: {  	s3 =	ssub.s32 s3, s30;
	s8 =	sadd.s32 s10, s0;
	s0 =	sadd.s32 s5, s0  }
0xf: {  	s12 =	smax.u32 s3, $0x1;
	s6 =	sadd.s32 $0x21400, s0;
	s0 =	sor.u32 s31, s9  }
0x10: {  	v0 =	vlaneseq.u32;
	v1 =	vimm.s32 $0x0;
	v5 =	vimm.f32 $0.0e+00;
	s10 =	sadd.s32 s2, s10;
	s5 =	sadd.s32 $0x1400, s8;
	s0 =	sshrl.u32 s0, $0x3  }
0x11: {  	v2 =	vor.u32 $0x10, v0;
	v3 =	vor.u32 $0x20, v0;
	v4 =	vor.u32 $0x30, v0;
	s8 =	sadd.s32 $0x200, s1;
	s9 =	sadd.s32 $0x300, s1;
	s11 =	sadd.s32 s11, s0  }
.LBB2_1:
0x12: {  	[tilespmem:s4], [sflag:$0x3] =	stream.strided.gather [hbm4b:s5+s13], $0x8000, s14, s13, $0x38;
	[tilespmem:$0x1D580] =	vst v63  }
0x13: {  	_ =	swait.ge [sflag:s15], $0x8000  }
0x14: {  	[sflag:s15] =	ssyncset.done $0x0  }
0x15: {  	[sflag:s15] =	ssyncadd.s32 $0xFFFF8000  }
0x16: {  	s2 =	simm.s32 $0x1C180;
	s0 =	rddreg [dreg:$0x2]  }
0x17: {  	[tilespmem:s2], [sflag:$0x3] =	stream.linear.gather [hbm4b:s0+s4], $0x400, $0x38;
	[tilespmem:$0x1D580] =	vst v63  }
0x18: {  	_ =	swait.ge [sflag:s15], $0x400  }
0x19: {  	[sflag:s15] =	ssyncset.done $0x0  }
0x1a: {  	s30 =	simm.s32 $0x1CD80;
	[sflag:s15] =	ssyncadd.s32 $0xFFFFFC00  }
0x1b: {  	[tilespmem:s30], [sflag:$0x3] =	stream.linear.gather [hbm4b:s6+s4], $0x800, $0x38;
	[tilespmem:$0x1D580] =	vst v63  }
0x1c: {  	_ =	swait.ge [sflag:s15], $0x800  }
0x1d: {  	[sflag:s15] =	ssyncset.done $0x0  }
0x1e: {  	[sflag:s15] =	ssyncadd.s32 $0xFFFFF800  }
0x1f: {  	v6 =	vld [tilespmem:$0x1CD80]  }
0x20: {  	v7 =	vld [tilespmem:$0x1CE00]  }
0x21: {  	v8 =	vld [tilespmem:$0x1CE80]  }
0x22: {  	v9 =	vld [tilespmem:$0x1CF00]  }
0x23: {  	v10 =	vld [tilespmem:$0x1CF80]  }
0x24: {  	v11 =	vld [tilespmem:$0x1D000];
	v6 =	vmax.f32 v6, $0.0e+00  }
0x25: {  	v6 =	vmax.f32 v6, v7;
	v7 =	vld [tilespmem:$0x1D080]  }
0x26: {  	v6 =	vmax.f32 v6, v8;
	v8 =	vld [tilespmem:$0x1D100]  }
0x27: {  	v6 =	vmax.f32 v6, v9;
	v9 =	vld [tilespmem:$0x1D180]  }
0x28: {  	v6 =	vmax.f32 v6, v10;
	v10 =	vld [tilespmem:$0x1D200]  }
0x29: {  	v6 =	vmax.f32 v6, v11;
	v11 =	vld [tilespmem:$0x1D280]  }
0x2a: {  	v6 =	vmax.f32 v6, v7;
	v7 =	vld [tilespmem:$0x1D300]  }
0x2b: {  	v6 =	vmax.f32 v6, v8;
	v8 =	vld [tilespmem:$0x1D380]  }
0x2c: {  	v6 =	vmax.f32 v6, v9;
	v9 =	vld [tilespmem:$0x1D400]  }
0x2d: {  	v6 =	vmax.f32 v6, v10;
	v10 =	vld [tilespmem:$0x1D480]  }
0x2e: {  	v6 =	vmax.f32 v6, v11;
	v11 =	vld [tilespmem:$0x1D500]  }
0x2f: {  	v6 =	vmax.f32 v6, v7  }
0x30: {  	v6 =	vmax.f32 v6, v8  }
0x31: {  	v6 =	vmax.f32 v6, v9  }
0x32: {  	v6 =	vmax.f32 v6, v10  }
0x33: {  	v6 =	vmax.f32 v6, v11  }
0x34: {  	(xrf0) =	vmax.scan.msk.f32 $0xffff, v6;
	_ =	sdelay $0x5  }
0x35: {  	v6, _, _ =	vpop (xrf0)  }
0x36: {  	(v2sf) =	vpush v6, $0xF;
	_ =	sdelay $0xc  }
0x37: {  	s31 =	simm.s32 $0x0  }
0x38: {  	v7 =	vld [tilespmem:s31+$0x0]  }
0x39: {  	v8 =	vld [tilespmem:s31+$0x10];
	s26 =	spop (v2sf)  }
0x3a: {  	v13 =	vld [tilespmem:s31+$0x20];
	s25 =	smul.f32 $5.000000000e-01, s26  }
0x3b: {  	v11 =	vld [tilespmem:s31+$0x30]  }
0x3c: {  	v10 =	vld [tilespmem:s31+$0x40];
	v6 =	vmov s25  }
0x3d: {  	v9 =	vld [tilespmem:s31+$0x50];
	vm0 =	vgt.f32 v7, v6  }
0x3e: {  	v7 =	vld [tilespmem:s31+$0x60];
	v14 =	vsel vm0, $0x1, v1;
	vm0 =	vgt.f32 v8, v6  }
0x3f: {  	s24 =	simm.s32 $0x80;
	s3 =	simm.s32 $0x400;
	v8 =	vld [tilespmem:s31+$0x70];
	v12 =	vsel vm0, $0x1, v1;
	vm0 =	vgt.f32 v13, v6;
	v13 =	vadd.s32 v14, v1  }
.LBB2_2:
0x40: {  	p0 =	sne.s32 s3, $0x1FE00;
	v14 =	vld [tilespmem:s24+$0x0];
	v15 =	vsel vm0, $0x1, v1;
	vm0 =	vgt.f32 v11, v6;
	v11 =	vadd.s32 v12, v13  }
0x41: {  	v12 =	vld [tilespmem:s24+$0x10];
	v13 =	vsel vm0, $0x1, v1;
	vm0 =	vgt.f32 v10, v6;
	v10 =	vadd.s32 v15, v11  }
0x42: {  	v15 =	vld [tilespmem:s24+$0x20];
	v16 =	vsel vm0, $0x1, v1;
	vm0 =	vgt.f32 v9, v6;
	v9 =	vadd.s32 v13, v10  }
.Ltmp0:
0x43: {  	v11 =	vld [tilespmem:s24+$0x30];
	v13 =	vsel vm0, $0x1, v1;
	vm0 =	vgt.f32 v7, v6;
	v7 =	vadd.s32 v16, v9;
	(pc) =	sbr.rel @p0 .LBB2_2-.Ltmp0, $4  }
0x44: {  	v10 =	vld [tilespmem:s24+$0x40];
	v16 =	vsel vm0, $0x1, v1;
	vm0 =	vgt.f32 v8, v6;
	v7 =	vadd.s32 v13, v7  }
0x45: {  	v9 =	vld [tilespmem:s24+$0x50];
	vm1 =	vgt.f32 v14, v6;
	v8 =	vsel vm0, $0x1, v1;
	v13 =	vadd.s32 v16, v7  }
0x46: {  	v7 =	vld [tilespmem:s24+$0x60];
	v14 =	vsel vm1, $0x1, v1;
	vm0 =	vgt.f32 v12, v6;
	v13 =	vadd.s32 v8, v13  }
0x47: {  	v8 =	vld [tilespmem:s24+$0x70];
	s24 =	sshra.s32 s3, $0x2;
	s3 =	sadd.s32 $0x200, s3;
	v12 =	vsel vm0, $0x1, v1;
	vm0 =	vgt.f32 v15, v6;
	v13 =	vadd.s32 v14, v13  }
0x48: {  	v14 =	vld [tilespmem:s24+$0x0];
	v15 =	vsel vm0, $0x1, v1;
	vm4 =	vgt.f32 v11, v6;
	v47 =	vadd.s32 v12, v13  }
0x49: {  	v48 =	vld [tilespmem:s24+$0x10];
	v49 =	vsel vm4, $0x1, v1;
	vm5 =	vgt.f32 v10, v6;
	v50 =	vadd.s32 v15, v47  }
0x4a: {  	v51 =	vld [tilespmem:s24+$0x20];
	v52 =	vsel vm5, $0x1, v1;
	vm6 =	vgt.f32 v9, v6;
	v53 =	vadd.s32 v49, v50  }
0x4b: {  	v54 =	vld [tilespmem:s24+$0x30];
	v55 =	vsel vm6, $0x1, v1;
	vm7 =	vgt.f32 v7, v6;
	v7 =	vadd.s32 v52, v53  }
0x4c: {  	v56 =	vld [tilespmem:s24+$0x40];
	v57 =	vsel vm7, $0x1, v1;
	vm8 =	vgt.f32 v8, v6;
	v7 =	vadd.s32 v55, v7  }
0x4d: {  	v8 =	vld [tilespmem:s24+$0x50];
	vm1 =	vgt.f32 v14, v6;
	v58 =	vsel vm8, $0x1, v1;
	v7 =	vadd.s32 v57, v7  }
0x4e: {  	v59 =	vld [tilespmem:s24+$0x60];
	vm9 =	vgt.f32 v48, v6;
	v60 =	vsel vm1, $0x1, v1;
	v7 =	vadd.s32 v58, v7  }
0x4f: {  	v61 =	vld [tilespmem:s24+$0x70];
	vm10 =	vgt.f32 v51, v6;
	v62 =	vsel vm9, $0x1, v1;
	v7 =	vadd.s32 v60, v7  }
0x50: {  	vm11 =	vgt.f32 v54, v6;
	v11 =	vsel vm10, $0x1, v1;
	v7 =	vadd.s32 v62, v7  }
0x51: {  	vm12 =	vgt.f32 v56, v6;
	v10 =	vsel vm11, $0x1, v1;
	v7 =	vadd.s32 v11, v7  }
0x52: {  	v9 =	vsel vm12, $0x1, v1;
	vm13 =	vgt.f32 v8, v6;
	v7 =	vadd.s32 v10, v7  }
0x53: {  	vm14 =	vgt.f32 v59, v6;
	v8 =	vsel vm13, $0x1, v1;
	v7 =	vadd.s32 v9, v7  }
0x54: {  	vm15 =	vgt.f32 v61, v6;
	v63 =	vsel vm14, $0x1, v1;
	v7 =	vadd.s32 v8, v7  }
0x55: {  	v8 =	vsel vm15, $0x1, v1;
	v7 =	vadd.s32 v63, v7  }
0x56: {  	v7 =	vadd.s32 v8, v7  }
0x57: {  	(xrf0) =	vadd.scan.msk.s32 $0xffff, v7;
	_ =	sdelay $0x5  }
0x58: {  	v7, _, _ =	vpop (xrf0)  }
0x59: {  	(v2sf) =	vpush v7, $0xF;
	_ =	sdelay $0xb  }
0x5a: {  	s0 =	sadd.f32 $1.000000000e+00, s26;
	_ =	sdelay $0x1  }
0x5b: {  	s0 =	smul.f32 $5.000000000e-01, s0  }
0x5c: {  	s3 =	spop (v2sf)  }
0x5d: {  	s0 =	sadd.f32 $-1.000000000e+00, s0;
	s31 =	sadd.s32 $0xFFFFFFC0, s3  }
0x5e: {  	p1 =	slt.u32 s31, $0x7C1  }
0x5f: {  	p0 =	slt.f32 @!p1 s0, $-1.000000000e+00;
	p2 =	sgt.f32 @!p1 s0, $-1.000000000e+00  }
0x60: {  	_ = 	snop  }
0x61: {  	p0 =	por @!p1 p2, p0  }
0x62: {  	p0 =	por @!p1 !p0, !p0  }
0x63: {  	p2 =	por p1, p0  }
0x64: {  	p0 =	slt.f32 @!p2 s0, s26;
	p3 =	sgt.f32 @!p2 s0, s26  }
0x65: {  	_ = 	snop  }
0x66: {  	p0 =	por @!p2 p3, p0  }
0x67: {  	p0 =	por @!p2 !p0, !p0  }
0x68: {  	p0 =	por p2, p0  }
.Ltmp1:
0x69: {  	_ = 	snop;
	(pc) =	sbr.rel @p0 .LBB2_4-.Ltmp1, $2  }
0x6a: {  	_ =	sdelay $0x2  }
0x6b: {  	s24 =	simm.f32 $-1.000000000e+00  }
.LBB2_5:
0x6c: {  	p0 =	sgt.s32 s3, $0x800;
	p1 =	slt.s32 s3, $0x40  }
0x6d: {  	s24 =	smov.u32 @p0 s25;
	s26 =	smov.u32 @p1 s25  }
0x6e: {  	s0 =	ssub.f32 s26, s24  }
0x6f: {  	s29 =	simm.s32 $0x0  }
0x70: {  	v7 =	vld [tilespmem:s29+$0x0];
	s0 =	smul.f32 $5.000000000e-01, s0  }
0x71: {  	v9 =	vld [tilespmem:s29+$0x10]  }
0x72: {  	v13 =	vld [tilespmem:s29+$0x20];
	s25 =	sadd.f32 s0, s24  }
0x73: {  	v11 =	vld [tilespmem:s29+$0x30]  }
0x74: {  	v10 =	vld [tilespmem:s29+$0x40];
	v6 =	vmov s25  }
0x75: {  	v8 =	vld [tilespmem:s29+$0x50];
	vm0 =	vgt.f32 v7, v6  }
0x76: {  	v14 =	vimm.s32 $0x0;
	v7 =	vld [tilespmem:s29+$0x60];
	v15 =	vsel vm0, $0x1, v1;
	vm0 =	vgt.f32 v9, v6  }
0x77: {  	s28 =	simm.s32 $0x80;
	s3 =	simm.s32 $0x400;
	v9 =	vld [tilespmem:s29+$0x70];
	v12 =	vsel vm0, $0x1, v1;
	vm0 =	vgt.f32 v13, v6;
	v13 =	vadd.s32 v15, v14  }
.LBB2_6:
0x78: {  	p0 =	sne.s32 s3, $0x1FE00;
	v14 =	vld [tilespmem:s28+$0x0];
	v15 =	vsel vm0, $0x1, v1;
	vm0 =	vgt.f32 v11, v6;
	v11 =	vadd.s32 v12, v13  }
0x79: {  	v12 =	vld [tilespmem:s28+$0x10];
	v13 =	vsel vm0, $0x1, v1;
	vm0 =	vgt.f32 v10, v6;
	v10 =	vadd.s32 v15, v11  }
0x7a: {  	v15 =	vld [tilespmem:s28+$0x20];
	v16 =	vsel vm0, $0x1, v1;
	vm0 =	vgt.f32 v8, v6;
	v8 =	vadd.s32 v13, v10  }
.Ltmp2:
0x7b: {  	v11 =	vld [tilespmem:s28+$0x30];
	v13 =	vsel vm0, $0x1, v1;
	vm0 =	vgt.f32 v7, v6;
	v7 =	vadd.s32 v16, v8;
	(pc) =	sbr.rel @p0 .LBB2_6-.Ltmp2, $4  }
0x7c: {  	v10 =	vld [tilespmem:s28+$0x40];
	v16 =	vsel vm0, $0x1, v1;
	vm0 =	vgt.f32 v9, v6;
	v7 =	vadd.s32 v13, v7  }
0x7d: {  	v8 =	vld [tilespmem:s28+$0x50];
	vm1 =	vgt.f32 v14, v6;
	v9 =	vsel vm0, $0x1, v1;
	v13 =	vadd.s32 v16, v7  }
0x7e: {  	v7 =	vld [tilespmem:s28+$0x60];
	v14 =	vsel vm1, $0x1, v1;
	vm0 =	vgt.f32 v12, v6;
	v13 =	vadd.s32 v9, v13  }
0x7f: {  	v9 =	vld [tilespmem:s28+$0x70];
	s28 =	sshra.s32 s3, $0x2;
	s3 =	sadd.s32 $0x200, s3;
	v12 =	vsel vm0, $0x1, v1;
	vm0 =	vgt.f32 v15, v6;
	v13 =	vadd.s32 v14, v13  }
0x80: {  	v14 =	vld [tilespmem:s28+$0x0];
	v15 =	vsel vm0, $0x1, v1;
	vm4 =	vgt.f32 v11, v6;
	v48 =	vadd.s32 v12, v13  }
0x81: {  	v49 =	vld [tilespmem:s28+$0x10];
	v50 =	vsel vm4, $0x1, v1;
	vm5 =	vgt.f32 v10, v6;
	v51 =	vadd.s32 v15, v48  }
0x82: {  	v52 =	vld [tilespmem:s28+$0x20];
	v53 =	vsel vm5, $0x1, v1;
	vm6 =	vgt.f32 v8, v6;
	v8 =	vadd.s32 v50, v51  }
0x83: {  	v54 =	vld [tilespmem:s28+$0x30];
	v55 =	vsel vm6, $0x1, v1;
	vm7 =	vgt.f32 v7, v6;
	v7 =	vadd.s32 v53, v8  }
0x84: {  	v8 =	vld [tilespmem:s28+$0x40];
	v56 =	vsel vm7, $0x1, v1;
	vm8 =	vgt.f32 v9, v6;
	v7 =	vadd.s32 v55, v7  }
0x85: {  	v57 =	vld [tilespmem:s28+$0x50];
	vm1 =	vgt.f32 v14, v6;
	v58 =	vsel vm8, $0x1, v1;
	v7 =	vadd.s32 v56, v7  }
0x86: {  	v59 =	vld [tilespmem:s28+$0x60];
	vm9 =	vgt.f32 v49, v6;
	v60 =	vsel vm1, $0x1, v1;
	v7 =	vadd.s32 v58, v7  }
0x87: {  	v61 =	vld [tilespmem:s28+$0x70];
	vm10 =	vgt.f32 v52, v6;
	v62 =	vsel vm9, $0x1, v1;
	v7 =	vadd.s32 v60, v7  }
0x88: {  	vm11 =	vgt.f32 v54, v6;
	v11 =	vsel vm10, $0x1, v1;
	v7 =	vadd.s32 v62, v7  }
0x89: {  	v10 =	vsel vm11, $0x1, v1;
	vm12 =	vgt.f32 v8, v6;
	v7 =	vadd.s32 v11, v7  }
0x8a: {  	vm13 =	vgt.f32 v57, v6;
	v8 =	vsel vm12, $0x1, v1;
	v7 =	vadd.s32 v10, v7  }
0x8b: {  	vm14 =	vgt.f32 v59, v6;
	v9 =	vsel vm13, $0x1, v1;
	v7 =	vadd.s32 v8, v7  }
0x8c: {  	vm15 =	vgt.f32 v61, v6;
	v8 =	vsel vm14, $0x1, v1;
	v7 =	vadd.s32 v9, v7  }
0x8d: {  	v63 =	vsel vm15, $0x1, v1;
	v7 =	vadd.s32 v8, v7  }
0x8e: {  	v7 =	vadd.s32 v63, v7  }
0x8f: {  	(xrf0) =	vadd.scan.msk.s32 $0xffff, v7;
	_ =	sdelay $0x5  }
0x90: {  	v7, _, _ =	vpop (xrf0)  }
0x91: {  	(v2sf) =	vpush v7, $0xF;
	_ =	sdelay $0xe  }
0x92: {  	s3 =	spop (v2sf)  }
0x93: {  	s0 =	sadd.s32 $0xFFFFFFC0, s3  }
0x94: {  	p1 =	slt.u32 s0, $0x7C1  }
0x95: {  	p0 =	slt.f32 @!p1 s25, s24;
	p2 =	sgt.f32 @!p1 s25, s24  }
0x96: {  	_ = 	snop  }
0x97: {  	p0 =	por @!p1 p2, p0  }
0x98: {  	p0 =	por @!p1 !p0, !p0  }
0x99: {  	p2 =	por p1, p0  }
0x9a: {  	p0 =	slt.f32 @!p2 s25, s26;
	p3 =	sgt.f32 @!p2 s25, s26  }
0x9b: {  	_ = 	snop  }
0x9c: {  	p0 =	por @!p2 p3, p0  }
0x9d: {  	p0 =	por p2, !p0  }
.Ltmp3:
0x9e: {  	_ = 	snop;
	(pc) =	sbr.rel @!p0 .LBB2_5-.Ltmp3, $1  }
0x9f: {  	_ =	sdelay $0x3  }
0xa0: {  	s0 =	smov.u32 s26;
	s3 =	smov.u32 s25;
	p0 =	por p1, p1  }
0xa1: {  	v7 =	vpsel p1, v6, v6;
	s0 =	smov.u32 @p1 s26;
	s3 =	smov.u32 @p1 s25;
	p0 =	por @!p1 p1, p1  }
0xa2: {  	v7 =	vpsel p2, v7, v6;
	s26 =	smov.u32 @p2 s0;
	s25 =	smov.u32 @p2 s3;
	p0 =	por @!p2 p1, p1  }
.LBB2_9:
0xa3: {  	s0 =	simm.s32 $0x0  }
0xa4: {  	v8 =	vld [tilespmem:s0+$0x0]  }
0xa5: {  	v12 =	vld [tilespmem:s0+$0x60]  }
0xa6: {  	v6 =	vld [tilespmem:s0+$0x70]  }
0xa7: {  	v19 =	vld [tilespmem:s0+$0x10]  }
0xa8: {  	v28 =	vld [tilespmem:s0+$0x20]  }
0xa9: {  	v9 =	vimm.s32 $0x0;
	v14 =	vld [tilespmem:s0+$0x30]  }
0xaa: {  	v11 =	vld [tilespmem:s0+$0x40];
	v10 =	vshll.u32 v9, $0x6  }
0xab: {  	vm1 =	vlt.s32 v9, $0x40;
	v17 =	vor.u32 v0, v10;
	v22 =	vor.u32 v2, v10  }
0xac: {  	v29 =	vor.u32 v3, v10;
	v15 =	vor.u32 v4, v10;
	vm0 =	vgt.f32 v8, v7  }
0xad: {  	vm7 =	vgt.f32 v12, v7;
	vm3 =	vgt.f32 v19, v7;
	vm8 =	vgt.f32 v6, v7  }
0xae: {  	vm4 =	vgt.f32 v28, v7;
	vm9 =	vgt.f32 v14, v7;
	vm5 =	vmand vm1, vm0  }
0xaf: {  	v13 =	vld [tilespmem:s0+$0x50];
	vm0 =	vgt.f32 v11, v7;
	vm10 =	vmand vm1, vm3;
	vm6 =	vmand vm1, vm4  }
0xb0: {  	vm4 =	vmand vm1, vm9;
	v16 =	vsel vm5, $0x1, v1;
	v20 =	vsel vm10, $0x1, v1  }
0xb1: {  	v21 =	vsel vm6, $0x1, v1;
	v23 =	vsel vm4, $0x1, v1;
	v10 =	vadd.s32 v16, v9  }
0xb2: {  	v24 =	vadd.s32 v20, v9;
	v25 =	vadd.s32 v21, v9;
	v23 =	vadd.s32 v23, v9  }
0xb3: {  	vm2 =	vlt.s32 v10, $0x40;
	v16 =	vshll.u32 v10, $0x6;
	vm1 =	vlt.s32 v24, $0x40  }
0xb4: {  	vm15 =	vlt.s32 v25, $0x40;
	vm0 =	vmand vm0, vm2;
	vm2 =	vgt.f32 v13, v7  }
0xb5: {  	v27 =	vshll.u32 v24, $0x6;
	v18 =	vsel vm0, $0x1, v1;
	vm3 =	vmand vm2, vm1  }
0xb6: {  	s28 =	simm.s32 $0x80;
	vm1 =	vlt.s32 v23, $0x40;
	vm2 =	vmand vm7, vm15;
	v10 =	vadd.s32 v18, v10  }
0xb7: {  	vm1 =	vmand vm8, vm1;
	[tilespmem:v17+s18+$0x0] =	vst.idx.msk vm5, v8;
	v17 =	vld [tilespmem:s28+$0x0];
	v8 =	vsel vm3, $0x1, v1;
	v9 =	vsel vm2, $0x1, v1  }
0xb8: {  	v21 =	vld [tilespmem:s28+$0x40];
	v18 =	vsel vm1, $0x1, v1;
	v8 =	vadd.s32 v8, v24;
	v9 =	vadd.s32 v9, v25  }
0xb9: {  	[tilespmem:v22+s18+$0x0] =	vst.idx.msk vm10, v19;
	v25 =	vshll.u32 v25, $0x6;
	v19 =	vld [tilespmem:s28+$0x60];
	v26 =	vshll.u32 v10, $0x6;
	v20 =	vadd.s32 v18, v23  }
0xba: {  	s24 =	simm.s32 $0x400;
	v18 =	vld [tilespmem:s28+$0x50];
	v23 =	vshll.u32 v23, $0x6;
	v24 =	vshll.u32 v8, $0x6;
	v22 =	vshll.u32 v9, $0x6;
	[tilespmem:v29+s18+$0x0] =	vst.idx.msk vm6, v28  }
.LBB2_10:
0xbb: {  	p1 =	sne.s32 s24, $0x1FE00;
	v28 =	vld [tilespmem:s28+$0x70];
	v29 =	vshll.u32 v20, $0x6;
	[tilespmem:v15+s18+$0x0] =	vst.idx.msk vm4, v14;
	v30 =	vor.u32 v0, v16;
	v27 =	vor.u32 v2, v27  }
0xbc: {  	vm5 =	vlt.s32 v10, $0x40;
	v25 =	vor.u32 v3, v25;
	v31 =	vld [tilespmem:s28+$0x10];
	vm4 =	vgt.f32 v17, v7  }
0xbd: {  	v26 =	vor.u32 v0, v26;
	v23 =	vor.u32 v4, v23;
	v32 =	vld [tilespmem:s28+$0x20];
	vm4 =	vmand vm5, vm4  }
0xbe: {  	v24 =	vor.u32 v2, v24;
	v33 =	vor.u32 v3, v22;
	v14 =	vld [tilespmem:s28+$0x30];
	v16 =	vsel vm4, $0x1, v1  }
0xbf: {  	v15 =	vor.u32 v4, v29;
	v10 =	vadd.s32 v16, v10  }
0xc0: {  	vm5 =	vgt.f32 v21, v7;
	vm6 =	vlt.s32 v10, $0x40;
	v16 =	vshll.u32 v10, $0x6;
	[tilespmem:v30+s18+$0x0] =	vst.idx.msk vm0, v11;
	v11 =	vmovc v21  }
0xc1: {  	vm7 =	vgt.f32 v19, v7;
	vm0 =	vmand vm5, vm6;
	vm6 =	vgt.f32 v18, v7;
	[tilespmem:v27+s18+$0x0] =	vst.idx.msk vm3, v13  }
0xc2: {  	vm8 =	vgt.f32 v28, v7;
	vm3 =	vgt.f32 v31, v7;
	v21 =	vsel vm0, $0x1, v1;
	[tilespmem:v25+s18+$0x0] =	vst.idx.msk vm2, v12  }
0xc3: {  	v13 =	vmovc v18;
	vm2 =	vgt.f32 v32, v7;
	vm10 =	vgt.f32 v14, v7;
	v10 =	vadd.s32 v21, v10  }
0xc4: {  	vm11 =	vlt.s32 v9, $0x40;
	vm12 =	vlt.s32 v20, $0x40;
	vm5 =	vlt.s32 v8, $0x40;
	v12 =	vmovc v19;
	[tilespmem:v26+s18+$0x0] =	vst.idx.msk vm4, v17  }
0xc5: {  	vm9 =	vmand vm5, vm3;
	vm5 =	vmand vm11, vm2;
	vm4 =	vmand vm12, vm10;
	[tilespmem:v23+s18+$0x0] =	vst.idx.msk vm1, v6;
	v6 =	vmovc v28  }
0xc6: {  	v17 =	vsel vm9, $0x1, v1;
	v18 =	vsel vm5, $0x1, v1;
	v19 =	vsel vm4, $0x1, v1  }
0xc7: {  	v22 =	vadd.s32 v17, v8;
	v23 =	vadd.s32 v18, v9;
	v19 =	vadd.s32 v19, v20  }
0xc8: {  	vm1 =	vlt.s32 v22, $0x40;
	vm2 =	vlt.s32 v23, $0x40;
	vm10 =	vlt.s32 v19, $0x40  }
.Ltmp4:
0xc9: {  	s28 =	sshra.s32 s24, $0x2;
	vm3 =	vmand vm6, vm1;
	vm2 =	vmand vm7, vm2;
	vm1 =	vmand vm8, vm10;
	(pc) =	sbr.rel @p1 .LBB2_10-.Ltmp4, $4  }
0xca: {  	v8 =	vsel vm3, $0x1, v1;
	v9 =	vsel vm2, $0x1, v1;
	v18 =	vsel vm1, $0x1, v1;
	v17 =	vld [tilespmem:s28+$0x0]  }
0xcb: {  	v8 =	vadd.s32 v8, v22;
	v9 =	vadd.s32 v9, v23;
	v20 =	vadd.s32 v18, v19;
	v21 =	vld [tilespmem:s28+$0x40]  }
0xcc: {  	v27 =	vshll.u32 v22, $0x6;
	v25 =	vshll.u32 v23, $0x6;
	v23 =	vshll.u32 v19, $0x6;
	v18 =	vld [tilespmem:s28+$0x50];
	[tilespmem:v24+s18+$0x0] =	vst.idx.msk vm9, v31  }
0xcd: {  	s24 =	sadd.s32 $0x200, s24;
	v26 =	vshll.u32 v10, $0x6;
	v22 =	vshll.u32 v9, $0x6;
	v24 =	vshll.u32 v8, $0x6;
	v19 =	vld [tilespmem:s28+$0x60];
	[tilespmem:v33+s18+$0x0] =	vst.idx.msk vm5, v32  }
0xce: {  	v28 =	vld [tilespmem:s28+$0x70]  }
0xcf: {  	v29 =	vld [tilespmem:s28+$0x10]  }
0xd0: {  	v30 =	vld [tilespmem:s28+$0x20]  }
0xd1: {  	vm6 =	vlt.s32 v10, $0x40;
	v31 =	vld [tilespmem:s28+$0x30];
	vm5 =	vgt.f32 v17, v7  }
0xd2: {  	vm12 =	vlt.s32 v8, $0x40;
	vm6 =	vmand vm6, vm5  }
0xd3: {  	vm15 =	vlt.s32 v20, $0x40;
	vm14 =	vgt.f32 v21, v7;
	v32 =	vsel vm6, $0x1, v1  }
0xd4: {  	vm8 =	vgt.f32 v18, v7;
	v32 =	vadd.s32 v32, v10;
	vm11 =	vgt.f32 v19, v7  }
0xd5: {  	vm7 =	vlt.s32 v32, $0x40;
	vm13 =	vgt.f32 v28, v7;
	vm9 =	vgt.f32 v30, v7  }
0xd6: {  	vm10 =	vgt.f32 v31, v7;
	vm5 =	vmand vm14, vm7;
	vm7 =	vgt.f32 v29, v7  }
0xd7: {  	vm14 =	vlt.s32 v9, $0x40;
	v10 =	vsel vm5, $0x1, v1;
	vm12 =	vmand vm12, vm7  }
0xd8: {  	vm9 =	vmand vm14, vm9;
	vm7 =	vmand vm15, vm10;
	v7 =	vsel vm12, $0x1, v1  }
0xd9: {  	v33 =	vsel vm9, $0x1, v1;
	v34 =	vsel vm7, $0x1, v1;
	v35 =	vadd.s32 v7, v8  }
0xda: {  	v33 =	vadd.s32 v33, v9;
	v34 =	vadd.s32 v34, v20;
	v7 =	vadd.s32 v10, v32  }
0xdb: {  	vm10 =	vlt.s32 v35, $0x40;
	vm14 =	vlt.s32 v33, $0x40;
	vm15 =	vlt.s32 v34, $0x40  }
0xdc: {  	vm10 =	vmand vm8, vm10;
	vm11 =	vmand vm11, vm14;
	vm8 =	vmand vm13, vm15  }
0xdd: {  	v8 =	vsel vm10, $0x1, v1;
	v9 =	vsel vm11, $0x1, v1;
	v10 =	vsel vm8, $0x1, v1  }
0xde: {  	v8 =	vadd.s32 v8, v35;
	v9 =	vadd.s32 v9, v33;
	v10 =	vadd.s32 v10, v34  }
0xdf: {  	vm13 =	vgt.s32 v7, v8;
	vm14 =	vgt.s32 v9, v10  }
0xe0: {  	v36 =	vsel vm13, v7, v8;
	v37 =	vsel vm14, v9, v10  }
0xe1: {  	vm13 =	vgt.s32 v36, v37  }
0xe2: {  	v36 =	vsel vm13, v36, v37  }
0xe3: {  	v36 =	vxor.u32 $0x80000000, v36  }
0xe4: {  	(xrf0) =	vmax.scan.msk.u32 $0xffff, v36;
	_ =	sdelay $0x4  }
0xe5: {  	s24 =	smov.u32 s26  }
0xe6: {  	s24 =	smov.u32 @p0 s25;
	v36, _, _ =	vpop (xrf0)  }
0xe7: {  	s0 =	ssub.f32 s26, s24;
	(v2sf) =	vpush v36, $0xF;
	_ =	sdelay $0x1  }
0xe8: {  	s0 =	smul.f32 $5.000000000e-01, s0  }
0xe9: {  	v16 =	vor.u32 v0, v16  }
0xea: {  	v27 =	vor.u32 v2, v27;
	s3 =	sadd.f32 s0, s24  }
0xeb: {  	v25 =	vor.u32 v3, v25  }
0xec: {  	v26 =	vor.u32 v0, v26;
	p1 =	slt.f32 s3, s24;
	p2 =	sgt.f32 s3, s24  }
0xed: {  	[tilespmem:v15+s18+$0x0] =	vst.idx.msk vm4, v14;
	v57 =	vor.u32 v4, v23  }
0xee: {  	[tilespmem:v16+s18+$0x0] =	vst.idx.msk vm0, v11;
	v11 =	vor.u32 v2, v24;
	p1 =	por p2, p1  }
0xef: {  	v58 =	vshll.u32 v20, $0x6;
	v59 =	vor.u32 v3, v22;
	[tilespmem:v27+s18+$0x0] =	vst.idx.msk vm3, v13;
	p1 =	por !p1, !p1  }
0xf0: {  	v60 =	vor.u32 v4, v58;
	v61 =	vshll.u32 v32, $0x6;
	[tilespmem:v25+s18+$0x0] =	vst.idx.msk vm2, v12;
	p2 =	slt.f32 @!p1 s3, s26;
	p3 =	sgt.f32 @!p1 s3, s26  }
0xf1: {  	v13 =	vor.u32 v0, v61;
	[tilespmem:v26+s18+$0x0] =	vst.idx.msk vm6, v17;
	v62 =	vshll.u32 v35, $0x6  }
0xf2: {  	[tilespmem:v57+s18+$0x0] =	vst.idx.msk vm1, v6;
	v6 =	vshll.u32 v33, $0x6;
	v63 =	vor.u32 v2, v62;
	p2 =	por @!p1 p3, p2  }
0xf3: {  	v6 =	vor.u32 v3, v6;
	[tilespmem:v11+s18+$0x0] =	vst.idx.msk vm12, v29;
	v11 =	vshll.u32 v34, $0x6;
	p2 =	por @!p1 !p2, !p2  }
0xf4: {  	[tilespmem:v59+s18+$0x0] =	vst.idx.msk vm9, v30;
	v11 =	vor.u32 v4, v11;
	p2 =	por p1, p2  }
.Ltmp5:
0xf5: {  	[tilespmem:v60+s18+$0x0] =	vst.idx.msk vm7, v31;
	s31 =	spop (v2sf);
	(pc) =	sbr.rel @!p2 .LBB2_13-.Ltmp5, $4  }
0xf6: {  	[tilespmem:v13+s18+$0x0] =	vst.idx.msk vm5, v21;
	s28 =	sxor.u32 $0x80000000, s31  }
0xf7: {  	[tilespmem:v63+s18+$0x0] =	vst.idx.msk vm10, v18;
	p5 =	slt.s32 s28, $0x41  }
0xf8: {  	[tilespmem:v6+s18+$0x0] =	vst.idx.msk vm11, v19;
	p3 =	slt.s32 s28, $0x40;
	s25 =	smov.u32 s28;
	p6 =	por !p0, !p5  }
0xf9: {  	[tilespmem:v11+s18+$0x0] =	vst.idx.msk vm8, v28;
	s25 =	simm.s32 @!p3 $0x40;
	p0 =	por !p6, !p6  }
.Ltmp6:
0xfa: {  	(pc) =	sbr.rel .LBB2_24-.Ltmp6, $2  }
0xfb: {  	_ =	sdelay $0x2  }
0xfc: {  	s26 =	smov.u32 @p1 s26  }
.LBB2_18:
0xfd: {  	v6 =	vimm.s32 $0x0  }
.LBB2_22:
0xfe: {  	(xrf0) =	vadd.scan.msk.s32 $0xffff, v6;
	_ =	sdelay $0x5  }
0xff: {  	v6, _, _ =	vpop (xrf0)  }
0x100: {  	(v2sf) =	vpush v6, $0xF;
	_ =	sdelay $0xe  }
0x101: {  	s0 =	spop (v2sf)  }
0x102: {  	p1 =	sgt.s32 s0, $0x3F  }
0x103: {  	s24 =	smov.u32 @p1 s26;
	s26 =	smov.u32 @p1 s29  }
0x104: {  	s31 =	ssub.f32 s26, s24;
	_ =	sdelay $0x1  }
0x105: {  	s0 =	smul.f32 $5.000000000e-01, s31;
	_ =	sdelay $0x1  }
0x106: {  	s3 =	sadd.f32 s0, s24;
	_ =	sdelay $0x1  }
0x107: {  	p6 =	slt.f32 s3, s24;
	p2 =	sgt.f32 s3, s24  }
0x108: {  	_ = 	snop  }
0x109: {  	p1 =	por p2, p6  }
0x10a: {  	p1 =	por !p1, !p1  }
0x10b: {  	p2 =	slt.f32 @!p1 s3, s26;
	p3 =	sgt.f32 @!p1 s3, s26  }
0x10c: {  	_ = 	snop  }
0x10d: {  	p2 =	por @!p1 p3, p2  }
0x10e: {  	p2 =	por p1, !p2  }
.Ltmp7:
0x10f: {  	_ = 	snop;
	(pc) =	sbr.rel @p2 .LBB2_23-.Ltmp7, $1  }
0x110: {  	_ =	sdelay $0x3  }
.LBB2_13:
.Ltmp8:
0x111: {  	(pc) =	sbr.rel @!p0 .LBB2_14-.Ltmp8, $2  }
0x112: {  	_ =	sdelay $0x2  }
0x113: {  	s29 =	smov.u32 s26;
	s26 =	smov.u32 s3;
	v6 =	vmov s3  }
0x114: {  	p1 =	slt.s32 s28, $0x1  }
.Ltmp9:
0x115: {  	_ = 	snop;
	(pc) =	sbr.rel @p1 .LBB2_18-.Ltmp9, $1  }
0x116: {  	_ =	sdelay $0x3  }
0x117: {  	s0 =	simm.s32 $0x8020  }
0x118: {  	v15 =	vld [tilespmem:s0+$0xFFFFFFE0]  }
0x119: {  	p1 =	seq.s32 s25, $0x1;
	v11 =	vld [tilespmem:s0+$0x10]  }
.Ltmp10:
0x11a: {  	v14 =	vld [tilespmem:s0+$0xFFFFFFF0];
	(pc) =	sbr.rel @p1 .LBB2_21-.Ltmp10, $4  }
0x11b: {  	v13 =	vld [tilespmem:s0+$0x0]  }
0x11c: {  	s30 =	simm.s32 $0x0  }
0x11d: {  	v12 =	vimm.s32 $0x0;
	vm1 =	vgt.s32 v9, s30;
	vm0 =	vgt.s32 v10, s30  }
0x11e: {  	s3 =	simm.s32 $0x1;
	vm4 =	vgt.s32 v7, s30;
	vm2 =	vgt.s32 v8, s30;
	s30 =	simm.s32 $0x8060;
	vm3 =	vgt.f32 v15, v6  }
.LBB2_20:
0x11f: {  	vm3 =	vmand vm4, vm3;
	vm4 =	vgt.f32 v14, v6;
	vm5 =	vgt.f32 v11, v6;
	v11 =	vld [tilespmem:s30+$0x10];
	s0 =	smov.u32 s3;
	s3 =	sadd.s32 $0x1, s3  }
0x120: {  	v15 =	vld [tilespmem:s30+$0xFFFFFFE0];
	v16 =	vsel vm3, $0x1, v1;
	vm2 =	vmand vm2, vm4;
	vm3 =	vgt.f32 v13, v6;
	p1 =	seq.s32 s25, s3  }
.Ltmp11:
0x121: {  	v14 =	vld [tilespmem:s30+$0xFFFFFFF0];
	v12 =	vadd.s32 v16, v12;
	v16 =	vsel vm2, $0x1, v1;
	vm1 =	vmand vm1, vm3;
	(pc) =	sbr.rel @!p1 .LBB2_20-.Ltmp11, $4  }
0x122: {  	vm0 =	vmand vm0, vm5;
	v13 =	vld [tilespmem:s30+$0x0];
	v12 =	vadd.s32 v16, v12;
	v16 =	vsel vm1, $0x1, v1  }
0x123: {  	v12 =	vadd.s32 v16, v12;
	v16 =	vsel vm0, $0x1, v1  }
0x124: {  	vm1 =	vgt.s32 v9, s0;
	vm0 =	vgt.s32 v10, s0;
	v12 =	vadd.s32 v16, v12  }
0x125: {  	vm4 =	vgt.s32 v7, s0;
	vm2 =	vgt.s32 v8, s0;
	s30 =	sadd.s32 $0x40, s30;
	vm3 =	vgt.f32 v15, v6  }
.LBB2_21:
0x126: {  	vm3 =	vmand vm4, vm3;
	vm14 =	vgt.f32 v14, v6;
	vm5 =	vgt.f32 v11, v6  }
.Ltmp12:
0x127: {  	v11 =	vsel vm3, $0x1, v1;
	vm2 =	vmand vm2, vm14;
	vm15 =	vgt.f32 v13, v6;
	(pc) =	sbr.rel .LBB2_22-.Ltmp12, $4  }
0x128: {  	v6 =	vadd.s32 v11, v12;
	v11 =	vsel vm2, $0x1, v1;
	vm1 =	vmand vm1, vm15  }
0x129: {  	vm0 =	vmand vm0, vm5;
	v6 =	vadd.s32 v11, v6;
	v11 =	vsel vm1, $0x1, v1  }
0x12a: {  	v6 =	vadd.s32 v11, v6;
	v11 =	vsel vm0, $0x1, v1  }
0x12b: {  	v6 =	vadd.s32 v11, v6  }
.LBB2_14:
0x12c: {  	s0 =	simm.s32 $0x0  }
0x12d: {  	v11 =	vld [tilespmem:s0+$0x0]  }
0x12e: {  	v12 =	vld [tilespmem:s0+$0x10]  }
0x12f: {  	v18 =	vld [tilespmem:s0+$0x20]  }
0x130: {  	v15 =	vld [tilespmem:s0+$0x30]  }
0x131: {  	v14 =	vld [tilespmem:s0+$0x40]  }
0x132: {  	v13 =	vld [tilespmem:s0+$0x50];
	vm0 =	vgt.f32 v11, v6  }
0x133: {  	v16 =	vimm.s32 $0x0;
	v11 =	vld [tilespmem:s0+$0x60];
	v19 =	vsel vm0, $0x1, v1;
	vm0 =	vgt.f32 v12, v6  }
0x134: {  	s30 =	simm.s32 $0x80;
	s3 =	simm.s32 $0x400;
	v12 =	vld [tilespmem:s0+$0x70];
	v17 =	vsel vm0, $0x1, v1;
	vm0 =	vgt.f32 v18, v6;
	v16 =	vadd.s32 v19, v16  }
.LBB2_15:
0x135: {  	p1 =	sne.s32 s3, $0x1FE00;
	v18 =	vld [tilespmem:s30+$0x0];
	v19 =	vsel vm0, $0x1, v1;
	vm0 =	vgt.f32 v15, v6;
	v15 =	vadd.s32 v17, v16  }
0x136: {  	v16 =	vld [tilespmem:s30+$0x10];
	v17 =	vsel vm0, $0x1, v1;
	vm0 =	vgt.f32 v14, v6;
	v14 =	vadd.s32 v19, v15  }
0x137: {  	v19 =	vld [tilespmem:s30+$0x20];
	v20 =	vsel vm0, $0x1, v1;
	vm0 =	vgt.f32 v13, v6;
	v13 =	vadd.s32 v17, v14  }
.Ltmp13:
0x138: {  	v15 =	vld [tilespmem:s30+$0x30];
	v17 =	vsel vm0, $0x1, v1;
	vm0 =	vgt.f32 v11, v6;
	v11 =	vadd.s32 v20, v13;
	(pc) =	sbr.rel @p1 .LBB2_15-.Ltmp13, $4  }
0x139: {  	v14 =	vld [tilespmem:s30+$0x40];
	v20 =	vsel vm0, $0x1, v1;
	vm0 =	vgt.f32 v12, v6;
	v11 =	vadd.s32 v17, v11  }
0x13a: {  	v13 =	vld [tilespmem:s30+$0x50];
	vm1 =	vgt.f32 v18, v6;
	v12 =	vsel vm0, $0x1, v1;
	v17 =	vadd.s32 v20, v11  }
0x13b: {  	v11 =	vld [tilespmem:s30+$0x60];
	v18 =	vsel vm1, $0x1, v1;
	vm0 =	vgt.f32 v16, v6;
	v16 =	vadd.s32 v12, v17  }
0x13c: {  	v12 =	vld [tilespmem:s30+$0x70];
	s30 =	sshra.s32 s3, $0x2;
	s3 =	sadd.s32 $0x200, s3;
	v17 =	vsel vm0, $0x1, v1;
	vm0 =	vgt.f32 v19, v6;
	v16 =	vadd.s32 v18, v16  }
0x13d: {  	v18 =	vld [tilespmem:s30+$0x0];
	v19 =	vsel vm0, $0x1, v1;
	vm4 =	vgt.f32 v15, v6;
	v46 =	vadd.s32 v17, v16  }
0x13e: {  	v47 =	vld [tilespmem:s30+$0x10];
	v48 =	vsel vm4, $0x1, v1;
	vm5 =	vgt.f32 v14, v6;
	v49 =	vadd.s32 v19, v46  }
0x13f: {  	v50 =	vld [tilespmem:s30+$0x20];
	v51 =	vsel vm5, $0x1, v1;
	vm6 =	vgt.f32 v13, v6;
	v52 =	vadd.s32 v48, v49  }
0x140: {  	v53 =	vld [tilespmem:s30+$0x30];
	v54 =	vsel vm6, $0x1, v1;
	vm7 =	vgt.f32 v11, v6;
	v11 =	vadd.s32 v51, v52  }
0x141: {  	v55 =	vld [tilespmem:s30+$0x40];
	v56 =	vsel vm7, $0x1, v1;
	vm8 =	vgt.f32 v12, v6;
	v11 =	vadd.s32 v54, v11  }
0x142: {  	v57 =	vld [tilespmem:s30+$0x50];
	vm1 =	vgt.f32 v18, v6;
	v58 =	vsel vm8, $0x1, v1;
	v11 =	vadd.s32 v56, v11  }
0x143: {  	v59 =	vld [tilespmem:s30+$0x60];
	vm9 =	vgt.f32 v47, v6;
	v60 =	vsel vm1, $0x1, v1;
	v11 =	vadd.s32 v58, v11  }
0x144: {  	v61 =	vld [tilespmem:s30+$0x70];
	vm10 =	vgt.f32 v50, v6;
	v62 =	vsel vm9, $0x1, v1;
	v11 =	vadd.s32 v60, v11  }
0x145: {  	vm11 =	vgt.f32 v53, v6;
	v15 =	vsel vm10, $0x1, v1;
	v11 =	vadd.s32 v62, v11  }
0x146: {  	vm12 =	vgt.f32 v55, v6;
	v14 =	vsel vm11, $0x1, v1;
	v11 =	vadd.s32 v15, v11  }
.Ltmp14:
0x147: {  	vm13 =	vgt.f32 v57, v6;
	v13 =	vsel vm12, $0x1, v1;
	v11 =	vadd.s32 v14, v11;
	(pc) =	sbr.rel .LBB2_22-.Ltmp14, $4  }
0x148: {  	vm14 =	vgt.f32 v59, v6;
	v12 =	vsel vm13, $0x1, v1;
	v11 =	vadd.s32 v13, v11  }
0x149: {  	vm15 =	vgt.f32 v61, v6;
	v63 =	vsel vm14, $0x1, v1;
	v6 =	vadd.s32 v12, v11  }
0x14a: {  	v11 =	vsel vm15, $0x1, v1;
	v6 =	vadd.s32 v63, v6  }
0x14b: {  	v6 =	vadd.s32 v11, v6  }
.LBB2_23:
0x14c: {  	s26 =	smov.u32 @p1 s26  }
.LBB2_24:
.Ltmp15:
0x14d: {  	(pc) =	sbr.rel @!p0 .LBB2_25-.Ltmp15, $2  }
0x14e: {  	_ =	sdelay $0x2  }
0x14f: {  	v6 =	vmov s26  }
0x150: {  	p0 =	slt.s32 s28, $0x1  }
.Ltmp16:
0x151: {  	_ = 	snop;
	(pc) =	sbr.rel @p0 .LBB2_29-.Ltmp16, $1  }
0x152: {  	_ =	sdelay $0x3  }
0x153: {  	s0 =	simm.s32 $0x8020  }
0x154: {  	v15 =	vld [tilespmem:s0+$0xFFFFFFE0]  }
0x155: {  	p0 =	seq.s32 s25, $0x1;
	v11 =	vld [tilespmem:s0+$0x10]  }
.Ltmp17:
0x156: {  	v14 =	vld [tilespmem:s0+$0xFFFFFFF0];
	(pc) =	sbr.rel @p0 .LBB2_32-.Ltmp17, $4  }
0x157: {  	v13 =	vld [tilespmem:s0+$0x0]  }
0x158: {  	s24 =	simm.s32 $0x0  }
0x159: {  	v12 =	vimm.s32 $0x0;
	vm1 =	vgt.s32 v9, s24;
	vm0 =	vgt.s32 v10, s24  }
0x15a: {  	s3 =	simm.s32 $0x1;
	vm4 =	vgt.s32 v7, s24;
	vm2 =	vgt.s32 v8, s24;
	s24 =	simm.s32 $0x8060;
	vm3 =	vgt.f32 v15, v6  }
.LBB2_31:
0x15b: {  	vm3 =	vmand vm4, vm3;
	vm4 =	vgt.f32 v14, v6;
	vm5 =	vgt.f32 v11, v6;
	v11 =	vld [tilespmem:s24+$0x10];
	s0 =	smov.u32 s3;
	s3 =	sadd.s32 $0x1, s3  }
0x15c: {  	v15 =	vld [tilespmem:s24+$0xFFFFFFE0];
	v16 =	vsel vm3, $0x1, v1;
	vm2 =	vmand vm2, vm4;
	vm3 =	vgt.f32 v13, v6;
	p0 =	seq.s32 s25, s3  }
.Ltmp18:
0x15d: {  	v14 =	vld [tilespmem:s24+$0xFFFFFFF0];
	v12 =	vadd.s32 v16, v12;
	v16 =	vsel vm2, $0x1, v1;
	vm1 =	vmand vm1, vm3;
	(pc) =	sbr.rel @!p0 .LBB2_31-.Ltmp18, $4  }
0x15e: {  	vm0 =	vmand vm0, vm5;
	v13 =	vld [tilespmem:s24+$0x0];
	v12 =	vadd.s32 v16, v12;
	v16 =	vsel vm1, $0x1, v1  }
0x15f: {  	v12 =	vadd.s32 v16, v12;
	v16 =	vsel vm0, $0x1, v1  }
0x160: {  	vm1 =	vgt.s32 v9, s0;
	vm0 =	vgt.s32 v10, s0;
	v12 =	vadd.s32 v16, v12  }
0x161: {  	vm4 =	vgt.s32 v7, s0;
	vm2 =	vgt.s32 v8, s0;
	s24 =	sadd.s32 $0x40, s24;
	vm3 =	vgt.f32 v15, v6  }
.LBB2_32:
0x162: {  	vm3 =	vmand vm4, vm3;
	vm14 =	vgt.f32 v14, v6;
	vm5 =	vgt.f32 v11, v6  }
.Ltmp19:
0x163: {  	v7 =	vsel vm3, $0x1, v1;
	vm2 =	vmand vm2, vm14;
	vm15 =	vgt.f32 v13, v6;
	(pc) =	sbr.rel .LBB2_33-.Ltmp19, $4  }
0x164: {  	v7 =	vadd.s32 v7, v12;
	v8 =	vsel vm2, $0x1, v1;
	vm1 =	vmand vm1, vm15  }
0x165: {  	vm0 =	vmand vm0, vm5;
	v7 =	vadd.s32 v8, v7;
	v8 =	vsel vm1, $0x1, v1  }
0x166: {  	v7 =	vadd.s32 v8, v7;
	v8 =	vsel vm0, $0x1, v1  }
0x167: {  	v7 =	vadd.s32 v8, v7  }
.LBB2_25:
0x168: {  	s0 =	simm.s32 $0x0  }
0x169: {  	v7 =	vld [tilespmem:s0+$0x0]  }
0x16a: {  	v8 =	vld [tilespmem:s0+$0x10]  }
0x16b: {  	v14 =	vld [tilespmem:s0+$0x20]  }
0x16c: {  	v11 =	vld [tilespmem:s0+$0x30]  }
0x16d: {  	v10 =	vld [tilespmem:s0+$0x40]  }
0x16e: {  	v9 =	vld [tilespmem:s0+$0x50];
	vm0 =	vgt.f32 v7, v6  }
0x16f: {  	v12 =	vimm.s32 $0x0;
	v7 =	vld [tilespmem:s0+$0x60];
	v15 =	vsel vm0, $0x1, v1;
	vm0 =	vgt.f32 v8, v6  }
0x170: {  	s24 =	simm.s32 $0x80;
	s3 =	simm.s32 $0x400;
	v8 =	vld [tilespmem:s0+$0x70];
	v13 =	vsel vm0, $0x1, v1;
	vm0 =	vgt.f32 v14, v6;
	v12 =	vadd.s32 v15, v12  }
.LBB2_26:
0x171: {  	p0 =	sne.s32 s3, $0x1FE00;
	v14 =	vld [tilespmem:s24+$0x0];
	v15 =	vsel vm0, $0x1, v1;
	vm0 =	vgt.f32 v11, v6;
	v11 =	vadd.s32 v13, v12  }
0x172: {  	v12 =	vld [tilespmem:s24+$0x10];
	v13 =	vsel vm0, $0x1, v1;
	vm0 =	vgt.f32 v10, v6;
	v10 =	vadd.s32 v15, v11  }
0x173: {  	v15 =	vld [tilespmem:s24+$0x20];
	v16 =	vsel vm0, $0x1, v1;
	vm0 =	vgt.f32 v9, v6;
	v9 =	vadd.s32 v13, v10  }
.Ltmp20:
0x174: {  	v11 =	vld [tilespmem:s24+$0x30];
	v13 =	vsel vm0, $0x1, v1;
	vm0 =	vgt.f32 v7, v6;
	v7 =	vadd.s32 v16, v9;
	(pc) =	sbr.rel @p0 .LBB2_26-.Ltmp20, $4  }
0x175: {  	v10 =	vld [tilespmem:s24+$0x40];
	v16 =	vsel vm0, $0x1, v1;
	vm0 =	vgt.f32 v8, v6;
	v7 =	vadd.s32 v13, v7  }
0x176: {  	v9 =	vld [tilespmem:s24+$0x50];
	vm1 =	vgt.f32 v14, v6;
	v8 =	vsel vm0, $0x1, v1;
	v13 =	vadd.s32 v16, v7  }
0x177: {  	v7 =	vld [tilespmem:s24+$0x60];
	v14 =	vsel vm1, $0x1, v1;
	vm0 =	vgt.f32 v12, v6;
	v12 =	vadd.s32 v8, v13  }
0x178: {  	v8 =	vld [tilespmem:s24+$0x70];
	s24 =	sshra.s32 s3, $0x2;
	s3 =	sadd.s32 $0x200, s3;
	v13 =	vsel vm0, $0x1, v1;
	vm0 =	vgt.f32 v15, v6;
	v12 =	vadd.s32 v14, v12  }
0x179: {  	v14 =	vld [tilespmem:s24+$0x0];
	v15 =	vsel vm0, $0x1, v1;
	vm4 =	vgt.f32 v11, v6;
	v47 =	vadd.s32 v13, v12  }
0x17a: {  	v48 =	vld [tilespmem:s24+$0x10];
	v49 =	vsel vm4, $0x1, v1;
	vm5 =	vgt.f32 v10, v6;
	v50 =	vadd.s32 v15, v47  }
0x17b: {  	v51 =	vld [tilespmem:s24+$0x20];
	v52 =	vsel vm5, $0x1, v1;
	vm6 =	vgt.f32 v9, v6;
	v53 =	vadd.s32 v49, v50  }
0x17c: {  	v54 =	vld [tilespmem:s24+$0x30];
	v55 =	vsel vm6, $0x1, v1;
	vm7 =	vgt.f32 v7, v6;
	v7 =	vadd.s32 v52, v53  }
0x17d: {  	v56 =	vld [tilespmem:s24+$0x40];
	v57 =	vsel vm7, $0x1, v1;
	vm8 =	vgt.f32 v8, v6;
	v7 =	vadd.s32 v55, v7  }
0x17e: {  	v8 =	vld [tilespmem:s24+$0x50];
	vm1 =	vgt.f32 v14, v6;
	v58 =	vsel vm8, $0x1, v1;
	v7 =	vadd.s32 v57, v7  }
0x17f: {  	v59 =	vld [tilespmem:s24+$0x60];
	vm9 =	vgt.f32 v48, v6;
	v60 =	vsel vm1, $0x1, v1;
	v7 =	vadd.s32 v58, v7  }
0x180: {  	v61 =	vld [tilespmem:s24+$0x70];
	vm10 =	vgt.f32 v51, v6;
	v62 =	vsel vm9, $0x1, v1;
	v7 =	vadd.s32 v60, v7  }
0x181: {  	vm11 =	vgt.f32 v54, v6;
	v11 =	vsel vm10, $0x1, v1;
	v7 =	vadd.s32 v62, v7  }
0x182: {  	vm12 =	vgt.f32 v56, v6;
	v10 =	vsel vm11, $0x1, v1;
	v7 =	vadd.s32 v11, v7  }
.Ltmp21:
0x183: {  	v9 =	vsel vm12, $0x1, v1;
	vm13 =	vgt.f32 v8, v6;
	v7 =	vadd.s32 v10, v7;
	(pc) =	sbr.rel .LBB2_33-.Ltmp21, $4  }
0x184: {  	vm14 =	vgt.f32 v59, v6;
	v8 =	vsel vm13, $0x1, v1;
	v7 =	vadd.s32 v9, v7  }
0x185: {  	vm15 =	vgt.f32 v61, v6;
	v63 =	vsel vm14, $0x1, v1;
	v7 =	vadd.s32 v8, v7  }
0x186: {  	v8 =	vsel vm15, $0x1, v1;
	v7 =	vadd.s32 v63, v7  }
0x187: {  	v7 =	vadd.s32 v8, v7  }
.LBB2_4:
.Ltmp22:
0x188: {  	(pc) =	sbr.rel .LBB2_9-.Ltmp22, $4  }
0x189: {  	_ = 	snop  }
0x18a: {  	s0 =	smov.u32 s26;
	s3 =	smov.u32 s25;
	p0 =	por p1, p1  }
0x18b: {  	v7 =	vpsel p1, v6, v6;
	s0 =	smov.u32 @p1 s26;
	s3 =	smov.u32 @p1 s25;
	p0 =	por @!p1 p1, p1  }
0x18c: {  	v7 =	vpsel p2, v7, v6;
	s26 =	smov.u32 @p2 s0;
	s25 =	smov.u32 @p2 s3;
	p0 =	por @!p2 p1, p1  }
.LBB2_29:
0x18d: {  	v7 =	vimm.s32 $0x0  }
.LBB2_33:
0x18e: {  	s0 =	simm.s32 $0x40  }
0x18f: {  	(xrf0) =	vadd.scan.msk.s32 $0xffff, v7;
	v7 =	vld [tilespmem:s0+$0xFFFFFFC0]  }
0x190: {  	v9 =	vld [tilespmem:s0+$0x0]  }
0x191: {  	v11 =	vld [tilespmem:s0+$0x10]  }
0x192: {  	v15 =	vld [tilespmem:s0+$0x20]  }
0x193: {  	v10 =	vimm.s32 $0x0;
	s3 =	simm.s32 $0x0  }
0x194: {  	s24 =	simm.s32 $0x10;
	s25 =	simm.s32 $0x20;
	s26 =	simm.s32 $0x30;
	vm3 =	vlt.s32 v10, $0x80;
	v16 =	vor.u32 s3, v0  }
0x195: {  	v19 =	vor.u32 s24, v0;
	v20 =	vor.u32 s25, v0;
	v21 =	vor.u32 s26, v0  }
0x196: {  	v23 =	vld [tilespmem:s0+$0xFFFFFFF0];
	vm0 =	veq.f32 v7, v6;
	vm1 =	vgt.f32 v7, v6;
	vm2 =	vgt.f32 v9, v6  }
0x197: {  	v8, _, _ =	vpop (xrf0);
	v7 =	vld [tilespmem:s0+$0xFFFFFFE0];
	vm5 =	veq.f32 v9, v6;
	vm8 =	veq.f32 v11, v6;
	vm9 =	veq.f32 v15, v6  }
0x198: {  	v17 =	vld [tilespmem:s0+$0xFFFFFFD0];
	(v2sf) =	vpush v8, $0xF;
	v8 =	vshll.u32 v10, $0x6;
	vm0 =	vmand vm3, vm0  }
0x199: {  	v12 =	vor.u32 v0, v8;
	v13 =	vor.u32 v2, v8;
	vm4 =	vmor vm1, vm0  }
0x19a: {  	v14 =	vor.u32 v3, v8;
	v18 =	vor.u32 v4, v8;
	v8 =	vld [tilespmem:s0+$0x30];
	v22 =	vsel vm4, $0x1, v1  }
0x19b: {  	s24 =	simm.s32 $0xC0;
	vm13 =	veq.f32 v23, v6;
	vm0 =	vgt.f32 v11, v6;
	v22 =	vadd.s32 v22, v10  }
0x19c: {  	v26 =	vld [tilespmem:s24+$0xFFFFFFC0];
	vm1 =	vgt.f32 v15, v6;
	vm7 =	vlt.s32 v22, $0x80;
	vm11 =	vgt.f32 v7, v6  }
0x19d: {  	vm12 =	veq.f32 v7, v6;
	vm5 =	vmand vm5, vm7;
	vm7 =	vgt.f32 v17, v6  }
0x19e: {  	vm12 =	vmand vm3, vm12;
	vm2 =	vmor vm2, vm5;
	vm5 =	veq.f32 v17, v6  }
0x19f: {  	vm6 =	vgt.f32 v8, v6;
	vm10 =	veq.f32 v8, v6;
	vm5 =	vmand vm3, vm5  }
0x1a0: {  	vm3 =	vmand vm3, vm13;
	vm13 =	vgt.f32 v23, v6;
	v7 =	vsel vm2, $0x1, v1  }
0x1a1: {  	[tilespmem:v12+s19+$0x0] =	vst.idx.msk vm4, v16;
	vm4 =	veq.f32 v26, v6;
	v9 =	vadd.s32 v7, v22;
	vm14 =	vmor vm7, vm5  }
0x1a2: {  	vm7 =	vmor vm11, vm12;
	vm5 =	vmor vm13, vm3;
	v22 =	vshll.u32 v22, $0x6  }
0x1a3: {  	v7 =	vsel vm14, $0x1, v1;
	v8 =	vsel vm7, $0x1, v1;
	v11 =	vsel vm5, $0x1, v1  }
0x1a4: {  	v23 =	vshll.u32 v9, $0x6;
	v25 =	vor.u32 v0, v22;
	v15 =	vadd.s32 v7, v10  }
0x1a5: {  	v17 =	vadd.s32 v8, v10;
	v11 =	vadd.s32 v11, v10;
	vm3 =	vlt.s32 v15, $0x80  }
0x1a6: {  	vm11 =	vlt.s32 v17, $0x80;
	vm12 =	vlt.s32 v11, $0x80;
	v12 =	vshll.u32 v17, $0x6  }
0x1a7: {  	vm3 =	vmand vm8, vm3;
	vm13 =	vmand vm9, vm11;
	vm15 =	vmand vm10, vm12  }
0x1a8: {  	vm3 =	vmor vm0, vm3;
	vm1 =	vmor vm1, vm13;
	vm0 =	vmor vm6, vm15  }
0x1a9: {  	v7 =	vsel vm3, $0x1, v1;
	v8 =	vsel vm1, $0x1, v1;
	v10 =	vsel vm0, $0x1, v1  }
0x1aa: {  	v7 =	vadd.s32 v7, v15;
	v8 =	vadd.s32 v8, v17;
	v10 =	vadd.s32 v10, v11  }
0x1ab: {  	v15 =	vshll.u32 v15, $0x6;
	v11 =	vshll.u32 v11, $0x6;
	v17 =	vor.u32 v3, v12  }
0x1ac: {  	v22 =	vld [tilespmem:s24+$0x20];
	[tilespmem:v13+s19+$0x0] =	vst.idx.msk vm14, v19;
	v24 =	vshll.u32 v7, $0x6;
	v19 =	vshll.u32 v8, $0x6;
	v27 =	vor.u32 v2, v15  }
0x1ad: {  	s2 =	simm.s32 $0x80;
	[tilespmem:v14+s19+$0x0] =	vst.idx.msk vm7, v20;
	v20 =	vld [tilespmem:s24+$0x0];
	v14 =	vshll.u32 v10, $0x6;
	v16 =	vor.u32 v4, v11;
	v15 =	vor.u32 v0, v23  }
0x1ae: {  	s26 =	simm.s32 $0x40;
	[tilespmem:v18+s19+$0x0] =	vst.idx.msk vm5, v21;
	v21 =	vld [tilespmem:s24+$0x10];
	v18 =	vor.u32 s2, v0;
	vm5 =	vlt.s32 v9, $0x80;
	v13 =	vor.u32 v2, v24  }
0x1af: {  	s31 =	simm.s32 $0x70;
	s25 =	simm.s32 $0x90;
	s3 =	simm.s32 $0x50;
	v23 =	vld [tilespmem:s24+$0x30];
	v12 =	vor.u32 v3, v19;
	v11 =	vor.u32 v4, v14;
	v24 =	vor.u32 s26, v0  }
0x1b0: {  	s30 =	simm.s32 $0xA0;
	s29 =	simm.s32 $0xB0;
	v19 =	vor.u32 s31, v0;
	v14 =	vor.u32 s25, v0;
	s31 =	simm.s32 $0x60;
	[tilespmem:v25+s19+$0x0] =	vst.idx.msk vm2, v24;
	v24 =	vor.u32 s3, v0  }
0x1b1: {  	s28 =	simm.s32 $0x170;
	s25 =	spop (v2sf);
	s26 =	simm.s32 $0xF0;
	vm4 =	vmand vm5, vm4;
	v25 =	vld [tilespmem:s24+$0xFFFFFFD0];
	vm2 =	vgt.f32 v26, v6;
	[tilespmem:v27+s19+$0x0] =	vst.idx.msk vm3, v24;
	v24 =	vor.u32 s31, v0  }
.LBB2_34:
0x1b2: {  	p0 =	sne.s32 s28, $0x7FF0;
	v26 =	vld [tilespmem:s24+$0xFFFFFFE0];
	vm7 =	vmor vm2, vm4;
	v27 =	vor.u32 s30, v0;
	v28 =	vor.u32 s29, v0;
	[tilespmem:v17+s19+$0x0] =	vst.idx.msk vm1, v24  }
0x1b3: {  	vm2 =	vgt.f32 v20, v6;
	vm1 =	vgt.f32 v21, v6;
	v17 =	vld [tilespmem:s24+$0xFFFFFFF0];
	v24 =	vsel vm7, $0x1, v1;
	[tilespmem:v16+s19+$0x0] =	vst.idx.msk vm0, v19  }
0x1b4: {  	vm0 =	vgt.f32 v22, v6;
	v16 =	vadd.s32 v24, v9;
	vm4 =	vgt.f32 v23, v6  }
0x1b5: {  	vm5 =	veq.f32 v20, v6;
	vm3 =	veq.f32 v21, v6;
	vm6 =	vlt.s32 v16, $0x80  }
0x1b6: {  	vm8 =	vmand vm5, vm6;
	vm5 =	veq.f32 v22, v6;
	vm6 =	veq.f32 v23, v6  }
0x1b7: {  	vm9 =	vgt.f32 v25, v6;
	vm10 =	vgt.f32 v26, v6;
	vm2 =	vmor vm2, vm8  }
0x1b8: {  	vm8 =	veq.f32 v25, v6;
	vm11 =	vgt.f32 v17, v6;
	[tilespmem:v15+s19+$0x0] =	vst.idx.msk vm7, v18;
	v9 =	vsel vm2, $0x1, v1  }
0x1b9: {  	vm7 =	veq.f32 v26, v6;
	vm12 =	veq.f32 v17, v6;
	v9 =	vadd.s32 v9, v16  }
0x1ba: {  	vm13 =	vlt.s32 v7, $0x80;
	vm14 =	vlt.s32 v8, $0x80;
	vm15 =	vlt.s32 v10, $0x80  }
0x1bb: {  	vm8 =	vmand vm13, vm8;
	vm7 =	vmand vm14, vm7;
	vm12 =	vmand vm15, vm12  }
0x1bc: {  	vm8 =	vmor vm9, vm8;
	vm9 =	vmor vm10, vm7;
	vm7 =	vmor vm11, vm12  }
0x1bd: {  	v15 =	vsel vm8, $0x1, v1;
	v17 =	vsel vm9, $0x1, v1;
	v18 =	vsel vm7, $0x1, v1  }
0x1be: {  	v15 =	vadd.s32 v15, v7;
	v17 =	vadd.s32 v17, v8;
	v18 =	vadd.s32 v18, v10  }
0x1bf: {  	vm10 =	vlt.s32 v15, $0x80;
	vm11 =	vlt.s32 v17, $0x80;
	vm12 =	vlt.s32 v18, $0x80  }
0x1c0: {  	vm3 =	vmand vm3, vm10;
	vm5 =	vmand vm5, vm11;
	vm6 =	vmand vm6, vm12  }
0x1c1: {  	vm3 =	vmor vm1, vm3;
	vm1 =	vmor vm0, vm5;
	vm0 =	vmor vm4, vm6  }
0x1c2: {  	v7 =	vsel vm3, $0x1, v1;
	v8 =	vsel vm1, $0x1, v1;
	v10 =	vsel vm0, $0x1, v1;
	[tilespmem:v13+s19+$0x0] =	vst.idx.msk vm8, v14  }
0x1c3: {  	v7 =	vadd.s32 v7, v15;
	v8 =	vadd.s32 v8, v17;
	v10 =	vadd.s32 v10, v18  }
0x1c4: {  	v13 =	vshll.u32 v15, $0x6;
	v14 =	vshll.u32 v17, $0x6;
	[tilespmem:v12+s19+$0x0] =	vst.idx.msk vm9, v27;
	v12 =	vshll.u32 v16, $0x6  }
0x1c5: {  	s24 =	sadd.s32 $0x80, s24;
	v19 =	vshll.u32 v7, $0x6;
	v15 =	vshll.u32 v9, $0x6;
	[tilespmem:v11+s19+$0x0] =	vst.idx.msk vm7, v28;
	v11 =	vshll.u32 v18, $0x6  }
0x1c6: {  	v23 =	vshll.u32 v10, $0x6;
	v18 =	vshll.u32 v8, $0x6;
	v25 =	vor.u32 v0, v12;
	v24 =	vld [tilespmem:s24+$0xFFFFFFC0]  }
0x1c7: {  	v26 =	vor.u32 v2, v13;
	v17 =	vor.u32 v3, v14;
	v16 =	vor.u32 v4, v11;
	v20 =	vld [tilespmem:s24+$0x0]  }
.Ltmp23:
0x1c8: {  	v15 =	vor.u32 v0, v15;
	v13 =	vor.u32 v2, v19;
	v12 =	vor.u32 v3, v18;
	v21 =	vld [tilespmem:s24+$0x10];
	(pc) =	sbr.rel @p0 .LBB2_34-.Ltmp23, $4  }
0x1c9: {  	s0 =	sadd.s32 $0xFFFFFF90, s28;
	s3 =	sadd.s32 $0xFFFFFFA0, s28;
	s29 =	sadd.s32 $0xFFFFFFD0, s26;
	v19 =	vor.u32 s26, v0;
	v11 =	vor.u32 v4, v23;
	v22 =	vld [tilespmem:s24+$0x20]  }
0x1ca: {  	v14 =	vor.u32 s3, v0;
	v27 =	vor.u32 s29, v0;
	v18 =	vor.u32 s0, v0;
	s0 =	sadd.s32 $0xFFFFFFE0, s26;
	v23 =	vld [tilespmem:s24+$0x30]  }
0x1cb: {  	vm5 =	vlt.s32 v9, $0x80;
	s3 =	sadd.s32 $0xFFFFFFF0, s26;
	s26 =	smov.u32 s28;
	vm4 =	veq.f32 v24, v6;
	[tilespmem:v25+s19+$0x0] =	vst.idx.msk vm2, v27;
	v27 =	vor.u32 s0, v0  }
0x1cc: {  	s28 =	sadd.s32 $0x80, s28;
	s30 =	sadd.s32 $0xFFFFFFB0, s26;
	s29 =	sadd.s32 $0xFFFFFFC0, s26;
	vm2 =	vgt.f32 v24, v6;
	v24 =	vor.u32 s3, v0;
	v25 =	vld [tilespmem:s24+$0xFFFFFFD0];
	vm4 =	vmand vm5, vm4;
	[tilespmem:v26+s19+$0x0] =	vst.idx.msk vm3, v27  }
0x1cd: {  	vm14 =	vgt.f32 v21, v6;
	v28 =	vimm.s32 $0x0  }
0x1ce: {  	vm10 =	vmor vm2, vm4;
	v26 =	vld [tilespmem:s24+$0xFFFFFFE0];
	v28 =	vsel vm14, $0xFFFFFFFF, v28  }
0x1cf: {  	vm3 =	vgt.f32 v20, v6;
	vm15 =	veq.f32 v20, v6;
	v27 =	vsel vm10, $0x1, v1;
	[tilespmem:$0x1FFF0] =	vst v28  }
0x1d0: {  	vm9 =	veq.f32 v21, v6;
	vm2 =	vlt.s32 v7, $0x80;
	v27 =	vadd.s32 v27, v9;
	v28 =	vld [tilespmem:s24+$0xFFFFFFF0]  }
0x1d1: {  	vm13 =	vlt.s32 v8, $0x80;
	vm7 =	vgt.f32 v22, v6;
	vm6 =	vlt.s32 v27, $0x80  }
0x1d2: {  	vm11 =	veq.f32 v22, v6;
	vm5 =	vgt.f32 v23, v6;
	vm4 =	vmand vm15, vm6  }
0x1d3: {  	vm3 =	vmor vm3, vm4;
	vm4 =	veq.f32 v25, v6;
	vm8 =	veq.f32 v26, v6  }
0x1d4: {  	vm14 =	vgt.f32 v25, v6;
	vm4 =	vmand vm2, vm4;
	vm13 =	vmand vm13, vm8  }
0x1d5: {  	vm2 =	vlt.s32 v10, $0x80;
	vm8 =	vmor vm14, vm4;
	vm6 =	veq.f32 v28, v6  }
0x1d6: {  	vm12 =	veq.f32 v23, v6;
	v49 =	vsel vm8, $0x1, v1;
	vm15 =	vmand vm2, vm6  }
0x1d7: {  	vm6 =	vgt.f32 v26, v6;
	vm2 =	vgt.f32 v28, v6;
	v20 =	vadd.s32 v49, v7;
	v7 =	vld [tilespmem:$0x1FFF0]  }
0x1d8: {  	v9 =	vsel vm3, $0x1, v1;
	vm6 =	vmor vm6, vm13;
	vm4 =	vmor vm2, vm15  }
0x1d9: {  	v9 =	vadd.s32 v9, v27;
	v50 =	vsel vm6, $0x1, v1;
	v51 =	vsel vm4, $0x1, v1  }
0x1da: {  	vm2 =	vlt.s32 v20, $0x80;
	v21 =	vadd.s32 v50, v8;
	v22 =	vadd.s32 v51, v10  }
0x1db: {  	vm2 =	vmand vm9, vm2;
	vm13 =	vlt.s32 v21, $0x80;
	vm14 =	vlt.s32 v22, $0x80  }
0x1dc: {  	vm11 =	vmand vm11, vm13;
	vm12 =	vmand vm12, vm14;
	vm13 =	vnez.u8 v7  }
0x1dd: {  	vm9 =	vmor vm13, vm2;
	vm7 =	vmor vm7, vm11;
	vm5 =	vmor vm5, vm12  }
0x1de: {  	v7 =	vsel vm9, $0x1, v1;
	v8 =	vsel vm7, $0x1, v1;
	v52 =	vsel vm5, $0x1, v1  }
0x1df: {  	v10 =	vadd.s32 v7, v20;
	v8 =	vadd.s32 v8, v21;
	v7 =	vadd.s32 v52, v22  }
0x1e0: {  	vm14 =	vgt.s32 v9, v10;
	vm15 =	vgt.s32 v8, v7  }
0x1e1: {  	v53 =	vsel vm14, v9, v10;
	v54 =	vsel vm15, v8, v7  }
0x1e2: {  	vm2 =	vgt.s32 v53, v54  }
0x1e3: {  	v23 =	vsel vm2, v53, v54  }
0x1e4: {  	v23 =	vxor.u32 $0x80000000, v23  }
0x1e5: {  	(xrf0) =	vmax.scan.msk.u32 $0xffff, v23;
	_ =	sdelay $0x5  }
0x1e6: {  	v23, _, _ =	vpop (xrf0)  }
0x1e7: {  	(v2sf) =	vpush v23, $0xF;
	_ =	sdelay $0xc  }
0x1e8: {  	v55 =	vshll.u32 v27, $0x6;
	[tilespmem:v17+s19+$0x0] =	vst.idx.msk vm1, v24  }
0x1e9: {  	v17 =	vor.u32 v0, v55;
	[tilespmem:v15+s19+$0x0] =	vst.idx.msk vm10, v18;
	v56 =	vshll.u32 v20, $0x6  }
0x1ea: {  	[tilespmem:v16+s19+$0x0] =	vst.idx.msk vm0, v19;
	v16 =	vor.u32 v2, v56;
	v57 =	vshll.u32 v21, $0x6;
	s31 =	spop (v2sf)  }
0x1eb: {  	v58 =	vor.u32 s30, v0;
	[tilespmem:v13+s19+$0x0] =	vst.idx.msk vm8, v14;
	v59 =	vshll.u32 v22, $0x6;
	v60 =	vor.u32 v3, v57;
	s24 =	sxor.u32 $0x80000000, s31  }
0x1ec: {  	v61 =	vor.u32 s29, v0;
	s0 =	sadd.s32 $0xFFFFFFD0, s26;
	v62 =	vor.u32 v4, v59;
	[tilespmem:v12+s19+$0x0] =	vst.idx.msk vm6, v58;
	p0 =	slt.s32 s24, $0x1  }
.Ltmp24:
0x1ed: {  	s3 =	sadd.s32 $0xFFFFFFE0, s26;
	[tilespmem:v11+s19+$0x0] =	vst.idx.msk vm4, v61;
	v11 =	vor.u32 s0, v0;
	(pc) =	sbr.rel @p0 .LBB2_43-.Ltmp24, $4  }
0x1ee: {  	s30 =	sadd.s32 $0xFFFFFFF0, s26;
	[tilespmem:v17+s19+$0x0] =	vst.idx.msk vm3, v11;
	v11 =	vor.u32 s3, v0  }
0x1ef: {  	[tilespmem:v16+s19+$0x0] =	vst.idx.msk vm9, v11;
	v11 =	vor.u32 s30, v0  }
0x1f0: {  	v63 =	vor.u32 s26, v0;
	[tilespmem:v60+s19+$0x0] =	vst.idx.msk vm7, v11;
	p1 =	slt.s32 s24, $0xC0  }
0x1f1: {  	v11 =	vimm.s32 $0x0;
	[tilespmem:v62+s19+$0x0] =	vst.idx.msk vm5, v63;
	s24 =	simm.s32 @!p1 $0xC0  }
0x1f2: {  	s0 =	simm.s32 $0x9020  }
0x1f3: {  	v23 =	vld [tilespmem:s0+$0x10]  }
0x1f4: {  	s26 =	simm.s32 $0x0;
	v20 =	vld [tilespmem:s0+$0xFFFFFFF0]  }
0x1f5: {  	vm1 =	vgt.s32 v7, s26  }
0x1f6: {  	vm0 =	vgt.s32 v10, s26  }
0x1f7: {  	p2 =	sne.s32 s24, $0x1  }
.Ltmp25:
0x1f8: {  	_ = 	snop;
	(pc) =	sbr.rel @!p2 .LBB2_37-.Ltmp25, $4  }
0x1f9: {  	v24 =	vld [tilespmem:s0+$0xFFFFFFE0]  }
0x1fa: {  	v12 =	vld [tilespmem:s0+$0x0]  }
0x1fb: {  	v14 =	vld.idx.msk [tilespmem:v23+s4+$0x0], vm1  }
0x1fc: {  	s3 =	simm.s32 $0x1;
	p1 =	por $0x0, $0x0;
	vm8 =	vgt.s32 v9, s26;
	vm6 =	vgt.s32 v8, s26;
	s26 =	simm.s32 $0x9060;
	v21 =	vld.idx.msk [tilespmem:v20+s4+$0x0], vm0  }
0x1fd: {  	_ =	sdelay $0x2  }
0x1fe: {  	v15 =	vld [tilespmem:s26+$0x10]  }
0x1ff: {  	v19 =	vld [tilespmem:s26+$0xFFFFFFF0]  }
0x200: {  	vm3 =	vmmov vm1;
	vm1 =	vgt.s32 v7, s3;
	v16 =	vld.idx.msk [tilespmem:v24+s4+$0x0], vm8  }
0x201: {  	vm2 =	vmmov vm0;
	vm0 =	vgt.s32 v10, s3;
	v17 =	vld [tilespmem:s26+$0xFFFFFFE0]  }
0x202: {  	p2 =	sne.s32 s24, $0x2;
	v22 =	vld.idx.msk [tilespmem:v12+s4+$0x0], vm6  }
.Ltmp26:
0x203: {  	vm4 =	vmmov vm8;
	vm5 =	vmmov vm6;
	vm9 =	vlt.s32 v23, $0x8001;
	(pc) =	sbr.rel @!p2 .LBB2_39-.Ltmp26, $4  }
0x204: {  	v13 =	vld [tilespmem:s26+$0x0];
	vm8 =	vgt.s32 v9, s3;
	vm11 =	vlt.s32 v24, $0x8001;
	vm7 =	veq.f32 v14, v6  }
0x205: {  	vm6 =	vgt.s32 v8, s3;
	vm9 =	vmand vm9, vm7;
	vm10 =	veq.f32 v16, v6  }
0x206: {  	vm7 =	vlt.s32 v20, $0x8001;
	vm3 =	vmand vm3, vm9;
	vm10 =	vmand vm11, vm10;
	v14 =	vld.idx.msk [tilespmem:v15+s4+$0x0], vm1  }
0x207: {  	s26 =	simm.s32 $0x2;
	p1 =	por $0x1, $0x1;
	s3 =	simm.s32 $0x90A0;
	v16 =	vmovc v17;
	vm11 =	veq.f32 v21, v6;
	vm9 =	veq.f32 v22, v6;
	v22 =	vimm.s32 $0x0;
	v18 =	vld.idx.msk [tilespmem:v19+s4+$0x0], vm0  }
.LBB2_40:
0x208: {  	vm12 =	vmand vm4, vm10;
	vm7 =	vmand vm7, vm11;
	vm4 =	vmmov vm8  }
0x209: {  	v20 =	vld [tilespmem:s3+$0x10];
	vm10 =	vmmov vm1;
	vm11 =	vmmov vm5;
	vm5 =	vmmov vm6;
	s0 =	smov.u32 s26;
	s26 =	sadd.s32 $0x1, s26  }
0x20a: {  	v21 =	vld [tilespmem:s3+$0xFFFFFFF0];
	p2 =	sne.s32 s24, s26;
	v23 =	vsel vm12, $0x1, v1;
	vm12 =	vmand vm2, vm7;
	vm2 =	vmmov vm0  }
0x20b: {  	vm0 =	vgt.s32 v10, s0;
	vm1 =	vgt.s32 v7, s0;
	v24 =	vld.idx.msk [tilespmem:v17+s4+$0x0], vm8;
	vm8 =	vgt.s32 v9, s0  }
0x20c: {  	vm13 =	vlt.s32 v12, $0x8001;
	v12 =	vmovc v13;
	vm7 =	vlt.s32 v19, $0x8001;
	v25 =	vld.idx.msk [tilespmem:v13+s4+$0x0], vm6;
	vm6 =	vgt.s32 v8, s0  }
0x20d: {  	vm15 =	vlt.s32 v15, $0x8001;
	vm9 =	vmand vm13, vm9;
	vm14 =	veq.f32 v14, v6;
	v17 =	vld [tilespmem:s3+$0xFFFFFFE0]  }
.Ltmp27:
0x20e: {  	vm9 =	vmand vm11, vm9;
	v14 =	vadd.s32 v23, v22;
	v23 =	vsel vm12, $0x1, v1;
	v13 =	vld [tilespmem:s3+$0x0];
	v15 =	vmovc v20;
	(pc) =	sbr.rel @p2 .LBB2_40-.Ltmp27, $4  }
0x20f: {  	v22 =	vsel vm9, $0x1, v1;
	vm11 =	vmand vm15, vm14;
	v14 =	vadd.s32 v23, v14;
	v19 =	vmovc v21  }
0x210: {  	v23 =	vsel vm3, $0x1, v1;
	v22 =	vadd.s32 v22, v14;
	vm3 =	vmand vm10, vm11  }
0x211: {  	vm10 =	vlt.s32 v16, $0x8001;
	v22 =	vadd.s32 v23, v22;
	vm9 =	veq.f32 v24, v6;
	v14 =	vld.idx.msk [tilespmem:v20+s4+$0x0], vm1  }
0x212: {  	s3 =	sadd.s32 $0x40, s3;
	vm11 =	veq.f32 v18, v6;
	vm10 =	vmand vm10, vm9;
	vm9 =	veq.f32 v25, v6;
	v18 =	vld.idx.msk [tilespmem:v21+s4+$0x0], vm0;
	v16 =	vmovc v17  }
0x213: {  	_ =	sdelay $0x3  }
0x214: {  	v24 =	vmovc v17;
	v20 =	vmov v19;
	v23 =	vmov v15;
	v21 =	vmov v18  }
.LBB2_42:
0x215: {  	_ =	sdelay $0x1  }
0x216: {  	vm4 =	vmand @p1 vm4, vm10;
	vm7 =	vmand @p1 vm7, vm11;
	vm10 =	vmmov vm8  }
0x217: {  	vm1 =	vmmov vm1;
	vm5 =	vmmov @p1 vm5;
	vm11 =	vmmov vm6  }
0x218: {  	vm0 =	vmmov vm0;
	vm12 =	veq.f32 v14, v6;
	vm13 =	vlt.s32 v23, $0x8001  }
0x219: {  	v17 =	vld.idx.msk [tilespmem:v24+s4+$0x0], vm8;
	vm14 =	vlt.s32 v20, $0x8001;
	v15 =	vsel @p1 vm4, $0x1, v1;
	vm4 =	vlt.s32 @p1 v12, $0x8001  }
0x21a: {  	v59 =	vld.idx.msk [tilespmem:v13+s4+$0x0], vm6;
	vm8 =	vlt.s32 v16, $0x8001;
	vm2 =	vmand @p1 vm2, vm7;
	vm4 =	vmand @p1 vm4, vm9  }
0x21b: {  	v14 =	vadd.s32 @p1 v15, v22;
	v15 =	vsel @p1 vm2, $0x1, v1;
	vm9 =	veq.f32 v21, v6  }
0x21c: {  	vm2 =	vmand @p1 vm5, vm4;
	v14 =	vadd.s32 @p1 v15, v14;
	vm4 =	vmand vm13, vm12  }
0x21d: {  	vm12 =	vmmov vm11;
	vm13 =	vlt.s32 v13, $0x8001;
	v15 =	vsel @p1 vm2, $0x1, v1  }
0x21e: {  	vm2 =	vmand vm14, vm9;
	v14 =	vadd.s32 @p1 v15, v14;
	vm15 =	veq.f32 v17, v6  }
0x21f: {  	v15 =	vsel @p1 vm3, $0x1, v1;
	vm6 =	veq.f32 v59, v6;
	vm3 =	vmand vm8, vm15  }
0x220: {  	vm0 =	vmand vm0, vm2;
	v14 =	vadd.s32 @p1 v15, v14;
	vm3 =	vmand vm10, vm3  }
0x221: {  	vm14 =	vmand vm13, vm6;
	v11 =	vpsel p1, v14, v11;
	v60 =	vsel vm3, $0x1, v1  }
0x222: {  	v61 =	vsel vm0, $0x1, v1;
	vm15 =	vmand vm12, vm14;
	v11 =	vadd.s32 v60, v11  }
0x223: {  	vm1 =	vmand vm1, vm4;
	v62 =	vsel vm15, $0x1, v1;
	v11 =	vadd.s32 v61, v11  }
0x224: {  	v63 =	vsel vm1, $0x1, v1;
	v11 =	vadd.s32 v62, v11  }
0x225: {  	v11 =	vadd.s32 v63, v11  }
.LBB2_43:
0x226: {  	(xrf0) =	vadd.scan.msk.s32 $0xffff, v11;
	_ =	sdelay $0x5  }
0x227: {  	v11, _, _ =	vpop (xrf0)  }
0x228: {  	(v2sf) =	vpush v11, $0xF;
	_ =	sdelay $0xe  }
0x229: {  	s26 =	ssub.s32 $0x40, s25;
	s0 =	spop (v2sf)  }
0x22a: {  	p1 =	seq.s32 s0, s26  }
.Ltmp28:
0x22b: {  	_ = 	snop;
	(pc) =	sbr.rel @!p1 .LBB2_44-.Ltmp28, $2  }
0x22c: {  	_ =	sdelay $0x2  }
0x22d: {  	s28 =	simm.s32 $0xFFFFFFFF;
	s25 =	simm.s32 $0x8000  }
.LBB2_53:
.Ltmp29:
0x22e: {  	(pc) =	sbr.rel @p0 .LBB2_59-.Ltmp29, $1  }
0x22f: {  	_ =	sdelay $0x3  }
0x230: {  	s26 =	simm.s32 $0x9020  }
0x231: {  	v12 =	vld [tilespmem:s26+$0xFFFFFFE0]  }
0x232: {  	s28 =	simm.s32 $0x0  }
0x233: {  	vm0 =	vgt.s32 v9, s28;
	_ =	sdelay $0x5  }
0x234: {  	v13 =	vld.idx.msk [tilespmem:v12+s4+$0x0], vm0  }
0x235: {  	p1 =	sne.s32 s24, $0x1  }
.Ltmp30:
0x236: {  	_ = 	snop;
	(pc) =	sbr.rel @!p1 .LBB2_55-.Ltmp30, $4  }
0x237: {  	_ = 	snop  }
0x238: {  	v11 =	vmov s25  }
0x239: {  	vm3 =	vle.s32 v12, v11;
	vm2 =	veq.f32 v13, v6  }
0x23a: {  	s25 =	simm.s32 $0x1;
	p0 =	por $0x0, $0x0;
	vm1 =	vgt.f32 v13, v6;
	vm2 =	vmand vm3, vm2  }
0x23b: {  	vm1 =	vmor vm1, vm2  }
0x23c: {  	vm0 =	vmand vm0, vm1  }
0x23d: {  	[tilespmem:s28+$0xC000] =	vst.msk vm0, v13;
	v13 =	vmpcnt.ones.xlane vm0  }
0x23e: {  	[tilespmem:s28+$0xC080] =	vst.msk vm0, v12  }
0x23f: {  	v12 =	vld [tilespmem:s26+$0xFFFFFFF0];
	(v2sf) =	vpush v13, $0x0;
	_ =	sdelay $0x1  }
0x240: {  	vm0 =	vgt.s32 v10, s28;
	_ =	sdelay $0x5  }
0x241: {  	v13 =	vld.idx.msk [tilespmem:v12+s4+$0x0], vm0;
	_ =	sdelay $0x4  }
0x242: {  	vm2 =	vle.s32 v12, v11;
	vm1 =	veq.f32 v13, v6  }
0x243: {  	vm3 =	vgt.f32 v13, v6;
	vm1 =	vmand vm2, vm1  }
0x244: {  	s0 =	spop (v2sf);
	vm1 =	vmor vm3, vm1  }
0x245: {  	s0 =	sadd.s32 $0x0, s0;
	vm0 =	vmand vm0, vm1  }
0x246: {  	[tilespmem:s0+$0xC000] =	vst.msk vm0, v13;
	v13 =	vmpcnt.ones.xlane vm0  }
0x247: {  	[tilespmem:s0+$0xC080] =	vst.msk vm0, v12  }
0x248: {  	v12 =	vld [tilespmem:s26+$0x0];
	(v2sf) =	vpush v13, $0x0;
	_ =	sdelay $0x1  }
0x249: {  	vm0 =	vgt.s32 v8, s28;
	_ =	sdelay $0x5  }
0x24a: {  	v13 =	vld.idx.msk [tilespmem:v12+s4+$0x0], vm0;
	_ =	sdelay $0x4  }
0x24b: {  	vm2 =	vle.s32 v12, v11;
	vm1 =	veq.f32 v13, v6  }
0x24c: {  	vm3 =	vgt.f32 v13, v6;
	vm1 =	vmand vm2, vm1  }
0x24d: {  	s3 =	spop (v2sf);
	vm1 =	vmor vm3, vm1  }
0x24e: {  	s0 =	sadd.s32 s0, s3;
	vm0 =	vmand vm0, vm1  }
0x24f: {  	[tilespmem:s0+$0xC000] =	vst.msk vm0, v13  }
0x250: {  	v13 =	vmpcnt.ones.xlane vm0;
	[tilespmem:s0+$0xC080] =	vst.msk vm0, v12  }
0x251: {  	v12 =	vld [tilespmem:s26+$0x10]  }
0x252: {  	(v2sf) =	vpush v13, $0x0  }
0x253: {  	vm0 =	vgt.s32 v7, s28;
	_ =	sdelay $0x5  }
0x254: {  	v13 =	vld.idx.msk [tilespmem:v12+s4+$0x0], vm0;
	_ =	sdelay $0x4  }
0x255: {  	vm2 =	vle.s32 v12, v11;
	vm1 =	veq.f32 v13, v6  }
0x256: {  	vm3 =	vgt.f32 v13, v6;
	vm1 =	vmand vm2, vm1  }
0x257: {  	vm1 =	vmor vm3, vm1  }
0x258: {  	s31 =	spop (v2sf);
	vm0 =	vmand vm0, vm1  }
0x259: {  	s3 =	sadd.s32 s0, s31;
	v14 =	vmpcnt.ones.xlane vm0  }
0x25a: {  	[tilespmem:s3+$0xC000] =	vst.msk vm0, v13  }
0x25b: {  	s26 =	simm.s32 $0x9060;
	[tilespmem:s3+$0xC080] =	vst.msk vm0, v12;
	(v2sf) =	vpush v14, $0x0  }
0x25c: {  	v12 =	vld [tilespmem:s26+$0xFFFFFFE0];
	_ =	sdelay $0x1  }
0x25d: {  	vm0 =	vgt.s32 v9, s25;
	_ =	sdelay $0x5  }
0x25e: {  	v13 =	vld.idx.msk [tilespmem:v12+s4+$0x0], vm0  }
0x25f: {  	p1 =	sne.s32 s24, $0x2  }
.Ltmp31:
0x260: {  	_ = 	snop;
	(pc) =	sbr.rel @!p1 .LBB2_58-.Ltmp31, $3  }
0x261: {  	_ =	sdelay $0x1  }
0x262: {  	vm3 =	vle.s32 v12, v11;
	vm2 =	veq.f32 v13, v6  }
0x263: {  	s29 =	simm.s32 $0x2;
	p0 =	por $0x1, $0x1;
	vm1 =	vgt.f32 v13, v6;
	vm2 =	vmand vm3, vm2;
	s0 =	spop (v2sf)  }
.LBB2_57:
0x264: {  	vm1 =	vmor vm1, vm2;
	s0 =	sadd.s32 s3, s0;
	s30 =	smov.u32 s29;
	s29 =	sadd.s32 $0x1, s29  }
0x265: {  	p1 =	sne.s32 s24, s29;
	vm0 =	vmand vm0, vm1  }
0x266: {  	[tilespmem:s0+$0xC000] =	vst.msk vm0, v13;
	v13 =	vmpcnt.ones.xlane vm0  }
0x267: {  	[tilespmem:s0+$0xC080] =	vst.msk vm0, v12  }
0x268: {  	v12 =	vld [tilespmem:s26+$0xFFFFFFF0];
	(v2sf) =	vpush v13, $0x0;
	_ =	sdelay $0x1  }
0x269: {  	vm0 =	vgt.s32 v10, s25;
	_ =	sdelay $0x5  }
0x26a: {  	v13 =	vld.idx.msk [tilespmem:v12+s4+$0x0], vm0;
	_ =	sdelay $0x5  }
0x26b: {  	vm2 =	vle.s32 v12, v11;
	vm1 =	veq.f32 v13, v6  }
0x26c: {  	vm3 =	vgt.f32 v13, v6;
	vm1 =	vmand vm2, vm1;
	s3 =	spop (v2sf)  }
0x26d: {  	vm1 =	vmor vm3, vm1  }
0x26e: {  	s0 =	sadd.s32 s0, s3;
	vm0 =	vmand vm0, vm1  }
0x26f: {  	[tilespmem:s0+$0xC000] =	vst.msk vm0, v13;
	v13 =	vmpcnt.ones.xlane vm0  }
0x270: {  	[tilespmem:s0+$0xC080] =	vst.msk vm0, v12  }
0x271: {  	v12 =	vld [tilespmem:s26+$0x0];
	(v2sf) =	vpush v13, $0x0;
	_ =	sdelay $0x1  }
0x272: {  	vm0 =	vgt.s32 v8, s25;
	_ =	sdelay $0x5  }
0x273: {  	v13 =	vld.idx.msk [tilespmem:v12+s4+$0x0], vm0;
	_ =	sdelay $0x5  }
0x274: {  	vm2 =	vle.s32 v12, v11;
	vm1 =	veq.f32 v13, v6  }
0x275: {  	vm3 =	vgt.f32 v13, v6;
	vm1 =	vmand vm2, vm1;
	s3 =	spop (v2sf)  }
0x276: {  	vm1 =	vmor vm3, vm1  }
0x277: {  	s0 =	sadd.s32 s0, s3;
	vm0 =	vmand vm0, vm1  }
0x278: {  	[tilespmem:s0+$0xC000] =	vst.msk vm0, v13;
	v13 =	vmpcnt.ones.xlane vm0  }
0x279: {  	[tilespmem:s0+$0xC080] =	vst.msk vm0, v12  }
0x27a: {  	v12 =	vld [tilespmem:s26+$0x10];
	(v2sf) =	vpush v13, $0x0;
	_ =	sdelay $0x1  }
0x27b: {  	vm0 =	vgt.s32 v7, s25;
	s25 =	smov.u32 s30;
	_ =	sdelay $0x5  }
0x27c: {  	v13 =	vld.idx.msk [tilespmem:v12+s4+$0x0], vm0;
	_ =	sdelay $0x5  }
0x27d: {  	vm2 =	vle.s32 v12, v11;
	vm1 =	veq.f32 v13, v6  }
0x27e: {  	vm3 =	vgt.f32 v13, v6;
	vm1 =	vmand vm2, vm1;
	s3 =	spop (v2sf)  }
0x27f: {  	vm1 =	vmor vm3, vm1  }
0x280: {  	s3 =	sadd.s32 s0, s3;
	vm0 =	vmand vm0, vm1  }
0x281: {  	[tilespmem:s3+$0xC000] =	vst.msk vm0, v13;
	v13 =	vmpcnt.ones.xlane vm0  }
0x282: {  	s26 =	sadd.s32 $0x40, s26;
	[tilespmem:s3+$0xC080] =	vst.msk vm0, v12  }
0x283: {  	v12 =	vld [tilespmem:s26+$0xFFFFFFE0];
	(v2sf) =	vpush v13, $0x0;
	_ =	sdelay $0x1  }
0x284: {  	vm0 =	vgt.s32 v9, s25;
	_ =	sdelay $0x5  }
0x285: {  	v13 =	vld.idx.msk [tilespmem:v12+s4+$0x0], vm0;
	_ =	sdelay $0x2  }
.Ltmp32:
0x286: {  	(pc) =	sbr.rel @p1 .LBB2_57-.Ltmp32, $3  }
0x287: {  	_ =	sdelay $0x1  }
0x288: {  	vm3 =	vle.s32 v12, v11;
	vm2 =	veq.f32 v13, v6  }
0x289: {  	vm1 =	vgt.f32 v13, v6;
	vm2 =	vmand vm3, vm2;
	s0 =	spop (v2sf)  }
.LBB2_58:
0x28a: {  	vm1 =	vmor vm1, vm2;
	s0 =	sadd.s32 @p0 s3, s0  }
0x28b: {  	vm0 =	vmand vm0, vm1;
	s28 =	smov.u32 @p0 s0  }
0x28c: {  	[tilespmem:s28+$0xC000] =	vst.msk vm0, v13;
	v9 =	vmpcnt.ones.xlane vm0  }
0x28d: {  	[tilespmem:s28+$0xC080] =	vst.msk vm0, v12  }
0x28e: {  	v12 =	vld [tilespmem:s26+$0xFFFFFFF0];
	(v2sf) =	vpush v9, $0x0;
	_ =	sdelay $0x1  }
0x28f: {  	vm15 =	vgt.s32 v10, s25;
	_ =	sdelay $0x5  }
0x290: {  	v60 =	vld.idx.msk [tilespmem:v12+s4+$0x0], vm15;
	_ =	sdelay $0x4  }
0x291: {  	vm7 =	vle.s32 v12, v11;
	vm6 =	veq.f32 v60, v6  }
0x292: {  	vm3 =	vgt.f32 v60, v6;
	vm1 =	vmand vm7, vm6  }
0x293: {  	s24 =	spop (v2sf);
	vm1 =	vmor vm3, vm1  }
0x294: {  	s0 =	sadd.s32 s28, s24;
	vm0 =	vmand vm15, vm1  }
0x295: {  	[tilespmem:s0+$0xC000] =	vst.msk vm0, v60;
	v61 =	vmpcnt.ones.xlane vm0  }
0x296: {  	[tilespmem:s0+$0xC080] =	vst.msk vm0, v12  }
0x297: {  	v62 =	vld [tilespmem:s26+$0x0];
	(v2sf) =	vpush v61, $0x0;
	_ =	sdelay $0x1  }
0x298: {  	vm8 =	vgt.s32 v8, s25;
	_ =	sdelay $0x5  }
0x299: {  	v8 =	vld.idx.msk [tilespmem:v62+s4+$0x0], vm8;
	_ =	sdelay $0x4  }
0x29a: {  	vm10 =	vle.s32 v62, v11;
	vm9 =	veq.f32 v8, v6  }
0x29b: {  	vm11 =	vgt.f32 v8, v6;
	vm1 =	vmand vm10, vm9  }
0x29c: {  	s29 =	spop (v2sf);
	vm1 =	vmor vm11, vm1  }
0x29d: {  	s0 =	sadd.s32 s0, s29;
	vm0 =	vmand vm8, vm1  }
0x29e: {  	[tilespmem:s0+$0xC000] =	vst.msk vm0, v8  }
0x29f: {  	[tilespmem:s0+$0xC080] =	vst.msk vm0, v62  }
0x2a0: {  	v8 =	vld [tilespmem:s26+$0x10];
	_ =	sdelay $0x1  }
0x2a1: {  	vm12 =	vgt.s32 v7, s25;
	_ =	sdelay $0x5  }
0x2a2: {  	v7 =	vld.idx.msk [tilespmem:v8+s4+$0x0], vm12;
	_ =	sdelay $0x4  }
0x2a3: {  	vm14 =	vle.s32 v8, v11;
	vm13 =	veq.f32 v7, v6  }
0x2a4: {  	v63 =	vmpcnt.ones.xlane vm0;
	vm15 =	vgt.f32 v7, v6;
	vm2 =	vmand vm14, vm13  }
0x2a5: {  	vm0 =	vmor vm15, vm2  }
0x2a6: {  	(v2sf) =	vpush v63, $0x0;
	vm0 =	vmand vm12, vm0  }
0x2a7: {  	v6 =	vmpcnt.ones.xlane vm0;
	_ =	sdelay $0x1  }
0x2a8: {  	(v2sf) =	vpush v6, $0x0;
	_ =	sdelay $0xb  }
0x2a9: {  	s30 =	spop (v2sf)  }
0x2aa: {  	s0 =	sadd.s32 s0, s30  }
0x2ab: {  	[tilespmem:s0+$0xC000] =	vst.msk vm0, v7  }
0x2ac: {  	[tilespmem:s0+$0xC080] =	vst.msk vm0, v8;
	s31 =	spop (v2sf)  }
.LBB2_59:
0x2ad: {  	v6 =	vld [tilespmem:$0xC080];
	_ =	sdelay $0x4  }
0x2ae: {  	v7 =	vshll.u32 v6, $0x3  }
0x2af: {  	v8 =	vand.u32 $0x7, v6;
	v7 =	vand.u32 $0xFFFFFFC0, v7  }
0x2b0: {  	v9 =	vld [tilespmem:$0xC090];
	v60 =	vand.u32 $0x7, v0;
	v10 =	vshrl.u32 v0, $0x3;
	v7 =	vor.u32 v8, v7  }
0x2b1: {  	v11 =	vld [tilespmem:$0xC0A0];
	v10 =	vmul.u32 $0x8, v10;
	v12 =	vperm.xlane v7, v60  }
0x2b2: {  	v13 =	vld [tilespmem:$0xC0B0]  }
0x2b3: {  	v12 =	vadd.s32 v10, v12  }
0x2b4: {  	[tilespmem:$0xC100] =	vst v6  }
0x2b5: {  	[tilespmem:$0xC110] =	vst v9  }
0x2b6: {  	[tilespmem:$0xC120] =	vst v11  }
0x2b7: {  	vm0 =	vmmov $0xffff;
	s0 =	simm.s32 $0x0;
	s2 =	simm.s32 $0xC180;
	[tilespmem:$0xC130] =	vst v13  }
0x2b8: {  	v6 =	vor.u32 $0x8, v0;
	[tilespmem:s2], [sflag:$0x1] =	stream.indirect_vreg.gather [hbm4b:s1+s0], $0x80, v12, vm0, $0xb8;
	[tilespmem:$0x1D580] =	vst v63  }
0x2b9: {  	s26 =	simm.s32 $0xC980;
	v7 =	vperm.xlane v7, v6  }
0x2ba: {  	[tilespmem:s26], [sflag:$0x1] =	stream.indirect_vreg.gather [hbm4b:s7+s0], $0x80, v12, vm0, $0xb8;
	[tilespmem:$0x1D580] =	vst v63  }
0x2bb: {  	s28 =	simm.s32 $0xD180;
	v7 =	vadd.s32 v10, v7  }
0x2bc: {  	[tilespmem:s28], [sflag:$0x1] =	stream.indirect_vreg.gather [hbm4b:s8+s0], $0x80, v12, vm0, $0xb8;
	[tilespmem:$0x1D580] =	vst v63  }
0x2bd: {  	s29 =	simm.s32 $0xD980  }
0x2be: {  	[tilespmem:s29], [sflag:$0x1] =	stream.indirect_vreg.gather [hbm4b:s9+s0], $0x80, v12, vm0, $0xb8;
	[tilespmem:$0x1D580] =	vst v63  }
0x2bf: {  	s30 =	simm.s32 $0xE180  }
0x2c0: {  	[tilespmem:s30], [sflag:$0x1] =	stream.indirect_vreg.gather [hbm4b:s1+s0], $0x80, v7, vm0, $0xb8;
	[tilespmem:$0x1D580] =	vst v63  }
0x2c1: {  	s31 =	simm.s32 $0xE980  }
0x2c2: {  	[tilespmem:s31], [sflag:$0x1] =	stream.indirect_vreg.gather [hbm4b:s7+s0], $0x80, v7, vm0, $0xb8;
	[tilespmem:$0x1D580] =	vst v63  }
0x2c3: {  	s3 =	simm.s32 $0xF180  }
0x2c4: {  	[tilespmem:s3], [sflag:$0x1] =	stream.indirect_vreg.gather [hbm4b:s8+s0], $0x80, v7, vm0, $0xb8;
	[tilespmem:$0x1D580] =	vst v63  }
0x2c5: {  	s24 =	simm.s32 $0xF980  }
0x2c6: {  	[tilespmem:s24], [sflag:$0x1] =	stream.indirect_vreg.gather [hbm4b:s9+s0], $0x80, v7, vm0, $0xb8;
	[tilespmem:$0x1D580] =	vst v63  }
0x2c7: {  	v7 =	vld [tilespmem:$0xC110];
	_ =	sdelay $0x4  }
0x2c8: {  	v61 =	vshll.u32 v7, $0x3  }
0x2c9: {  	v7 =	vand.u32 $0x7, v7;
	v9 =	vand.u32 $0xFFFFFFC0, v61  }
0x2ca: {  	v7 =	vor.u32 v7, v9  }
0x2cb: {  	v9 =	vperm.xlane v7, v60;
	_ =	sdelay $0x1  }
0x2cc: {  	v9 =	vadd.s32 v10, v9;
	_ =	sdelay $0x3  }
0x2cd: {  	s25 =	simm.s32 $0x10180  }
0x2ce: {  	[tilespmem:s25], [sflag:$0x1] =	stream.indirect_vreg.gather [hbm4b:s1+s0], $0x80, v9, vm0, $0xb8;
	[tilespmem:$0x1D580] =	vst v63  }
0x2cf: {  	s26 =	simm.s32 $0x10980;
	v7 =	vperm.xlane v7, v6  }
0x2d0: {  	[tilespmem:s26], [sflag:$0x1] =	stream.indirect_vreg.gather [hbm4b:s7+s0], $0x80, v9, vm0, $0xb8;
	[tilespmem:$0x1D580] =	vst v63  }
0x2d1: {  	s28 =	simm.s32 $0x11180;
	v7 =	vadd.s32 v10, v7  }
0x2d2: {  	[tilespmem:s28], [sflag:$0x1] =	stream.indirect_vreg.gather [hbm4b:s8+s0], $0x80, v9, vm0, $0xb8;
	[tilespmem:$0x1D580] =	vst v63  }
0x2d3: {  	s29 =	simm.s32 $0x11980  }
0x2d4: {  	[tilespmem:s29], [sflag:$0x1] =	stream.indirect_vreg.gather [hbm4b:s9+s0], $0x80, v9, vm0, $0xb8;
	[tilespmem:$0x1D580] =	vst v63  }
0x2d5: {  	s30 =	simm.s32 $0x12180  }
0x2d6: {  	[tilespmem:s30], [sflag:$0x1] =	stream.indirect_vreg.gather [hbm4b:s1+s0], $0x80, v7, vm0, $0xb8;
	[tilespmem:$0x1D580] =	vst v63  }
0x2d7: {  	s31 =	simm.s32 $0x12980  }
0x2d8: {  	[tilespmem:s31], [sflag:$0x1] =	stream.indirect_vreg.gather [hbm4b:s7+s0], $0x80, v7, vm0, $0xb8;
	[tilespmem:$0x1D580] =	vst v63  }
0x2d9: {  	s3 =	simm.s32 $0x13180  }
0x2da: {  	[tilespmem:s3], [sflag:$0x1] =	stream.indirect_vreg.gather [hbm4b:s8+s0], $0x80, v7, vm0, $0xb8;
	[tilespmem:$0x1D580] =	vst v63  }
0x2db: {  	s24 =	simm.s32 $0x13980  }
0x2dc: {  	[tilespmem:s24], [sflag:$0x1] =	stream.indirect_vreg.gather [hbm4b:s9+s0], $0x80, v7, vm0, $0xb8;
	[tilespmem:$0x1D580] =	vst v63  }
0x2dd: {  	v7 =	vld [tilespmem:$0xC120];
	_ =	sdelay $0x4  }
0x2de: {  	v62 =	vshll.u32 v7, $0x3  }
0x2df: {  	v7 =	vand.u32 $0x7, v7;
	v9 =	vand.u32 $0xFFFFFFC0, v62  }
0x2e0: {  	v7 =	vor.u32 v7, v9  }
0x2e1: {  	v9 =	vperm.xlane v7, v60;
	_ =	sdelay $0x1  }
0x2e2: {  	v9 =	vadd.s32 v10, v9;
	_ =	sdelay $0x3  }
0x2e3: {  	s25 =	simm.s32 $0x14180  }
0x2e4: {  	[tilespmem:s25], [sflag:$0x1] =	stream.indirect_vreg.gather [hbm4b:s1+s0], $0x80, v9, vm0, $0xb8;
	[tilespmem:$0x1D580] =	vst v63  }
0x2e5: {  	s26 =	simm.s32 $0x14980;
	v7 =	vperm.xlane v7, v6  }
0x2e6: {  	[tilespmem:s26], [sflag:$0x1] =	stream.indirect_vreg.gather [hbm4b:s7+s0], $0x80, v9, vm0, $0xb8;
	[tilespmem:$0x1D580] =	vst v63  }
0x2e7: {  	s28 =	simm.s32 $0x15180;
	v7 =	vadd.s32 v10, v7  }
0x2e8: {  	[tilespmem:s28], [sflag:$0x1] =	stream.indirect_vreg.gather [hbm4b:s8+s0], $0x80, v9, vm0, $0xb8;
	[tilespmem:$0x1D580] =	vst v63  }
0x2e9: {  	s29 =	simm.s32 $0x15980  }
0x2ea: {  	[tilespmem:s29], [sflag:$0x1] =	stream.indirect_vreg.gather [hbm4b:s9+s0], $0x80, v9, vm0, $0xb8;
	[tilespmem:$0x1D580] =	vst v63  }
0x2eb: {  	s30 =	simm.s32 $0x16180  }
0x2ec: {  	[tilespmem:s30], [sflag:$0x1] =	stream.indirect_vreg.gather [hbm4b:s1+s0], $0x80, v7, vm0, $0xb8;
	[tilespmem:$0x1D580] =	vst v63  }
0x2ed: {  	s31 =	simm.s32 $0x16980  }
0x2ee: {  	[tilespmem:s31], [sflag:$0x1] =	stream.indirect_vreg.gather [hbm4b:s7+s0], $0x80, v7, vm0, $0xb8;
	[tilespmem:$0x1D580] =	vst v63  }
0x2ef: {  	s3 =	simm.s32 $0x17180  }
0x2f0: {  	[tilespmem:s3], [sflag:$0x1] =	stream.indirect_vreg.gather [hbm4b:s8+s0], $0x80, v7, vm0, $0xb8;
	[tilespmem:$0x1D580] =	vst v63  }
0x2f1: {  	s24 =	simm.s32 $0x17980  }
0x2f2: {  	[tilespmem:s24], [sflag:$0x1] =	stream.indirect_vreg.gather [hbm4b:s9+s0], $0x80, v7, vm0, $0xb8;
	[tilespmem:$0x1D580] =	vst v63  }
0x2f3: {  	v7 =	vld [tilespmem:$0xC130];
	_ =	sdelay $0x4  }
0x2f4: {  	v63 =	vshll.u32 v7, $0x3  }
0x2f5: {  	v7 =	vand.u32 $0x7, v7;
	v9 =	vand.u32 $0xFFFFFFC0, v63  }
0x2f6: {  	v7 =	vor.u32 v7, v9  }
0x2f7: {  	v8 =	vperm.xlane v7, v60;
	_ =	sdelay $0x1  }
0x2f8: {  	v8 =	vadd.s32 v10, v8;
	_ =	sdelay $0x3  }
0x2f9: {  	s25 =	simm.s32 $0x18180  }
0x2fa: {  	[tilespmem:s25], [sflag:$0x1] =	stream.indirect_vreg.gather [hbm4b:s1+s0], $0x80, v8, vm0, $0xb8;
	[tilespmem:$0x1D580] =	vst v63  }
0x2fb: {  	s26 =	simm.s32 $0x18980;
	v6 =	vperm.xlane v7, v6  }
0x2fc: {  	[tilespmem:s26], [sflag:$0x1] =	stream.indirect_vreg.gather [hbm4b:s7+s0], $0x80, v8, vm0, $0xb8;
	[tilespmem:$0x1D580] =	vst v63  }
0x2fd: {  	s28 =	simm.s32 $0x19180;
	v6 =	vadd.s32 v10, v6  }
0x2fe: {  	[tilespmem:s28], [sflag:$0x1] =	stream.indirect_vreg.gather [hbm4b:s8+s0], $0x80, v8, vm0, $0xb8;
	[tilespmem:$0x1D580] =	vst v63  }
0x2ff: {  	s29 =	simm.s32 $0x19980  }
0x300: {  	[tilespmem:s29], [sflag:$0x1] =	stream.indirect_vreg.gather [hbm4b:s9+s0], $0x80, v8, vm0, $0xb8;
	[tilespmem:$0x1D580] =	vst v63  }
0x301: {  	s30 =	simm.s32 $0x1A180  }
0x302: {  	[tilespmem:s30], [sflag:$0x1] =	stream.indirect_vreg.gather [hbm4b:s1+s0], $0x80, v6, vm0, $0xb8;
	[tilespmem:$0x1D580] =	vst v63  }
0x303: {  	s31 =	simm.s32 $0x1A980  }
0x304: {  	[tilespmem:s31], [sflag:$0x1] =	stream.indirect_vreg.gather [hbm4b:s7+s0], $0x80, v6, vm0, $0xb8;
	[tilespmem:$0x1D580] =	vst v63  }
0x305: {  	_ = 	snop  }
0x306: {  	[tilespmem:s16], [sflag:$0x1] =	stream.indirect_vreg.gather [hbm4b:s8+s0], $0x80, v6, vm0, $0xb8;
	[tilespmem:$0x1D580] =	vst v63  }
0x307: {  	s3 =	simm.s32 $0x0;
	s24 =	simm.s32 $0x200  }
0x308: {  	[tilespmem:s17], [sflag:$0x1] =	stream.indirect_vreg.gather [hbm4b:s9+s0], $0x80, v6, vm0, $0xb8;
	[tilespmem:$0x1D580] =	vst v63  }
.LBB2_60:
0x309: {  	p0 =	sne.s32 s24, $0x1FE00;
	[tilespmem:s3+$0x70] =	vst v5  }
0x30a: {  	[tilespmem:s3+$0x0] =	vst v5  }
0x30b: {  	[tilespmem:s3+$0x10] =	vst v5  }
.Ltmp33:
0x30c: {  	[tilespmem:s3+$0x20] =	vst v5;
	(pc) =	sbr.rel @p0 .LBB2_60-.Ltmp33, $4  }
0x30d: {  	[tilespmem:s3+$0x30] =	vst v5  }
0x30e: {  	[tilespmem:s3+$0x40] =	vst v5  }
0x30f: {  	[tilespmem:s3+$0x50] =	vst v5  }
0x310: {  	[tilespmem:s3+$0x60] =	vst v5;
	s3 =	sshra.s32 s24, $0x2;
	s24 =	sadd.s32 $0x200, s24  }
0x311: {  	[tilespmem:s3+$0x70] =	vst v5  }
0x312: {  	[tilespmem:s3+$0x0] =	vst v5  }
0x313: {  	[tilespmem:s3+$0x10] =	vst v5  }
0x314: {  	[tilespmem:s3+$0x20] =	vst v5  }
0x315: {  	[tilespmem:s3+$0x30] =	vst v5  }
0x316: {  	[tilespmem:s3+$0x40] =	vst v5  }
0x317: {  	[tilespmem:s3+$0x50] =	vst v5  }
0x318: {  	[tilespmem:s3+$0x60] =	vst v5  }
0x319: {  	v6 =	vld [tilespmem:$0xC100];
	_ =	sdelay $0x2  }
0x31a: {  	v7 =	vld [tilespmem:$0xC000];
	_ =	sdelay $0x3  }
0x31b: {  	s24 =	simm.s32 $0x0  }
0x31c: {  	[tilespmem:v6+s24+$0x0] =	vst.idx.msk $0xffff, v7  }
0x31d: {  	v6 =	vld [tilespmem:$0xC110];
	_ =	sdelay $0x2  }
0x31e: {  	v7 =	vld [tilespmem:$0xC010];
	_ =	sdelay $0x4  }
0x31f: {  	[tilespmem:v6+s24+$0x0] =	vst.idx.msk $0xffff, v7  }
0x320: {  	v6 =	vld [tilespmem:$0xC120];
	_ =	sdelay $0x2  }
0x321: {  	v7 =	vld [tilespmem:$0xC020];
	_ =	sdelay $0x4  }
0x322: {  	[tilespmem:v6+s24+$0x0] =	vst.idx.msk $0xffff, v7  }
0x323: {  	v6 =	vld [tilespmem:$0xC130];
	_ =	sdelay $0x2  }
0x324: {  	v7 =	vld [tilespmem:$0xC030];
	_ =	sdelay $0x4  }
0x325: {  	s25 =	simm.s32 $0x80;
	[tilespmem:v6+s24+$0x0] =	vst.idx.msk $0xffff, v7  }
0x326: {  	[hbm4b:s10+s25] =	stream.strided.scatter [tilespmem:s24], [sflag:$0x2], $0x8000, s14, s25, $0x38;
	[tilespmem:$0x1D580] =	vst v63  }
0x327: {  	_ =	swait.ge [sflag:s20], $0x10000  }
0x328: {  	[sflag:s20] =	ssyncset.done $0x0  }
0x329: {  	[sflag:s20] =	ssyncadd.s32 $0xFFFF0000  }
0x32a: {  	v6 =	vld [tilespmem:$0xC000];
	_ =	sdelay $0x4  }
0x32b: {  	v7 =	vbroadcast v6, $0x0  }
0x32c: {  	v8 =	vbroadcast v6, $0x1  }
0x32d: {  	[tilespmem:$0x1C980] =	vst v7;
	v7 =	vbroadcast v6, $0x2  }
0x32e: {  	[tilespmem:$0x1C990] =	vst v8;
	v8 =	vbroadcast v6, $0x3  }
0x32f: {  	[tilespmem:$0x1C9A0] =	vst v7;
	v7 =	vbroadcast v6, $0x4  }
0x330: {  	[tilespmem:$0x1C9B0] =	vst v8;
	v8 =	vbroadcast v6, $0x5  }
0x331: {  	[tilespmem:$0x1C9C0] =	vst v7;
	v7 =	vbroadcast v6, $0x6  }
0x332: {  	[tilespmem:$0x1C9D0] =	vst v8;
	v8 =	vbroadcast v6, $0x7  }
0x333: {  	[tilespmem:$0x1C9E0] =	vst v7;
	v7 =	vbroadcast v6, $0x8  }
0x334: {  	[tilespmem:$0x1C9F0] =	vst v8;
	v8 =	vbroadcast v6, $0x9  }
0x335: {  	[tilespmem:$0x1CA00] =	vst v7;
	v7 =	vbroadcast v6, $0xA  }
0x336: {  	v9 =	vld [tilespmem:$0xC010];
	[tilespmem:$0x1CA10] =	vst v8;
	v8 =	vbroadcast v6, $0xB  }
0x337: {  	[tilespmem:$0x1CA20] =	vst v7;
	v7 =	vbroadcast v6, $0xC  }
0x338: {  	[tilespmem:$0x1CA30] =	vst v8;
	v8 =	vbroadcast v6, $0xD  }
0x339: {  	[tilespmem:$0x1CA40] =	vst v7;
	v7 =	vbroadcast v6, $0xE  }
0x33a: {  	[tilespmem:$0x1CA50] =	vst v8;
	v6 =	vbroadcast v6, $0xF  }
0x33b: {  	[tilespmem:$0x1CA60] =	vst v7;
	v7 =	vbroadcast v9, $0x0  }
0x33c: {  	[tilespmem:$0x1CA70] =	vst v6;
	v6 =	vbroadcast v9, $0x1  }
0x33d: {  	[tilespmem:$0x1CA80] =	vst v7;
	v7 =	vbroadcast v9, $0x2  }
0x33e: {  	[tilespmem:$0x1CA90] =	vst v6;
	v6 =	vbroadcast v9, $0x3  }
0x33f: {  	[tilespmem:$0x1CAA0] =	vst v7;
	v7 =	vbroadcast v9, $0x4  }
0x340: {  	[tilespmem:$0x1CAB0] =	vst v6;
	v6 =	vbroadcast v9, $0x5  }
0x341: {  	[tilespmem:$0x1CAC0] =	vst v7;
	v7 =	vbroadcast v9, $0x6  }
0x342: {  	[tilespmem:$0x1CAD0] =	vst v6;
	v6 =	vbroadcast v9, $0x7  }
0x343: {  	[tilespmem:$0x1CAE0] =	vst v7;
	v7 =	vbroadcast v9, $0x8  }
0x344: {  	[tilespmem:$0x1CAF0] =	vst v6;
	v6 =	vbroadcast v9, $0x9  }
0x345: {  	[tilespmem:$0x1CB00] =	vst v7;
	v7 =	vbroadcast v9, $0xA  }
0x346: {  	v8 =	vld [tilespmem:$0xC020];
	[tilespmem:$0x1CB10] =	vst v6;
	v6 =	vbroadcast v9, $0xB  }
0x347: {  	[tilespmem:$0x1CB20] =	vst v7;
	v7 =	vbroadcast v9, $0xC  }
0x348: {  	[tilespmem:$0x1CB30] =	vst v6;
	v6 =	vbroadcast v9, $0xD  }
0x349: {  	[tilespmem:$0x1CB40] =	vst v7;
	v7 =	vbroadcast v9, $0xE  }
0x34a: {  	[tilespmem:$0x1CB50] =	vst v6;
	v6 =	vbroadcast v9, $0xF  }
0x34b: {  	[tilespmem:$0x1CB60] =	vst v7;
	v7 =	vbroadcast v8, $0x0  }
0x34c: {  	[tilespmem:$0x1CB70] =	vst v6;
	v6 =	vbroadcast v8, $0x1  }
0x34d: {  	[tilespmem:$0x1CB80] =	vst v7;
	v7 =	vbroadcast v8, $0x2  }
0x34e: {  	[tilespmem:$0x1CB90] =	vst v6;
	v6 =	vbroadcast v8, $0x3  }
0x34f: {  	[tilespmem:$0x1CBA0] =	vst v7;
	v7 =	vbroadcast v8, $0x4  }
0x350: {  	[tilespmem:$0x1CBB0] =	vst v6;
	v6 =	vbroadcast v8, $0x5  }
0x351: {  	[tilespmem:$0x1CBC0] =	vst v7;
	v7 =	vbroadcast v8, $0x6  }
0x352: {  	[tilespmem:$0x1CBD0] =	vst v6;
	v6 =	vbroadcast v8, $0x7  }
0x353: {  	[tilespmem:$0x1CBE0] =	vst v7;
	v7 =	vbroadcast v8, $0x8  }
0x354: {  	[tilespmem:$0x1CBF0] =	vst v6;
	v6 =	vbroadcast v8, $0x9  }
0x355: {  	[tilespmem:$0x1CC00] =	vst v7;
	v7 =	vbroadcast v8, $0xA  }
0x356: {  	v9 =	vld [tilespmem:$0xC030];
	[tilespmem:$0x1CC10] =	vst v6;
	v6 =	vbroadcast v8, $0xB  }
0x357: {  	[tilespmem:$0x1CC20] =	vst v7;
	v7 =	vbroadcast v8, $0xC  }
0x358: {  	[tilespmem:$0x1CC30] =	vst v6;
	v6 =	vbroadcast v8, $0xD  }
0x359: {  	[tilespmem:$0x1CC40] =	vst v7;
	v7 =	vbroadcast v8, $0xE  }
0x35a: {  	[tilespmem:$0x1CC50] =	vst v6;
	v6 =	vbroadcast v8, $0xF  }
0x35b: {  	[tilespmem:$0x1CC60] =	vst v7;
	v7 =	vbroadcast v9, $0x0  }
0x35c: {  	[tilespmem:$0x1CC70] =	vst v6;
	v6 =	vbroadcast v9, $0x1  }
0x35d: {  	[tilespmem:$0x1CC80] =	vst v7;
	v7 =	vbroadcast v9, $0x2  }
0x35e: {  	[tilespmem:$0x1CC90] =	vst v6;
	v6 =	vbroadcast v9, $0x3  }
0x35f: {  	[tilespmem:$0x1CCA0] =	vst v7;
	v7 =	vbroadcast v9, $0x4  }
0x360: {  	[tilespmem:$0x1CCB0] =	vst v6;
	v6 =	vbroadcast v9, $0x5  }
0x361: {  	[tilespmem:$0x1CCC0] =	vst v7;
	v7 =	vbroadcast v9, $0x6  }
0x362: {  	[tilespmem:$0x1CCD0] =	vst v6;
	v6 =	vbroadcast v9, $0x7  }
0x363: {  	[tilespmem:$0x1CCE0] =	vst v7;
	v7 =	vbroadcast v9, $0x8  }
0x364: {  	[tilespmem:$0x1CCF0] =	vst v6;
	v6 =	vbroadcast v9, $0x9  }
0x365: {  	[tilespmem:$0x1CD00] =	vst v7;
	v7 =	vbroadcast v9, $0xA  }
0x366: {  	[tilespmem:$0x1CD10] =	vst v6;
	v6 =	vbroadcast v9, $0xB  }
0x367: {  	[tilespmem:$0x1CD20] =	vst v7;
	v7 =	vbroadcast v9, $0xC  }
0x368: {  	[tilespmem:$0x1CD30] =	vst v6;
	v6 =	vbroadcast v9, $0xD  }
0x369: {  	[tilespmem:$0x1CD40] =	vst v7;
	v7 =	vbroadcast v9, $0xE  }
0x36a: {  	[tilespmem:$0x1CD50] =	vst v6;
	v6 =	vbroadcast v9, $0xF  }
0x36b: {  	[tilespmem:$0x1CD60] =	vst v7  }
0x36c: {  	s26 =	simm.s32 $0x1C990;
	s0 =	sand.u32 $0xE000, s24;
	[tilespmem:$0x1CD70] =	vst v6  }
0x36d: {  	s30 =	sand.u32 $0x380, s25;
	s0 =	sadd.s32 $0xC180, s0;
	v6 =	vld [tilespmem:s26+$0x0]  }
0x36e: {  	s25 =	sadd.s32 s30, s0;
	v7 =	vld [tilespmem:s26+$0xFFFFFFF0]  }
0x36f: {  	v8 =	vld [tilespmem:s25+$0x0]  }
0x370: {  	v9 =	vld [tilespmem:s25+$0x10]  }
0x371: {  	v20 =	vld [tilespmem:s25+$0x20]  }
0x372: {  	s31 =	simm.s32 $0x0;
	v21 =	vld [tilespmem:s25+$0x30]  }
0x373: {  	s3 =	sand.u32 $0x300, s31;
	v16 =	vld [tilespmem:s25+$0x40]  }
0x374: {  	s3 =	sadd.s32 s3, s0;
	v17 =	vld [tilespmem:s25+$0x50]  }
0x375: {  	v23 =	vld [tilespmem:s3+$0x0]  }
0x376: {  	v14 =	vimm.f32 $0.0e+00;
	v25 =	vld [tilespmem:s3+$0x10]  }
0x377: {  	v15 =	vimm.f32 $0.0e+00;
	v12 =	vimm.f32 $0.0e+00;
	v13 =	vimm.f32 $0.0e+00;
	v24 =	vld [tilespmem:s3+$0x20]  }
0x378: {  	v11 =	vimm.f32 $0.0e+00;
	v10 =	vimm.f32 $0.0e+00;
	v26 =	vld [tilespmem:s3+$0x30];
	v18 =	vmul.f32 v8, v6  }
0x379: {  	s28 =	simm.s32 $0x180;
	v22 =	vld [tilespmem:s3+$0x40];
	v19 =	vmul.f32 v9, v6;
	v9 =	vimm.f32 $0.0e+00;
	v8 =	vimm.f32 $0.0e+00  }
.LBB2_62:
0x37a: {  	p0 =	sne.s32 s28, $0x1F80;
	v27 =	vld [tilespmem:s3+$0x50];
	v20 =	vmul.f32 v20, v6;
	v21 =	vmul.f32 v21, v6  }
0x37b: {  	v16 =	vmul.f32 v16, v6;
	v17 =	vmul.f32 v17, v6;
	v28 =	vld [tilespmem:s3+$0x60]  }
0x37c: {  	v23 =	vmul.f32 v23, v7;
	v25 =	vmul.f32 v25, v7;
	v29 =	vld [tilespmem:s3+$0x70]  }
0x37d: {  	s24 =	sadd.s32 $0x800, s24;
	v24 =	vmul.f32 v24, v7;
	v26 =	vmul.f32 v26, v7;
	v30 =	vld [tilespmem:s25+$0x60]  }
0x37e: {  	s26 =	sadd.s32 $0x20, s26;
	s0 =	sand.u32 $0xE000, s24;
	v14 =	vadd.f32 v23, v14;
	v15 =	vadd.f32 v25, v15;
	v22 =	vmul.f32 v22, v7;
	v23 =	vld [tilespmem:s25+$0x70]  }
0x37f: {  	s0 =	sadd.s32 $0xC180, s0;
	s3 =	sand.u32 $0x380, s28;
	v12 =	vadd.f32 v24, v12;
	v25 =	vld [tilespmem:s26+$0x0];
	v13 =	vadd.f32 v26, v13;
	v24 =	vmul.f32 v27, v7  }
0x380: {  	s25 =	sadd.s32 s3, s0;
	v14 =	vadd.f32 v18, v14;
	v15 =	vadd.f32 v19, v15;
	v26 =	vld [tilespmem:s26+$0xFFFFFFF0];
	v27 =	vmul.f32 v28, v7  }
0x381: {  	v12 =	vadd.f32 v20, v12;
	v18 =	vld [tilespmem:s25+$0x0];
	v7 =	vmul.f32 v29, v7;
	v13 =	vadd.f32 v21, v13  }
0x382: {  	v9 =	vadd.f32 v22, v9;
	v11 =	vadd.f32 v24, v11;
	v19 =	vld [tilespmem:s25+$0x10];
	v22 =	vmul.f32 v30, v6  }
0x383: {  	v10 =	vadd.f32 v27, v10;
	v20 =	vld [tilespmem:s25+$0x20];
	v24 =	vadd.f32 v7, v8;
	v8 =	vmul.f32 v23, v6  }
0x384: {  	s3 =	sadd.s32 $0xFFFFFF80, s28;
	v9 =	vadd.f32 v16, v9;
	v11 =	vadd.f32 v17, v11;
	v21 =	vld [tilespmem:s25+$0x30];
	v6 =	vmov v25  }
0x385: {  	s3 =	sand.u32 $0x300, s3;
	v10 =	vadd.f32 v22, v10;
	v16 =	vld [tilespmem:s25+$0x40];
	v8 =	vadd.f32 v8, v24;
	v7 =	vmov v26  }
0x386: {  	s3 =	sadd.s32 s3, s0;
	v17 =	vld [tilespmem:s25+$0x50]  }
.Ltmp34:
0x387: {  	v23 =	vld [tilespmem:s3+$0x0];
	(pc) =	sbr.rel @p0 .LBB2_62-.Ltmp34, $4  }
0x388: {  	v25 =	vld [tilespmem:s3+$0x10]  }
0x389: {  	v24 =	vld [tilespmem:s3+$0x20]  }
0x38a: {  	v26 =	vld [tilespmem:s3+$0x30]  }
0x38b: {  	s28 =	sadd.s32 $0x100, s28;
	v18 =	vmul.f32 v18, v6;
	v19 =	vmul.f32 v19, v6;
	v22 =	vld [tilespmem:s3+$0x40]  }
0x38c: {  	v27 =	vld [tilespmem:s3+$0x50]  }
0x38d: {  	v28 =	vld [tilespmem:s3+$0x60]  }
0x38e: {  	v29 =	vld [tilespmem:s3+$0x70];
	v23 =	vmul.f32 v23, v7  }
0x38f: {  	v30 =	vld [tilespmem:s25+$0x60];
	v25 =	vmul.f32 v25, v7  }
0x390: {  	v20 =	vmul.f32 v20, v6;
	v24 =	vmul.f32 v24, v7;
	v14 =	vadd.f32 v23, v14;
	v23 =	vld [tilespmem:s25+$0x70]  }
0x391: {  	v21 =	vmul.f32 v21, v6;
	v26 =	vmul.f32 v26, v7;
	v15 =	vadd.f32 v25, v15;
	v25 =	vld [tilespmem:$0x1C180]  }
0x392: {  	v22 =	vmul.f32 v22, v7;
	v12 =	vadd.f32 v24, v12;
	v24 =	vld [tilespmem:$0x1C190];
	v14 =	vadd.f32 v18, v14  }
0x393: {  	v18 =	vld [tilespmem:$0x1C1A0];
	v13 =	vadd.f32 v26, v13;
	v26 =	vmul.f32 v27, v7;
	v15 =	vadd.f32 v19, v15  }
0x394: {  	v19 =	vmul.f32 v28, v7;
	v12 =	vadd.f32 v20, v12;
	v20 =	vld [tilespmem:$0x1C1B0];
	v9 =	vadd.f32 v22, v9  }
0x395: {  	v7 =	vmul.f32 v29, v7;
	v13 =	vadd.f32 v21, v13;
	v11 =	vadd.f32 v26, v11;
	v21 =	vld [tilespmem:$0x1C1C0]  }
0x396: {  	v16 =	vmul.f32 v16, v6;
	v10 =	vadd.f32 v19, v10;
	v19 =	vld [tilespmem:$0x1C1D0];
	v14 =	vadd.f32 v25, v14  }
0x397: {  	v17 =	vmul.f32 v17, v6;
	v7 =	vadd.f32 v7, v8;
	v8 =	vadd.f32 v24, v15;
	v15 =	vld [tilespmem:$0x1C1E0]  }
0x398: {  	v22 =	vmul.f32 v30, v6;
	v9 =	vadd.f32 v16, v9;
	v12 =	vadd.f32 v18, v12;
	[tilespmem:$0x1C580] =	vst v14;
	v14 =	vld [tilespmem:$0x1C1F0]  }
0x399: {  	v6 =	vmul.f32 v23, v6;
	v11 =	vadd.f32 v17, v11;
	[tilespmem:$0x1C590] =	vst v8;
	v8 =	vadd.f32 v20, v13  }
0x39a: {  	v10 =	vadd.f32 v22, v10;
	[tilespmem:$0x1C5A0] =	vst v12;
	v9 =	vadd.f32 v21, v9  }
0x39b: {  	v6 =	vadd.f32 v6, v7;
	v7 =	vadd.f32 v19, v11;
	[tilespmem:$0x1C5B0] =	vst v8  }
0x39c: {  	[tilespmem:$0x1C5C0] =	vst v9;
	v8 =	vadd.f32 v15, v10  }
0x39d: {  	[tilespmem:$0x1C5D0] =	vst v7;
	v6 =	vadd.f32 v14, v6  }
0x39e: {  	s24 =	simm.s32 $0x0;
	[tilespmem:$0x1C5E0] =	vst v8  }
0x39f: {  	s0 =	simm.s32 $0x80;
	s30 =	sand.u32 $0xE000, s24;
	s25 =	simm.s32 $0x1C990;
	[tilespmem:$0x1C5F0] =	vst v6  }
0x3a0: {  	s0 =	sand.u32 $0x380, s0;
	s3 =	sadd.s32 $0xC180, s30;
	v6 =	vld [tilespmem:s25+$0x0]  }
0x3a1: {  	s26 =	sadd.s32 s0, s3;
	v7 =	vld [tilespmem:s25+$0xFFFFFFF0]  }
0x3a2: {  	v8 =	vld [tilespmem:s26+$0x400]  }
0x3a3: {  	v9 =	vld [tilespmem:s26+$0x410]  }
0x3a4: {  	v20 =	vld [tilespmem:s26+$0x420]  }
0x3a5: {  	s31 =	simm.s32 $0x0;
	v21 =	vld [tilespmem:s26+$0x430]  }
0x3a6: {  	s0 =	sand.u32 $0x300, s31;
	v16 =	vld [tilespmem:s26+$0x440]  }
0x3a7: {  	s3 =	sadd.s32 s0, s3;
	v17 =	vld [tilespmem:s26+$0x450]  }
0x3a8: {  	v23 =	vld [tilespmem:s3+$0x400]  }
0x3a9: {  	v12 =	vimm.f32 $0.0e+00;
	v25 =	vld [tilespmem:s3+$0x410]  }
0x3aa: {  	v13 =	vimm.f32 $0.0e+00;
	v11 =	vimm.f32 $0.0e+00;
	v15 =	vimm.f32 $0.0e+00;
	v24 =	vld [tilespmem:s3+$0x420]  }
0x3ab: {  	v10 =	vimm.f32 $0.0e+00;
	v14 =	vimm.f32 $0.0e+00;
	v26 =	vld [tilespmem:s3+$0x430];
	v18 =	vmul.f32 v8, v6  }
0x3ac: {  	s28 =	simm.s32 $0x180;
	v22 =	vld [tilespmem:s3+$0x440];
	v19 =	vmul.f32 v9, v6;
	v9 =	vimm.f32 $0.0e+00;
	v8 =	vimm.f32 $0.0e+00  }
.LBB2_64:
0x3ad: {  	p0 =	sne.s32 s28, $0x1F80;
	v27 =	vld [tilespmem:s3+$0x450];
	v20 =	vmul.f32 v20, v6;
	v21 =	vmul.f32 v21, v6  }
0x3ae: {  	v16 =	vmul.f32 v16, v6;
	v17 =	vmul.f32 v17, v6;
	v28 =	vld [tilespmem:s3+$0x460]  }
0x3af: {  	v23 =	vmul.f32 v23, v7;
	v25 =	vmul.f32 v25, v7;
	v29 =	vld [tilespmem:s3+$0x470]  }
0x3b0: {  	s24 =	sadd.s32 $0x800, s24;
	v24 =	vmul.f32 v24, v7;
	v26 =	vmul.f32 v26, v7;
	v30 =	vld [tilespmem:s26+$0x460]  }
0x3b1: {  	s25 =	sadd.s32 $0x20, s25;
	s0 =	sand.u32 $0xE000, s24;
	v14 =	vadd.f32 v23, v14;
	v15 =	vadd.f32 v25, v15;
	v22 =	vmul.f32 v22, v7;
	v23 =	vld [tilespmem:s26+$0x470]  }
0x3b2: {  	s0 =	sadd.s32 $0xC180, s0;
	s3 =	sand.u32 $0x380, s28;
	v12 =	vadd.f32 v24, v12;
	v25 =	vld [tilespmem:s25+$0x0];
	v13 =	vadd.f32 v26, v13;
	v24 =	vmul.f32 v27, v7  }
0x3b3: {  	s26 =	sadd.s32 s3, s0;
	v14 =	vadd.f32 v18, v14;
	v15 =	vadd.f32 v19, v15;
	v26 =	vld [tilespmem:s25+$0xFFFFFFF0];
	v27 =	vmul.f32 v28, v7  }
0x3b4: {  	v12 =	vadd.f32 v20, v12;
	v18 =	vld [tilespmem:s26+$0x400];
	v7 =	vmul.f32 v29, v7;
	v13 =	vadd.f32 v21, v13  }
0x3b5: {  	v9 =	vadd.f32 v22, v9;
	v11 =	vadd.f32 v24, v11;
	v19 =	vld [tilespmem:s26+$0x410];
	v22 =	vmul.f32 v30, v6  }
0x3b6: {  	v10 =	vadd.f32 v27, v10;
	v20 =	vld [tilespmem:s26+$0x420];
	v24 =	vadd.f32 v7, v8;
	v8 =	vmul.f32 v23, v6  }
0x3b7: {  	s3 =	sadd.s32 $0xFFFFFF80, s28;
	v9 =	vadd.f32 v16, v9;
	v11 =	vadd.f32 v17, v11;
	v21 =	vld [tilespmem:s26+$0x430];
	v6 =	vmov v25  }
0x3b8: {  	s3 =	sand.u32 $0x300, s3;
	v10 =	vadd.f32 v22, v10;
	v16 =	vld [tilespmem:s26+$0x440];
	v8 =	vadd.f32 v8, v24;
	v7 =	vmov v26  }
0x3b9: {  	s3 =	sadd.s32 s3, s0;
	v17 =	vld [tilespmem:s26+$0x450]  }
.Ltmp35:
0x3ba: {  	v23 =	vld [tilespmem:s3+$0x400];
	(pc) =	sbr.rel @p0 .LBB2_64-.Ltmp35, $4  }
0x3bb: {  	v25 =	vld [tilespmem:s3+$0x410]  }
0x3bc: {  	v24 =	vld [tilespmem:s3+$0x420]  }
0x3bd: {  	v26 =	vld [tilespmem:s3+$0x430]  }
0x3be: {  	s28 =	sadd.s32 $0x100, s28;
	v18 =	vmul.f32 v18, v6;
	v19 =	vmul.f32 v19, v6;
	v22 =	vld [tilespmem:s3+$0x440]  }
0x3bf: {  	v27 =	vld [tilespmem:s3+$0x450]  }
0x3c0: {  	v28 =	vld [tilespmem:s3+$0x460]  }
0x3c1: {  	v29 =	vld [tilespmem:s3+$0x470];
	v23 =	vmul.f32 v23, v7  }
0x3c2: {  	v30 =	vld [tilespmem:s26+$0x460];
	v25 =	vmul.f32 v25, v7  }
0x3c3: {  	v20 =	vmul.f32 v20, v6;
	v24 =	vmul.f32 v24, v7;
	v14 =	vadd.f32 v23, v14;
	v23 =	vld [tilespmem:s26+$0x470]  }
0x3c4: {  	v21 =	vmul.f32 v21, v6;
	v26 =	vmul.f32 v26, v7;
	v15 =	vadd.f32 v25, v15;
	v25 =	vld [tilespmem:$0x1C200]  }
0x3c5: {  	v22 =	vmul.f32 v22, v7;
	v12 =	vadd.f32 v24, v12;
	v24 =	vld [tilespmem:$0x1C210];
	v14 =	vadd.f32 v18, v14  }
0x3c6: {  	v18 =	vld [tilespmem:$0x1C220];
	v13 =	vadd.f32 v26, v13;
	v26 =	vmul.f32 v27, v7;
	v15 =	vadd.f32 v19, v15  }
0x3c7: {  	v19 =	vmul.f32 v28, v7;
	v12 =	vadd.f32 v20, v12;
	v20 =	vld [tilespmem:$0x1C230];
	v9 =	vadd.f32 v22, v9  }
0x3c8: {  	v7 =	vmul.f32 v29, v7;
	v13 =	vadd.f32 v21, v13;
	v11 =	vadd.f32 v26, v11;
	v21 =	vld [tilespmem:$0x1C240]  }
0x3c9: {  	v16 =	vmul.f32 v16, v6;
	v10 =	vadd.f32 v19, v10;
	v19 =	vld [tilespmem:$0x1C250];
	v14 =	vadd.f32 v25, v14  }
0x3ca: {  	v17 =	vmul.f32 v17, v6;
	v7 =	vadd.f32 v7, v8;
	v8 =	vadd.f32 v24, v15;
	v15 =	vld [tilespmem:$0x1C260]  }
0x3cb: {  	v22 =	vmul.f32 v30, v6;
	v9 =	vadd.f32 v16, v9;
	v12 =	vadd.f32 v18, v12;
	[tilespmem:$0x1C600] =	vst v14;
	v14 =	vld [tilespmem:$0x1C270]  }
0x3cc: {  	v6 =	vmul.f32 v23, v6;
	v11 =	vadd.f32 v17, v11;
	[tilespmem:$0x1C610] =	vst v8;
	v8 =	vadd.f32 v20, v13  }
0x3cd: {  	v10 =	vadd.f32 v22, v10;
	[tilespmem:$0x1C620] =	vst v12;
	v9 =	vadd.f32 v21, v9  }
0x3ce: {  	v6 =	vadd.f32 v6, v7;
	v7 =	vadd.f32 v19, v11;
	[tilespmem:$0x1C630] =	vst v8  }
0x3cf: {  	[tilespmem:$0x1C640] =	vst v9;
	v8 =	vadd.f32 v15, v10  }
0x3d0: {  	[tilespmem:$0x1C650] =	vst v7;
	v6 =	vadd.f32 v14, v6  }
0x3d1: {  	s24 =	simm.s32 $0x0;
	[tilespmem:$0x1C660] =	vst v8  }
0x3d2: {  	s0 =	simm.s32 $0x80;
	s25 =	simm.s32 $0x1C990;
	s30 =	sand.u32 $0xE000, s24;
	[tilespmem:$0x1C670] =	vst v6  }
0x3d3: {  	s0 =	sand.u32 $0x380, s0;
	s3 =	sadd.s32 $0xC180, s30;
	v6 =	vld [tilespmem:s25+$0x0]  }
0x3d4: {  	s26 =	sadd.s32 s0, s3;
	v7 =	vld [tilespmem:s25+$0xFFFFFFF0]  }
0x3d5: {  	v8 =	vld [tilespmem:s26+$0x800]  }
0x3d6: {  	v9 =	vld [tilespmem:s26+$0x810]  }
0x3d7: {  	v20 =	vld [tilespmem:s26+$0x820]  }
0x3d8: {  	s31 =	simm.s32 $0x0;
	v21 =	vld [tilespmem:s26+$0x830]  }
0x3d9: {  	s0 =	sand.u32 $0x300, s31;
	v16 =	vld [tilespmem:s26+$0x840]  }
0x3da: {  	s3 =	sadd.s32 s0, s3;
	v17 =	vld [tilespmem:s26+$0x850]  }
0x3db: {  	v23 =	vld [tilespmem:s3+$0x800]  }
0x3dc: {  	v12 =	vimm.f32 $0.0e+00;
	v25 =	vld [tilespmem:s3+$0x810]  }
0x3dd: {  	v13 =	vimm.f32 $0.0e+00;
	v11 =	vimm.f32 $0.0e+00;
	v15 =	vimm.f32 $0.0e+00;
	v24 =	vld [tilespmem:s3+$0x820]  }
0x3de: {  	v10 =	vimm.f32 $0.0e+00;
	v14 =	vimm.f32 $0.0e+00;
	v26 =	vld [tilespmem:s3+$0x830];
	v18 =	vmul.f32 v8, v6  }
0x3df: {  	s28 =	simm.s32 $0x180;
	v22 =	vld [tilespmem:s3+$0x840];
	v19 =	vmul.f32 v9, v6;
	v9 =	vimm.f32 $0.0e+00;
	v8 =	vimm.f32 $0.0e+00  }
.LBB2_66:
0x3e0: {  	p0 =	sne.s32 s28, $0x1F80;
	v27 =	vld [tilespmem:s3+$0x850];
	v20 =	vmul.f32 v20, v6;
	v21 =	vmul.f32 v21, v6  }
0x3e1: {  	v16 =	vmul.f32 v16, v6;
	v17 =	vmul.f32 v17, v6;
	v28 =	vld [tilespmem:s3+$0x860]  }
0x3e2: {  	v23 =	vmul.f32 v23, v7;
	v25 =	vmul.f32 v25, v7;
	v29 =	vld [tilespmem:s3+$0x870]  }
0x3e3: {  	s24 =	sadd.s32 $0x800, s24;
	v24 =	vmul.f32 v24, v7;
	v26 =	vmul.f32 v26, v7;
	v30 =	vld [tilespmem:s26+$0x860]  }
0x3e4: {  	s25 =	sadd.s32 $0x20, s25;
	s0 =	sand.u32 $0xE000, s24;
	v14 =	vadd.f32 v23, v14;
	v15 =	vadd.f32 v25, v15;
	v22 =	vmul.f32 v22, v7;
	v23 =	vld [tilespmem:s26+$0x870]  }
0x3e5: {  	s0 =	sadd.s32 $0xC180, s0;
	s3 =	sand.u32 $0x380, s28;
	v12 =	vadd.f32 v24, v12;
	v25 =	vld [tilespmem:s25+$0x0];
	v13 =	vadd.f32 v26, v13;
	v24 =	vmul.f32 v27, v7  }
0x3e6: {  	s26 =	sadd.s32 s3, s0;
	v14 =	vadd.f32 v18, v14;
	v15 =	vadd.f32 v19, v15;
	v26 =	vld [tilespmem:s25+$0xFFFFFFF0];
	v27 =	vmul.f32 v28, v7  }
0x3e7: {  	v12 =	vadd.f32 v20, v12;
	v18 =	vld [tilespmem:s26+$0x800];
	v7 =	vmul.f32 v29, v7;
	v13 =	vadd.f32 v21, v13  }
0x3e8: {  	v9 =	vadd.f32 v22, v9;
	v11 =	vadd.f32 v24, v11;
	v19 =	vld [tilespmem:s26+$0x810];
	v22 =	vmul.f32 v30, v6  }
0x3e9: {  	v10 =	vadd.f32 v27, v10;
	v20 =	vld [tilespmem:s26+$0x820];
	v24 =	vadd.f32 v7, v8;
	v8 =	vmul.f32 v23, v6  }
0x3ea: {  	s3 =	sadd.s32 $0xFFFFFF80, s28;
	v9 =	vadd.f32 v16, v9;
	v11 =	vadd.f32 v17, v11;
	v21 =	vld [tilespmem:s26+$0x830];
	v6 =	vmov v25  }
0x3eb: {  	s3 =	sand.u32 $0x300, s3;
	v10 =	vadd.f32 v22, v10;
	v16 =	vld [tilespmem:s26+$0x840];
	v8 =	vadd.f32 v8, v24;
	v7 =	vmov v26  }
0x3ec: {  	s3 =	sadd.s32 s3, s0;
	v17 =	vld [tilespmem:s26+$0x850]  }
.Ltmp36:
0x3ed: {  	v23 =	vld [tilespmem:s3+$0x800];
	(pc) =	sbr.rel @p0 .LBB2_66-.Ltmp36, $4  }
0x3ee: {  	v25 =	vld [tilespmem:s3+$0x810]  }
0x3ef: {  	v24 =	vld [tilespmem:s3+$0x820]  }
0x3f0: {  	v26 =	vld [tilespmem:s3+$0x830]  }
0x3f1: {  	s28 =	sadd.s32 $0x100, s28;
	v18 =	vmul.f32 v18, v6;
	v19 =	vmul.f32 v19, v6;
	v22 =	vld [tilespmem:s3+$0x840]  }
0x3f2: {  	v27 =	vld [tilespmem:s3+$0x850]  }
0x3f3: {  	v28 =	vld [tilespmem:s3+$0x860]  }
0x3f4: {  	v29 =	vld [tilespmem:s3+$0x870];
	v23 =	vmul.f32 v23, v7  }
0x3f5: {  	v30 =	vld [tilespmem:s26+$0x860];
	v25 =	vmul.f32 v25, v7  }
0x3f6: {  	v20 =	vmul.f32 v20, v6;
	v24 =	vmul.f32 v24, v7;
	v14 =	vadd.f32 v23, v14;
	v23 =	vld [tilespmem:s26+$0x870]  }
0x3f7: {  	v21 =	vmul.f32 v21, v6;
	v26 =	vmul.f32 v26, v7;
	v15 =	vadd.f32 v25, v15;
	v25 =	vld [tilespmem:$0x1C280]  }
0x3f8: {  	v22 =	vmul.f32 v22, v7;
	v12 =	vadd.f32 v24, v12;
	v24 =	vld [tilespmem:$0x1C290];
	v14 =	vadd.f32 v18, v14  }
0x3f9: {  	v18 =	vld [tilespmem:$0x1C2A0];
	v13 =	vadd.f32 v26, v13;
	v26 =	vmul.f32 v27, v7;
	v15 =	vadd.f32 v19, v15  }
0x3fa: {  	v19 =	vmul.f32 v28, v7;
	v12 =	vadd.f32 v20, v12;
	v20 =	vld [tilespmem:$0x1C2B0];
	v9 =	vadd.f32 v22, v9  }
0x3fb: {  	v7 =	vmul.f32 v29, v7;
	v13 =	vadd.f32 v21, v13;
	v11 =	vadd.f32 v26, v11;
	v21 =	vld [tilespmem:$0x1C2C0]  }
0x3fc: {  	v16 =	vmul.f32 v16, v6;
	v10 =	vadd.f32 v19, v10;
	v19 =	vld [tilespmem:$0x1C2D0];
	v14 =	vadd.f32 v25, v14  }
0x3fd: {  	v17 =	vmul.f32 v17, v6;
	v7 =	vadd.f32 v7, v8;
	v8 =	vadd.f32 v24, v15;
	v15 =	vld [tilespmem:$0x1C2E0]  }
0x3fe: {  	v22 =	vmul.f32 v30, v6;
	v9 =	vadd.f32 v16, v9;
	v12 =	vadd.f32 v18, v12;
	[tilespmem:$0x1C680] =	vst v14;
	v14 =	vld [tilespmem:$0x1C2F0]  }
0x3ff: {  	v6 =	vmul.f32 v23, v6;
	v11 =	vadd.f32 v17, v11;
	[tilespmem:$0x1C690] =	vst v8;
	v8 =	vadd.f32 v20, v13  }
0x400: {  	v10 =	vadd.f32 v22, v10;
	[tilespmem:$0x1C6A0] =	vst v12;
	v9 =	vadd.f32 v21, v9  }
0x401: {  	v6 =	vadd.f32 v6, v7;
	v7 =	vadd.f32 v19, v11;
	[tilespmem:$0x1C6B0] =	vst v8  }
0x402: {  	[tilespmem:$0x1C6C0] =	vst v9;
	v8 =	vadd.f32 v15, v10  }
0x403: {  	[tilespmem:$0x1C6D0] =	vst v7;
	v6 =	vadd.f32 v14, v6  }
0x404: {  	s24 =	simm.s32 $0x0;
	[tilespmem:$0x1C6E0] =	vst v8  }
0x405: {  	s0 =	simm.s32 $0x80;
	s25 =	simm.s32 $0x1C990;
	s30 =	sand.u32 $0xE000, s24;
	[tilespmem:$0x1C6F0] =	vst v6  }
0x406: {  	s0 =	sand.u32 $0x380, s0;
	s3 =	sadd.s32 $0xC180, s30;
	v6 =	vld [tilespmem:s25+$0x0]  }
0x407: {  	s26 =	sadd.s32 s0, s3;
	v7 =	vld [tilespmem:s25+$0xFFFFFFF0]  }
0x408: {  	v8 =	vld [tilespmem:s26+$0xC00]  }
0x409: {  	v9 =	vld [tilespmem:s26+$0xC10]  }
0x40a: {  	v20 =	vld [tilespmem:s26+$0xC20]  }
0x40b: {  	s31 =	simm.s32 $0x0;
	v21 =	vld [tilespmem:s26+$0xC30]  }
0x40c: {  	s0 =	sand.u32 $0x300, s31;
	v16 =	vld [tilespmem:s26+$0xC40]  }
0x40d: {  	s3 =	sadd.s32 s0, s3;
	v17 =	vld [tilespmem:s26+$0xC50]  }
0x40e: {  	v23 =	vld [tilespmem:s3+$0xC00]  }
0x40f: {  	v12 =	vimm.f32 $0.0e+00;
	v25 =	vld [tilespmem:s3+$0xC10]  }
0x410: {  	v13 =	vimm.f32 $0.0e+00;
	v11 =	vimm.f32 $0.0e+00;
	v15 =	vimm.f32 $0.0e+00;
	v24 =	vld [tilespmem:s3+$0xC20]  }
0x411: {  	v10 =	vimm.f32 $0.0e+00;
	v14 =	vimm.f32 $0.0e+00;
	v26 =	vld [tilespmem:s3+$0xC30];
	v18 =	vmul.f32 v8, v6  }
0x412: {  	s28 =	simm.s32 $0x180;
	v22 =	vld [tilespmem:s3+$0xC40];
	v19 =	vmul.f32 v9, v6;
	v9 =	vimm.f32 $0.0e+00;
	v8 =	vimm.f32 $0.0e+00  }
.LBB2_68:
0x413: {  	p0 =	sne.s32 s28, $0x1F80;
	v27 =	vld [tilespmem:s3+$0xC50];
	v20 =	vmul.f32 v20, v6;
	v21 =	vmul.f32 v21, v6  }
0x414: {  	v16 =	vmul.f32 v16, v6;
	v17 =	vmul.f32 v17, v6;
	v28 =	vld [tilespmem:s3+$0xC60]  }
0x415: {  	v23 =	vmul.f32 v23, v7;
	v25 =	vmul.f32 v25, v7;
	v29 =	vld [tilespmem:s3+$0xC70]  }
0x416: {  	s24 =	sadd.s32 $0x800, s24;
	v24 =	vmul.f32 v24, v7;
	v26 =	vmul.f32 v26, v7;
	v30 =	vld [tilespmem:s26+$0xC60]  }
0x417: {  	s25 =	sadd.s32 $0x20, s25;
	s0 =	sand.u32 $0xE000, s24;
	v14 =	vadd.f32 v23, v14;
	v15 =	vadd.f32 v25, v15;
	v22 =	vmul.f32 v22, v7;
	v23 =	vld [tilespmem:s26+$0xC70]  }
0x418: {  	s0 =	sadd.s32 $0xC180, s0;
	s3 =	sand.u32 $0x380, s28;
	v12 =	vadd.f32 v24, v12;
	v25 =	vld [tilespmem:s25+$0x0];
	v13 =	vadd.f32 v26, v13;
	v24 =	vmul.f32 v27, v7  }
0x419: {  	s26 =	sadd.s32 s3, s0;
	v14 =	vadd.f32 v18, v14;
	v15 =	vadd.f32 v19, v15;
	v26 =	vld [tilespmem:s25+$0xFFFFFFF0];
	v27 =	vmul.f32 v28, v7  }
0x41a: {  	v12 =	vadd.f32 v20, v12;
	v18 =	vld [tilespmem:s26+$0xC00];
	v7 =	vmul.f32 v29, v7;
	v13 =	vadd.f32 v21, v13  }
0x41b: {  	v9 =	vadd.f32 v22, v9;
	v11 =	vadd.f32 v24, v11;
	v19 =	vld [tilespmem:s26+$0xC10];
	v22 =	vmul.f32 v30, v6  }
0x41c: {  	v10 =	vadd.f32 v27, v10;
	v20 =	vld [tilespmem:s26+$0xC20];
	v24 =	vadd.f32 v7, v8;
	v8 =	vmul.f32 v23, v6  }
0x41d: {  	s3 =	sadd.s32 $0xFFFFFF80, s28;
	v9 =	vadd.f32 v16, v9;
	v11 =	vadd.f32 v17, v11;
	v21 =	vld [tilespmem:s26+$0xC30];
	v6 =	vmov v25  }
0x41e: {  	s3 =	sand.u32 $0x300, s3;
	v10 =	vadd.f32 v22, v10;
	v16 =	vld [tilespmem:s26+$0xC40];
	v8 =	vadd.f32 v8, v24;
	v7 =	vmov v26  }
0x41f: {  	s3 =	sadd.s32 s3, s0;
	v17 =	vld [tilespmem:s26+$0xC50]  }
.Ltmp37:
0x420: {  	v23 =	vld [tilespmem:s3+$0xC00];
	(pc) =	sbr.rel @p0 .LBB2_68-.Ltmp37, $4  }
0x421: {  	v25 =	vld [tilespmem:s3+$0xC10]  }
0x422: {  	v24 =	vld [tilespmem:s3+$0xC20]  }
0x423: {  	v26 =	vld [tilespmem:s3+$0xC30]  }
0x424: {  	s28 =	sadd.s32 $0x100, s28;
	v18 =	vmul.f32 v18, v6;
	v19 =	vmul.f32 v19, v6;
	v22 =	vld [tilespmem:s3+$0xC40]  }
0x425: {  	v27 =	vld [tilespmem:s3+$0xC50]  }
0x426: {  	v28 =	vld [tilespmem:s3+$0xC60]  }
0x427: {  	v29 =	vld [tilespmem:s3+$0xC70];
	v23 =	vmul.f32 v23, v7  }
0x428: {  	v30 =	vld [tilespmem:s26+$0xC60];
	v25 =	vmul.f32 v25, v7  }
0x429: {  	v20 =	vmul.f32 v20, v6;
	v24 =	vmul.f32 v24, v7;
	v14 =	vadd.f32 v23, v14;
	v23 =	vld [tilespmem:s26+$0xC70]  }
0x42a: {  	v21 =	vmul.f32 v21, v6;
	v26 =	vmul.f32 v26, v7;
	v15 =	vadd.f32 v25, v15;
	v25 =	vld [tilespmem:$0x1C300]  }
0x42b: {  	v22 =	vmul.f32 v22, v7;
	v12 =	vadd.f32 v24, v12;
	v24 =	vld [tilespmem:$0x1C310];
	v14 =	vadd.f32 v18, v14  }
0x42c: {  	v18 =	vld [tilespmem:$0x1C320];
	v13 =	vadd.f32 v26, v13;
	v26 =	vmul.f32 v27, v7;
	v15 =	vadd.f32 v19, v15  }
0x42d: {  	v19 =	vmul.f32 v28, v7;
	v12 =	vadd.f32 v20, v12;
	v20 =	vld [tilespmem:$0x1C330];
	v9 =	vadd.f32 v22, v9  }
0x42e: {  	v7 =	vmul.f32 v29, v7;
	v13 =	vadd.f32 v21, v13;
	v11 =	vadd.f32 v26, v11;
	v21 =	vld [tilespmem:$0x1C340]  }
0x42f: {  	v16 =	vmul.f32 v16, v6;
	v10 =	vadd.f32 v19, v10;
	v19 =	vld [tilespmem:$0x1C350];
	v14 =	vadd.f32 v25, v14  }
0x430: {  	v17 =	vmul.f32 v17, v6;
	v7 =	vadd.f32 v7, v8;
	v8 =	vadd.f32 v24, v15;
	v15 =	vld [tilespmem:$0x1C360]  }
0x431: {  	v22 =	vmul.f32 v30, v6;
	v9 =	vadd.f32 v16, v9;
	v12 =	vadd.f32 v18, v12;
	[tilespmem:$0x1C700] =	vst v14;
	v14 =	vld [tilespmem:$0x1C370]  }
0x432: {  	v6 =	vmul.f32 v23, v6;
	v11 =	vadd.f32 v17, v11;
	[tilespmem:$0x1C710] =	vst v8;
	v8 =	vadd.f32 v20, v13  }
0x433: {  	v10 =	vadd.f32 v22, v10;
	[tilespmem:$0x1C720] =	vst v12;
	v9 =	vadd.f32 v21, v9  }
0x434: {  	v6 =	vadd.f32 v6, v7;
	v7 =	vadd.f32 v19, v11;
	[tilespmem:$0x1C730] =	vst v8  }
0x435: {  	[tilespmem:$0x1C740] =	vst v9;
	v8 =	vadd.f32 v15, v10  }
0x436: {  	[tilespmem:$0x1C750] =	vst v7;
	v6 =	vadd.f32 v14, v6  }
0x437: {  	s24 =	simm.s32 $0x0;
	[tilespmem:$0x1C760] =	vst v8  }
0x438: {  	s0 =	simm.s32 $0x80;
	s25 =	simm.s32 $0x1C990;
	s30 =	sand.u32 $0xE000, s24;
	[tilespmem:$0x1C770] =	vst v6  }
0x439: {  	s0 =	sand.u32 $0x380, s0;
	s3 =	sadd.s32 $0xC180, s30;
	v6 =	vld [tilespmem:s25+$0x0]  }
0x43a: {  	s26 =	sadd.s32 s0, s3;
	v7 =	vld [tilespmem:s25+$0xFFFFFFF0]  }
0x43b: {  	v8 =	vld [tilespmem:s26+$0x1000]  }
0x43c: {  	v9 =	vld [tilespmem:s26+$0x1010]  }
0x43d: {  	v20 =	vld [tilespmem:s26+$0x1020]  }
0x43e: {  	s31 =	simm.s32 $0x0;
	v21 =	vld [tilespmem:s26+$0x1030]  }
0x43f: {  	s0 =	sand.u32 $0x300, s31;
	v16 =	vld [tilespmem:s26+$0x1040]  }
0x440: {  	s3 =	sadd.s32 s0, s3;
	v17 =	vld [tilespmem:s26+$0x1050]  }
0x441: {  	v23 =	vld [tilespmem:s3+$0x1000]  }
0x442: {  	v12 =	vimm.f32 $0.0e+00;
	v25 =	vld [tilespmem:s3+$0x1010]  }
0x443: {  	v13 =	vimm.f32 $0.0e+00;
	v11 =	vimm.f32 $0.0e+00;
	v15 =	vimm.f32 $0.0e+00;
	v24 =	vld [tilespmem:s3+$0x1020]  }
0x444: {  	v10 =	vimm.f32 $0.0e+00;
	v14 =	vimm.f32 $0.0e+00;
	v26 =	vld [tilespmem:s3+$0x1030];
	v18 =	vmul.f32 v8, v6  }
0x445: {  	s28 =	simm.s32 $0x180;
	v22 =	vld [tilespmem:s3+$0x1040];
	v19 =	vmul.f32 v9, v6;
	v9 =	vimm.f32 $0.0e+00;
	v8 =	vimm.f32 $0.0e+00  }
.LBB2_70:
0x446: {  	p0 =	sne.s32 s28, $0x1F80;
	v27 =	vld [tilespmem:s3+$0x1050];
	v20 =	vmul.f32 v20, v6;
	v21 =	vmul.f32 v21, v6  }
0x447: {  	v16 =	vmul.f32 v16, v6;
	v17 =	vmul.f32 v17, v6;
	v28 =	vld [tilespmem:s3+$0x1060]  }
0x448: {  	v23 =	vmul.f32 v23, v7;
	v25 =	vmul.f32 v25, v7;
	v29 =	vld [tilespmem:s3+$0x1070]  }
0x449: {  	s24 =	sadd.s32 $0x800, s24;
	v24 =	vmul.f32 v24, v7;
	v26 =	vmul.f32 v26, v7;
	v30 =	vld [tilespmem:s26+$0x1060]  }
0x44a: {  	s25 =	sadd.s32 $0x20, s25;
	s0 =	sand.u32 $0xE000, s24;
	v14 =	vadd.f32 v23, v14;
	v15 =	vadd.f32 v25, v15;
	v22 =	vmul.f32 v22, v7;
	v23 =	vld [tilespmem:s26+$0x1070]  }
0x44b: {  	s0 =	sadd.s32 $0xC180, s0;
	s3 =	sand.u32 $0x380, s28;
	v12 =	vadd.f32 v24, v12;
	v25 =	vld [tilespmem:s25+$0x0];
	v13 =	vadd.f32 v26, v13;
	v24 =	vmul.f32 v27, v7  }
0x44c: {  	s26 =	sadd.s32 s3, s0;
	v14 =	vadd.f32 v18, v14;
	v15 =	vadd.f32 v19, v15;
	v26 =	vld [tilespmem:s25+$0xFFFFFFF0];
	v27 =	vmul.f32 v28, v7  }
0x44d: {  	v12 =	vadd.f32 v20, v12;
	v18 =	vld [tilespmem:s26+$0x1000];
	v7 =	vmul.f32 v29, v7;
	v13 =	vadd.f32 v21, v13  }
0x44e: {  	v9 =	vadd.f32 v22, v9;
	v11 =	vadd.f32 v24, v11;
	v19 =	vld [tilespmem:s26+$0x1010];
	v22 =	vmul.f32 v30, v6  }
0x44f: {  	v10 =	vadd.f32 v27, v10;
	v20 =	vld [tilespmem:s26+$0x1020];
	v24 =	vadd.f32 v7, v8;
	v8 =	vmul.f32 v23, v6  }
0x450: {  	s3 =	sadd.s32 $0xFFFFFF80, s28;
	v9 =	vadd.f32 v16, v9;
	v11 =	vadd.f32 v17, v11;
	v21 =	vld [tilespmem:s26+$0x1030];
	v6 =	vmov v25  }
0x451: {  	s3 =	sand.u32 $0x300, s3;
	v10 =	vadd.f32 v22, v10;
	v16 =	vld [tilespmem:s26+$0x1040];
	v8 =	vadd.f32 v8, v24;
	v7 =	vmov v26  }
0x452: {  	s3 =	sadd.s32 s3, s0;
	v17 =	vld [tilespmem:s26+$0x1050]  }
.Ltmp38:
0x453: {  	v23 =	vld [tilespmem:s3+$0x1000];
	(pc) =	sbr.rel @p0 .LBB2_70-.Ltmp38, $4  }
0x454: {  	v25 =	vld [tilespmem:s3+$0x1010]  }
0x455: {  	v24 =	vld [tilespmem:s3+$0x1020]  }
0x456: {  	v26 =	vld [tilespmem:s3+$0x1030]  }
0x457: {  	s28 =	sadd.s32 $0x100, s28;
	v18 =	vmul.f32 v18, v6;
	v19 =	vmul.f32 v19, v6;
	v22 =	vld [tilespmem:s3+$0x1040]  }
0x458: {  	v27 =	vld [tilespmem:s3+$0x1050]  }
0x459: {  	v28 =	vld [tilespmem:s3+$0x1060]  }
0x45a: {  	v29 =	vld [tilespmem:s3+$0x1070];
	v23 =	vmul.f32 v23, v7  }
0x45b: {  	v30 =	vld [tilespmem:s26+$0x1060];
	v25 =	vmul.f32 v25, v7  }
0x45c: {  	v20 =	vmul.f32 v20, v6;
	v24 =	vmul.f32 v24, v7;
	v14 =	vadd.f32 v23, v14;
	v23 =	vld [tilespmem:s26+$0x1070]  }
0x45d: {  	v21 =	vmul.f32 v21, v6;
	v26 =	vmul.f32 v26, v7;
	v15 =	vadd.f32 v25, v15;
	v25 =	vld [tilespmem:$0x1C380]  }
0x45e: {  	v22 =	vmul.f32 v22, v7;
	v12 =	vadd.f32 v24, v12;
	v24 =	vld [tilespmem:$0x1C390];
	v14 =	vadd.f32 v18, v14  }
0x45f: {  	v18 =	vld [tilespmem:$0x1C3A0];
	v13 =	vadd.f32 v26, v13;
	v26 =	vmul.f32 v27, v7;
	v15 =	vadd.f32 v19, v15  }
0x460: {  	v19 =	vmul.f32 v28, v7;
	v12 =	vadd.f32 v20, v12;
	v20 =	vld [tilespmem:$0x1C3B0];
	v9 =	vadd.f32 v22, v9  }
0x461: {  	v7 =	vmul.f32 v29, v7;
	v13 =	vadd.f32 v21, v13;
	v11 =	vadd.f32 v26, v11;
	v21 =	vld [tilespmem:$0x1C3C0]  }
0x462: {  	v16 =	vmul.f32 v16, v6;
	v10 =	vadd.f32 v19, v10;
	v19 =	vld [tilespmem:$0x1C3D0];
	v14 =	vadd.f32 v25, v14  }
0x463: {  	v17 =	vmul.f32 v17, v6;
	v7 =	vadd.f32 v7, v8;
	v8 =	vadd.f32 v24, v15;
	v15 =	vld [tilespmem:$0x1C3E0]  }
0x464: {  	v22 =	vmul.f32 v30, v6;
	v9 =	vadd.f32 v16, v9;
	v12 =	vadd.f32 v18, v12;
	[tilespmem:$0x1C780] =	vst v14;
	v14 =	vld [tilespmem:$0x1C3F0]  }
0x465: {  	v6 =	vmul.f32 v23, v6;
	v11 =	vadd.f32 v17, v11;
	[tilespmem:$0x1C790] =	vst v8;
	v8 =	vadd.f32 v20, v13  }
0x466: {  	v10 =	vadd.f32 v22, v10;
	[tilespmem:$0x1C7A0] =	vst v12;
	v9 =	vadd.f32 v21, v9  }
0x467: {  	v6 =	vadd.f32 v6, v7;
	v7 =	vadd.f32 v19, v11;
	[tilespmem:$0x1C7B0] =	vst v8  }
0x468: {  	[tilespmem:$0x1C7C0] =	vst v9;
	v8 =	vadd.f32 v15, v10  }
0x469: {  	[tilespmem:$0x1C7D0] =	vst v7;
	v6 =	vadd.f32 v14, v6  }
0x46a: {  	s24 =	simm.s32 $0x0;
	[tilespmem:$0x1C7E0] =	vst v8  }
0x46b: {  	s0 =	simm.s32 $0x80;
	s25 =	simm.s32 $0x1C990;
	s30 =	sand.u32 $0xE000, s24;
	[tilespmem:$0x1C7F0] =	vst v6  }
0x46c: {  	s0 =	sand.u32 $0x380, s0;
	s3 =	sadd.s32 $0xC180, s30;
	v6 =	vld [tilespmem:s25+$0x0]  }
0x46d: {  	s26 =	sadd.s32 s0, s3;
	v7 =	vld [tilespmem:s25+$0xFFFFFFF0]  }
0x46e: {  	v8 =	vld [tilespmem:s26+$0x1400]  }
0x46f: {  	v9 =	vld [tilespmem:s26+$0x1410]  }
0x470: {  	v20 =	vld [tilespmem:s26+$0x1420]  }
0x471: {  	s31 =	simm.s32 $0x0;
	v21 =	vld [tilespmem:s26+$0x1430]  }
0x472: {  	s0 =	sand.u32 $0x300, s31;
	v16 =	vld [tilespmem:s26+$0x1440]  }
0x473: {  	s3 =	sadd.s32 s0, s3;
	v17 =	vld [tilespmem:s26+$0x1450]  }
0x474: {  	v23 =	vld [tilespmem:s3+$0x1400]  }
0x475: {  	v12 =	vimm.f32 $0.0e+00;
	v25 =	vld [tilespmem:s3+$0x1410]  }
0x476: {  	v13 =	vimm.f32 $0.0e+00;
	v11 =	vimm.f32 $0.0e+00;
	v15 =	vimm.f32 $0.0e+00;
	v24 =	vld [tilespmem:s3+$0x1420]  }
0x477: {  	v10 =	vimm.f32 $0.0e+00;
	v14 =	vimm.f32 $0.0e+00;
	v26 =	vld [tilespmem:s3+$0x1430];
	v18 =	vmul.f32 v8, v6  }
0x478: {  	s28 =	simm.s32 $0x180;
	v22 =	vld [tilespmem:s3+$0x1440];
	v19 =	vmul.f32 v9, v6;
	v9 =	vimm.f32 $0.0e+00;
	v8 =	vimm.f32 $0.0e+00  }
.LBB2_72:
0x479: {  	p0 =	sne.s32 s28, $0x1F80;
	v27 =	vld [tilespmem:s3+$0x1450];
	v20 =	vmul.f32 v20, v6;
	v21 =	vmul.f32 v21, v6  }
0x47a: {  	v16 =	vmul.f32 v16, v6;
	v17 =	vmul.f32 v17, v6;
	v28 =	vld [tilespmem:s3+$0x1460]  }
0x47b: {  	v23 =	vmul.f32 v23, v7;
	v25 =	vmul.f32 v25, v7;
	v29 =	vld [tilespmem:s3+$0x1470]  }
0x47c: {  	s24 =	sadd.s32 $0x800, s24;
	v24 =	vmul.f32 v24, v7;
	v26 =	vmul.f32 v26, v7;
	v30 =	vld [tilespmem:s26+$0x1460]  }
0x47d: {  	s25 =	sadd.s32 $0x20, s25;
	s0 =	sand.u32 $0xE000, s24;
	v14 =	vadd.f32 v23, v14;
	v15 =	vadd.f32 v25, v15;
	v22 =	vmul.f32 v22, v7;
	v23 =	vld [tilespmem:s26+$0x1470]  }
0x47e: {  	s0 =	sadd.s32 $0xC180, s0;
	s3 =	sand.u32 $0x380, s28;
	v12 =	vadd.f32 v24, v12;
	v25 =	vld [tilespmem:s25+$0x0];
	v13 =	vadd.f32 v26, v13;
	v24 =	vmul.f32 v27, v7  }
0x47f: {  	s26 =	sadd.s32 s3, s0;
	v14 =	vadd.f32 v18, v14;
	v15 =	vadd.f32 v19, v15;
	v26 =	vld [tilespmem:s25+$0xFFFFFFF0];
	v27 =	vmul.f32 v28, v7  }
0x480: {  	v12 =	vadd.f32 v20, v12;
	v18 =	vld [tilespmem:s26+$0x1400];
	v7 =	vmul.f32 v29, v7;
	v13 =	vadd.f32 v21, v13  }
0x481: {  	v9 =	vadd.f32 v22, v9;
	v11 =	vadd.f32 v24, v11;
	v19 =	vld [tilespmem:s26+$0x1410];
	v22 =	vmul.f32 v30, v6  }
0x482: {  	v10 =	vadd.f32 v27, v10;
	v20 =	vld [tilespmem:s26+$0x1420];
	v24 =	vadd.f32 v7, v8;
	v8 =	vmul.f32 v23, v6  }
0x483: {  	s3 =	sadd.s32 $0xFFFFFF80, s28;
	v9 =	vadd.f32 v16, v9;
	v11 =	vadd.f32 v17, v11;
	v21 =	vld [tilespmem:s26+$0x1430];
	v6 =	vmov v25  }
0x484: {  	s3 =	sand.u32 $0x300, s3;
	v10 =	vadd.f32 v22, v10;
	v16 =	vld [tilespmem:s26+$0x1440];
	v8 =	vadd.f32 v8, v24;
	v7 =	vmov v26  }
0x485: {  	s3 =	sadd.s32 s3, s0;
	v17 =	vld [tilespmem:s26+$0x1450]  }
.Ltmp39:
0x486: {  	v23 =	vld [tilespmem:s3+$0x1400];
	(pc) =	sbr.rel @p0 .LBB2_72-.Ltmp39, $4  }
0x487: {  	v25 =	vld [tilespmem:s3+$0x1410]  }
0x488: {  	v24 =	vld [tilespmem:s3+$0x1420]  }
0x489: {  	v26 =	vld [tilespmem:s3+$0x1430]  }
0x48a: {  	s28 =	sadd.s32 $0x100, s28;
	v18 =	vmul.f32 v18, v6;
	v19 =	vmul.f32 v19, v6;
	v22 =	vld [tilespmem:s3+$0x1440]  }
0x48b: {  	v27 =	vld [tilespmem:s3+$0x1450]  }
0x48c: {  	v28 =	vld [tilespmem:s3+$0x1460]  }
0x48d: {  	v29 =	vld [tilespmem:s3+$0x1470];
	v23 =	vmul.f32 v23, v7  }
0x48e: {  	v30 =	vld [tilespmem:s26+$0x1460];
	v25 =	vmul.f32 v25, v7  }
0x48f: {  	v20 =	vmul.f32 v20, v6;
	v24 =	vmul.f32 v24, v7;
	v14 =	vadd.f32 v23, v14;
	v23 =	vld [tilespmem:s26+$0x1470]  }
0x490: {  	v21 =	vmul.f32 v21, v6;
	v26 =	vmul.f32 v26, v7;
	v15 =	vadd.f32 v25, v15;
	v25 =	vld [tilespmem:$0x1C400]  }
0x491: {  	v22 =	vmul.f32 v22, v7;
	v12 =	vadd.f32 v24, v12;
	v24 =	vld [tilespmem:$0x1C410];
	v14 =	vadd.f32 v18, v14  }
0x492: {  	v18 =	vld [tilespmem:$0x1C420];
	v13 =	vadd.f32 v26, v13;
	v26 =	vmul.f32 v27, v7;
	v15 =	vadd.f32 v19, v15  }
0x493: {  	v19 =	vmul.f32 v28, v7;
	v12 =	vadd.f32 v20, v12;
	v20 =	vld [tilespmem:$0x1C430];
	v9 =	vadd.f32 v22, v9  }
0x494: {  	v7 =	vmul.f32 v29, v7;
	v13 =	vadd.f32 v21, v13;
	v11 =	vadd.f32 v26, v11;
	v21 =	vld [tilespmem:$0x1C440]  }
0x495: {  	v16 =	vmul.f32 v16, v6;
	v10 =	vadd.f32 v19, v10;
	v19 =	vld [tilespmem:$0x1C450];
	v14 =	vadd.f32 v25, v14  }
0x496: {  	v17 =	vmul.f32 v17, v6;
	v7 =	vadd.f32 v7, v8;
	v8 =	vadd.f32 v24, v15;
	v15 =	vld [tilespmem:$0x1C460]  }
0x497: {  	v22 =	vmul.f32 v30, v6;
	v9 =	vadd.f32 v16, v9;
	v12 =	vadd.f32 v18, v12;
	[tilespmem:$0x1C800] =	vst v14;
	v14 =	vld [tilespmem:$0x1C470]  }
0x498: {  	v6 =	vmul.f32 v23, v6;
	v11 =	vadd.f32 v17, v11;
	[tilespmem:$0x1C810] =	vst v8;
	v8 =	vadd.f32 v20, v13  }
0x499: {  	v10 =	vadd.f32 v22, v10;
	[tilespmem:$0x1C820] =	vst v12;
	v9 =	vadd.f32 v21, v9  }
0x49a: {  	v6 =	vadd.f32 v6, v7;
	v7 =	vadd.f32 v19, v11;
	[tilespmem:$0x1C830] =	vst v8  }
0x49b: {  	[tilespmem:$0x1C840] =	vst v9;
	v8 =	vadd.f32 v15, v10  }
0x49c: {  	s24 =	simm.s32 $0x0;
	[tilespmem:$0x1C850] =	vst v7;
	v6 =	vadd.f32 v14, v6  }
0x49d: {  	s0 =	sand.u32 $0x7, s24;
	[tilespmem:$0x1C860] =	vst v8  }
0x49e: {  	s26 =	simm.s32 $0x1C990;
	s0 =	sshll.u32 s0, $0x7;
	[tilespmem:$0x1C870] =	vst v6  }
0x49f: {  	s25 =	sadd.s32 $0x80, s0;
	v6 =	vld [tilespmem:s26+$0x0]  }
0x4a0: {  	s0 =	sor.u32 $0x1800, s25;
	v7 =	vld [tilespmem:s26+$0xFFFFFFF0]  }
0x4a1: {  	s3 =	sor.u32 $0x1810, s25;
	v17 =	vld [tilespmem:s0+$0xC180]  }
0x4a2: {  	s2 =	sor.u32 $0x1820, s25;
	v19 =	vld [tilespmem:s3+$0xC180]  }
0x4a3: {  	s3 =	sand.u32 $0x3, s24;
	v18 =	vld [tilespmem:s2+$0xC180];
	s2 =	sor.u32 $0x1830, s25  }
0x4a4: {  	s3 =	sshll.u32 s3, $0x8;
	v21 =	vld [tilespmem:s2+$0xC180];
	s2 =	sor.u32 $0x1840, s25  }
0x4a5: {  	s3 =	sadd.s32 $0x0, s3;
	v16 =	vld [tilespmem:s2+$0xC180];
	s2 =	sor.u32 $0x1850, s25  }
0x4a6: {  	s28 =	sor.u32 $0x1800, s3;
	v20 =	vld [tilespmem:s2+$0xC180]  }
0x4a7: {  	s2 =	sor.u32 $0x1810, s3;
	v22 =	vld [tilespmem:s28+$0xC180]  }
0x4a8: {  	v12 =	vimm.f32 $0.0e+00;
	v13 =	vimm.f32 $0.0e+00;
	s29 =	sor.u32 $0x1830, s3;
	v24 =	vld [tilespmem:s2+$0xC180]  }
0x4a9: {  	s30 =	simm.s32 $0x0;
	s31 =	simm.s32 $0x0;
	v11 =	vimm.f32 $0.0e+00;
	v15 =	vimm.f32 $0.0e+00;
	v9 =	vimm.f32 $0.0e+00;
	s2 =	sor.u32 $0x1820, s3;
	v25 =	vld [tilespmem:s29+$0xC180]  }
0x4aa: {  	v10 =	vimm.f32 $0.0e+00;
	v14 =	vimm.f32 $0.0e+00;
	v8 =	vimm.f32 $0.0e+00;
	s0 =	sor.u32 $0x1840, s3;
	s28 =	simm.s32 $0x80;
	s29 =	simm.s32 $0x100;
	v23 =	vld [tilespmem:s2+$0xC180]  }
.LBB2_74:
0x4ab: {  	p0 =	sne.s32 s29, $0x1F00;
	v26 =	vld [tilespmem:s0+$0xC180];
	s0 =	sor.u32 $0x1850, s3;
	v17 =	vmul.f32 v17, v6;
	v19 =	vmul.f32 v19, v6  }
0x4ac: {  	v18 =	vmul.f32 v18, v6;
	v21 =	vmul.f32 v21, v6;
	v27 =	vld [tilespmem:s0+$0xC180];
	s0 =	sor.u32 $0x1860, s3  }
0x4ad: {  	v16 =	vmul.f32 v16, v6;
	v20 =	vmul.f32 v20, v6;
	v28 =	vld [tilespmem:s0+$0xC180];
	s0 =	sor.u32 $0x1870, s3  }
0x4ae: {  	s24 =	sadd.s32 $0x2, s24;
	v22 =	vmul.f32 v22, v7;
	v24 =	vmul.f32 v24, v7;
	v29 =	vld [tilespmem:s0+$0xC180];
	s0 =	sor.u32 $0x1860, s25  }
0x4af: {  	s3 =	sand.u32 $0x7, s24;
	v23 =	vmul.f32 v23, v7;
	v25 =	vmul.f32 v25, v7;
	v30 =	vld [tilespmem:s0+$0xC180];
	s0 =	sor.u32 $0x1870, s25  }
0x4b0: {  	s28 =	sadd.s32 $0x800, s28;
	s26 =	sadd.s32 $0x20, s26;
	s3 =	sshll.u32 s3, $0x7;
	v15 =	vadd.f32 v22, v15;
	v14 =	vadd.f32 v24, v14;
	v22 =	vmul.f32 v26, v7;
	v24 =	vld [tilespmem:s0+$0xC180]  }
0x4b1: {  	s25 =	sadd.s32 s3, s28;
	v12 =	vadd.f32 v23, v12;
	v26 =	vld [tilespmem:s26+$0x0];
	v13 =	vadd.f32 v25, v13;
	v23 =	vmul.f32 v27, v7  }
0x4b2: {  	s0 =	sor.u32 $0x1800, s25;
	v15 =	vadd.f32 v17, v15;
	v14 =	vadd.f32 v19, v14;
	v25 =	vld [tilespmem:s26+$0xFFFFFFF0];
	v27 =	vmul.f32 v28, v7  }
0x4b3: {  	v12 =	vadd.f32 v18, v12;
	v17 =	vld [tilespmem:s0+$0xC180];
	s0 =	sor.u32 $0x1810, s25;
	v7 =	vmul.f32 v29, v7;
	v13 =	vadd.f32 v21, v13  }
0x4b4: {  	s30 =	sadd.s32 $0x1, s30;
	v9 =	vadd.f32 v22, v9;
	v11 =	vadd.f32 v23, v11;
	v19 =	vld [tilespmem:s0+$0xC180];
	s0 =	sor.u32 $0x1820, s25;
	v22 =	vmul.f32 v30, v6  }
0x4b5: {  	s3 =	sand.u32 $0x3, s30;
	v10 =	vadd.f32 v27, v10;
	v18 =	vld [tilespmem:s0+$0xC180];
	s0 =	sor.u32 $0x1830, s25;
	v23 =	vadd.f32 v7, v8;
	v8 =	vmul.f32 v24, v6  }
0x4b6: {  	s31 =	sadd.s32 $0x800, s31;
	s3 =	sshll.u32 s3, $0x8;
	v9 =	vadd.f32 v16, v9;
	v11 =	vadd.f32 v20, v11;
	v21 =	vld [tilespmem:s0+$0xC180];
	s0 =	sor.u32 $0x1840, s25;
	v6 =	vmov v26  }
0x4b7: {  	s3 =	sadd.s32 s3, s31;
	v10 =	vadd.f32 v22, v10;
	v16 =	vld [tilespmem:s0+$0xC180];
	s0 =	sor.u32 $0x1850, s25;
	v8 =	vadd.f32 v8, v23;
	v7 =	vmov v25  }
.Ltmp40:
0x4b8: {  	s2 =	sor.u32 $0x1800, s3;
	v20 =	vld [tilespmem:s0+$0xC180];
	(pc) =	sbr.rel @p0 .LBB2_74-.Ltmp40, $4  }
0x4b9: {  	s0 =	sor.u32 $0x1810, s3;
	v22 =	vld [tilespmem:s2+$0xC180]  }
0x4ba: {  	v24 =	vld [tilespmem:s0+$0xC180];
	s0 =	sor.u32 $0x1820, s3  }
0x4bb: {  	v23 =	vld [tilespmem:s0+$0xC180];
	s0 =	sor.u32 $0x1830, s3  }
0x4bc: {  	s29 =	sadd.s32 $0x100, s29;
	v25 =	vld [tilespmem:s0+$0xC180];
	s0 =	sor.u32 $0x1840, s3  }
0x4bd: {  	v26 =	vld [tilespmem:s0+$0xC180];
	s24 =	sor.u32 $0x1850, s3  }
0x4be: {  	s26 =	sor.u32 $0x1860, s3;
	v27 =	vld [tilespmem:s24+$0xC180]  }
0x4bf: {  	s2 =	sor.u32 $0x1870, s3;
	v28 =	vld [tilespmem:s26+$0xC180]  }
0x4c0: {  	v17 =	vmul.f32 v17, v6;
	s3 =	sor.u32 $0x1860, s25;
	v29 =	vld [tilespmem:s2+$0xC180];
	v22 =	vmul.f32 v22, v7  }
0x4c1: {  	v19 =	vmul.f32 v19, v6;
	v30 =	vld [tilespmem:s3+$0xC180];
	s24 =	sor.u32 $0x1870, s25;
	v24 =	vmul.f32 v24, v7  }
0x4c2: {  	v18 =	vmul.f32 v18, v6;
	v23 =	vmul.f32 v23, v7;
	v15 =	vadd.f32 v22, v15;
	v22 =	vld [tilespmem:s24+$0xC180]  }
0x4c3: {  	v21 =	vmul.f32 v21, v6;
	v25 =	vmul.f32 v25, v7;
	v14 =	vadd.f32 v24, v14;
	v24 =	vld [tilespmem:$0x1C480]  }
0x4c4: {  	v26 =	vmul.f32 v26, v7;
	v12 =	vadd.f32 v23, v12;
	v23 =	vld [tilespmem:$0x1C490];
	v15 =	vadd.f32 v17, v15  }
0x4c5: {  	v17 =	vld [tilespmem:$0x1C4A0];
	v13 =	vadd.f32 v25, v13;
	v25 =	vmul.f32 v27, v7;
	v14 =	vadd.f32 v19, v14  }
0x4c6: {  	v19 =	vmul.f32 v28, v7;
	v12 =	vadd.f32 v18, v12;
	v18 =	vld [tilespmem:$0x1C4B0];
	v9 =	vadd.f32 v26, v9  }
0x4c7: {  	v7 =	vmul.f32 v29, v7;
	v13 =	vadd.f32 v21, v13;
	v11 =	vadd.f32 v25, v11;
	v21 =	vld [tilespmem:$0x1C4C0]  }
0x4c8: {  	v16 =	vmul.f32 v16, v6;
	v10 =	vadd.f32 v19, v10;
	v19 =	vld [tilespmem:$0x1C4D0];
	v15 =	vadd.f32 v24, v15  }
0x4c9: {  	v20 =	vmul.f32 v20, v6;
	v7 =	vadd.f32 v7, v8;
	v8 =	vadd.f32 v23, v14;
	v14 =	vld [tilespmem:$0x1C4E0]  }
0x4ca: {  	v9 =	vadd.f32 v16, v9;
	v23 =	vmul.f32 v30, v6;
	v12 =	vadd.f32 v17, v12;
	[tilespmem:$0x1C880] =	vst v15;
	v15 =	vld [tilespmem:$0x1C4F0]  }
0x4cb: {  	v6 =	vmul.f32 v22, v6;
	v11 =	vadd.f32 v20, v11;
	[tilespmem:$0x1C890] =	vst v8;
	v8 =	vadd.f32 v18, v13  }
0x4cc: {  	v10 =	vadd.f32 v23, v10;
	[tilespmem:$0x1C8A0] =	vst v12;
	v9 =	vadd.f32 v21, v9  }
0x4cd: {  	v6 =	vadd.f32 v6, v7;
	v7 =	vadd.f32 v19, v11;
	[tilespmem:$0x1C8B0] =	vst v8  }
0x4ce: {  	[tilespmem:$0x1C8C0] =	vst v9;
	v8 =	vadd.f32 v14, v10  }
0x4cf: {  	s24 =	simm.s32 $0x0;
	[tilespmem:$0x1C8D0] =	vst v7;
	v6 =	vadd.f32 v15, v6  }
0x4d0: {  	s25 =	sand.u32 $0x7, s24;
	[tilespmem:$0x1C8E0] =	vst v8  }
0x4d1: {  	s26 =	simm.s32 $0x1C990;
	s0 =	sshll.u32 s25, $0x7;
	[tilespmem:$0x1C8F0] =	vst v6  }
0x4d2: {  	s25 =	sadd.s32 $0x80, s0;
	v6 =	vld [tilespmem:s26+$0x0]  }
0x4d3: {  	s0 =	sor.u32 $0x1C00, s25;
	v7 =	vld [tilespmem:s26+$0xFFFFFFF0]  }
0x4d4: {  	s2 =	sor.u32 $0x1C10, s25;
	v17 =	vld [tilespmem:s0+$0xC180]  }
0x4d5: {  	s3 =	sor.u32 $0x1C20, s25;
	v19 =	vld [tilespmem:s2+$0xC180]  }
0x4d6: {  	s2 =	sand.u32 $0x3, s24;
	v18 =	vld [tilespmem:s3+$0xC180];
	s3 =	sor.u32 $0x1C30, s25  }
0x4d7: {  	s0 =	sor.u32 $0x1C40, s25;
	s2 =	sshll.u32 s2, $0x8;
	v21 =	vld [tilespmem:s3+$0xC180]  }
0x4d8: {  	v16 =	vld [tilespmem:s0+$0xC180];
	s0 =	sor.u32 $0x1C50, s25;
	s3 =	sadd.s32 $0x0, s2  }
0x4d9: {  	v20 =	vld [tilespmem:s0+$0xC180];
	s2 =	sor.u32 $0x1C00, s3  }
0x4da: {  	v22 =	vld [tilespmem:s2+$0xC180];
	s2 =	sor.u32 $0x1C10, s3  }
0x4db: {  	v12 =	vimm.f32 $0.0e+00;
	v13 =	vimm.f32 $0.0e+00;
	v24 =	vld [tilespmem:s2+$0xC180];
	s2 =	sor.u32 $0x1C20, s3  }
0x4dc: {  	s28 =	simm.s32 $0x80;
	s29 =	simm.s32 $0x100;
	v11 =	vimm.f32 $0.0e+00;
	v14 =	vimm.f32 $0.0e+00;
	v9 =	vimm.f32 $0.0e+00;
	v23 =	vld [tilespmem:s2+$0xC180];
	s2 =	sor.u32 $0x1C30, s3  }
0x4dd: {  	s30 =	simm.s32 $0x0;
	s31 =	simm.s32 $0x0;
	v10 =	vimm.f32 $0.0e+00;
	v15 =	vimm.f32 $0.0e+00;
	v8 =	vimm.f32 $0.0e+00;
	s0 =	sor.u32 $0x1C40, s3;
	v25 =	vld [tilespmem:s2+$0xC180]  }
.LBB2_76:
0x4de: {  	p0 =	sne.s32 s29, $0x1F00;
	v26 =	vld [tilespmem:s0+$0xC180];
	s0 =	sor.u32 $0x1C50, s3;
	v17 =	vmul.f32 v17, v6;
	v19 =	vmul.f32 v19, v6  }
0x4df: {  	v18 =	vmul.f32 v18, v6;
	v21 =	vmul.f32 v21, v6;
	v27 =	vld [tilespmem:s0+$0xC180];
	s0 =	sor.u32 $0x1C60, s3  }
0x4e0: {  	v16 =	vmul.f32 v16, v6;
	v20 =	vmul.f32 v20, v6;
	v28 =	vld [tilespmem:s0+$0xC180];
	s0 =	sor.u32 $0x1C70, s3  }
0x4e1: {  	s24 =	sadd.s32 $0x2, s24;
	v22 =	vmul.f32 v22, v7;
	v24 =	vmul.f32 v24, v7;
	v29 =	vld [tilespmem:s0+$0xC180];
	s0 =	sor.u32 $0x1C60, s25  }
0x4e2: {  	s2 =	sand.u32 $0x7, s24;
	v23 =	vmul.f32 v23, v7;
	v25 =	vmul.f32 v25, v7;
	v30 =	vld [tilespmem:s0+$0xC180];
	s0 =	sor.u32 $0x1C70, s25  }
0x4e3: {  	s28 =	sadd.s32 $0x800, s28;
	s26 =	sadd.s32 $0x20, s26;
	s2 =	sshll.u32 s2, $0x7;
	v15 =	vadd.f32 v22, v15;
	v14 =	vadd.f32 v24, v14;
	v22 =	vmul.f32 v26, v7;
	v24 =	vld [tilespmem:s0+$0xC180]  }
0x4e4: {  	s25 =	sadd.s32 s2, s28;
	v12 =	vadd.f32 v23, v12;
	v26 =	vld [tilespmem:s26+$0x0];
	v13 =	vadd.f32 v25, v13;
	v23 =	vmul.f32 v27, v7  }
0x4e5: {  	s0 =	sor.u32 $0x1C00, s25;
	v15 =	vadd.f32 v17, v15;
	v14 =	vadd.f32 v19, v14;
	v25 =	vld [tilespmem:s26+$0xFFFFFFF0];
	v27 =	vmul.f32 v28, v7  }
0x4e6: {  	v12 =	vadd.f32 v18, v12;
	v17 =	vld [tilespmem:s0+$0xC180];
	s0 =	sor.u32 $0x1C10, s25;
	v7 =	vmul.f32 v29, v7;
	v13 =	vadd.f32 v21, v13  }
0x4e7: {  	s30 =	sadd.s32 $0x1, s30;
	v9 =	vadd.f32 v22, v9;
	v11 =	vadd.f32 v23, v11;
	v19 =	vld [tilespmem:s0+$0xC180];
	s0 =	sor.u32 $0x1C20, s25;
	v22 =	vmul.f32 v30, v6  }
0x4e8: {  	s2 =	sand.u32 $0x3, s30;
	v10 =	vadd.f32 v27, v10;
	v18 =	vld [tilespmem:s0+$0xC180];
	s0 =	sor.u32 $0x1C30, s25;
	v23 =	vadd.f32 v7, v8;
	v8 =	vmul.f32 v24, v6  }
0x4e9: {  	s31 =	sadd.s32 $0x800, s31;
	s2 =	sshll.u32 s2, $0x8;
	v9 =	vadd.f32 v16, v9;
	v11 =	vadd.f32 v20, v11;
	v21 =	vld [tilespmem:s0+$0xC180];
	s0 =	sor.u32 $0x1C40, s25;
	v6 =	vmov v26  }
0x4ea: {  	s3 =	sadd.s32 s2, s31;
	v10 =	vadd.f32 v22, v10;
	v16 =	vld [tilespmem:s0+$0xC180];
	s0 =	sor.u32 $0x1C50, s25;
	v8 =	vadd.f32 v8, v23;
	v7 =	vmov v25  }
.Ltmp41:
0x4eb: {  	s2 =	sor.u32 $0x1C00, s3;
	v20 =	vld [tilespmem:s0+$0xC180];
	(pc) =	sbr.rel @p0 .LBB2_76-.Ltmp41, $4  }
0x4ec: {  	s0 =	sor.u32 $0x1C10, s3;
	v22 =	vld [tilespmem:s2+$0xC180]  }
0x4ed: {  	v24 =	vld [tilespmem:s0+$0xC180];
	s0 =	sor.u32 $0x1C20, s3  }
0x4ee: {  	v23 =	vld [tilespmem:s0+$0xC180];
	s0 =	sor.u32 $0x1C30, s3  }
0x4ef: {  	s29 =	sadd.s32 $0x100, s29;
	v25 =	vld [tilespmem:s0+$0xC180];
	s0 =	sor.u32 $0x1C40, s3  }
0x4f0: {  	v26 =	vld [tilespmem:s0+$0xC180]  }
0x4f1: {  	v50 =	vld [tilespmem:$0x1C500]  }
0x4f2: {  	s26 =	sor.u32 $0x1C50, s3;
	v51 =	vld [tilespmem:$0x1C510]  }
0x4f3: {  	s28 =	sor.u32 $0x1C60, s3;
	v17 =	vmul.f32 v17, v6;
	v27 =	vld [tilespmem:s26+$0xC180];
	v22 =	vmul.f32 v22, v7  }
0x4f4: {  	s29 =	sor.u32 $0x1C70, s3;
	v19 =	vmul.f32 v19, v6;
	v28 =	vld [tilespmem:s28+$0xC180];
	v24 =	vmul.f32 v24, v7  }
0x4f5: {  	v18 =	vmul.f32 v18, v6;
	v29 =	vld [tilespmem:s29+$0xC180];
	v23 =	vmul.f32 v23, v7;
	v15 =	vadd.f32 v22, v15  }
0x4f6: {  	v21 =	vmul.f32 v21, v6;
	v53 =	vld [tilespmem:$0x1C520];
	v25 =	vmul.f32 v25, v7;
	v14 =	vadd.f32 v24, v14  }
0x4f7: {  	s30 =	sor.u32 $0x1C60, s25;
	v55 =	vld [tilespmem:$0x1C530];
	v26 =	vmul.f32 v26, v7;
	v12 =	vadd.f32 v23, v12;
	v15 =	vadd.f32 v17, v15  }
0x4f8: {  	s31 =	sor.u32 $0x1C70, s25;
	v30 =	vld [tilespmem:s30+$0xC180];
	v13 =	vadd.f32 v25, v13;
	v52 =	vmul.f32 v27, v7;
	v14 =	vadd.f32 v19, v14  }
0x4f9: {  	v49 =	vld [tilespmem:s31+$0xC180];
	v54 =	vmul.f32 v28, v7;
	v12 =	vadd.f32 v18, v12;
	v9 =	vadd.f32 v26, v9  }
0x4fa: {  	v56 =	vld [tilespmem:$0x1C540];
	v7 =	vmul.f32 v29, v7;
	v15 =	vadd.f32 v50, v15;
	v13 =	vadd.f32 v21, v13  }
0x4fb: {  	v16 =	vmul.f32 v16, v6;
	v57 =	vld [tilespmem:$0x1C550];
	v11 =	vadd.f32 v52, v11;
	v10 =	vadd.f32 v54, v10  }
0x4fc: {  	v20 =	vmul.f32 v20, v6;
	v59 =	vld [tilespmem:$0x1C560];
	v7 =	vadd.f32 v7, v8;
	v58 =	vadd.f32 v51, v14  }
0x4fd: {  	v61 =	vld [tilespmem:$0x1C570];
	v60 =	vmul.f32 v30, v6;
	v9 =	vadd.f32 v16, v9;
	[tilespmem:$0x1C900] =	vst v15;
	v12 =	vadd.f32 v53, v12  }
0x4fe: {  	v6 =	vmul.f32 v49, v6;
	v11 =	vadd.f32 v20, v11;
	[tilespmem:$0x1C910] =	vst v58;
	v62 =	vadd.f32 v55, v13  }
0x4ff: {  	v10 =	vadd.f32 v60, v10;
	[tilespmem:$0x1C920] =	vst v12;
	v9 =	vadd.f32 v56, v9  }
0x500: {  	v6 =	vadd.f32 v6, v7;
	[tilespmem:$0x1C930] =	vst v62;
	v7 =	vadd.f32 v57, v11  }
0x501: {  	v63 =	vadd.f32 v59, v10;
	[tilespmem:$0x1C940] =	vst v9  }
0x502: {  	v6 =	vadd.f32 v61, v6;
	[tilespmem:$0x1C950] =	vst v7  }
0x503: {  	[tilespmem:$0x1C960] =	vst v63  }
0x504: {  	s23 =	sadd.s32 $0x1, s23;
	[tilespmem:$0x1C970] =	vst v6  }
0x505: {  	[hbm4b:s11+s13] =	stream.strided.scatter [tilespmem:s21], [sflag:$0x3], $0x400, s14, s13, $0x38;
	[tilespmem:$0x1D580] =	vst v63  }
0x506: {  	p0 =	sne.s32 s23, s12;
	_ =	swait.ge [sflag:s15], $0x400  }
.Ltmp42:
0x507: {  	[sflag:s15] =	ssyncset.done $0x0;
	(pc) =	sbr.rel @p0 .LBB2_1-.Ltmp42, $4  }
.Ltmp43:
0x508: {  	[sflag:s15] =	ssyncadd.s32 $0xFFFFFC00;
	(pc) =	sbr.rel @!p0 .LBB2_78-.Ltmp43, $4  }
0x509: {  	_ =	swait.ge [sflag:s22], $0x8000  }
0x50a: {  	[sflag:s22] =	ssyncset.done $0x0  }
0x50b: {  	[sflag:s22] =	ssyncadd.s32 $0xFFFF8000  }
0x50c: {  	_ = 	snop  }
.LBB2_46:
0x50d: {  	v14 =	vmov v13;
	v23 =	vimm.s32 $0x0;
	v17 =	vmov v25  }
.LBB2_51:
0x50e: {  	_ =	sdelay $0x1  }
0x50f: {  	vm4 =	vmand @p1 vm4, vm10;
	vm7 =	vmand @p1 vm7, vm11;
	vm10 =	vmmov vm8  }
0x510: {  	vm1 =	vmmov vm1;
	vm5 =	vmmov @p1 vm5;
	vm11 =	vmmov vm6  }
0x511: {  	vm0 =	vmmov vm0;
	vm13 =	vle.s32 v24, v12;
	vm14 =	vle.s32 v21, v12  }
0x512: {  	v18 =	vld.idx.msk [tilespmem:v25+s4+$0x0], vm8;
	vm8 =	vle.s32 v17, v12;
	v16 =	vsel @p1 vm4, $0x1, v1;
	vm4 =	vle.s32 @p1 v13, v12  }
0x513: {  	v59 =	vld.idx.msk [tilespmem:v14+s4+$0x0], vm6;
	vm2 =	vmand @p1 vm2, vm7;
	vm12 =	veq.f32 v15, v6;
	vm4 =	vmand @p1 vm4, vm9  }
0x514: {  	v15 =	vadd.s32 @p1 v16, v23;
	v16 =	vsel @p1 vm2, $0x1, v1;
	vm9 =	veq.f32 v22, v6  }
0x515: {  	vm2 =	vmand @p1 vm5, vm4;
	v15 =	vadd.s32 @p1 v16, v15;
	vm4 =	vmand vm13, vm12  }
0x516: {  	vm12 =	vmmov vm11;
	vm13 =	vle.s32 v14, v12;
	v16 =	vsel @p1 vm2, $0x1, v1  }
0x517: {  	vm2 =	vmand vm14, vm9;
	v15 =	vadd.s32 @p1 v16, v15;
	vm15 =	veq.f32 v18, v6  }
0x518: {  	v16 =	vsel @p1 vm3, $0x1, v1;
	vm6 =	veq.f32 v59, v6;
	vm3 =	vmand vm8, vm15  }
0x519: {  	vm0 =	vmand vm0, vm2;
	v15 =	vadd.s32 @p1 v16, v15;
	vm3 =	vmand vm10, vm3  }
0x51a: {  	vm14 =	vmand vm13, vm6;
	v11 =	vpsel p1, v15, v11;
	v60 =	vsel vm3, $0x1, v1  }
0x51b: {  	v61 =	vsel vm0, $0x1, v1;
	vm15 =	vmand vm12, vm14;
	v11 =	vadd.s32 v60, v11  }
0x51c: {  	vm1 =	vmand vm1, vm4;
	v62 =	vsel vm15, $0x1, v1;
	v11 =	vadd.s32 v61, v11  }
0x51d: {  	v63 =	vsel vm1, $0x1, v1;
	v11 =	vadd.s32 v62, v11  }
0x51e: {  	v11 =	vadd.s32 v63, v11  }
.LBB2_52:
0x51f: {  	(xrf0) =	vadd.scan.msk.s32 $0xffff, v11;
	_ =	sdelay $0x5  }
0x520: {  	v11, _, _ =	vpop (xrf0)  }
0x521: {  	(v2sf) =	vpush v11, $0xF;
	_ =	sdelay $0xe  }
0x522: {  	s0 =	spop (v2sf)  }
0x523: {  	p1 =	slt.s32 s0, s26  }
0x524: {  	s28 =	smov.u32 @p1 s29;
	s29 =	smov.u32 @p1 s25  }
0x525: {  	s31 =	ssub.s32 s29, s28  }
0x526: {  	p1 =	sgt.s32 s31, $0x1  }
.Ltmp44:
0x527: {  	_ = 	snop;
	(pc) =	sbr.rel @!p1 .LBB2_53-.Ltmp44, $2  }
0x528: {  	_ =	sdelay $0x2  }
0x529: {  	s25 =	smov.u32 s29  }
.LBB2_44:
.Ltmp45:
0x52a: {  	(pc) =	sbr.rel @p0 .LBB2_52-.Ltmp45, $4  }
0x52b: {  	s0 =	sadd.s32 s28, s25  }
0x52c: {  	s3 =	sshrl.u32 s0, $0x1F  }
0x52d: {  	s0 =	sadd.s32 s3, s0  }
0x52e: {  	v11 =	vimm.s32 $0x0;
	s29 =	sshra.s32 s0, $0x1  }
0x52f: {  	s0 =	simm.s32 $0x9020  }
0x530: {  	v24 =	vld [tilespmem:s0+$0x10]  }
0x531: {  	s30 =	simm.s32 $0x0;
	v21 =	vld [tilespmem:s0+$0xFFFFFFF0]  }
0x532: {  	vm1 =	vgt.s32 v7, s30  }
0x533: {  	vm0 =	vgt.s32 v10, s30  }
0x534: {  	p2 =	sne.s32 s24, $0x1;
	v25 =	vld [tilespmem:s0+$0xFFFFFFE0]  }
.Ltmp46:
0x535: {  	v13 =	vld [tilespmem:s0+$0x0];
	(pc) =	sbr.rel @!p2 .LBB2_46-.Ltmp46, $3  }
0x536: {  	_ =	sdelay $0x1  }
0x537: {  	v15 =	vld.idx.msk [tilespmem:v24+s4+$0x0], vm1  }
0x538: {  	v12 =	vmov s29;
	s3 =	simm.s32 $0x1;
	p1 =	por $0x0, $0x0;
	vm8 =	vgt.s32 v9, s30;
	vm6 =	vgt.s32 v8, s30;
	s30 =	simm.s32 $0x9060;
	v22 =	vld.idx.msk [tilespmem:v21+s4+$0x0], vm0  }
0x539: {  	_ =	sdelay $0x2  }
0x53a: {  	v16 =	vld [tilespmem:s30+$0x10]  }
0x53b: {  	v20 =	vld [tilespmem:s30+$0xFFFFFFF0]  }
0x53c: {  	vm3 =	vmmov vm1;
	vm1 =	vgt.s32 v7, s3;
	v17 =	vld.idx.msk [tilespmem:v25+s4+$0x0], vm8  }
0x53d: {  	vm2 =	vmmov vm0;
	vm0 =	vgt.s32 v10, s3;
	v23 =	vld.idx.msk [tilespmem:v13+s4+$0x0], vm6  }
0x53e: {  	v18 =	vld [tilespmem:s30+$0xFFFFFFE0];
	p2 =	sne.s32 s24, $0x2  }
.Ltmp47:
0x53f: {  	vm4 =	vmmov vm8;
	vm5 =	vmmov vm6;
	vm8 =	vgt.s32 v9, s3;
	(pc) =	sbr.rel @!p2 .LBB2_48-.Ltmp47, $4  }
0x540: {  	vm6 =	vgt.s32 v8, s3;
	vm9 =	vle.s32 v24, v12;
	v14 =	vld [tilespmem:s30+$0x0];
	vm7 =	veq.f32 v15, v6  }
0x541: {  	vm11 =	vle.s32 v25, v12;
	vm9 =	vmand vm9, vm7;
	vm7 =	vle.s32 v21, v12  }
0x542: {  	vm10 =	veq.f32 v17, v6;
	vm3 =	vmand vm3, vm9;
	vm9 =	veq.f32 v23, v6;
	v15 =	vld.idx.msk [tilespmem:v16+s4+$0x0], vm1  }
0x543: {  	s30 =	simm.s32 $0x2;
	s3 =	simm.s32 $0x90A0;
	p1 =	por $0x1, $0x1;
	v23 =	vimm.s32 $0x0;
	v17 =	vmovc v18;
	vm10 =	vmand vm11, vm10;
	vm11 =	veq.f32 v22, v6;
	v19 =	vld.idx.msk [tilespmem:v20+s4+$0x0], vm0  }
.LBB2_49:
0x544: {  	vm12 =	vmand vm4, vm10;
	vm7 =	vmand vm7, vm11;
	vm4 =	vmmov vm8  }
0x545: {  	v21 =	vld [tilespmem:s3+$0x10];
	vm10 =	vmmov vm1;
	vm11 =	vmmov vm5;
	vm5 =	vmmov vm6;
	s0 =	smov.u32 s30;
	s30 =	sadd.s32 $0x1, s30  }
0x546: {  	v22 =	vld [tilespmem:s3+$0xFFFFFFF0];
	p2 =	sne.s32 s24, s30;
	v24 =	vsel vm12, $0x1, v1;
	vm12 =	vmand vm2, vm7;
	vm2 =	vmmov vm0  }
0x547: {  	vm0 =	vgt.s32 v10, s0;
	vm1 =	vgt.s32 v7, s0;
	v25 =	vld.idx.msk [tilespmem:v18+s4+$0x0], vm8;
	vm8 =	vgt.s32 v9, s0  }
0x548: {  	vm13 =	vle.s32 v13, v12;
	v13 =	vmovc v14;
	vm7 =	vle.s32 v20, v12;
	v26 =	vld.idx.msk [tilespmem:v14+s4+$0x0], vm6;
	vm6 =	vgt.s32 v8, s0  }
0x549: {  	vm15 =	vle.s32 v16, v12;
	vm9 =	vmand vm13, vm9;
	vm14 =	veq.f32 v15, v6;
	v18 =	vld [tilespmem:s3+$0xFFFFFFE0]  }
.Ltmp48:
0x54a: {  	vm9 =	vmand vm11, vm9;
	v15 =	vadd.s32 v24, v23;
	v24 =	vsel vm12, $0x1, v1;
	v14 =	vld [tilespmem:s3+$0x0];
	v16 =	vmovc v21;
	(pc) =	sbr.rel @p2 .LBB2_49-.Ltmp48, $4  }
0x54b: {  	v23 =	vsel vm9, $0x1, v1;
	vm11 =	vmand vm15, vm14;
	v15 =	vadd.s32 v24, v15;
	v20 =	vmovc v22  }
0x54c: {  	v24 =	vsel vm3, $0x1, v1;
	v23 =	vadd.s32 v23, v15;
	vm3 =	vmand vm10, vm11  }
0x54d: {  	vm10 =	vle.s32 v17, v12;
	v23 =	vadd.s32 v24, v23;
	vm9 =	veq.f32 v25, v6;
	v15 =	vld.idx.msk [tilespmem:v21+s4+$0x0], vm1  }
0x54e: {  	s3 =	sadd.s32 $0x40, s3;
	vm11 =	veq.f32 v19, v6;
	vm10 =	vmand vm10, vm9;
	vm9 =	veq.f32 v26, v6;
	v19 =	vld.idx.msk [tilespmem:v22+s4+$0x0], vm0;
	v17 =	vmovc v18  }
.Ltmp49:
0x54f: {  	_ = 	snop;
	(pc) =	sbr.rel .LBB2_51-.Ltmp49, $2  }
0x550: {  	_ =	sdelay $0x2  }
0x551: {  	v25 =	vmovc v18;
	v21 =	vmov v20;
	v24 =	vmov v16;
	v22 =	vmov v19  }
.LBB2_48:
.Ltmp50:
0x552: {  	_ = 	snop;
	(pc) =	sbr.rel .LBB2_51-.Ltmp50, $3  }
0x553: {  	_ =	sdelay $0x1  }
0x554: {  	v25 =	vmov v18  }
0x555: {  	v21 =	vmovc v20;
	v24 =	vmovc v16;
	v23 =	vimm.s32 $0x0;
	v17 =	vmov v18;
	v22 =	vmov v19  }
.LBB2_37:
.Ltmp51:
0x556: {  	(pc) =	sbr.rel .LBB2_42-.Ltmp51, $2  }
0x557: {  	_ =	sdelay $0x2  }
0x558: {  	v22 =	vimm.s32 $0x0;
	v16 =	vmov v24;
	v13 =	vmov v12  }
.LBB2_55:
.Ltmp52:
0x559: {  	(pc) =	sbr.rel .LBB2_58-.Ltmp52, $2  }
0x55a: {  	_ =	sdelay $0x2  }
0x55b: {  	s25 =	simm.s32 $0x0  }
.LBB2_39:
.Ltmp53:
0x55c: {  	_ = 	snop;
	(pc) =	sbr.rel .LBB2_42-.Ltmp53, $3  }
0x55d: {  	_ =	sdelay $0x1  }
0x55e: {  	v24 =	vmov v17  }
0x55f: {  	v20 =	vmovc v19;
	v23 =	vmovc v15;
	v22 =	vimm.s32 $0x0;
	v16 =	vmov v17;
	v21 =	vmov v18  }
.LBB2_78:
0x560: {  	_ =	sfence.sel $0x180000  }
0x561: {  	[bflag:$0x0] =	sbarrier.arrive $0xFFFF  }
0x562: {  	_ =	strace $0x90000047  }
0x563: {  	s0 =	stileid.u32;
	[bflag:$0x2] =	sbarrier.arrive $0xFFFF  }
0x564: {  	p0 =	sne.s32 s0, $0x0;
	s0 =	rddreg [dreg:$0x5]  }
0x565: {  	s0 =	sadd.s32 @!p0 $0x100000, s0  }
0x566: {  	[sflag:s0] =	ssyncadd.tile.s32 @!p0 $0x1;
	_ =	shalt  }
.Lfunc_end2:
_tile_overlayer_lowered:
.L_overlay_start_2:
0x567: {  	(tag) =	ssettag $0x2  }
0x568: {  	s0 =	rddreg [dreg:$0x0];
	s2 =	stileid.u32  }
0x569: {  	s1 =	rddreg [dreg:$0x1];
	p0 =	sne.s32 s2, $0x0  }
0x56a: {  	s3 =	rddreg [dreg:$0x2];
	[bflag:$0x3] =	sbarrier.arrive $0xFFFF;
	s2 =	simm.s32 @!p0 $0x1C03  }
0x56b: {  	[timem:s3], [sflag:s2] =	dma.local @!p0 [hbm:s0], s1  }
0x56c: {  	s0 =	simm.s32 @!p0 $0x3  }
0x56d: {  	_ =	swait.ge @!p0 [sflag:s0], s1  }
0x56e: {  	s1 =	ssub.s32 @!p0 $0x0, s1;
	[sflag:s0] =	ssyncset.done @!p0 $0x0  }
0x56f: {  	[sflag:s0] =	ssyncadd.s32 @!p0 s1  }
0x570: {  	[bflag:$0x3] =	sbarrier.arrive $0xFFFF  }
0x571: {  	_ =	shalt  }

</sc_bundles>
